<compile_context>
chip_gen: v7x
topology: tpu7x:2x2x1
jax: 0.10.2.dev20260603
libtpu: 0.0.44.dev20260713+nightly
codegen_flags: <defaults>
</compile_context>

<pallas_src>
import jax
import jax.numpy as jnp
from jax import lax
from jax.experimental import pallas as pl
from jax.experimental.pallas import tpu as pltpu
from jax.experimental.pallas import tpu_sc as plsc

N = 10000
E = 320000
F = 128
H = 8
NCLS = 40

NC = 2
NS = 16
NW = NC * NS

ED = E // NW
ACC_N = 10240
RB = ACC_N // NS

CHUNK = 128
EPT = 10240
NCH = EPT // CHUNK

_MESH = plsc.VectorSubcoreMesh(core_axis_name="c", subcore_axis_name="s")
_SC_PARAMS = pltpu.CompilerParams(needs_layout_passes=False,
                                  use_tc_tiling_on_sc=False)


NPK = ACC_N * H // 128
PKT = NPK // NS


def _deg_body(ei_hbm, degpk_hbm, osrc_hbm, odst_hbm,
              idx_s, idx_d, acc_s, acc_d, slab, tsbuf, rep, sem, sem2):
    c = lax.axis_index("c")
    s = lax.axis_index("s")
    w = c * NS + s
    cp = pltpu.async_copy(ei_hbm.at[0, pl.ds(w * ED, ED)],
                          idx_s.at[pl.ds(0, ED)], sem)
    cp2 = pltpu.async_copy(ei_hbm.at[1, pl.ds(w * ED, ED)],
                           idx_d.at[pl.ds(0, ED)], sem)

    zeros = jnp.zeros((16,), jnp.float32)

    def zbody(i, carry):
        for u in range(4):
            acc_s[pl.ds(i * 64 + u * 16, 16)] = zeros
            acc_d[pl.ds(i * 64 + u * 16, 16)] = zeros
        return carry

    lax.fori_loop(0, ACC_N // 64, zbody, 0)

    iota = lax.iota(jnp.int32, 16)
    for k in range((EPT - ED) // 16):
        idx_s[pl.ds(ED + 16 * k, 16)] = iota + (16 * k)
        idx_d[pl.ds(ED + 16 * k, 16)] = iota + (N + 16 * k)

    cp.wait()
    cp2.wait()
    cp3 = pltpu.async_copy(idx_s, osrc_hbm.at[w], sem2)
    cp4 = pltpu.async_copy(idx_d, odst_hbm.at[w], sem2)

    ones = jnp.ones((16,), jnp.float32)

    def ebody(i, carry):
        for u in range(2):
            sv = idx_s[pl.ds(i * 32 + u * 16, 16)]
            dv = idx_d[pl.ds(i * 32 + u * 16, 16)]
            plsc.addupdate_scatter(acc_s, [sv], ones)
            plsc.addupdate_scatter(acc_d, [dv], ones)
        return carry

    lax.fori_loop(0, ED // 32, ebody, 0)
    plsc.addupdate_scatter(acc_s, [idx_s[pl.ds(ED - 16, 16)]], ones)
    plsc.addupdate_scatter(acc_d, [idx_d[pl.ds(ED - 16, 16)]], ones)
    pltpu.sync_copy(acc_s, slab.at[s, 0])
    pltpu.sync_copy(acc_d, slab.at[s, 1])
    plsc.subcore_barrier()
    fetches = []
    for k in range(NS):
        fetches.append(pltpu.async_copy(
            slab.at[k, 0, pl.ds(s * RB, RB)], tsbuf.at[k, 0], sem))
        fetches.append(pltpu.async_copy(
            slab.at[k, 1, pl.ds(s * RB, RB)], tsbuf.at[k, 1], sem))
    for cp5 in fetches:
        cp5.wait()
    for kind in range(2):
        def rbody(i, carry):
            v = tsbuf[0, kind, pl.ds(i * 16, 16)]
            for k in range(1, NS):
                v = v + tsbuf[k, kind, pl.ds(i * 16, 16)]
            for j in range(H):
                plsc.store_scatter(rep.at[i], [iota * H + j], v)
            return carry

        lax.fori_loop(0, RB // 16, rbody, 0)
        pltpu.sync_copy(rep, degpk_hbm.at[c, kind, pl.ds(s * PKT, PKT)])
    cp3.wait()
    cp4.wait()


_deg_call = pl.kernel(
    _deg_body,
    out_type=(
        jax.ShapeDtypeStruct((NC, 2, NPK, 128), jnp.float32),
        jax.ShapeDtypeStruct((NW, EPT), jnp.int32),
        jax.ShapeDtypeStruct((NW, EPT), jnp.int32),
    ),
    mesh=_MESH,
    scratch_types=[
        pltpu.VMEM((EPT,), jnp.int32),
        pltpu.VMEM((EPT,), jnp.int32),
        pltpu.VMEM((ACC_N,), jnp.float32),
        pltpu.VMEM((ACC_N,), jnp.float32),
        pltpu.VMEM_SHARED((NS, 2, ACC_N), jnp.float32),
        pltpu.VMEM((NS, 2, RB), jnp.float32),
        pltpu.VMEM((PKT, 128), jnp.float32),
        pltpu.SemaphoreType.DMA,
        pltpu.SemaphoreType.DMA,
    ],
    compiler_params=_SC_PARAMS,
)


RING = 10
PREF = 5


def _msg_body(h_hbm, src_hbm, dst_hbm, z_hbm, out_hbm, sidx, didx,
              r0, r1, r2, r3, r4, r5, r6, r7, r8, r9, acc, sem, gsem, ssem):
    rows = (r0, r1, r2, r3, r4, r5, r6, r7, r8, r9)
    c = lax.axis_index("c")
    s = lax.axis_index("s")
    w = c * NS + s
    cp = pltpu.async_copy(src_hbm.at[w], sidx, sem)
    cp2 = pltpu.async_copy(dst_hbm.at[w], didx, sem)
    pltpu.sync_copy(z_hbm.at[pl.ds(s * RB, RB)], acc.at[pl.ds(s * RB, RB)])
    cp.wait()
    cp2.wait()
    plsc.subcore_barrier()

    for b in range(PREF):
        pltpu.async_copy(h_hbm.at[sidx.at[b]], rows[b], gsem.at[b])

    def obody(o, carry):
        for b in range(RING):
            i = o * RING + b
            pltpu.make_async_copy(h_hbm.at[sidx.at[i]], rows[b],
                                  gsem.at[b]).wait()
            pltpu.async_copy(rows[b], acc.at[didx.at[i]], ssem.at[b],
                             add=True)
            p = (b + PREF) % RING

            @pl.when(jnp.logical_and(i >= PREF, i < NCH - PREF))
            def _():
                pltpu.make_async_copy(rows[p], acc.at[didx.at[i]],
                                      ssem.at[p]).wait()

            @pl.when(i < NCH - PREF)
            def _():
                pltpu.async_copy(h_hbm.at[sidx.at[i + PREF]], rows[p],
                                 gsem.at[p])
        return carry

    lax.fori_loop(0, NCH // RING, obody, 0)
    for b in range(RING):
        pltpu.make_async_copy(rows[b], acc.at[didx.at[0]], ssem.at[b]).wait()
    plsc.subcore_barrier()
    pltpu.sync_copy(acc.at[pl.ds(s * RB, RB)], out_hbm.at[c, pl.ds(s * RB, RB)])


_msg_call = pl.kernel(
    _msg_body,
    out_type=jax.ShapeDtypeStruct((NC, ACC_N, H), jnp.float32),
    mesh=_MESH,
    scratch_types=[
        pltpu.VMEM((NCH, CHUNK), jnp.int32),
        pltpu.VMEM((NCH, CHUNK), jnp.int32),
    ] + [pltpu.VMEM((CHUNK, H), jnp.float32)] * RING + [
        pltpu.VMEM_SHARED((ACC_N, H), jnp.float32),
        pltpu.SemaphoreType.DMA,
        pltpu.SemaphoreType.DMA((RING,)),
        pltpu.SemaphoreType.DMA((RING,)),
    ],
    compiler_params=_SC_PARAMS,
)


NP = N * H // 128


def _mm1_body(xp_ref, w1bd_ref, y_ref):
    y_ref[...] = jnp.dot(xp_ref[...], w1bd_ref[...],
                         preferred_element_type=jnp.float32)


def _norm_mm_body(degpk_ref, y_ref, h_ref, norms_ref):
    deg = degpk_ref[0] + degpk_ref[1]
    norms = lax.rsqrt(jnp.maximum(deg, 1.0))
    norms_ref[...] = norms
    h_ref[...] = y_ref[...] * norms[0, :NP]


def _mid_body(aggp_ref, norms_ref, b1t_ref, w2bd_ref, out_ref):
    a = aggp_ref[0] + aggp_ref[1]
    t = jnp.maximum(a * norms_ref[1] + b1t_ref[...], 0.0)
    t = (t * norms_ref[0])[:NP]
    out_ref[...] = jnp.dot(t, w2bd_ref[...], preferred_element_type=jnp.float32)


def _final_body(aggp_ref, norms_ref, b2t_ref, wlbd_ref, blt_ref, out_ref):
    a = aggp_ref[0] + aggp_ref[1]
    t = jnp.maximum(a * norms_ref[1] + b2t_ref[...], 0.0)
    y = jnp.dot(t[:NP], wlbd_ref[...], preferred_element_type=jnp.float32)
    out_ref[...] = jnp.maximum(y + blt_ref[...], 0.0)


def kernel(in_feat, edge_index, W1, b1, W2, b2, Wl, bl):
    ei = edge_index.astype(jnp.int32)

    degpk, osrc, odst = _deg_call(ei)
    src3 = osrc.reshape(NW, NCH, CHUNK)
    dst3 = odst.reshape(NW, NCH, CHUNK)

    eye16 = jnp.eye(16, dtype=jnp.float32)
    y1 = pl.pallas_call(
        _mm1_body,
        out_shape=jax.ShapeDtypeStruct((NP, 128), jnp.float32),
    )(in_feat.reshape(NP, 16 * F), jnp.kron(eye16, W1))

    h1, norms = pl.pallas_call(
        _norm_mm_body,
        out_shape=(
            jax.ShapeDtypeStruct((NP, 128), jnp.float32),
            jax.ShapeDtypeStruct((2, NPK, 128), jnp.float32),
        ),
    )(degpk, y1)

    zrows = jnp.zeros((ACC_N, H), jnp.float32)
    agg1 = _msg_call(h1.reshape(N, H), src3, dst3, zrows)

    h2 = pl.pallas_call(
        _mid_body,
        out_shape=jax.ShapeDtypeStruct((NP, 128), jnp.float32),
    )(agg1.reshape(NC, NPK, 128), norms, jnp.tile(b1, 16)[None],
      jnp.kron(eye16, W2))

    agg2 = _msg_call(h2.reshape(N, H), src3, dst3, zrows)

    out = pl.pallas_call(
        _final_body,
        out_shape=jax.ShapeDtypeStruct((NP, 16 * NCLS), jnp.float32),
    )(agg2.reshape(NC, NPK, 128), norms, jnp.tile(b2, 16)[None],
      jnp.kron(eye16, Wl), jnp.tile(bl, 16)[None])
    return out.reshape(N, NCLS)

# --- scband reference (transcript-rebuilt; emitter-appended) ---
"""Pipeline reference for scband-gcn-1-23459111371161 (READ-ONLY COPY).

The authoritative reference and input builder live on the scoring server;
editing this copy changes nothing except your own understanding.
"""

import jax, jax.numpy as jnp
import numpy as np

N_NODES = 10000
N_EDGES = 320000
IN_FEATS = 128
HID = 8
NUM_CLASSES = 40


def graph_conv(x, edge_index, W, b):
    # DGL GraphConv with norm='both': D_dst^{-1/2} A D_src^{-1/2} X W + b
    src = edge_index[0]
    dst = edge_index[1]
    n = x.shape[0]
    out_deg = jnp.bincount(src, length=n).astype(jnp.float32)
    in_deg = jnp.bincount(dst, length=n).astype(jnp.float32)
    norm_src = jnp.power(jnp.maximum(out_deg, 1.0), -0.5)
    norm_dst = jnp.power(jnp.maximum(in_deg, 1.0), -0.5)
    h = x * norm_src[:, None]
    h = h @ W
    msgs = jnp.take(h, src, axis=0)
    agg = jax.ops.segment_sum(msgs, dst, num_segments=n)
    agg = agg * norm_dst[:, None]
    return agg + b


def setup_inputs(seed: int = 0) -> dict:
    key = jax.random.key(seed)
    k1, k2, k3, k4, k5 = jax.random.split(key, 5)
    in_feat = jax.random.normal(k1, (N_NODES, IN_FEATS), dtype=jnp.float32)
    edge_index = jax.random.randint(k2, (2, N_EDGES), 0, N_NODES, dtype=jnp.int64)
    W1 = jax.random.normal(k3, (IN_FEATS, HID), dtype=jnp.float32) * (1.0 / np.sqrt(IN_FEATS))
    b1 = jnp.zeros((HID,), dtype=jnp.float32)
    W2 = jax.random.normal(k4, (HID, HID), dtype=jnp.float32) * (1.0 / np.sqrt(HID))
    b2 = jnp.zeros((HID,), dtype=jnp.float32)
    Wl = jax.random.normal(k5, (HID, NUM_CLASSES), dtype=jnp.float32) * (1.0 / np.sqrt(HID))
    bl = jnp.zeros((NUM_CLASSES,), dtype=jnp.float32)
    return {"in_feat": in_feat, "edge_index": edge_index, "W1": W1, "b1": b1, "W2": W2, "b2": b2, "Wl": Wl, "bl": bl}


def reference(in_feat, edge_index, W1, b1, W2, b2, Wl, bl):
    h = graph_conv(in_feat, edge_index, W1, b1)
    h = jax.nn.relu(h)
    # dropout in eval mode -> identity
    h = graph_conv(h, edge_index, W2, b2)
    h = jax.nn.relu(h)
    h = h @ Wl + bl
    h = jax.nn.relu(h)
    return h

if __name__ == "__main__":
    import jax
    _d = setup_inputs()
    print(jax.jit(kernel)(*tuple(_d.values())))

</pallas_src>

<mosaic_0001>
#map = affine_map<(d0, d1) -> (0, 0)>
#map1 = affine_map<(d0, d1) -> (0, 0, 0, 0)>
module attributes {stable_mosaic.version = 14 : i64} {
  func.func @_deg_body(%arg0: i32, %arg1: i32, %arg2: memref<2x320000xi32, #tpu.memory_space<hbm>>, %arg3: memref<2x2x640x128xf32, #tpu.memory_space<hbm>>, %arg4: memref<32x10240xi32, #tpu.memory_space<hbm>>, %arg5: memref<32x10240xi32, #tpu.memory_space<hbm>>, %arg6: memref<10240xi32, #tpu.memory_space<vmem>>, %arg7: memref<10240xi32, #tpu.memory_space<vmem>>, %arg8: memref<10240xf32, #tpu.memory_space<vmem>>, %arg9: memref<10240xf32, #tpu.memory_space<vmem>>, %arg10: memref<16x2x10240xf32, #tpu.memory_space<vmem_shared>>, %arg11: memref<16x2x640xf32, #tpu.memory_space<vmem>>, %arg12: memref<40x128xf32, #tpu.memory_space<vmem>>, %arg13: memref<!tpu.dma_semaphore, #tpu.memory_space<semaphore_mem>>, %arg14: memref<!tpu.dma_semaphore, #tpu.memory_space<semaphore_mem>>) attributes {dimension_semantics = [#tpu.dimension_semantics<core_parallel>, #tpu.dimension_semantics<subcore_parallel>], iteration_bounds = array<i64: 2, 16>, scalar_prefetch = 0 : i64, scratch_operands = 9 : i64, tpu.core_type = #tpu.core_type<sc_vector_subcore>, window_params = [{transform_indices = #map}, {transform_indices = #map1}, {transform_indices = #map}, {transform_indices = #map}]} {
    %mul3A = arith.constant 16 : i32
    %mul3A_0 = arith.muli %arg0, %mul3A : i32
    %add3A = arith.addi %mul3A_0, %arg1 : i32
    %mul3A_1 = arith.constant 10000 : i32
    %mul3A_2 = arith.muli %add3A, %mul3A_1 : i32
    %dma_start3A = arith.constant 0 : i32
    %dma_start3A_3 = arith.constant 0 : i32
    %dma_start3A_4 = tpu.memref_slice %arg6[%dma_start3A_3] : memref<10240xi32, #tpu.memory_space<vmem>> -> memref<10000xi32, #tpu.memory_space<vmem>>
    %dma_start3A_5 = tpu.memref_slice %arg2[%dma_start3A, %mul3A_2] : memref<2x320000xi32, #tpu.memory_space<hbm>> -> memref<1x10000xi32, #tpu.memory_space<hbm>>
    %dma_start3A_6 = tpu.memref_squeeze %dma_start3A_5 : memref<1x10000xi32, #tpu.memory_space<hbm>> -> memref<10000xi32, #tpu.memory_space<hbm>>
    %dma_start3A_7 = arith.constant 0 : i32
    %dma_start3A_8 = tpu.memref_slice %arg6[%dma_start3A_7] : memref<10240xi32, #tpu.memory_space<vmem>> -> memref<10000xi32, #tpu.memory_space<vmem>>
    %dma_start3A_9 = tpu.memref_slice %arg2[%dma_start3A, %mul3A_2] : memref<2x320000xi32, #tpu.memory_space<hbm>> -> memref<1x10000xi32, #tpu.memory_space<hbm>>
    %dma_start3A_10 = tpu.memref_squeeze %dma_start3A_9 : memref<1x10000xi32, #tpu.memory_space<hbm>> -> memref<10000xi32, #tpu.memory_space<hbm>>
    tpu.enqueue_dma source(%dma_start3A_10 : memref<10000xi32, #tpu.memory_space<hbm>>) target(%dma_start3A_8 : memref<10000xi32, #tpu.memory_space<vmem>>) target_semaphore(%arg13 : memref<!tpu.dma_semaphore, #tpu.memory_space<semaphore_mem>>)
    %mul3A_11 = arith.constant 10000 : i32
    %mul3A_12 = arith.muli %add3A, %mul3A_11 : i32
    %dma_start3A_13 = arith.constant 1 : i32
    %dma_start3A_14 = arith.constant 0 : i32
    %dma_start3A_15 = tpu.memref_slice %arg7[%dma_start3A_14] : memref<10240xi32, #tpu.memory_space<vmem>> -> memref<10000xi32, #tpu.memory_space<vmem>>
    %dma_start3A_16 = tpu.memref_slice %arg2[%dma_start3A_13, %mul3A_12] : memref<2x320000xi32, #tpu.memory_space<hbm>> -> memref<1x10000xi32, #tpu.memory_space<hbm>>
    %dma_start3A_17 = tpu.memref_squeeze %dma_start3A_16 : memref<1x10000xi32, #tpu.memory_space<hbm>> -> memref<10000xi32, #tpu.memory_space<hbm>>
    %dma_start3A_18 = arith.constant 0 : i32
    %dma_start3A_19 = tpu.memref_slice %arg7[%dma_start3A_18] : memref<10240xi32, #tpu.memory_space<vmem>> -> memref<10000xi32, #tpu.memory_space<vmem>>
    %dma_start3A_20 = tpu.memref_slice %arg2[%dma_start3A_13, %mul3A_12] : memref<2x320000xi32, #tpu.memory_space<hbm>> -> memref<1x10000xi32, #tpu.memory_space<hbm>>
    %dma_start3A_21 = tpu.memref_squeeze %dma_start3A_20 : memref<1x10000xi32, #tpu.memory_space<hbm>> -> memref<10000xi32, #tpu.memory_space<hbm>>
    tpu.enqueue_dma source(%dma_start3A_21 : memref<10000xi32, #tpu.memory_space<hbm>>) target(%dma_start3A_19 : memref<10000xi32, #tpu.memory_space<vmem>>) target_semaphore(%arg13 : memref<!tpu.dma_semaphore, #tpu.memory_space<semaphore_mem>>)
    %broadcast_in_dim3A = arith.constant 0.000000e+00 : f32
    %broadcast_in_dim3A_22 = vector.broadcast %broadcast_in_dim3A : f32 to vector<16xf32>
    %scan3A = arith.constant 0 : i32
    %scan3A_23 = arith.constant 0 : i32
    %scan3A_24 = arith.constant 160 : i32
    %scan3A_25 = arith.addi %scan3A_23, %scan3A_24 : i32
    %scan3A_26 = arith.constant 1 : i32
    scf.for %scan3A_1208 = %scan3A_23 to %scan3A_25 step %scan3A_26  : i32 {
      %mul3A_1209 = arith.constant 64 : i32
      %mul3A_1210 = arith.muli %scan3A_1208, %mul3A_1209 : i32
      %add3A_1211 = arith.constant 0 : i32
      %add3A_1212 = arith.addi %mul3A_1210, %add3A_1211 : i32
      %swap3A_1213 = arith.index_cast %add3A_1212 : i32 to index
      %swap3A_1214 = tpu.vector_load %arg8[%swap3A_1213] {strides = array<i32>} : memref<10240xf32, #tpu.memory_space<vmem>>, vector<16xf32>,
      tpu.vector_store %arg8[%swap3A_1213], %broadcast_in_dim3A_22 {strides = array<i32>} : memref<10240xf32, #tpu.memory_space<vmem>>, vector<16xf32>,
      %mul3A_1215 = arith.constant 64 : i32
      %mul3A_1216 = arith.muli %scan3A_1208, %mul3A_1215 : i32
      %add3A_1217 = arith.constant 0 : i32
      %add3A_1218 = arith.addi %mul3A_1216, %add3A_1217 : i32
      %swap3A_1219 = arith.index_cast %add3A_1218 : i32 to index
      %swap3A_1220 = tpu.vector_load %arg9[%swap3A_1219] {strides = array<i32>} : memref<10240xf32, #tpu.memory_space<vmem>>, vector<16xf32>,
      tpu.vector_store %arg9[%swap3A_1219], %broadcast_in_dim3A_22 {strides = array<i32>} : memref<10240xf32, #tpu.memory_space<vmem>>, vector<16xf32>,
      %mul3A_1221 = arith.constant 64 : i32
      %mul3A_1222 = arith.muli %scan3A_1208, %mul3A_1221 : i32
      %add3A_1223 = arith.constant 16 : i32
      %add3A_1224 = arith.addi %mul3A_1222, %add3A_1223 : i32
      %swap3A_1225 = arith.index_cast %add3A_1224 : i32 to index
      %swap3A_1226 = tpu.vector_load %arg8[%swap3A_1225] {strides = array<i32>} : memref<10240xf32, #tpu.memory_space<vmem>>, vector<16xf32>,
      tpu.vector_store %arg8[%swap3A_1225], %broadcast_in_dim3A_22 {strides = array<i32>} : memref<10240xf32, #tpu.memory_space<vmem>>, vector<16xf32>,
      %mul3A_1227 = arith.constant 64 : i32
      %mul3A_1228 = arith.muli %scan3A_1208, %mul3A_1227 : i32
      %add3A_1229 = arith.constant 16 : i32
      %add3A_1230 = arith.addi %mul3A_1228, %add3A_1229 : i32
      %swap3A_1231 = arith.index_cast %add3A_1230 : i32 to index
      %swap3A_1232 = tpu.vector_load %arg9[%swap3A_1231] {strides = array<i32>} : memref<10240xf32, #tpu.memory_space<vmem>>, vector<16xf32>,
      tpu.vector_store %arg9[%swap3A_1231], %broadcast_in_dim3A_22 {strides = array<i32>} : memref<10240xf32, #tpu.memory_space<vmem>>, vector<16xf32>,
      %mul3A_1233 = arith.constant 64 : i32
      %mul3A_1234 = arith.muli %scan3A_1208, %mul3A_1233 : i32
      %add3A_1235 = arith.constant 32 : i32
      %add3A_1236 = arith.addi %mul3A_1234, %add3A_1235 : i32
      %swap3A_1237 = arith.index_cast %add3A_1236 : i32 to index
      %swap3A_1238 = tpu.vector_load %arg8[%swap3A_1237] {strides = array<i32>} : memref<10240xf32, #tpu.memory_space<vmem>>, vector<16xf32>,
      tpu.vector_store %arg8[%swap3A_1237], %broadcast_in_dim3A_22 {strides = array<i32>} : memref<10240xf32, #tpu.memory_space<vmem>>, vector<16xf32>,
      %mul3A_1239 = arith.constant 64 : i32
      %mul3A_1240 = arith.muli %scan3A_1208, %mul3A_1239 : i32
      %add3A_1241 = arith.constant 32 : i32
      %add3A_1242 = arith.addi %mul3A_1240, %add3A_1241 : i32
      %swap3A_1243 = arith.index_cast %add3A_1242 : i32 to index
      %swap3A_1244 = tpu.vector_load %arg9[%swap3A_1243] {strides = array<i32>} : memref<10240xf32, #tpu.memory_space<vmem>>, vector<16xf32>,
      tpu.vector_store %arg9[%swap3A_1243], %broadcast_in_dim3A_22 {strides = array<i32>} : memref<10240xf32, #tpu.memory_space<vmem>>, vector<16xf32>,
      %mul3A_1245 = arith.constant 64 : i32
      %mul3A_1246 = arith.muli %scan3A_1208, %mul3A_1245 : i32
      %add3A_1247 = arith.constant 48 : i32
      %add3A_1248 = arith.addi %mul3A_1246, %add3A_1247 : i32
      %swap3A_1249 = arith.index_cast %add3A_1248 : i32 to index
      %swap3A_1250 = tpu.vector_load %arg8[%swap3A_1249] {strides = array<i32>} : memref<10240xf32, #tpu.memory_space<vmem>>, vector<16xf32>,
      tpu.vector_store %arg8[%swap3A_1249], %broadcast_in_dim3A_22 {strides = array<i32>} : memref<10240xf32, #tpu.memory_space<vmem>>, vector<16xf32>,
      %mul3A_1251 = arith.constant 64 : i32
      %mul3A_1252 = arith.muli %scan3A_1208, %mul3A_1251 : i32
      %add3A_1253 = arith.constant 48 : i32
      %add3A_1254 = arith.addi %mul3A_1252, %add3A_1253 : i32
      %swap3A_1255 = arith.index_cast %add3A_1254 : i32 to index
      %swap3A_1256 = tpu.vector_load %arg9[%swap3A_1255] {strides = array<i32>} : memref<10240xf32, #tpu.memory_space<vmem>>, vector<16xf32>,
      tpu.vector_store %arg9[%swap3A_1255], %broadcast_in_dim3A_22 {strides = array<i32>} : memref<10240xf32, #tpu.memory_space<vmem>>, vector<16xf32>,
    }
    %scan3A_27 = arith.constant 160 : i32
    %iota3A = tpu.iota {dimensions = array<i32: 0>} : vector<16xi32>
    %add3A_28 = arith.constant 0 : i32
    %add3A_29 = vector.broadcast %add3A_28 : i32 to vector<16xi32>
    %add3A_30 = arith.addi %iota3A, %add3A_29 : vector<16xi32>
    %swap3A = arith.constant 10000 : index
    %swap3A_31 = tpu.vector_load %arg6[%swap3A] {strides = array<i32>} : memref<10240xi32, #tpu.memory_space<vmem>>, vector<16xi32>,
    tpu.vector_store %arg6[%swap3A], %add3A_30 {strides = array<i32>} : memref<10240xi32, #tpu.memory_space<vmem>>, vector<16xi32>,
    %add3A_32 = arith.constant 10000 : i32
    %add3A_33 = vector.broadcast %add3A_32 : i32 to vector<16xi32>
    %add3A_34 = arith.addi %iota3A, %add3A_33 : vector<16xi32>
    %swap3A_35 = arith.constant 10000 : index
    %swap3A_36 = tpu.vector_load %arg7[%swap3A_35] {strides = array<i32>} : memref<10240xi32, #tpu.memory_space<vmem>>, vector<16xi32>,
    tpu.vector_store %arg7[%swap3A_35], %add3A_34 {strides = array<i32>} : memref<10240xi32, #tpu.memory_space<vmem>>, vector<16xi32>,
    %add3A_37 = arith.constant 16 : i32
    %add3A_38 = vector.broadcast %add3A_37 : i32 to vector<16xi32>
    %add3A_39 = arith.addi %iota3A, %add3A_38 : vector<16xi32>
    %swap3A_40 = arith.constant 10016 : index
    %swap3A_41 = tpu.vector_load %arg6[%swap3A_40] {strides = array<i32>} : memref<10240xi32, #tpu.memory_space<vmem>>, vector<16xi32>,
    tpu.vector_store %arg6[%swap3A_40], %add3A_39 {strides = array<i32>} : memref<10240xi32, #tpu.memory_space<vmem>>, vector<16xi32>,
    %add3A_42 = arith.constant 10016 : i32
    %add3A_43 = vector.broadcast %add3A_42 : i32 to vector<16xi32>
    %add3A_44 = arith.addi %iota3A, %add3A_43 : vector<16xi32>
    %swap3A_45 = arith.constant 10016 : index
    %swap3A_46 = tpu.vector_load %arg7[%swap3A_45] {strides = array<i32>} : memref<10240xi32, #tpu.memory_space<vmem>>, vector<16xi32>,
    tpu.vector_store %arg7[%swap3A_45], %add3A_44 {strides = array<i32>} : memref<10240xi32, #tpu.memory_space<vmem>>, vector<16xi32>,
    %add3A_47 = arith.constant 32 : i32
    %add3A_48 = vector.broadcast %add3A_47 : i32 to vector<16xi32>
    %add3A_49 = arith.addi %iota3A, %add3A_48 : vector<16xi32>
    %swap3A_50 = arith.constant 10032 : index
    %swap3A_51 = tpu.vector_load %arg6[%swap3A_50] {strides = array<i32>} : memref<10240xi32, #tpu.memory_space<vmem>>, vector<16xi32>,
    tpu.vector_store %arg6[%swap3A_50], %add3A_49 {strides = array<i32>} : memref<10240xi32, #tpu.memory_space<vmem>>, vector<16xi32>,
    %add3A_52 = arith.constant 10032 : i32
    %add3A_53 = vector.broadcast %add3A_52 : i32 to vector<16xi32>
    %add3A_54 = arith.addi %iota3A, %add3A_53 : vector<16xi32>
    %swap3A_55 = arith.constant 10032 : index
    %swap3A_56 = tpu.vector_load %arg7[%swap3A_55] {strides = array<i32>} : memref<10240xi32, #tpu.memory_space<vmem>>, vector<16xi32>,
    tpu.vector_store %arg7[%swap3A_55], %add3A_54 {strides = array<i32>} : memref<10240xi32, #tpu.memory_space<vmem>>, vector<16xi32>,
    %add3A_57 = arith.constant 48 : i32
    %add3A_58 = vector.broadcast %add3A_57 : i32 to vector<16xi32>
    %add3A_59 = arith.addi %iota3A, %add3A_58 : vector<16xi32>
    %swap3A_60 = arith.constant 10048 : index
    %swap3A_61 = tpu.vector_load %arg6[%swap3A_60] {strides = array<i32>} : memref<10240xi32, #tpu.memory_space<vmem>>, vector<16xi32>,
    tpu.vector_store %arg6[%swap3A_60], %add3A_59 {strides = array<i32>} : memref<10240xi32, #tpu.memory_space<vmem>>, vector<16xi32>,
    %add3A_62 = arith.constant 10048 : i32
    %add3A_63 = vector.broadcast %add3A_62 : i32 to vector<16xi32>
    %add3A_64 = arith.addi %iota3A, %add3A_63 : vector<16xi32>
    %swap3A_65 = arith.constant 10048 : index
    %swap3A_66 = tpu.vector_load %arg7[%swap3A_65] {strides = array<i32>} : memref<10240xi32, #tpu.memory_space<vmem>>, vector<16xi32>,
    tpu.vector_store %arg7[%swap3A_65], %add3A_64 {strides = array<i32>} : memref<10240xi32, #tpu.memory_space<vmem>>, vector<16xi32>,
    %add3A_67 = arith.constant 64 : i32
    %add3A_68 = vector.broadcast %add3A_67 : i32 to vector<16xi32>
    %add3A_69 = arith.addi %iota3A, %add3A_68 : vector<16xi32>
    %swap3A_70 = arith.constant 10064 : index
    %swap3A_71 = tpu.vector_load %arg6[%swap3A_70] {strides = array<i32>} : memref<10240xi32, #tpu.memory_space<vmem>>, vector<16xi32>,
    tpu.vector_store %arg6[%swap3A_70], %add3A_69 {strides = array<i32>} : memref<10240xi32, #tpu.memory_space<vmem>>, vector<16xi32>,
    %add3A_72 = arith.constant 10064 : i32
    %add3A_73 = vector.broadcast %add3A_72 : i32 to vector<16xi32>
    %add3A_74 = arith.addi %iota3A, %add3A_73 : vector<16xi32>
    %swap3A_75 = arith.constant 10064 : index
    %swap3A_76 = tpu.vector_load %arg7[%swap3A_75] {strides = array<i32>} : memref<10240xi32, #tpu.memory_space<vmem>>, vector<16xi32>,
    tpu.vector_store %arg7[%swap3A_75], %add3A_74 {strides = array<i32>} : memref<10240xi32, #tpu.memory_space<vmem>>, vector<16xi32>,
    %add3A_77 = arith.constant 80 : i32
    %add3A_78 = vector.broadcast %add3A_77 : i32 to vector<16xi32>
    %add3A_79 = arith.addi %iota3A, %add3A_78 : vector<16xi32>
    %swap3A_80 = arith.constant 10080 : index
    %swap3A_81 = tpu.vector_load %arg6[%swap3A_80] {strides = array<i32>} : memref<10240xi32, #tpu.memory_space<vmem>>, vector<16xi32>,
    tpu.vector_store %arg6[%swap3A_80], %add3A_79 {strides = array<i32>} : memref<10240xi32, #tpu.memory_space<vmem>>, vector<16xi32>,
    %add3A_82 = arith.constant 10080 : i32
    %add3A_83 = vector.broadcast %add3A_82 : i32 to vector<16xi32>
    %add3A_84 = arith.addi %iota3A, %add3A_83 : vector<16xi32>
    %swap3A_85 = arith.constant 10080 : index
    %swap3A_86 = tpu.vector_load %arg7[%swap3A_85] {strides = array<i32>} : memref<10240xi32, #tpu.memory_space<vmem>>, vector<16xi32>,
    tpu.vector_store %arg7[%swap3A_85], %add3A_84 {strides = array<i32>} : memref<10240xi32, #tpu.memory_space<vmem>>, vector<16xi32>,
    %add3A_87 = arith.constant 96 : i32
    %add3A_88 = vector.broadcast %add3A_87 : i32 to vector<16xi32>
    %add3A_89 = arith.addi %iota3A, %add3A_88 : vector<16xi32>
    %swap3A_90 = arith.constant 10096 : index
    %swap3A_91 = tpu.vector_load %arg6[%swap3A_90] {strides = array<i32>} : memref<10240xi32, #tpu.memory_space<vmem>>, vector<16xi32>,
    tpu.vector_store %arg6[%swap3A_90], %add3A_89 {strides = array<i32>} : memref<10240xi32, #tpu.memory_space<vmem>>, vector<16xi32>,
    %add3A_92 = arith.constant 10096 : i32
    %add3A_93 = vector.broadcast %add3A_92 : i32 to vector<16xi32>
    %add3A_94 = arith.addi %iota3A, %add3A_93 : vector<16xi32>
    %swap3A_95 = arith.constant 10096 : index
    %swap3A_96 = tpu.vector_load %arg7[%swap3A_95] {strides = array<i32>} : memref<10240xi32, #tpu.memory_space<vmem>>, vector<16xi32>,
    tpu.vector_store %arg7[%swap3A_95], %add3A_94 {strides = array<i32>} : memref<10240xi32, #tpu.memory_space<vmem>>, vector<16xi32>,
    %add3A_97 = arith.constant 112 : i32
    %add3A_98 = vector.broadcast %add3A_97 : i32 to vector<16xi32>
    %add3A_99 = arith.addi %iota3A, %add3A_98 : vector<16xi32>
    %swap3A_100 = arith.constant 10112 : index
    %swap3A_101 = tpu.vector_load %arg6[%swap3A_100] {strides = array<i32>} : memref<10240xi32, #tpu.memory_space<vmem>>, vector<16xi32>,
    tpu.vector_store %arg6[%swap3A_100], %add3A_99 {strides = array<i32>} : memref<10240xi32, #tpu.memory_space<vmem>>, vector<16xi32>,
    %add3A_102 = arith.constant 10112 : i32
    %add3A_103 = vector.broadcast %add3A_102 : i32 to vector<16xi32>
    %add3A_104 = arith.addi %iota3A, %add3A_103 : vector<16xi32>
    %swap3A_105 = arith.constant 10112 : index
    %swap3A_106 = tpu.vector_load %arg7[%swap3A_105] {strides = array<i32>} : memref<10240xi32, #tpu.memory_space<vmem>>, vector<16xi32>,
    tpu.vector_store %arg7[%swap3A_105], %add3A_104 {strides = array<i32>} : memref<10240xi32, #tpu.memory_space<vmem>>, vector<16xi32>,
    %add3A_107 = arith.constant 128 : i32
    %add3A_108 = vector.broadcast %add3A_107 : i32 to vector<16xi32>
    %add3A_109 = arith.addi %iota3A, %add3A_108 : vector<16xi32>
    %swap3A_110 = arith.constant 10128 : index
    %swap3A_111 = tpu.vector_load %arg6[%swap3A_110] {strides = array<i32>} : memref<10240xi32, #tpu.memory_space<vmem>>, vector<16xi32>,
    tpu.vector_store %arg6[%swap3A_110], %add3A_109 {strides = array<i32>} : memref<10240xi32, #tpu.memory_space<vmem>>, vector<16xi32>,
    %add3A_112 = arith.constant 10128 : i32
    %add3A_113 = vector.broadcast %add3A_112 : i32 to vector<16xi32>
    %add3A_114 = arith.addi %iota3A, %add3A_113 : vector<16xi32>
    %swap3A_115 = arith.constant 10128 : index
    %swap3A_116 = tpu.vector_load %arg7[%swap3A_115] {strides = array<i32>} : memref<10240xi32, #tpu.memory_space<vmem>>, vector<16xi32>,
    tpu.vector_store %arg7[%swap3A_115], %add3A_114 {strides = array<i32>} : memref<10240xi32, #tpu.memory_space<vmem>>, vector<16xi32>,
    %add3A_117 = arith.constant 144 : i32
    %add3A_118 = vector.broadcast %add3A_117 : i32 to vector<16xi32>
    %add3A_119 = arith.addi %iota3A, %add3A_118 : vector<16xi32>
    %swap3A_120 = arith.constant 10144 : index
    %swap3A_121 = tpu.vector_load %arg6[%swap3A_120] {strides = array<i32>} : memref<10240xi32, #tpu.memory_space<vmem>>, vector<16xi32>,
    tpu.vector_store %arg6[%swap3A_120], %add3A_119 {strides = array<i32>} : memref<10240xi32, #tpu.memory_space<vmem>>, vector<16xi32>,
    %add3A_122 = arith.constant 10144 : i32
    %add3A_123 = vector.broadcast %add3A_122 : i32 to vector<16xi32>
    %add3A_124 = arith.addi %iota3A, %add3A_123 : vector<16xi32>
    %swap3A_125 = arith.constant 10144 : index
    %swap3A_126 = tpu.vector_load %arg7[%swap3A_125] {strides = array<i32>} : memref<10240xi32, #tpu.memory_space<vmem>>, vector<16xi32>,
    tpu.vector_store %arg7[%swap3A_125], %add3A_124 {strides = array<i32>} : memref<10240xi32, #tpu.memory_space<vmem>>, vector<16xi32>,
    %add3A_127 = arith.constant 160 : i32
    %add3A_128 = vector.broadcast %add3A_127 : i32 to vector<16xi32>
    %add3A_129 = arith.addi %iota3A, %add3A_128 : vector<16xi32>
    %swap3A_130 = arith.constant 10160 : index
    %swap3A_131 = tpu.vector_load %arg6[%swap3A_130] {strides = array<i32>} : memref<10240xi32, #tpu.memory_space<vmem>>, vector<16xi32>,
    tpu.vector_store %arg6[%swap3A_130], %add3A_129 {strides = array<i32>} : memref<10240xi32, #tpu.memory_space<vmem>>, vector<16xi32>,
    %add3A_132 = arith.constant 10160 : i32
    %add3A_133 = vector.broadcast %add3A_132 : i32 to vector<16xi32>
    %add3A_134 = arith.addi %iota3A, %add3A_133 : vector<16xi32>
    %swap3A_135 = arith.constant 10160 : index
    %swap3A_136 = tpu.vector_load %arg7[%swap3A_135] {strides = array<i32>} : memref<10240xi32, #tpu.memory_space<vmem>>, vector<16xi32>,
    tpu.vector_store %arg7[%swap3A_135], %add3A_134 {strides = array<i32>} : memref<10240xi32, #tpu.memory_space<vmem>>, vector<16xi32>,
    %add3A_137 = arith.constant 176 : i32
    %add3A_138 = vector.broadcast %add3A_137 : i32 to vector<16xi32>
    %add3A_139 = arith.addi %iota3A, %add3A_138 : vector<16xi32>
    %swap3A_140 = arith.constant 10176 : index
    %swap3A_141 = tpu.vector_load %arg6[%swap3A_140] {strides = array<i32>} : memref<10240xi32, #tpu.memory_space<vmem>>, vector<16xi32>,
    tpu.vector_store %arg6[%swap3A_140], %add3A_139 {strides = array<i32>} : memref<10240xi32, #tpu.memory_space<vmem>>, vector<16xi32>,
    %add3A_142 = arith.constant 10176 : i32
    %add3A_143 = vector.broadcast %add3A_142 : i32 to vector<16xi32>
    %add3A_144 = arith.addi %iota3A, %add3A_143 : vector<16xi32>
    %swap3A_145 = arith.constant 10176 : index
    %swap3A_146 = tpu.vector_load %arg7[%swap3A_145] {strides = array<i32>} : memref<10240xi32, #tpu.memory_space<vmem>>, vector<16xi32>,
    tpu.vector_store %arg7[%swap3A_145], %add3A_144 {strides = array<i32>} : memref<10240xi32, #tpu.memory_space<vmem>>, vector<16xi32>,
    %add3A_147 = arith.constant 192 : i32
    %add3A_148 = vector.broadcast %add3A_147 : i32 to vector<16xi32>
    %add3A_149 = arith.addi %iota3A, %add3A_148 : vector<16xi32>
    %swap3A_150 = arith.constant 10192 : index
    %swap3A_151 = tpu.vector_load %arg6[%swap3A_150] {strides = array<i32>} : memref<10240xi32, #tpu.memory_space<vmem>>, vector<16xi32>,
    tpu.vector_store %arg6[%swap3A_150], %add3A_149 {strides = array<i32>} : memref<10240xi32, #tpu.memory_space<vmem>>, vector<16xi32>,
    %add3A_152 = arith.constant 10192 : i32
    %add3A_153 = vector.broadcast %add3A_152 : i32 to vector<16xi32>
    %add3A_154 = arith.addi %iota3A, %add3A_153 : vector<16xi32>
    %swap3A_155 = arith.constant 10192 : index
    %swap3A_156 = tpu.vector_load %arg7[%swap3A_155] {strides = array<i32>} : memref<10240xi32, #tpu.memory_space<vmem>>, vector<16xi32>,
    tpu.vector_store %arg7[%swap3A_155], %add3A_154 {strides = array<i32>} : memref<10240xi32, #tpu.memory_space<vmem>>, vector<16xi32>,
    %add3A_157 = arith.constant 208 : i32
    %add3A_158 = vector.broadcast %add3A_157 : i32 to vector<16xi32>
    %add3A_159 = arith.addi %iota3A, %add3A_158 : vector<16xi32>
    %swap3A_160 = arith.constant 10208 : index
    %swap3A_161 = tpu.vector_load %arg6[%swap3A_160] {strides = array<i32>} : memref<10240xi32, #tpu.memory_space<vmem>>, vector<16xi32>,
    tpu.vector_store %arg6[%swap3A_160], %add3A_159 {strides = array<i32>} : memref<10240xi32, #tpu.memory_space<vmem>>, vector<16xi32>,
    %add3A_162 = arith.constant 10208 : i32
    %add3A_163 = vector.broadcast %add3A_162 : i32 to vector<16xi32>
    %add3A_164 = arith.addi %iota3A, %add3A_163 : vector<16xi32>
    %swap3A_165 = arith.constant 10208 : index
    %swap3A_166 = tpu.vector_load %arg7[%swap3A_165] {strides = array<i32>} : memref<10240xi32, #tpu.memory_space<vmem>>, vector<16xi32>,
    tpu.vector_store %arg7[%swap3A_165], %add3A_164 {strides = array<i32>} : memref<10240xi32, #tpu.memory_space<vmem>>, vector<16xi32>,
    %add3A_167 = arith.constant 224 : i32
    %add3A_168 = vector.broadcast %add3A_167 : i32 to vector<16xi32>
    %add3A_169 = arith.addi %iota3A, %add3A_168 : vector<16xi32>
    %swap3A_170 = arith.constant 10224 : index
    %swap3A_171 = tpu.vector_load %arg6[%swap3A_170] {strides = array<i32>} : memref<10240xi32, #tpu.memory_space<vmem>>, vector<16xi32>,
    tpu.vector_store %arg6[%swap3A_170], %add3A_169 {strides = array<i32>} : memref<10240xi32, #tpu.memory_space<vmem>>, vector<16xi32>,
    %add3A_172 = arith.constant 10224 : i32
    %add3A_173 = vector.broadcast %add3A_172 : i32 to vector<16xi32>
    %add3A_174 = arith.addi %iota3A, %add3A_173 : vector<16xi32>
    %swap3A_175 = arith.constant 10224 : index
    %swap3A_176 = tpu.vector_load %arg7[%swap3A_175] {strides = array<i32>} : memref<10240xi32, #tpu.memory_space<vmem>>, vector<16xi32>,
    tpu.vector_store %arg7[%swap3A_175], %add3A_174 {strides = array<i32>} : memref<10240xi32, #tpu.memory_space<vmem>>, vector<16xi32>,
    %dma_wait3A = arith.constant 0 : i32
    %dma_wait3A_177 = arith.constant 0 : i32
    %dma_wait3A_178 = tpu.memref_slice %arg6[%dma_wait3A_177] : memref<10240xi32, #tpu.memory_space<vmem>> -> memref<10000xi32, #tpu.memory_space<vmem>>
    %dma_wait3A_179 = tpu.memref_slice %arg2[%dma_wait3A, %mul3A_2] : memref<2x320000xi32, #tpu.memory_space<hbm>> -> memref<1x10000xi32, #tpu.memory_space<hbm>>
    %dma_wait3A_180 = tpu.memref_squeeze %dma_wait3A_179 : memref<1x10000xi32, #tpu.memory_space<hbm>> -> memref<10000xi32, #tpu.memory_space<hbm>>
    %dma_wait3A_181 = arith.constant 0 : i32
    %dma_wait3A_182 = tpu.memref_slice %arg6[%dma_wait3A_181] : memref<10240xi32, #tpu.memory_space<vmem>> -> memref<10000xi32, #tpu.memory_space<vmem>>
    %dma_wait3A_183 = tpu.memref_slice %arg2[%dma_wait3A, %mul3A_2] : memref<2x320000xi32, #tpu.memory_space<hbm>> -> memref<1x10000xi32, #tpu.memory_space<hbm>>
    %dma_wait3A_184 = tpu.memref_squeeze %dma_wait3A_183 : memref<1x10000xi32, #tpu.memory_space<hbm>> -> memref<10000xi32, #tpu.memory_space<hbm>>
    tpu.wait_dma2 semaphore(%arg13 : memref<!tpu.dma_semaphore, #tpu.memory_space<semaphore_mem>>) src(%dma_wait3A_184 : memref<10000xi32, #tpu.memory_space<hbm>>) dst(%dma_wait3A_182 : memref<10000xi32, #tpu.memory_space<vmem>>)
    %dma_wait3A_185 = arith.constant 1 : i32
    %dma_wait3A_186 = arith.constant 0 : i32
    %dma_wait3A_187 = tpu.memref_slice %arg7[%dma_wait3A_186] : memref<10240xi32, #tpu.memory_space<vmem>> -> memref<10000xi32, #tpu.memory_space<vmem>>
    %dma_wait3A_188 = tpu.memref_slice %arg2[%dma_wait3A_185, %mul3A_12] : memref<2x320000xi32, #tpu.memory_space<hbm>> -> memref<1x10000xi32, #tpu.memory_space<hbm>>
    %dma_wait3A_189 = tpu.memref_squeeze %dma_wait3A_188 : memref<1x10000xi32, #tpu.memory_space<hbm>> -> memref<10000xi32, #tpu.memory_space<hbm>>
    %dma_wait3A_190 = arith.constant 0 : i32
    %dma_wait3A_191 = tpu.memref_slice %arg7[%dma_wait3A_190] : memref<10240xi32, #tpu.memory_space<vmem>> -> memref<10000xi32, #tpu.memory_space<vmem>>
    %dma_wait3A_192 = tpu.memref_slice %arg2[%dma_wait3A_185, %mul3A_12] : memref<2x320000xi32, #tpu.memory_space<hbm>> -> memref<1x10000xi32, #tpu.memory_space<hbm>>
    %dma_wait3A_193 = tpu.memref_squeeze %dma_wait3A_192 : memref<1x10000xi32, #tpu.memory_space<hbm>> -> memref<10000xi32, #tpu.memory_space<hbm>>
    tpu.wait_dma2 semaphore(%arg13 : memref<!tpu.dma_semaphore, #tpu.memory_space<semaphore_mem>>) src(%dma_wait3A_193 : memref<10000xi32, #tpu.memory_space<hbm>>) dst(%dma_wait3A_191 : memref<10000xi32, #tpu.memory_space<vmem>>)
    %dma_start3A_194 = arith.constant 0 : i32
    %dma_start3A_195 = tpu.memref_slice %arg4[%add3A, %dma_start3A_194] : memref<32x10240xi32, #tpu.memory_space<hbm>> -> memref<1x10240xi32, #tpu.memory_space<hbm>>
    %dma_start3A_196 = tpu.memref_squeeze %dma_start3A_195 : memref<1x10240xi32, #tpu.memory_space<hbm>> -> memref<10240xi32, #tpu.memory_space<hbm>>
    %dma_start3A_197 = arith.constant 0 : i32
    %dma_start3A_198 = tpu.memref_slice %arg4[%add3A, %dma_start3A_197] : memref<32x10240xi32, #tpu.memory_space<hbm>> -> memref<1x10240xi32, #tpu.memory_space<hbm>>
    %dma_start3A_199 = tpu.memref_squeeze %dma_start3A_198 : memref<1x10240xi32, #tpu.memory_space<hbm>> -> memref<10240xi32, #tpu.memory_space<hbm>>
    tpu.enqueue_dma source(%arg6 : memref<10240xi32, #tpu.memory_space<vmem>>) target(%dma_start3A_199 : memref<10240xi32, #tpu.memory_space<hbm>>) target_semaphore(%arg14 : memref<!tpu.dma_semaphore, #tpu.memory_space<semaphore_mem>>)
    %dma_start3A_200 = arith.constant 0 : i32
    %dma_start3A_201 = tpu.memref_slice %arg5[%add3A, %dma_start3A_200] : memref<32x10240xi32, #tpu.memory_space<hbm>> -> memref<1x10240xi32, #tpu.memory_space<hbm>>
    %dma_start3A_202 = tpu.memref_squeeze %dma_start3A_201 : memref<1x10240xi32, #tpu.memory_space<hbm>> -> memref<10240xi32, #tpu.memory_space<hbm>>
    %dma_start3A_203 = arith.constant 0 : i32
    %dma_start3A_204 = tpu.memref_slice %arg5[%add3A, %dma_start3A_203] : memref<32x10240xi32, #tpu.memory_space<hbm>> -> memref<1x10240xi32, #tpu.memory_space<hbm>>
    %dma_start3A_205 = tpu.memref_squeeze %dma_start3A_204 : memref<1x10240xi32, #tpu.memory_space<hbm>> -> memref<10240xi32, #tpu.memory_space<hbm>>
    tpu.enqueue_dma source(%arg7 : memref<10240xi32, #tpu.memory_space<vmem>>) target(%dma_start3A_205 : memref<10240xi32, #tpu.memory_space<hbm>>) target_semaphore(%arg14 : memref<!tpu.dma_semaphore, #tpu.memory_space<semaphore_mem>>)
    %broadcast_in_dim3A_206 = arith.constant 1.000000e+00 : f32
    %broadcast_in_dim3A_207 = vector.broadcast %broadcast_in_dim3A_206 : f32 to vector<16xf32>
    %scan3A_208 = arith.constant 0 : i32
    %scan3A_209 = arith.constant 0 : i32
    %scan3A_210 = arith.constant 312 : i32
    %scan3A_211 = arith.addi %scan3A_209, %scan3A_210 : i32
    %scan3A_212 = arith.constant 1 : i32
    scf.for %scan3A_1208 = %scan3A_209 to %scan3A_211 step %scan3A_212  : i32 {
      %mul3A_1209 = arith.constant 32 : i32
      %mul3A_1210 = arith.muli %scan3A_1208, %mul3A_1209 : i32
      %add3A_1211 = arith.constant 0 : i32
      %add3A_1212 = arith.addi %mul3A_1210, %add3A_1211 : i32
      %get3A_1213 = arith.index_cast %add3A_1212 : i32 to index
      %get3A_1214 = tpu.vector_load %arg6[%get3A_1213] {strides = array<i32>} : memref<10240xi32, #tpu.memory_space<vmem>>, vector<16xi32>,
      %mul3A_1215 = arith.constant 32 : i32
      %mul3A_1216 = arith.muli %scan3A_1208, %mul3A_1215 : i32
      %add3A_1217 = arith.constant 0 : i32
      %add3A_1218 = arith.addi %mul3A_1216, %add3A_1217 : i32
      %get3A_1219 = arith.index_cast %add3A_1218 : i32 to index
      %get3A_1220 = tpu.vector_load %arg7[%get3A_1219] {strides = array<i32>} : memref<10240xi32, #tpu.memory_space<vmem>>, vector<16xi32>,
      tpu.vector_store_idx %arg8[%get3A_1214], %broadcast_in_dim3A_207 {add = true} : memref<10240xf32, #tpu.memory_space<vmem>>[vector<16xi32>], vector<16xf32>,
      tpu.vector_store_idx %arg9[%get3A_1220], %broadcast_in_dim3A_207 {add = true} : memref<10240xf32, #tpu.memory_space<vmem>>[vector<16xi32>], vector<16xf32>,
      %mul3A_1221 = arith.constant 32 : i32
      %mul3A_1222 = arith.muli %scan3A_1208, %mul3A_1221 : i32
      %add3A_1223 = arith.constant 16 : i32
      %add3A_1224 = arith.addi %mul3A_1222, %add3A_1223 : i32
      %get3A_1225 = arith.index_cast %add3A_1224 : i32 to index
      %get3A_1226 = tpu.vector_load %arg6[%get3A_1225] {strides = array<i32>} : memref<10240xi32, #tpu.memory_space<vmem>>, vector<16xi32>,
      %mul3A_1227 = arith.constant 32 : i32
      %mul3A_1228 = arith.muli %scan3A_1208, %mul3A_1227 : i32
      %add3A_1229 = arith.constant 16 : i32
      %add3A_1230 = arith.addi %mul3A_1228, %add3A_1229 : i32
      %get3A_1231 = arith.index_cast %add3A_1230 : i32 to index
      %get3A_1232 = tpu.vector_load %arg7[%get3A_1231] {strides = array<i32>} : memref<10240xi32, #tpu.memory_space<vmem>>, vector<16xi32>,
      tpu.vector_store_idx %arg8[%get3A_1226], %broadcast_in_dim3A_207 {add = true} : memref<10240xf32, #tpu.memory_space<vmem>>[vector<16xi32>], vector<16xf32>,
      tpu.vector_store_idx %arg9[%get3A_1232], %broadcast_in_dim3A_207 {add = true} : memref<10240xf32, #tpu.memory_space<vmem>>[vector<16xi32>], vector<16xf32>,
    }
    %scan3A_213 = arith.constant 312 : i32
    %get3A = arith.constant 9984 : index
    %get3A_214 = tpu.vector_load %arg6[%get3A] {strides = array<i32>} : memref<10240xi32, #tpu.memory_space<vmem>>, vector<16xi32>,
    tpu.vector_store_idx %arg8[%get3A_214], %broadcast_in_dim3A_207 {add = true} : memref<10240xf32, #tpu.memory_space<vmem>>[vector<16xi32>], vector<16xf32>,
    %get3A_215 = arith.constant 9984 : index
    %get3A_216 = tpu.vector_load %arg7[%get3A_215] {strides = array<i32>} : memref<10240xi32, #tpu.memory_space<vmem>>, vector<16xi32>,
    tpu.vector_store_idx %arg9[%get3A_216], %broadcast_in_dim3A_207 {add = true} : memref<10240xf32, #tpu.memory_space<vmem>>[vector<16xi32>], vector<16xf32>,
    %run_scoped3A = arith.constant 0 : i32
    "tpu.region"() ({
      %run_scoped3A_1208 = tpu.sem_alloc : memref<!tpu.dma_semaphore, #tpu.memory_space<semaphore_mem>>
      %dma_start3A_1209 = arith.constant 0 : i32
      %dma_start3A_1210 = tpu.memref_slice %arg10[%arg1, %run_scoped3A, %dma_start3A_1209] : memref<16x2x10240xf32, #tpu.memory_space<vmem_shared>> -> memref<1x1x10240xf32, #tpu.memory_space<vmem_shared>>
      %dma_start3A_1211 = tpu.memref_squeeze %dma_start3A_1210 : memref<1x1x10240xf32, #tpu.memory_space<vmem_shared>> -> memref<10240xf32, #tpu.memory_space<vmem_shared>>
      %dma_start3A_1212 = arith.constant 0 : i32
      %dma_start3A_1213 = tpu.memref_slice %arg10[%arg1, %run_scoped3A, %dma_start3A_1212] : memref<16x2x10240xf32, #tpu.memory_space<vmem_shared>> -> memref<1x1x10240xf32, #tpu.memory_space<vmem_shared>>
      %dma_start3A_1214 = tpu.memref_squeeze %dma_start3A_1213 : memref<1x1x10240xf32, #tpu.memory_space<vmem_shared>> -> memref<10240xf32, #tpu.memory_space<vmem_shared>>
      tpu.enqueue_dma source(%arg8 : memref<10240xf32, #tpu.memory_space<vmem>>) target(%dma_start3A_1214 : memref<10240xf32, #tpu.memory_space<vmem_shared>>) target_semaphore(%run_scoped3A_1208 : memref<!tpu.dma_semaphore, #tpu.memory_space<semaphore_mem>>)
      %dma_wait3A_1215 = arith.constant 0 : i32
      %dma_wait3A_1216 = tpu.memref_slice %arg10[%arg1, %run_scoped3A, %dma_wait3A_1215] : memref<16x2x10240xf32, #tpu.memory_space<vmem_shared>> -> memref<1x1x10240xf32, #tpu.memory_space<vmem_shared>>
      %dma_wait3A_1217 = tpu.memref_squeeze %dma_wait3A_1216 : memref<1x1x10240xf32, #tpu.memory_space<vmem_shared>> -> memref<10240xf32, #tpu.memory_space<vmem_shared>>
      %dma_wait3A_1218 = arith.constant 0 : i32
      %dma_wait3A_1219 = tpu.memref_slice %arg10[%arg1, %run_scoped3A, %dma_wait3A_1218] : memref<16x2x10240xf32, #tpu.memory_space<vmem_shared>> -> memref<1x1x10240xf32, #tpu.memory_space<vmem_shared>>
      %dma_wait3A_1220 = tpu.memref_squeeze %dma_wait3A_1219 : memref<1x1x10240xf32, #tpu.memory_space<vmem_shared>> -> memref<10240xf32, #tpu.memory_space<vmem_shared>>
      tpu.wait_dma2 semaphore(%run_scoped3A_1208 : memref<!tpu.dma_semaphore, #tpu.memory_space<semaphore_mem>>) src(%arg8 : memref<10240xf32, #tpu.memory_space<vmem>>) dst(%dma_wait3A_1220 : memref<10240xf32, #tpu.memory_space<vmem_shared>>)
      tpu.yield
    }) : () -> ()
    %run_scoped3A_217 = arith.constant 1 : i32
    "tpu.region"() ({
      %run_scoped3A_1208 = tpu.sem_alloc : memref<!tpu.dma_semaphore, #tpu.memory_space<semaphore_mem>>
      %dma_start3A_1209 = arith.constant 0 : i32
      %dma_start3A_1210 = tpu.memref_slice %arg10[%arg1, %run_scoped3A_217, %dma_start3A_1209] : memref<16x2x10240xf32, #tpu.memory_space<vmem_shared>> -> memref<1x1x10240xf32, #tpu.memory_space<vmem_shared>>
      %dma_start3A_1211 = tpu.memref_squeeze %dma_start3A_1210 : memref<1x1x10240xf32, #tpu.memory_space<vmem_shared>> -> memref<10240xf32, #tpu.memory_space<vmem_shared>>
      %dma_start3A_1212 = arith.constant 0 : i32
      %dma_start3A_1213 = tpu.memref_slice %arg10[%arg1, %run_scoped3A_217, %dma_start3A_1212] : memref<16x2x10240xf32, #tpu.memory_space<vmem_shared>> -> memref<1x1x10240xf32, #tpu.memory_space<vmem_shared>>
      %dma_start3A_1214 = tpu.memref_squeeze %dma_start3A_1213 : memref<1x1x10240xf32, #tpu.memory_space<vmem_shared>> -> memref<10240xf32, #tpu.memory_space<vmem_shared>>
      tpu.enqueue_dma source(%arg9 : memref<10240xf32, #tpu.memory_space<vmem>>) target(%dma_start3A_1214 : memref<10240xf32, #tpu.memory_space<vmem_shared>>) target_semaphore(%run_scoped3A_1208 : memref<!tpu.dma_semaphore, #tpu.memory_space<semaphore_mem>>)
      %dma_wait3A_1215 = arith.constant 0 : i32
      %dma_wait3A_1216 = tpu.memref_slice %arg10[%arg1, %run_scoped3A_217, %dma_wait3A_1215] : memref<16x2x10240xf32, #tpu.memory_space<vmem_shared>> -> memref<1x1x10240xf32, #tpu.memory_space<vmem_shared>>
      %dma_wait3A_1217 = tpu.memref_squeeze %dma_wait3A_1216 : memref<1x1x10240xf32, #tpu.memory_space<vmem_shared>> -> memref<10240xf32, #tpu.memory_space<vmem_shared>>
      %dma_wait3A_1218 = arith.constant 0 : i32
      %dma_wait3A_1219 = tpu.memref_slice %arg10[%arg1, %run_scoped3A_217, %dma_wait3A_1218] : memref<16x2x10240xf32, #tpu.memory_space<vmem_shared>> -> memref<1x1x10240xf32, #tpu.memory_space<vmem_shared>>
      %dma_wait3A_1220 = tpu.memref_squeeze %dma_wait3A_1219 : memref<1x1x10240xf32, #tpu.memory_space<vmem_shared>> -> memref<10240xf32, #tpu.memory_space<vmem_shared>>
      tpu.wait_dma2 semaphore(%run_scoped3A_1208 : memref<!tpu.dma_semaphore, #tpu.memory_space<semaphore_mem>>) src(%arg9 : memref<10240xf32, #tpu.memory_space<vmem>>) dst(%dma_wait3A_1220 : memref<10240xf32, #tpu.memory_space<vmem_shared>>)
      tpu.yield
    }) : () -> ()
    %barrier3A = arith.constant 0 : index
    tpu.barrier barrier_id(%barrier3A)
    %mul3A_218 = arith.constant 640 : i32
    %mul3A_219 = arith.muli %arg1, %mul3A_218 : i32
    %dma_start3A_220 = arith.constant 0 : i32
    %dma_start3A_221 = arith.constant 0 : i32
    %dma_start3A_222 = arith.constant 0 : i32
    %dma_start3A_223 = arith.constant 0 : i32
    %dma_start3A_224 = arith.constant 0 : i32
    %dma_start3A_225 = tpu.memref_slice %arg11[%dma_start3A_222, %dma_start3A_223, %dma_start3A_224] : memref<16x2x640xf32, #tpu.memory_space<vmem>> -> memref<1x1x640xf32, #tpu.memory_space<vmem>>
    %dma_start3A_226 = tpu.memref_squeeze %dma_start3A_225 : memref<1x1x640xf32, #tpu.memory_space<vmem>> -> memref<640xf32, #tpu.memory_space<vmem>>
    %dma_start3A_227 = tpu.memref_slice %arg10[%dma_start3A_220, %dma_start3A_221, %mul3A_219] : memref<16x2x10240xf32, #tpu.memory_space<vmem_shared>> -> memref<1x1x640xf32, #tpu.memory_space<vmem_shared>>
    %dma_start3A_228 = tpu.memref_squeeze %dma_start3A_227 : memref<1x1x640xf32, #tpu.memory_space<vmem_shared>> -> memref<640xf32, #tpu.memory_space<vmem_shared>>
    %dma_start3A_229 = arith.constant 0 : i32
    %dma_start3A_230 = tpu.memref_slice %arg11[%dma_start3A_222, %dma_start3A_223, %dma_start3A_229] : memref<16x2x640xf32, #tpu.memory_space<vmem>> -> memref<1x1x640xf32, #tpu.memory_space<vmem>>
    %dma_start3A_231 = tpu.memref_squeeze %dma_start3A_230 : memref<1x1x640xf32, #tpu.memory_space<vmem>> -> memref<640xf32, #tpu.memory_space<vmem>>
    %dma_start3A_232 = tpu.memref_slice %arg10[%dma_start3A_220, %dma_start3A_221, %mul3A_219] : memref<16x2x10240xf32, #tpu.memory_space<vmem_shared>> -> memref<1x1x640xf32, #tpu.memory_space<vmem_shared>>
    %dma_start3A_233 = tpu.memref_squeeze %dma_start3A_232 : memref<1x1x640xf32, #tpu.memory_space<vmem_shared>> -> memref<640xf32, #tpu.memory_space<vmem_shared>>
    tpu.enqueue_dma source(%dma_start3A_233 : memref<640xf32, #tpu.memory_space<vmem_shared>>) target(%dma_start3A_231 : memref<640xf32, #tpu.memory_space<vmem>>) target_semaphore(%arg13 : memref<!tpu.dma_semaphore, #tpu.memory_space<semaphore_mem>>)
    %mul3A_234 = arith.constant 640 : i32
    %mul3A_235 = arith.muli %arg1, %mul3A_234 : i32
    %dma_start3A_236 = arith.constant 0 : i32
    %dma_start3A_237 = arith.constant 1 : i32
    %dma_start3A_238 = arith.constant 0 : i32
    %dma_start3A_239 = arith.constant 1 : i32
    %dma_start3A_240 = arith.constant 0 : i32
    %dma_start3A_241 = tpu.memref_slice %arg11[%dma_start3A_238, %dma_start3A_239, %dma_start3A_240] : memref<16x2x640xf32, #tpu.memory_space<vmem>> -> memref<1x1x640xf32, #tpu.memory_space<vmem>>
    %dma_start3A_242 = tpu.memref_squeeze %dma_start3A_241 : memref<1x1x640xf32, #tpu.memory_space<vmem>> -> memref<640xf32, #tpu.memory_space<vmem>>
    %dma_start3A_243 = tpu.memref_slice %arg10[%dma_start3A_236, %dma_start3A_237, %mul3A_235] : memref<16x2x10240xf32, #tpu.memory_space<vmem_shared>> -> memref<1x1x640xf32, #tpu.memory_space<vmem_shared>>
    %dma_start3A_244 = tpu.memref_squeeze %dma_start3A_243 : memref<1x1x640xf32, #tpu.memory_space<vmem_shared>> -> memref<640xf32, #tpu.memory_space<vmem_shared>>
    %dma_start3A_245 = arith.constant 0 : i32
    %dma_start3A_246 = tpu.memref_slice %arg11[%dma_start3A_238, %dma_start3A_239, %dma_start3A_245] : memref<16x2x640xf32, #tpu.memory_space<vmem>> -> memref<1x1x640xf32, #tpu.memory_space<vmem>>
    %dma_start3A_247 = tpu.memref_squeeze %dma_start3A_246 : memref<1x1x640xf32, #tpu.memory_space<vmem>> -> memref<640xf32, #tpu.memory_space<vmem>>
    %dma_start3A_248 = tpu.memref_slice %arg10[%dma_start3A_236, %dma_start3A_237, %mul3A_235] : memref<16x2x10240xf32, #tpu.memory_space<vmem_shared>> -> memref<1x1x640xf32, #tpu.memory_space<vmem_shared>>
    %dma_start3A_249 = tpu.memref_squeeze %dma_start3A_248 : memref<1x1x640xf32, #tpu.memory_space<vmem_shared>> -> memref<640xf32, #tpu.memory_space<vmem_shared>>
    tpu.enqueue_dma source(%dma_start3A_249 : memref<640xf32, #tpu.memory_space<vmem_shared>>) target(%dma_start3A_247 : memref<640xf32, #tpu.memory_space<vmem>>) target_semaphore(%arg13 : memref<!tpu.dma_semaphore, #tpu.memory_space<semaphore_mem>>)
    %mul3A_250 = arith.constant 640 : i32
    %mul3A_251 = arith.muli %arg1, %mul3A_250 : i32
    %dma_start3A_252 = arith.constant 1 : i32
    %dma_start3A_253 = arith.constant 0 : i32
    %dma_start3A_254 = arith.constant 1 : i32
    %dma_start3A_255 = arith.constant 0 : i32
    %dma_start3A_256 = arith.constant 0 : i32
    %dma_start3A_257 = tpu.memref_slice %arg11[%dma_start3A_254, %dma_start3A_255, %dma_start3A_256] : memref<16x2x640xf32, #tpu.memory_space<vmem>> -> memref<1x1x640xf32, #tpu.memory_space<vmem>>
    %dma_start3A_258 = tpu.memref_squeeze %dma_start3A_257 : memref<1x1x640xf32, #tpu.memory_space<vmem>> -> memref<640xf32, #tpu.memory_space<vmem>>
    %dma_start3A_259 = tpu.memref_slice %arg10[%dma_start3A_252, %dma_start3A_253, %mul3A_251] : memref<16x2x10240xf32, #tpu.memory_space<vmem_shared>> -> memref<1x1x640xf32, #tpu.memory_space<vmem_shared>>
    %dma_start3A_260 = tpu.memref_squeeze %dma_start3A_259 : memref<1x1x640xf32, #tpu.memory_space<vmem_shared>> -> memref<640xf32, #tpu.memory_space<vmem_shared>>
    %dma_start3A_261 = arith.constant 0 : i32
    %dma_start3A_262 = tpu.memref_slice %arg11[%dma_start3A_254, %dma_start3A_255, %dma_start3A_261] : memref<16x2x640xf32, #tpu.memory_space<vmem>> -> memref<1x1x640xf32, #tpu.memory_space<vmem>>
    %dma_start3A_263 = tpu.memref_squeeze %dma_start3A_262 : memref<1x1x640xf32, #tpu.memory_space<vmem>> -> memref<640xf32, #tpu.memory_space<vmem>>
    %dma_start3A_264 = tpu.memref_slice %arg10[%dma_start3A_252, %dma_start3A_253, %mul3A_251] : memref<16x2x10240xf32, #tpu.memory_space<vmem_shared>> -> memref<1x1x640xf32, #tpu.memory_space<vmem_shared>>
    %dma_start3A_265 = tpu.memref_squeeze %dma_start3A_264 : memref<1x1x640xf32, #tpu.memory_space<vmem_shared>> -> memref<640xf32, #tpu.memory_space<vmem_shared>>
    tpu.enqueue_dma source(%dma_start3A_265 : memref<640xf32, #tpu.memory_space<vmem_shared>>) target(%dma_start3A_263 : memref<640xf32, #tpu.memory_space<vmem>>) target_semaphore(%arg13 : memref<!tpu.dma_semaphore, #tpu.memory_space<semaphore_mem>>)
    %mul3A_266 = arith.constant 640 : i32
    %mul3A_267 = arith.muli %arg1, %mul3A_266 : i32
    %dma_start3A_268 = arith.constant 1 : i32
    %dma_start3A_269 = arith.constant 1 : i32
    %dma_start3A_270 = arith.constant 1 : i32
    %dma_start3A_271 = arith.constant 1 : i32
    %dma_start3A_272 = arith.constant 0 : i32
    %dma_start3A_273 = tpu.memref_slice %arg11[%dma_start3A_270, %dma_start3A_271, %dma_start3A_272] : memref<16x2x640xf32, #tpu.memory_space<vmem>> -> memref<1x1x640xf32, #tpu.memory_space<vmem>>
    %dma_start3A_274 = tpu.memref_squeeze %dma_start3A_273 : memref<1x1x640xf32, #tpu.memory_space<vmem>> -> memref<640xf32, #tpu.memory_space<vmem>>
    %dma_start3A_275 = tpu.memref_slice %arg10[%dma_start3A_268, %dma_start3A_269, %mul3A_267] : memref<16x2x10240xf32, #tpu.memory_space<vmem_shared>> -> memref<1x1x640xf32, #tpu.memory_space<vmem_shared>>
    %dma_start3A_276 = tpu.memref_squeeze %dma_start3A_275 : memref<1x1x640xf32, #tpu.memory_space<vmem_shared>> -> memref<640xf32, #tpu.memory_space<vmem_shared>>
    %dma_start3A_277 = arith.constant 0 : i32
    %dma_start3A_278 = tpu.memref_slice %arg11[%dma_start3A_270, %dma_start3A_271, %dma_start3A_277] : memref<16x2x640xf32, #tpu.memory_space<vmem>> -> memref<1x1x640xf32, #tpu.memory_space<vmem>>
    %dma_start3A_279 = tpu.memref_squeeze %dma_start3A_278 : memref<1x1x640xf32, #tpu.memory_space<vmem>> -> memref<640xf32, #tpu.memory_space<vmem>>
    %dma_start3A_280 = tpu.memref_slice %arg10[%dma_start3A_268, %dma_start3A_269, %mul3A_267] : memref<16x2x10240xf32, #tpu.memory_space<vmem_shared>> -> memref<1x1x640xf32, #tpu.memory_space<vmem_shared>>
    %dma_start3A_281 = tpu.memref_squeeze %dma_start3A_280 : memref<1x1x640xf32, #tpu.memory_space<vmem_shared>> -> memref<640xf32, #tpu.memory_space<vmem_shared>>
    tpu.enqueue_dma source(%dma_start3A_281 : memref<640xf32, #tpu.memory_space<vmem_shared>>) target(%dma_start3A_279 : memref<640xf32, #tpu.memory_space<vmem>>) target_semaphore(%arg13 : memref<!tpu.dma_semaphore, #tpu.memory_space<semaphore_mem>>)
    %mul3A_282 = arith.constant 640 : i32
    %mul3A_283 = arith.muli %arg1, %mul3A_282 : i32
    %dma_start3A_284 = arith.constant 2 : i32
    %dma_start3A_285 = arith.constant 0 : i32
    %dma_start3A_286 = arith.constant 2 : i32
    %dma_start3A_287 = arith.constant 0 : i32
    %dma_start3A_288 = arith.constant 0 : i32
    %dma_start3A_289 = tpu.memref_slice %arg11[%dma_start3A_286, %dma_start3A_287, %dma_start3A_288] : memref<16x2x640xf32, #tpu.memory_space<vmem>> -> memref<1x1x640xf32, #tpu.memory_space<vmem>>
    %dma_start3A_290 = tpu.memref_squeeze %dma_start3A_289 : memref<1x1x640xf32, #tpu.memory_space<vmem>> -> memref<640xf32, #tpu.memory_space<vmem>>
    %dma_start3A_291 = tpu.memref_slice %arg10[%dma_start3A_284, %dma_start3A_285, %mul3A_283] : memref<16x2x10240xf32, #tpu.memory_space<vmem_shared>> -> memref<1x1x640xf32, #tpu.memory_space<vmem_shared>>
    %dma_start3A_292 = tpu.memref_squeeze %dma_start3A_291 : memref<1x1x640xf32, #tpu.memory_space<vmem_shared>> -> memref<640xf32, #tpu.memory_space<vmem_shared>>
    %dma_start3A_293 = arith.constant 0 : i32
    %dma_start3A_294 = tpu.memref_slice %arg11[%dma_start3A_286, %dma_start3A_287, %dma_start3A_293] : memref<16x2x640xf32, #tpu.memory_space<vmem>> -> memref<1x1x640xf32, #tpu.memory_space<vmem>>
    %dma_start3A_295 = tpu.memref_squeeze %dma_start3A_294 : memref<1x1x640xf32, #tpu.memory_space<vmem>> -> memref<640xf32, #tpu.memory_space<vmem>>
    %dma_start3A_296 = tpu.memref_slice %arg10[%dma_start3A_284, %dma_start3A_285, %mul3A_283] : memref<16x2x10240xf32, #tpu.memory_space<vmem_shared>> -> memref<1x1x640xf32, #tpu.memory_space<vmem_shared>>
    %dma_start3A_297 = tpu.memref_squeeze %dma_start3A_296 : memref<1x1x640xf32, #tpu.memory_space<vmem_shared>> -> memref<640xf32, #tpu.memory_space<vmem_shared>>
    tpu.enqueue_dma source(%dma_start3A_297 : memref<640xf32, #tpu.memory_space<vmem_shared>>) target(%dma_start3A_295 : memref<640xf32, #tpu.memory_space<vmem>>) target_semaphore(%arg13 : memref<!tpu.dma_semaphore, #tpu.memory_space<semaphore_mem>>)
    %mul3A_298 = arith.constant 640 : i32
    %mul3A_299 = arith.muli %arg1, %mul3A_298 : i32
    %dma_start3A_300 = arith.constant 2 : i32
    %dma_start3A_301 = arith.constant 1 : i32
    %dma_start3A_302 = arith.constant 2 : i32
    %dma_start3A_303 = arith.constant 1 : i32
    %dma_start3A_304 = arith.constant 0 : i32
    %dma_start3A_305 = tpu.memref_slice %arg11[%dma_start3A_302, %dma_start3A_303, %dma_start3A_304] : memref<16x2x640xf32, #tpu.memory_space<vmem>> -> memref<1x1x640xf32, #tpu.memory_space<vmem>>
    %dma_start3A_306 = tpu.memref_squeeze %dma_start3A_305 : memref<1x1x640xf32, #tpu.memory_space<vmem>> -> memref<640xf32, #tpu.memory_space<vmem>>
    %dma_start3A_307 = tpu.memref_slice %arg10[%dma_start3A_300, %dma_start3A_301, %mul3A_299] : memref<16x2x10240xf32, #tpu.memory_space<vmem_shared>> -> memref<1x1x640xf32, #tpu.memory_space<vmem_shared>>
    %dma_start3A_308 = tpu.memref_squeeze %dma_start3A_307 : memref<1x1x640xf32, #tpu.memory_space<vmem_shared>> -> memref<640xf32, #tpu.memory_space<vmem_shared>>
    %dma_start3A_309 = arith.constant 0 : i32
    %dma_start3A_310 = tpu.memref_slice %arg11[%dma_start3A_302, %dma_start3A_303, %dma_start3A_309] : memref<16x2x640xf32, #tpu.memory_space<vmem>> -> memref<1x1x640xf32, #tpu.memory_space<vmem>>
    %dma_start3A_311 = tpu.memref_squeeze %dma_start3A_310 : memref<1x1x640xf32, #tpu.memory_space<vmem>> -> memref<640xf32, #tpu.memory_space<vmem>>
    %dma_start3A_312 = tpu.memref_slice %arg10[%dma_start3A_300, %dma_start3A_301, %mul3A_299] : memref<16x2x10240xf32, #tpu.memory_space<vmem_shared>> -> memref<1x1x640xf32, #tpu.memory_space<vmem_shared>>
    %dma_start3A_313 = tpu.memref_squeeze %dma_start3A_312 : memref<1x1x640xf32, #tpu.memory_space<vmem_shared>> -> memref<640xf32, #tpu.memory_space<vmem_shared>>
    tpu.enqueue_dma source(%dma_start3A_313 : memref<640xf32, #tpu.memory_space<vmem_shared>>) target(%dma_start3A_311 : memref<640xf32, #tpu.memory_space<vmem>>) target_semaphore(%arg13 : memref<!tpu.dma_semaphore, #tpu.memory_space<semaphore_mem>>)
    %mul3A_314 = arith.constant 640 : i32
    %mul3A_315 = arith.muli %arg1, %mul3A_314 : i32
    %dma_start3A_316 = arith.constant 3 : i32
    %dma_start3A_317 = arith.constant 0 : i32
    %dma_start3A_318 = arith.constant 3 : i32
    %dma_start3A_319 = arith.constant 0 : i32
    %dma_start3A_320 = arith.constant 0 : i32
    %dma_start3A_321 = tpu.memref_slice %arg11[%dma_start3A_318, %dma_start3A_319, %dma_start3A_320] : memref<16x2x640xf32, #tpu.memory_space<vmem>> -> memref<1x1x640xf32, #tpu.memory_space<vmem>>
    %dma_start3A_322 = tpu.memref_squeeze %dma_start3A_321 : memref<1x1x640xf32, #tpu.memory_space<vmem>> -> memref<640xf32, #tpu.memory_space<vmem>>
    %dma_start3A_323 = tpu.memref_slice %arg10[%dma_start3A_316, %dma_start3A_317, %mul3A_315] : memref<16x2x10240xf32, #tpu.memory_space<vmem_shared>> -> memref<1x1x640xf32, #tpu.memory_space<vmem_shared>>
    %dma_start3A_324 = tpu.memref_squeeze %dma_start3A_323 : memref<1x1x640xf32, #tpu.memory_space<vmem_shared>> -> memref<640xf32, #tpu.memory_space<vmem_shared>>
    %dma_start3A_325 = arith.constant 0 : i32
    %dma_start3A_326 = tpu.memref_slice %arg11[%dma_start3A_318, %dma_start3A_319, %dma_start3A_325] : memref<16x2x640xf32, #tpu.memory_space<vmem>> -> memref<1x1x640xf32, #tpu.memory_space<vmem>>
    %dma_start3A_327 = tpu.memref_squeeze %dma_start3A_326 : memref<1x1x640xf32, #tpu.memory_space<vmem>> -> memref<640xf32, #tpu.memory_space<vmem>>
    %dma_start3A_328 = tpu.memref_slice %arg10[%dma_start3A_316, %dma_start3A_317, %mul3A_315] : memref<16x2x10240xf32, #tpu.memory_space<vmem_shared>> -> memref<1x1x640xf32, #tpu.memory_space<vmem_shared>>
    %dma_start3A_329 = tpu.memref_squeeze %dma_start3A_328 : memref<1x1x640xf32, #tpu.memory_space<vmem_shared>> -> memref<640xf32, #tpu.memory_space<vmem_shared>>
    tpu.enqueue_dma source(%dma_start3A_329 : memref<640xf32, #tpu.memory_space<vmem_shared>>) target(%dma_start3A_327 : memref<640xf32, #tpu.memory_space<vmem>>) target_semaphore(%arg13 : memref<!tpu.dma_semaphore, #tpu.memory_space<semaphore_mem>>)
    %mul3A_330 = arith.constant 640 : i32
    %mul3A_331 = arith.muli %arg1, %mul3A_330 : i32
    %dma_start3A_332 = arith.constant 3 : i32
    %dma_start3A_333 = arith.constant 1 : i32
    %dma_start3A_334 = arith.constant 3 : i32
    %dma_start3A_335 = arith.constant 1 : i32
    %dma_start3A_336 = arith.constant 0 : i32
    %dma_start3A_337 = tpu.memref_slice %arg11[%dma_start3A_334, %dma_start3A_335, %dma_start3A_336] : memref<16x2x640xf32, #tpu.memory_space<vmem>> -> memref<1x1x640xf32, #tpu.memory_space<vmem>>
    %dma_start3A_338 = tpu.memref_squeeze %dma_start3A_337 : memref<1x1x640xf32, #tpu.memory_space<vmem>> -> memref<640xf32, #tpu.memory_space<vmem>>
    %dma_start3A_339 = tpu.memref_slice %arg10[%dma_start3A_332, %dma_start3A_333, %mul3A_331] : memref<16x2x10240xf32, #tpu.memory_space<vmem_shared>> -> memref<1x1x640xf32, #tpu.memory_space<vmem_shared>>
    %dma_start3A_340 = tpu.memref_squeeze %dma_start3A_339 : memref<1x1x640xf32, #tpu.memory_space<vmem_shared>> -> memref<640xf32, #tpu.memory_space<vmem_shared>>
    %dma_start3A_341 = arith.constant 0 : i32
    %dma_start3A_342 = tpu.memref_slice %arg11[%dma_start3A_334, %dma_start3A_335, %dma_start3A_341] : memref<16x2x640xf32, #tpu.memory_space<vmem>> -> memref<1x1x640xf32, #tpu.memory_space<vmem>>
    %dma_start3A_343 = tpu.memref_squeeze %dma_start3A_342 : memref<1x1x640xf32, #tpu.memory_space<vmem>> -> memref<640xf32, #tpu.memory_space<vmem>>
    %dma_start3A_344 = tpu.memref_slice %arg10[%dma_start3A_332, %dma_start3A_333, %mul3A_331] : memref<16x2x10240xf32, #tpu.memory_space<vmem_shared>> -> memref<1x1x640xf32, #tpu.memory_space<vmem_shared>>
    %dma_start3A_345 = tpu.memref_squeeze %dma_start3A_344 : memref<1x1x640xf32, #tpu.memory_space<vmem_shared>> -> memref<640xf32, #tpu.memory_space<vmem_shared>>
    tpu.enqueue_dma source(%dma_start3A_345 : memref<640xf32, #tpu.memory_space<vmem_shared>>) target(%dma_start3A_343 : memref<640xf32, #tpu.memory_space<vmem>>) target_semaphore(%arg13 : memref<!tpu.dma_semaphore, #tpu.memory_space<semaphore_mem>>)
    %mul3A_346 = arith.constant 640 : i32
    %mul3A_347 = arith.muli %arg1, %mul3A_346 : i32
    %dma_start3A_348 = arith.constant 4 : i32
    %dma_start3A_349 = arith.constant 0 : i32
    %dma_start3A_350 = arith.constant 4 : i32
    %dma_start3A_351 = arith.constant 0 : i32
    %dma_start3A_352 = arith.constant 0 : i32
    %dma_start3A_353 = tpu.memref_slice %arg11[%dma_start3A_350, %dma_start3A_351, %dma_start3A_352] : memref<16x2x640xf32, #tpu.memory_space<vmem>> -> memref<1x1x640xf32, #tpu.memory_space<vmem>>
    %dma_start3A_354 = tpu.memref_squeeze %dma_start3A_353 : memref<1x1x640xf32, #tpu.memory_space<vmem>> -> memref<640xf32, #tpu.memory_space<vmem>>
    %dma_start3A_355 = tpu.memref_slice %arg10[%dma_start3A_348, %dma_start3A_349, %mul3A_347] : memref<16x2x10240xf32, #tpu.memory_space<vmem_shared>> -> memref<1x1x640xf32, #tpu.memory_space<vmem_shared>>
    %dma_start3A_356 = tpu.memref_squeeze %dma_start3A_355 : memref<1x1x640xf32, #tpu.memory_space<vmem_shared>> -> memref<640xf32, #tpu.memory_space<vmem_shared>>
    %dma_start3A_357 = arith.constant 0 : i32
    %dma_start3A_358 = tpu.memref_slice %arg11[%dma_start3A_350, %dma_start3A_351, %dma_start3A_357] : memref<16x2x640xf32, #tpu.memory_space<vmem>> -> memref<1x1x640xf32, #tpu.memory_space<vmem>>
    %dma_start3A_359 = tpu.memref_squeeze %dma_start3A_358 : memref<1x1x640xf32, #tpu.memory_space<vmem>> -> memref<640xf32, #tpu.memory_space<vmem>>
    %dma_start3A_360 = tpu.memref_slice %arg10[%dma_start3A_348, %dma_start3A_349, %mul3A_347] : memref<16x2x10240xf32, #tpu.memory_space<vmem_shared>> -> memref<1x1x640xf32, #tpu.memory_space<vmem_shared>>
    %dma_start3A_361 = tpu.memref_squeeze %dma_start3A_360 : memref<1x1x640xf32, #tpu.memory_space<vmem_shared>> -> memref<640xf32, #tpu.memory_space<vmem_shared>>
    tpu.enqueue_dma source(%dma_start3A_361 : memref<640xf32, #tpu.memory_space<vmem_shared>>) target(%dma_start3A_359 : memref<640xf32, #tpu.memory_space<vmem>>) target_semaphore(%arg13 : memref<!tpu.dma_semaphore, #tpu.memory_space<semaphore_mem>>)
    %mul3A_362 = arith.constant 640 : i32
    %mul3A_363 = arith.muli %arg1, %mul3A_362 : i32
    %dma_start3A_364 = arith.constant 4 : i32
    %dma_start3A_365 = arith.constant 1 : i32
    %dma_start3A_366 = arith.constant 4 : i32
    %dma_start3A_367 = arith.constant 1 : i32
    %dma_start3A_368 = arith.constant 0 : i32
    %dma_start3A_369 = tpu.memref_slice %arg11[%dma_start3A_366, %dma_start3A_367, %dma_start3A_368] : memref<16x2x640xf32, #tpu.memory_space<vmem>> -> memref<1x1x640xf32, #tpu.memory_space<vmem>>
    %dma_start3A_370 = tpu.memref_squeeze %dma_start3A_369 : memref<1x1x640xf32, #tpu.memory_space<vmem>> -> memref<640xf32, #tpu.memory_space<vmem>>
    %dma_start3A_371 = tpu.memref_slice %arg10[%dma_start3A_364, %dma_start3A_365, %mul3A_363] : memref<16x2x10240xf32, #tpu.memory_space<vmem_shared>> -> memref<1x1x640xf32, #tpu.memory_space<vmem_shared>>
    %dma_start3A_372 = tpu.memref_squeeze %dma_start3A_371 : memref<1x1x640xf32, #tpu.memory_space<vmem_shared>> -> memref<640xf32, #tpu.memory_space<vmem_shared>>
    %dma_start3A_373 = arith.constant 0 : i32
    %dma_start3A_374 = tpu.memref_slice %arg11[%dma_start3A_366, %dma_start3A_367, %dma_start3A_373] : memref<16x2x640xf32, #tpu.memory_space<vmem>> -> memref<1x1x640xf32, #tpu.memory_space<vmem>>
    %dma_start3A_375 = tpu.memref_squeeze %dma_start3A_374 : memref<1x1x640xf32, #tpu.memory_space<vmem>> -> memref<640xf32, #tpu.memory_space<vmem>>
    %dma_start3A_376 = tpu.memref_slice %arg10[%dma_start3A_364, %dma_start3A_365, %mul3A_363] : memref<16x2x10240xf32, #tpu.memory_space<vmem_shared>> -> memref<1x1x640xf32, #tpu.memory_space<vmem_shared>>
    %dma_start3A_377 = tpu.memref_squeeze %dma_start3A_376 : memref<1x1x640xf32, #tpu.memory_space<vmem_shared>> -> memref<640xf32, #tpu.memory_space<vmem_shared>>
    tpu.enqueue_dma source(%dma_start3A_377 : memref<640xf32, #tpu.memory_space<vmem_shared>>) target(%dma_start3A_375 : memref<640xf32, #tpu.memory_space<vmem>>) target_semaphore(%arg13 : memref<!tpu.dma_semaphore, #tpu.memory_space<semaphore_mem>>)
    %mul3A_378 = arith.constant 640 : i32
    %mul3A_379 = arith.muli %arg1, %mul3A_378 : i32
    %dma_start3A_380 = arith.constant 5 : i32
    %dma_start3A_381 = arith.constant 0 : i32
    %dma_start3A_382 = arith.constant 5 : i32
    %dma_start3A_383 = arith.constant 0 : i32
    %dma_start3A_384 = arith.constant 0 : i32
    %dma_start3A_385 = tpu.memref_slice %arg11[%dma_start3A_382, %dma_start3A_383, %dma_start3A_384] : memref<16x2x640xf32, #tpu.memory_space<vmem>> -> memref<1x1x640xf32, #tpu.memory_space<vmem>>
    %dma_start3A_386 = tpu.memref_squeeze %dma_start3A_385 : memref<1x1x640xf32, #tpu.memory_space<vmem>> -> memref<640xf32, #tpu.memory_space<vmem>>
    %dma_start3A_387 = tpu.memref_slice %arg10[%dma_start3A_380, %dma_start3A_381, %mul3A_379] : memref<16x2x10240xf32, #tpu.memory_space<vmem_shared>> -> memref<1x1x640xf32, #tpu.memory_space<vmem_shared>>
    %dma_start3A_388 = tpu.memref_squeeze %dma_start3A_387 : memref<1x1x640xf32, #tpu.memory_space<vmem_shared>> -> memref<640xf32, #tpu.memory_space<vmem_shared>>
    %dma_start3A_389 = arith.constant 0 : i32
    %dma_start3A_390 = tpu.memref_slice %arg11[%dma_start3A_382, %dma_start3A_383, %dma_start3A_389] : memref<16x2x640xf32, #tpu.memory_space<vmem>> -> memref<1x1x640xf32, #tpu.memory_space<vmem>>
    %dma_start3A_391 = tpu.memref_squeeze %dma_start3A_390 : memref<1x1x640xf32, #tpu.memory_space<vmem>> -> memref<640xf32, #tpu.memory_space<vmem>>
    %dma_start3A_392 = tpu.memref_slice %arg10[%dma_start3A_380, %dma_start3A_381, %mul3A_379] : memref<16x2x10240xf32, #tpu.memory_space<vmem_shared>> -> memref<1x1x640xf32, #tpu.memory_space<vmem_shared>>
    %dma_start3A_393 = tpu.memref_squeeze %dma_start3A_392 : memref<1x1x640xf32, #tpu.memory_space<vmem_shared>> -> memref<640xf32, #tpu.memory_space<vmem_shared>>
    tpu.enqueue_dma source(%dma_start3A_393 : memref<640xf32, #tpu.memory_space<vmem_shared>>) target(%dma_start3A_391 : memref<640xf32, #tpu.memory_space<vmem>>) target_semaphore(%arg13 : memref<!tpu.dma_semaphore, #tpu.memory_space<semaphore_mem>>)
    %mul3A_394 = arith.constant 640 : i32
    %mul3A_395 = arith.muli %arg1, %mul3A_394 : i32
    %dma_start3A_396 = arith.constant 5 : i32
    %dma_start3A_397 = arith.constant 1 : i32
    %dma_start3A_398 = arith.constant 5 : i32
    %dma_start3A_399 = arith.constant 1 : i32
    %dma_start3A_400 = arith.constant 0 : i32
    %dma_start3A_401 = tpu.memref_slice %arg11[%dma_start3A_398, %dma_start3A_399, %dma_start3A_400] : memref<16x2x640xf32, #tpu.memory_space<vmem>> -> memref<1x1x640xf32, #tpu.memory_space<vmem>>
    %dma_start3A_402 = tpu.memref_squeeze %dma_start3A_401 : memref<1x1x640xf32, #tpu.memory_space<vmem>> -> memref<640xf32, #tpu.memory_space<vmem>>
    %dma_start3A_403 = tpu.memref_slice %arg10[%dma_start3A_396, %dma_start3A_397, %mul3A_395] : memref<16x2x10240xf32, #tpu.memory_space<vmem_shared>> -> memref<1x1x640xf32, #tpu.memory_space<vmem_shared>>
    %dma_start3A_404 = tpu.memref_squeeze %dma_start3A_403 : memref<1x1x640xf32, #tpu.memory_space<vmem_shared>> -> memref<640xf32, #tpu.memory_space<vmem_shared>>
    %dma_start3A_405 = arith.constant 0 : i32
    %dma_start3A_406 = tpu.memref_slice %arg11[%dma_start3A_398, %dma_start3A_399, %dma_start3A_405] : memref<16x2x640xf32, #tpu.memory_space<vmem>> -> memref<1x1x640xf32, #tpu.memory_space<vmem>>
    %dma_start3A_407 = tpu.memref_squeeze %dma_start3A_406 : memref<1x1x640xf32, #tpu.memory_space<vmem>> -> memref<640xf32, #tpu.memory_space<vmem>>
    %dma_start3A_408 = tpu.memref_slice %arg10[%dma_start3A_396, %dma_start3A_397, %mul3A_395] : memref<16x2x10240xf32, #tpu.memory_space<vmem_shared>> -> memref<1x1x640xf32, #tpu.memory_space<vmem_shared>>
    %dma_start3A_409 = tpu.memref_squeeze %dma_start3A_408 : memref<1x1x640xf32, #tpu.memory_space<vmem_shared>> -> memref<640xf32, #tpu.memory_space<vmem_shared>>
    tpu.enqueue_dma source(%dma_start3A_409 : memref<640xf32, #tpu.memory_space<vmem_shared>>) target(%dma_start3A_407 : memref<640xf32, #tpu.memory_space<vmem>>) target_semaphore(%arg13 : memref<!tpu.dma_semaphore, #tpu.memory_space<semaphore_mem>>)
    %mul3A_410 = arith.constant 640 : i32
    %mul3A_411 = arith.muli %arg1, %mul3A_410 : i32
    %dma_start3A_412 = arith.constant 6 : i32
    %dma_start3A_413 = arith.constant 0 : i32
    %dma_start3A_414 = arith.constant 6 : i32
    %dma_start3A_415 = arith.constant 0 : i32
    %dma_start3A_416 = arith.constant 0 : i32
    %dma_start3A_417 = tpu.memref_slice %arg11[%dma_start3A_414, %dma_start3A_415, %dma_start3A_416] : memref<16x2x640xf32, #tpu.memory_space<vmem>> -> memref<1x1x640xf32, #tpu.memory_space<vmem>>
    %dma_start3A_418 = tpu.memref_squeeze %dma_start3A_417 : memref<1x1x640xf32, #tpu.memory_space<vmem>> -> memref<640xf32, #tpu.memory_space<vmem>>
    %dma_start3A_419 = tpu.memref_slice %arg10[%dma_start3A_412, %dma_start3A_413, %mul3A_411] : memref<16x2x10240xf32, #tpu.memory_space<vmem_shared>> -> memref<1x1x640xf32, #tpu.memory_space<vmem_shared>>
    %dma_start3A_420 = tpu.memref_squeeze %dma_start3A_419 : memref<1x1x640xf32, #tpu.memory_space<vmem_shared>> -> memref<640xf32, #tpu.memory_space<vmem_shared>>
    %dma_start3A_421 = arith.constant 0 : i32
    %dma_start3A_422 = tpu.memref_slice %arg11[%dma_start3A_414, %dma_start3A_415, %dma_start3A_421] : memref<16x2x640xf32, #tpu.memory_space<vmem>> -> memref<1x1x640xf32, #tpu.memory_space<vmem>>
    %dma_start3A_423 = tpu.memref_squeeze %dma_start3A_422 : memref<1x1x640xf32, #tpu.memory_space<vmem>> -> memref<640xf32, #tpu.memory_space<vmem>>
    %dma_start3A_424 = tpu.memref_slice %arg10[%dma_start3A_412, %dma_start3A_413, %mul3A_411] : memref<16x2x10240xf32, #tpu.memory_space<vmem_shared>> -> memref<1x1x640xf32, #tpu.memory_space<vmem_shared>>
    %dma_start3A_425 = tpu.memref_squeeze %dma_start3A_424 : memref<1x1x640xf32, #tpu.memory_space<vmem_shared>> -> memref<640xf32, #tpu.memory_space<vmem_shared>>
    tpu.enqueue_dma source(%dma_start3A_425 : memref<640xf32, #tpu.memory_space<vmem_shared>>) target(%dma_start3A_423 : memref<640xf32, #tpu.memory_space<vmem>>) target_semaphore(%arg13 : memref<!tpu.dma_semaphore, #tpu.memory_space<semaphore_mem>>)
    %mul3A_426 = arith.constant 640 : i32
    %mul3A_427 = arith.muli %arg1, %mul3A_426 : i32
    %dma_start3A_428 = arith.constant 6 : i32
    %dma_start3A_429 = arith.constant 1 : i32
    %dma_start3A_430 = arith.constant 6 : i32
    %dma_start3A_431 = arith.constant 1 : i32
    %dma_start3A_432 = arith.constant 0 : i32
    %dma_start3A_433 = tpu.memref_slice %arg11[%dma_start3A_430, %dma_start3A_431, %dma_start3A_432] : memref<16x2x640xf32, #tpu.memory_space<vmem>> -> memref<1x1x640xf32, #tpu.memory_space<vmem>>
    %dma_start3A_434 = tpu.memref_squeeze %dma_start3A_433 : memref<1x1x640xf32, #tpu.memory_space<vmem>> -> memref<640xf32, #tpu.memory_space<vmem>>
    %dma_start3A_435 = tpu.memref_slice %arg10[%dma_start3A_428, %dma_start3A_429, %mul3A_427] : memref<16x2x10240xf32, #tpu.memory_space<vmem_shared>> -> memref<1x1x640xf32, #tpu.memory_space<vmem_shared>>
    %dma_start3A_436 = tpu.memref_squeeze %dma_start3A_435 : memref<1x1x640xf32, #tpu.memory_space<vmem_shared>> -> memref<640xf32, #tpu.memory_space<vmem_shared>>
    %dma_start3A_437 = arith.constant 0 : i32
    %dma_start3A_438 = tpu.memref_slice %arg11[%dma_start3A_430, %dma_start3A_431, %dma_start3A_437] : memref<16x2x640xf32, #tpu.memory_space<vmem>> -> memref<1x1x640xf32, #tpu.memory_space<vmem>>
    %dma_start3A_439 = tpu.memref_squeeze %dma_start3A_438 : memref<1x1x640xf32, #tpu.memory_space<vmem>> -> memref<640xf32, #tpu.memory_space<vmem>>
    %dma_start3A_440 = tpu.memref_slice %arg10[%dma_start3A_428, %dma_start3A_429, %mul3A_427] : memref<16x2x10240xf32, #tpu.memory_space<vmem_shared>> -> memref<1x1x640xf32, #tpu.memory_space<vmem_shared>>
    %dma_start3A_441 = tpu.memref_squeeze %dma_start3A_440 : memref<1x1x640xf32, #tpu.memory_space<vmem_shared>> -> memref<640xf32, #tpu.memory_space<vmem_shared>>
    tpu.enqueue_dma source(%dma_start3A_441 : memref<640xf32, #tpu.memory_space<vmem_shared>>) target(%dma_start3A_439 : memref<640xf32, #tpu.memory_space<vmem>>) target_semaphore(%arg13 : memref<!tpu.dma_semaphore, #tpu.memory_space<semaphore_mem>>)
    %mul3A_442 = arith.constant 640 : i32
    %mul3A_443 = arith.muli %arg1, %mul3A_442 : i32
    %dma_start3A_444 = arith.constant 7 : i32
    %dma_start3A_445 = arith.constant 0 : i32
    %dma_start3A_446 = arith.constant 7 : i32
    %dma_start3A_447 = arith.constant 0 : i32
    %dma_start3A_448 = arith.constant 0 : i32
    %dma_start3A_449 = tpu.memref_slice %arg11[%dma_start3A_446, %dma_start3A_447, %dma_start3A_448] : memref<16x2x640xf32, #tpu.memory_space<vmem>> -> memref<1x1x640xf32, #tpu.memory_space<vmem>>
    %dma_start3A_450 = tpu.memref_squeeze %dma_start3A_449 : memref<1x1x640xf32, #tpu.memory_space<vmem>> -> memref<640xf32, #tpu.memory_space<vmem>>
    %dma_start3A_451 = tpu.memref_slice %arg10[%dma_start3A_444, %dma_start3A_445, %mul3A_443] : memref<16x2x10240xf32, #tpu.memory_space<vmem_shared>> -> memref<1x1x640xf32, #tpu.memory_space<vmem_shared>>
    %dma_start3A_452 = tpu.memref_squeeze %dma_start3A_451 : memref<1x1x640xf32, #tpu.memory_space<vmem_shared>> -> memref<640xf32, #tpu.memory_space<vmem_shared>>
    %dma_start3A_453 = arith.constant 0 : i32
    %dma_start3A_454 = tpu.memref_slice %arg11[%dma_start3A_446, %dma_start3A_447, %dma_start3A_453] : memref<16x2x640xf32, #tpu.memory_space<vmem>> -> memref<1x1x640xf32, #tpu.memory_space<vmem>>
    %dma_start3A_455 = tpu.memref_squeeze %dma_start3A_454 : memref<1x1x640xf32, #tpu.memory_space<vmem>> -> memref<640xf32, #tpu.memory_space<vmem>>
    %dma_start3A_456 = tpu.memref_slice %arg10[%dma_start3A_444, %dma_start3A_445, %mul3A_443] : memref<16x2x10240xf32, #tpu.memory_space<vmem_shared>> -> memref<1x1x640xf32, #tpu.memory_space<vmem_shared>>
    %dma_start3A_457 = tpu.memref_squeeze %dma_start3A_456 : memref<1x1x640xf32, #tpu.memory_space<vmem_shared>> -> memref<640xf32, #tpu.memory_space<vmem_shared>>
    tpu.enqueue_dma source(%dma_start3A_457 : memref<640xf32, #tpu.memory_space<vmem_shared>>) target(%dma_start3A_455 : memref<640xf32, #tpu.memory_space<vmem>>) target_semaphore(%arg13 : memref<!tpu.dma_semaphore, #tpu.memory_space<semaphore_mem>>)
    %mul3A_458 = arith.constant 640 : i32
    %mul3A_459 = arith.muli %arg1, %mul3A_458 : i32
    %dma_start3A_460 = arith.constant 7 : i32
    %dma_start3A_461 = arith.constant 1 : i32
    %dma_start3A_462 = arith.constant 7 : i32
    %dma_start3A_463 = arith.constant 1 : i32
    %dma_start3A_464 = arith.constant 0 : i32
    %dma_start3A_465 = tpu.memref_slice %arg11[%dma_start3A_462, %dma_start3A_463, %dma_start3A_464] : memref<16x2x640xf32, #tpu.memory_space<vmem>> -> memref<1x1x640xf32, #tpu.memory_space<vmem>>
    %dma_start3A_466 = tpu.memref_squeeze %dma_start3A_465 : memref<1x1x640xf32, #tpu.memory_space<vmem>> -> memref<640xf32, #tpu.memory_space<vmem>>
    %dma_start3A_467 = tpu.memref_slice %arg10[%dma_start3A_460, %dma_start3A_461, %mul3A_459] : memref<16x2x10240xf32, #tpu.memory_space<vmem_shared>> -> memref<1x1x640xf32, #tpu.memory_space<vmem_shared>>
    %dma_start3A_468 = tpu.memref_squeeze %dma_start3A_467 : memref<1x1x640xf32, #tpu.memory_space<vmem_shared>> -> memref<640xf32, #tpu.memory_space<vmem_shared>>
    %dma_start3A_469 = arith.constant 0 : i32
    %dma_start3A_470 = tpu.memref_slice %arg11[%dma_start3A_462, %dma_start3A_463, %dma_start3A_469] : memref<16x2x640xf32, #tpu.memory_space<vmem>> -> memref<1x1x640xf32, #tpu.memory_space<vmem>>
    %dma_start3A_471 = tpu.memref_squeeze %dma_start3A_470 : memref<1x1x640xf32, #tpu.memory_space<vmem>> -> memref<640xf32, #tpu.memory_space<vmem>>
    %dma_start3A_472 = tpu.memref_slice %arg10[%dma_start3A_460, %dma_start3A_461, %mul3A_459] : memref<16x2x10240xf32, #tpu.memory_space<vmem_shared>> -> memref<1x1x640xf32, #tpu.memory_space<vmem_shared>>
    %dma_start3A_473 = tpu.memref_squeeze %dma_start3A_472 : memref<1x1x640xf32, #tpu.memory_space<vmem_shared>> -> memref<640xf32, #tpu.memory_space<vmem_shared>>
    tpu.enqueue_dma source(%dma_start3A_473 : memref<640xf32, #tpu.memory_space<vmem_shared>>) target(%dma_start3A_471 : memref<640xf32, #tpu.memory_space<vmem>>) target_semaphore(%arg13 : memref<!tpu.dma_semaphore, #tpu.memory_space<semaphore_mem>>)
    %mul3A_474 = arith.constant 640 : i32
    %mul3A_475 = arith.muli %arg1, %mul3A_474 : i32
    %dma_start3A_476 = arith.constant 8 : i32
    %dma_start3A_477 = arith.constant 0 : i32
    %dma_start3A_478 = arith.constant 8 : i32
    %dma_start3A_479 = arith.constant 0 : i32
    %dma_start3A_480 = arith.constant 0 : i32
    %dma_start3A_481 = tpu.memref_slice %arg11[%dma_start3A_478, %dma_start3A_479, %dma_start3A_480] : memref<16x2x640xf32, #tpu.memory_space<vmem>> -> memref<1x1x640xf32, #tpu.memory_space<vmem>>
    %dma_start3A_482 = tpu.memref_squeeze %dma_start3A_481 : memref<1x1x640xf32, #tpu.memory_space<vmem>> -> memref<640xf32, #tpu.memory_space<vmem>>
    %dma_start3A_483 = tpu.memref_slice %arg10[%dma_start3A_476, %dma_start3A_477, %mul3A_475] : memref<16x2x10240xf32, #tpu.memory_space<vmem_shared>> -> memref<1x1x640xf32, #tpu.memory_space<vmem_shared>>
    %dma_start3A_484 = tpu.memref_squeeze %dma_start3A_483 : memref<1x1x640xf32, #tpu.memory_space<vmem_shared>> -> memref<640xf32, #tpu.memory_space<vmem_shared>>
    %dma_start3A_485 = arith.constant 0 : i32
    %dma_start3A_486 = tpu.memref_slice %arg11[%dma_start3A_478, %dma_start3A_479, %dma_start3A_485] : memref<16x2x640xf32, #tpu.memory_space<vmem>> -> memref<1x1x640xf32, #tpu.memory_space<vmem>>
    %dma_start3A_487 = tpu.memref_squeeze %dma_start3A_486 : memref<1x1x640xf32, #tpu.memory_space<vmem>> -> memref<640xf32, #tpu.memory_space<vmem>>
    %dma_start3A_488 = tpu.memref_slice %arg10[%dma_start3A_476, %dma_start3A_477, %mul3A_475] : memref<16x2x10240xf32, #tpu.memory_space<vmem_shared>> -> memref<1x1x640xf32, #tpu.memory_space<vmem_shared>>
    %dma_start3A_489 = tpu.memref_squeeze %dma_start3A_488 : memref<1x1x640xf32, #tpu.memory_space<vmem_shared>> -> memref<640xf32, #tpu.memory_space<vmem_shared>>
    tpu.enqueue_dma source(%dma_start3A_489 : memref<640xf32, #tpu.memory_space<vmem_shared>>) target(%dma_start3A_487 : memref<640xf32, #tpu.memory_space<vmem>>) target_semaphore(%arg13 : memref<!tpu.dma_semaphore, #tpu.memory_space<semaphore_mem>>)
    %mul3A_490 = arith.constant 640 : i32
    %mul3A_491 = arith.muli %arg1, %mul3A_490 : i32
    %dma_start3A_492 = arith.constant 8 : i32
    %dma_start3A_493 = arith.constant 1 : i32
    %dma_start3A_494 = arith.constant 8 : i32
    %dma_start3A_495 = arith.constant 1 : i32
    %dma_start3A_496 = arith.constant 0 : i32
    %dma_start3A_497 = tpu.memref_slice %arg11[%dma_start3A_494, %dma_start3A_495, %dma_start3A_496] : memref<16x2x640xf32, #tpu.memory_space<vmem>> -> memref<1x1x640xf32, #tpu.memory_space<vmem>>
    %dma_start3A_498 = tpu.memref_squeeze %dma_start3A_497 : memref<1x1x640xf32, #tpu.memory_space<vmem>> -> memref<640xf32, #tpu.memory_space<vmem>>
    %dma_start3A_499 = tpu.memref_slice %arg10[%dma_start3A_492, %dma_start3A_493, %mul3A_491] : memref<16x2x10240xf32, #tpu.memory_space<vmem_shared>> -> memref<1x1x640xf32, #tpu.memory_space<vmem_shared>>
    %dma_start3A_500 = tpu.memref_squeeze %dma_start3A_499 : memref<1x1x640xf32, #tpu.memory_space<vmem_shared>> -> memref<640xf32, #tpu.memory_space<vmem_shared>>
    %dma_start3A_501 = arith.constant 0 : i32
    %dma_start3A_502 = tpu.memref_slice %arg11[%dma_start3A_494, %dma_start3A_495, %dma_start3A_501] : memref<16x2x640xf32, #tpu.memory_space<vmem>> -> memref<1x1x640xf32, #tpu.memory_space<vmem>>
    %dma_start3A_503 = tpu.memref_squeeze %dma_start3A_502 : memref<1x1x640xf32, #tpu.memory_space<vmem>> -> memref<640xf32, #tpu.memory_space<vmem>>
    %dma_start3A_504 = tpu.memref_slice %arg10[%dma_start3A_492, %dma_start3A_493, %mul3A_491] : memref<16x2x10240xf32, #tpu.memory_space<vmem_shared>> -> memref<1x1x640xf32, #tpu.memory_space<vmem_shared>>
    %dma_start3A_505 = tpu.memref_squeeze %dma_start3A_504 : memref<1x1x640xf32, #tpu.memory_space<vmem_shared>> -> memref<640xf32, #tpu.memory_space<vmem_shared>>
    tpu.enqueue_dma source(%dma_start3A_505 : memref<640xf32, #tpu.memory_space<vmem_shared>>) target(%dma_start3A_503 : memref<640xf32, #tpu.memory_space<vmem>>) target_semaphore(%arg13 : memref<!tpu.dma_semaphore, #tpu.memory_space<semaphore_mem>>)
    %mul3A_506 = arith.constant 640 : i32
    %mul3A_507 = arith.muli %arg1, %mul3A_506 : i32
    %dma_start3A_508 = arith.constant 9 : i32
    %dma_start3A_509 = arith.constant 0 : i32
    %dma_start3A_510 = arith.constant 9 : i32
    %dma_start3A_511 = arith.constant 0 : i32
    %dma_start3A_512 = arith.constant 0 : i32
    %dma_start3A_513 = tpu.memref_slice %arg11[%dma_start3A_510, %dma_start3A_511, %dma_start3A_512] : memref<16x2x640xf32, #tpu.memory_space<vmem>> -> memref<1x1x640xf32, #tpu.memory_space<vmem>>
    %dma_start3A_514 = tpu.memref_squeeze %dma_start3A_513 : memref<1x1x640xf32, #tpu.memory_space<vmem>> -> memref<640xf32, #tpu.memory_space<vmem>>
    %dma_start3A_515 = tpu.memref_slice %arg10[%dma_start3A_508, %dma_start3A_509, %mul3A_507] : memref<16x2x10240xf32, #tpu.memory_space<vmem_shared>> -> memref<1x1x640xf32, #tpu.memory_space<vmem_shared>>
    %dma_start3A_516 = tpu.memref_squeeze %dma_start3A_515 : memref<1x1x640xf32, #tpu.memory_space<vmem_shared>> -> memref<640xf32, #tpu.memory_space<vmem_shared>>
    %dma_start3A_517 = arith.constant 0 : i32
    %dma_start3A_518 = tpu.memref_slice %arg11[%dma_start3A_510, %dma_start3A_511, %dma_start3A_517] : memref<16x2x640xf32, #tpu.memory_space<vmem>> -> memref<1x1x640xf32, #tpu.memory_space<vmem>>
    %dma_start3A_519 = tpu.memref_squeeze %dma_start3A_518 : memref<1x1x640xf32, #tpu.memory_space<vmem>> -> memref<640xf32, #tpu.memory_space<vmem>>
    %dma_start3A_520 = tpu.memref_slice %arg10[%dma_start3A_508, %dma_start3A_509, %mul3A_507] : memref<16x2x10240xf32, #tpu.memory_space<vmem_shared>> -> memref<1x1x640xf32, #tpu.memory_space<vmem_shared>>
    %dma_start3A_521 = tpu.memref_squeeze %dma_start3A_520 : memref<1x1x640xf32, #tpu.memory_space<vmem_shared>> -> memref<640xf32, #tpu.memory_space<vmem_shared>>
    tpu.enqueue_dma source(%dma_start3A_521 : memref<640xf32, #tpu.memory_space<vmem_shared>>) target(%dma_start3A_519 : memref<640xf32, #tpu.memory_space<vmem>>) target_semaphore(%arg13 : memref<!tpu.dma_semaphore, #tpu.memory_space<semaphore_mem>>)
    %mul3A_522 = arith.constant 640 : i32
    %mul3A_523 = arith.muli %arg1, %mul3A_522 : i32
    %dma_start3A_524 = arith.constant 9 : i32
    %dma_start3A_525 = arith.constant 1 : i32
    %dma_start3A_526 = arith.constant 9 : i32
    %dma_start3A_527 = arith.constant 1 : i32
    %dma_start3A_528 = arith.constant 0 : i32
    %dma_start3A_529 = tpu.memref_slice %arg11[%dma_start3A_526, %dma_start3A_527, %dma_start3A_528] : memref<16x2x640xf32, #tpu.memory_space<vmem>> -> memref<1x1x640xf32, #tpu.memory_space<vmem>>
    %dma_start3A_530 = tpu.memref_squeeze %dma_start3A_529 : memref<1x1x640xf32, #tpu.memory_space<vmem>> -> memref<640xf32, #tpu.memory_space<vmem>>
    %dma_start3A_531 = tpu.memref_slice %arg10[%dma_start3A_524, %dma_start3A_525, %mul3A_523] : memref<16x2x10240xf32, #tpu.memory_space<vmem_shared>> -> memref<1x1x640xf32, #tpu.memory_space<vmem_shared>>
    %dma_start3A_532 = tpu.memref_squeeze %dma_start3A_531 : memref<1x1x640xf32, #tpu.memory_space<vmem_shared>> -> memref<640xf32, #tpu.memory_space<vmem_shared>>
    %dma_start3A_533 = arith.constant 0 : i32
    %dma_start3A_534 = tpu.memref_slice %arg11[%dma_start3A_526, %dma_start3A_527, %dma_start3A_533] : memref<16x2x640xf32, #tpu.memory_space<vmem>> -> memref<1x1x640xf32, #tpu.memory_space<vmem>>
    %dma_start3A_535 = tpu.memref_squeeze %dma_start3A_534 : memref<1x1x640xf32, #tpu.memory_space<vmem>> -> memref<640xf32, #tpu.memory_space<vmem>>
    %dma_start3A_536 = tpu.memref_slice %arg10[%dma_start3A_524, %dma_start3A_525, %mul3A_523] : memref<16x2x10240xf32, #tpu.memory_space<vmem_shared>> -> memref<1x1x640xf32, #tpu.memory_space<vmem_shared>>
    %dma_start3A_537 = tpu.memref_squeeze %dma_start3A_536 : memref<1x1x640xf32, #tpu.memory_space<vmem_shared>> -> memref<640xf32, #tpu.memory_space<vmem_shared>>
    tpu.enqueue_dma source(%dma_start3A_537 : memref<640xf32, #tpu.memory_space<vmem_shared>>) target(%dma_start3A_535 : memref<640xf32, #tpu.memory_space<vmem>>) target_semaphore(%arg13 : memref<!tpu.dma_semaphore, #tpu.memory_space<semaphore_mem>>)
    %mul3A_538 = arith.constant 640 : i32
    %mul3A_539 = arith.muli %arg1, %mul3A_538 : i32
    %dma_start3A_540 = arith.constant 10 : i32
    %dma_start3A_541 = arith.constant 0 : i32
    %dma_start3A_542 = arith.constant 10 : i32
    %dma_start3A_543 = arith.constant 0 : i32
    %dma_start3A_544 = arith.constant 0 : i32
    %dma_start3A_545 = tpu.memref_slice %arg11[%dma_start3A_542, %dma_start3A_543, %dma_start3A_544] : memref<16x2x640xf32, #tpu.memory_space<vmem>> -> memref<1x1x640xf32, #tpu.memory_space<vmem>>
    %dma_start3A_546 = tpu.memref_squeeze %dma_start3A_545 : memref<1x1x640xf32, #tpu.memory_space<vmem>> -> memref<640xf32, #tpu.memory_space<vmem>>
    %dma_start3A_547 = tpu.memref_slice %arg10[%dma_start3A_540, %dma_start3A_541, %mul3A_539] : memref<16x2x10240xf32, #tpu.memory_space<vmem_shared>> -> memref<1x1x640xf32, #tpu.memory_space<vmem_shared>>
    %dma_start3A_548 = tpu.memref_squeeze %dma_start3A_547 : memref<1x1x640xf32, #tpu.memory_space<vmem_shared>> -> memref<640xf32, #tpu.memory_space<vmem_shared>>
    %dma_start3A_549 = arith.constant 0 : i32
    %dma_start3A_550 = tpu.memref_slice %arg11[%dma_start3A_542, %dma_start3A_543, %dma_start3A_549] : memref<16x2x640xf32, #tpu.memory_space<vmem>> -> memref<1x1x640xf32, #tpu.memory_space<vmem>>
    %dma_start3A_551 = tpu.memref_squeeze %dma_start3A_550 : memref<1x1x640xf32, #tpu.memory_space<vmem>> -> memref<640xf32, #tpu.memory_space<vmem>>
    %dma_start3A_552 = tpu.memref_slice %arg10[%dma_start3A_540, %dma_start3A_541, %mul3A_539] : memref<16x2x10240xf32, #tpu.memory_space<vmem_shared>> -> memref<1x1x640xf32, #tpu.memory_space<vmem_shared>>
    %dma_start3A_553 = tpu.memref_squeeze %dma_start3A_552 : memref<1x1x640xf32, #tpu.memory_space<vmem_shared>> -> memref<640xf32, #tpu.memory_space<vmem_shared>>
    tpu.enqueue_dma source(%dma_start3A_553 : memref<640xf32, #tpu.memory_space<vmem_shared>>) target(%dma_start3A_551 : memref<640xf32, #tpu.memory_space<vmem>>) target_semaphore(%arg13 : memref<!tpu.dma_semaphore, #tpu.memory_space<semaphore_mem>>)
    %mul3A_554 = arith.constant 640 : i32
    %mul3A_555 = arith.muli %arg1, %mul3A_554 : i32
    %dma_start3A_556 = arith.constant 10 : i32
    %dma_start3A_557 = arith.constant 1 : i32
    %dma_start3A_558 = arith.constant 10 : i32
    %dma_start3A_559 = arith.constant 1 : i32
    %dma_start3A_560 = arith.constant 0 : i32
    %dma_start3A_561 = tpu.memref_slice %arg11[%dma_start3A_558, %dma_start3A_559, %dma_start3A_560] : memref<16x2x640xf32, #tpu.memory_space<vmem>> -> memref<1x1x640xf32, #tpu.memory_space<vmem>>
    %dma_start3A_562 = tpu.memref_squeeze %dma_start3A_561 : memref<1x1x640xf32, #tpu.memory_space<vmem>> -> memref<640xf32, #tpu.memory_space<vmem>>
    %dma_start3A_563 = tpu.memref_slice %arg10[%dma_start3A_556, %dma_start3A_557, %mul3A_555] : memref<16x2x10240xf32, #tpu.memory_space<vmem_shared>> -> memref<1x1x640xf32, #tpu.memory_space<vmem_shared>>
    %dma_start3A_564 = tpu.memref_squeeze %dma_start3A_563 : memref<1x1x640xf32, #tpu.memory_space<vmem_shared>> -> memref<640xf32, #tpu.memory_space<vmem_shared>>
    %dma_start3A_565 = arith.constant 0 : i32
    %dma_start3A_566 = tpu.memref_slice %arg11[%dma_start3A_558, %dma_start3A_559, %dma_start3A_565] : memref<16x2x640xf32, #tpu.memory_space<vmem>> -> memref<1x1x640xf32, #tpu.memory_space<vmem>>
    %dma_start3A_567 = tpu.memref_squeeze %dma_start3A_566 : memref<1x1x640xf32, #tpu.memory_space<vmem>> -> memref<640xf32, #tpu.memory_space<vmem>>
    %dma_start3A_568 = tpu.memref_slice %arg10[%dma_start3A_556, %dma_start3A_557, %mul3A_555] : memref<16x2x10240xf32, #tpu.memory_space<vmem_shared>> -> memref<1x1x640xf32, #tpu.memory_space<vmem_shared>>
    %dma_start3A_569 = tpu.memref_squeeze %dma_start3A_568 : memref<1x1x640xf32, #tpu.memory_space<vmem_shared>> -> memref<640xf32, #tpu.memory_space<vmem_shared>>
    tpu.enqueue_dma source(%dma_start3A_569 : memref<640xf32, #tpu.memory_space<vmem_shared>>) target(%dma_start3A_567 : memref<640xf32, #tpu.memory_space<vmem>>) target_semaphore(%arg13 : memref<!tpu.dma_semaphore, #tpu.memory_space<semaphore_mem>>)
    %mul3A_570 = arith.constant 640 : i32
    %mul3A_571 = arith.muli %arg1, %mul3A_570 : i32
    %dma_start3A_572 = arith.constant 11 : i32
    %dma_start3A_573 = arith.constant 0 : i32
    %dma_start3A_574 = arith.constant 11 : i32
    %dma_start3A_575 = arith.constant 0 : i32
    %dma_start3A_576 = arith.constant 0 : i32
    %dma_start3A_577 = tpu.memref_slice %arg11[%dma_start3A_574, %dma_start3A_575, %dma_start3A_576] : memref<16x2x640xf32, #tpu.memory_space<vmem>> -> memref<1x1x640xf32, #tpu.memory_space<vmem>>
    %dma_start3A_578 = tpu.memref_squeeze %dma_start3A_577 : memref<1x1x640xf32, #tpu.memory_space<vmem>> -> memref<640xf32, #tpu.memory_space<vmem>>
    %dma_start3A_579 = tpu.memref_slice %arg10[%dma_start3A_572, %dma_start3A_573, %mul3A_571] : memref<16x2x10240xf32, #tpu.memory_space<vmem_shared>> -> memref<1x1x640xf32, #tpu.memory_space<vmem_shared>>
    %dma_start3A_580 = tpu.memref_squeeze %dma_start3A_579 : memref<1x1x640xf32, #tpu.memory_space<vmem_shared>> -> memref<640xf32, #tpu.memory_space<vmem_shared>>
    %dma_start3A_581 = arith.constant 0 : i32
    %dma_start3A_582 = tpu.memref_slice %arg11[%dma_start3A_574, %dma_start3A_575, %dma_start3A_581] : memref<16x2x640xf32, #tpu.memory_space<vmem>> -> memref<1x1x640xf32, #tpu.memory_space<vmem>>
    %dma_start3A_583 = tpu.memref_squeeze %dma_start3A_582 : memref<1x1x640xf32, #tpu.memory_space<vmem>> -> memref<640xf32, #tpu.memory_space<vmem>>
    %dma_start3A_584 = tpu.memref_slice %arg10[%dma_start3A_572, %dma_start3A_573, %mul3A_571] : memref<16x2x10240xf32, #tpu.memory_space<vmem_shared>> -> memref<1x1x640xf32, #tpu.memory_space<vmem_shared>>
    %dma_start3A_585 = tpu.memref_squeeze %dma_start3A_584 : memref<1x1x640xf32, #tpu.memory_space<vmem_shared>> -> memref<640xf32, #tpu.memory_space<vmem_shared>>
    tpu.enqueue_dma source(%dma_start3A_585 : memref<640xf32, #tpu.memory_space<vmem_shared>>) target(%dma_start3A_583 : memref<640xf32, #tpu.memory_space<vmem>>) target_semaphore(%arg13 : memref<!tpu.dma_semaphore, #tpu.memory_space<semaphore_mem>>)
    %mul3A_586 = arith.constant 640 : i32
    %mul3A_587 = arith.muli %arg1, %mul3A_586 : i32
    %dma_start3A_588 = arith.constant 11 : i32
    %dma_start3A_589 = arith.constant 1 : i32
    %dma_start3A_590 = arith.constant 11 : i32
    %dma_start3A_591 = arith.constant 1 : i32
    %dma_start3A_592 = arith.constant 0 : i32
    %dma_start3A_593 = tpu.memref_slice %arg11[%dma_start3A_590, %dma_start3A_591, %dma_start3A_592] : memref<16x2x640xf32, #tpu.memory_space<vmem>> -> memref<1x1x640xf32, #tpu.memory_space<vmem>>
    %dma_start3A_594 = tpu.memref_squeeze %dma_start3A_593 : memref<1x1x640xf32, #tpu.memory_space<vmem>> -> memref<640xf32, #tpu.memory_space<vmem>>
    %dma_start3A_595 = tpu.memref_slice %arg10[%dma_start3A_588, %dma_start3A_589, %mul3A_587] : memref<16x2x10240xf32, #tpu.memory_space<vmem_shared>> -> memref<1x1x640xf32, #tpu.memory_space<vmem_shared>>
    %dma_start3A_596 = tpu.memref_squeeze %dma_start3A_595 : memref<1x1x640xf32, #tpu.memory_space<vmem_shared>> -> memref<640xf32, #tpu.memory_space<vmem_shared>>
    %dma_start3A_597 = arith.constant 0 : i32
    %dma_start3A_598 = tpu.memref_slice %arg11[%dma_start3A_590, %dma_start3A_591, %dma_start3A_597] : memref<16x2x640xf32, #tpu.memory_space<vmem>> -> memref<1x1x640xf32, #tpu.memory_space<vmem>>
    %dma_start3A_599 = tpu.memref_squeeze %dma_start3A_598 : memref<1x1x640xf32, #tpu.memory_space<vmem>> -> memref<640xf32, #tpu.memory_space<vmem>>
    %dma_start3A_600 = tpu.memref_slice %arg10[%dma_start3A_588, %dma_start3A_589, %mul3A_587] : memref<16x2x10240xf32, #tpu.memory_space<vmem_shared>> -> memref<1x1x640xf32, #tpu.memory_space<vmem_shared>>
    %dma_start3A_601 = tpu.memref_squeeze %dma_start3A_600 : memref<1x1x640xf32, #tpu.memory_space<vmem_shared>> -> memref<640xf32, #tpu.memory_space<vmem_shared>>
    tpu.enqueue_dma source(%dma_start3A_601 : memref<640xf32, #tpu.memory_space<vmem_shared>>) target(%dma_start3A_599 : memref<640xf32, #tpu.memory_space<vmem>>) target_semaphore(%arg13 : memref<!tpu.dma_semaphore, #tpu.memory_space<semaphore_mem>>)
    %mul3A_602 = arith.constant 640 : i32
    %mul3A_603 = arith.muli %arg1, %mul3A_602 : i32
    %dma_start3A_604 = arith.constant 12 : i32
    %dma_start3A_605 = arith.constant 0 : i32
    %dma_start3A_606 = arith.constant 12 : i32
    %dma_start3A_607 = arith.constant 0 : i32
    %dma_start3A_608 = arith.constant 0 : i32
    %dma_start3A_609 = tpu.memref_slice %arg11[%dma_start3A_606, %dma_start3A_607, %dma_start3A_608] : memref<16x2x640xf32, #tpu.memory_space<vmem>> -> memref<1x1x640xf32, #tpu.memory_space<vmem>>
    %dma_start3A_610 = tpu.memref_squeeze %dma_start3A_609 : memref<1x1x640xf32, #tpu.memory_space<vmem>> -> memref<640xf32, #tpu.memory_space<vmem>>
    %dma_start3A_611 = tpu.memref_slice %arg10[%dma_start3A_604, %dma_start3A_605, %mul3A_603] : memref<16x2x10240xf32, #tpu.memory_space<vmem_shared>> -> memref<1x1x640xf32, #tpu.memory_space<vmem_shared>>
    %dma_start3A_612 = tpu.memref_squeeze %dma_start3A_611 : memref<1x1x640xf32, #tpu.memory_space<vmem_shared>> -> memref<640xf32, #tpu.memory_space<vmem_shared>>
    %dma_start3A_613 = arith.constant 0 : i32
    %dma_start3A_614 = tpu.memref_slice %arg11[%dma_start3A_606, %dma_start3A_607, %dma_start3A_613] : memref<16x2x640xf32, #tpu.memory_space<vmem>> -> memref<1x1x640xf32, #tpu.memory_space<vmem>>
    %dma_start3A_615 = tpu.memref_squeeze %dma_start3A_614 : memref<1x1x640xf32, #tpu.memory_space<vmem>> -> memref<640xf32, #tpu.memory_space<vmem>>
    %dma_start3A_616 = tpu.memref_slice %arg10[%dma_start3A_604, %dma_start3A_605, %mul3A_603] : memref<16x2x10240xf32, #tpu.memory_space<vmem_shared>> -> memref<1x1x640xf32, #tpu.memory_space<vmem_shared>>
    %dma_start3A_617 = tpu.memref_squeeze %dma_start3A_616 : memref<1x1x640xf32, #tpu.memory_space<vmem_shared>> -> memref<640xf32, #tpu.memory_space<vmem_shared>>
    tpu.enqueue_dma source(%dma_start3A_617 : memref<640xf32, #tpu.memory_space<vmem_shared>>) target(%dma_start3A_615 : memref<640xf32, #tpu.memory_space<vmem>>) target_semaphore(%arg13 : memref<!tpu.dma_semaphore, #tpu.memory_space<semaphore_mem>>)
    %mul3A_618 = arith.constant 640 : i32
    %mul3A_619 = arith.muli %arg1, %mul3A_618 : i32
    %dma_start3A_620 = arith.constant 12 : i32
    %dma_start3A_621 = arith.constant 1 : i32
    %dma_start3A_622 = arith.constant 12 : i32
    %dma_start3A_623 = arith.constant 1 : i32
    %dma_start3A_624 = arith.constant 0 : i32
    %dma_start3A_625 = tpu.memref_slice %arg11[%dma_start3A_622, %dma_start3A_623, %dma_start3A_624] : memref<16x2x640xf32, #tpu.memory_space<vmem>> -> memref<1x1x640xf32, #tpu.memory_space<vmem>>
    %dma_start3A_626 = tpu.memref_squeeze %dma_start3A_625 : memref<1x1x640xf32, #tpu.memory_space<vmem>> -> memref<640xf32, #tpu.memory_space<vmem>>
    %dma_start3A_627 = tpu.memref_slice %arg10[%dma_start3A_620, %dma_start3A_621, %mul3A_619] : memref<16x2x10240xf32, #tpu.memory_space<vmem_shared>> -> memref<1x1x640xf32, #tpu.memory_space<vmem_shared>>
    %dma_start3A_628 = tpu.memref_squeeze %dma_start3A_627 : memref<1x1x640xf32, #tpu.memory_space<vmem_shared>> -> memref<640xf32, #tpu.memory_space<vmem_shared>>
    %dma_start3A_629 = arith.constant 0 : i32
    %dma_start3A_630 = tpu.memref_slice %arg11[%dma_start3A_622, %dma_start3A_623, %dma_start3A_629] : memref<16x2x640xf32, #tpu.memory_space<vmem>> -> memref<1x1x640xf32, #tpu.memory_space<vmem>>
    %dma_start3A_631 = tpu.memref_squeeze %dma_start3A_630 : memref<1x1x640xf32, #tpu.memory_space<vmem>> -> memref<640xf32, #tpu.memory_space<vmem>>
    %dma_start3A_632 = tpu.memref_slice %arg10[%dma_start3A_620, %dma_start3A_621, %mul3A_619] : memref<16x2x10240xf32, #tpu.memory_space<vmem_shared>> -> memref<1x1x640xf32, #tpu.memory_space<vmem_shared>>
    %dma_start3A_633 = tpu.memref_squeeze %dma_start3A_632 : memref<1x1x640xf32, #tpu.memory_space<vmem_shared>> -> memref<640xf32, #tpu.memory_space<vmem_shared>>
    tpu.enqueue_dma source(%dma_start3A_633 : memref<640xf32, #tpu.memory_space<vmem_shared>>) target(%dma_start3A_631 : memref<640xf32, #tpu.memory_space<vmem>>) target_semaphore(%arg13 : memref<!tpu.dma_semaphore, #tpu.memory_space<semaphore_mem>>)
    %mul3A_634 = arith.constant 640 : i32
    %mul3A_635 = arith.muli %arg1, %mul3A_634 : i32
    %dma_start3A_636 = arith.constant 13 : i32
    %dma_start3A_637 = arith.constant 0 : i32
    %dma_start3A_638 = arith.constant 13 : i32
    %dma_start3A_639 = arith.constant 0 : i32
    %dma_start3A_640 = arith.constant 0 : i32
    %dma_start3A_641 = tpu.memref_slice %arg11[%dma_start3A_638, %dma_start3A_639, %dma_start3A_640] : memref<16x2x640xf32, #tpu.memory_space<vmem>> -> memref<1x1x640xf32, #tpu.memory_space<vmem>>
    %dma_start3A_642 = tpu.memref_squeeze %dma_start3A_641 : memref<1x1x640xf32, #tpu.memory_space<vmem>> -> memref<640xf32, #tpu.memory_space<vmem>>
    %dma_start3A_643 = tpu.memref_slice %arg10[%dma_start3A_636, %dma_start3A_637, %mul3A_635] : memref<16x2x10240xf32, #tpu.memory_space<vmem_shared>> -> memref<1x1x640xf32, #tpu.memory_space<vmem_shared>>
    %dma_start3A_644 = tpu.memref_squeeze %dma_start3A_643 : memref<1x1x640xf32, #tpu.memory_space<vmem_shared>> -> memref<640xf32, #tpu.memory_space<vmem_shared>>
    %dma_start3A_645 = arith.constant 0 : i32
    %dma_start3A_646 = tpu.memref_slice %arg11[%dma_start3A_638, %dma_start3A_639, %dma_start3A_645] : memref<16x2x640xf32, #tpu.memory_space<vmem>> -> memref<1x1x640xf32, #tpu.memory_space<vmem>>
    %dma_start3A_647 = tpu.memref_squeeze %dma_start3A_646 : memref<1x1x640xf32, #tpu.memory_space<vmem>> -> memref<640xf32, #tpu.memory_space<vmem>>
    %dma_start3A_648 = tpu.memref_slice %arg10[%dma_start3A_636, %dma_start3A_637, %mul3A_635] : memref<16x2x10240xf32, #tpu.memory_space<vmem_shared>> -> memref<1x1x640xf32, #tpu.memory_space<vmem_shared>>
    %dma_start3A_649 = tpu.memref_squeeze %dma_start3A_648 : memref<1x1x640xf32, #tpu.memory_space<vmem_shared>> -> memref<640xf32, #tpu.memory_space<vmem_shared>>
    tpu.enqueue_dma source(%dma_start3A_649 : memref<640xf32, #tpu.memory_space<vmem_shared>>) target(%dma_start3A_647 : memref<640xf32, #tpu.memory_space<vmem>>) target_semaphore(%arg13 : memref<!tpu.dma_semaphore, #tpu.memory_space<semaphore_mem>>)
    %mul3A_650 = arith.constant 640 : i32
    %mul3A_651 = arith.muli %arg1, %mul3A_650 : i32
    %dma_start3A_652 = arith.constant 13 : i32
    %dma_start3A_653 = arith.constant 1 : i32
    %dma_start3A_654 = arith.constant 13 : i32
    %dma_start3A_655 = arith.constant 1 : i32
    %dma_start3A_656 = arith.constant 0 : i32
    %dma_start3A_657 = tpu.memref_slice %arg11[%dma_start3A_654, %dma_start3A_655, %dma_start3A_656] : memref<16x2x640xf32, #tpu.memory_space<vmem>> -> memref<1x1x640xf32, #tpu.memory_space<vmem>>
    %dma_start3A_658 = tpu.memref_squeeze %dma_start3A_657 : memref<1x1x640xf32, #tpu.memory_space<vmem>> -> memref<640xf32, #tpu.memory_space<vmem>>
    %dma_start3A_659 = tpu.memref_slice %arg10[%dma_start3A_652, %dma_start3A_653, %mul3A_651] : memref<16x2x10240xf32, #tpu.memory_space<vmem_shared>> -> memref<1x1x640xf32, #tpu.memory_space<vmem_shared>>
    %dma_start3A_660 = tpu.memref_squeeze %dma_start3A_659 : memref<1x1x640xf32, #tpu.memory_space<vmem_shared>> -> memref<640xf32, #tpu.memory_space<vmem_shared>>
    %dma_start3A_661 = arith.constant 0 : i32
    %dma_start3A_662 = tpu.memref_slice %arg11[%dma_start3A_654, %dma_start3A_655, %dma_start3A_661] : memref<16x2x640xf32, #tpu.memory_space<vmem>> -> memref<1x1x640xf32, #tpu.memory_space<vmem>>
    %dma_start3A_663 = tpu.memref_squeeze %dma_start3A_662 : memref<1x1x640xf32, #tpu.memory_space<vmem>> -> memref<640xf32, #tpu.memory_space<vmem>>
    %dma_start3A_664 = tpu.memref_slice %arg10[%dma_start3A_652, %dma_start3A_653, %mul3A_651] : memref<16x2x10240xf32, #tpu.memory_space<vmem_shared>> -> memref<1x1x640xf32, #tpu.memory_space<vmem_shared>>
    %dma_start3A_665 = tpu.memref_squeeze %dma_start3A_664 : memref<1x1x640xf32, #tpu.memory_space<vmem_shared>> -> memref<640xf32, #tpu.memory_space<vmem_shared>>
    tpu.enqueue_dma source(%dma_start3A_665 : memref<640xf32, #tpu.memory_space<vmem_shared>>) target(%dma_start3A_663 : memref<640xf32, #tpu.memory_space<vmem>>) target_semaphore(%arg13 : memref<!tpu.dma_semaphore, #tpu.memory_space<semaphore_mem>>)
    %mul3A_666 = arith.constant 640 : i32
    %mul3A_667 = arith.muli %arg1, %mul3A_666 : i32
    %dma_start3A_668 = arith.constant 14 : i32
    %dma_start3A_669 = arith.constant 0 : i32
    %dma_start3A_670 = arith.constant 14 : i32
    %dma_start3A_671 = arith.constant 0 : i32
    %dma_start3A_672 = arith.constant 0 : i32
    %dma_start3A_673 = tpu.memref_slice %arg11[%dma_start3A_670, %dma_start3A_671, %dma_start3A_672] : memref<16x2x640xf32, #tpu.memory_space<vmem>> -> memref<1x1x640xf32, #tpu.memory_space<vmem>>
    %dma_start3A_674 = tpu.memref_squeeze %dma_start3A_673 : memref<1x1x640xf32, #tpu.memory_space<vmem>> -> memref<640xf32, #tpu.memory_space<vmem>>
    %dma_start3A_675 = tpu.memref_slice %arg10[%dma_start3A_668, %dma_start3A_669, %mul3A_667] : memref<16x2x10240xf32, #tpu.memory_space<vmem_shared>> -> memref<1x1x640xf32, #tpu.memory_space<vmem_shared>>
    %dma_start3A_676 = tpu.memref_squeeze %dma_start3A_675 : memref<1x1x640xf32, #tpu.memory_space<vmem_shared>> -> memref<640xf32, #tpu.memory_space<vmem_shared>>
    %dma_start3A_677 = arith.constant 0 : i32
    %dma_start3A_678 = tpu.memref_slice %arg11[%dma_start3A_670, %dma_start3A_671, %dma_start3A_677] : memref<16x2x640xf32, #tpu.memory_space<vmem>> -> memref<1x1x640xf32, #tpu.memory_space<vmem>>
    %dma_start3A_679 = tpu.memref_squeeze %dma_start3A_678 : memref<1x1x640xf32, #tpu.memory_space<vmem>> -> memref<640xf32, #tpu.memory_space<vmem>>
    %dma_start3A_680 = tpu.memref_slice %arg10[%dma_start3A_668, %dma_start3A_669, %mul3A_667] : memref<16x2x10240xf32, #tpu.memory_space<vmem_shared>> -> memref<1x1x640xf32, #tpu.memory_space<vmem_shared>>
    %dma_start3A_681 = tpu.memref_squeeze %dma_start3A_680 : memref<1x1x640xf32, #tpu.memory_space<vmem_shared>> -> memref<640xf32, #tpu.memory_space<vmem_shared>>
    tpu.enqueue_dma source(%dma_start3A_681 : memref<640xf32, #tpu.memory_space<vmem_shared>>) target(%dma_start3A_679 : memref<640xf32, #tpu.memory_space<vmem>>) target_semaphore(%arg13 : memref<!tpu.dma_semaphore, #tpu.memory_space<semaphore_mem>>)
    %mul3A_682 = arith.constant 640 : i32
    %mul3A_683 = arith.muli %arg1, %mul3A_682 : i32
    %dma_start3A_684 = arith.constant 14 : i32
    %dma_start3A_685 = arith.constant 1 : i32
    %dma_start3A_686 = arith.constant 14 : i32
    %dma_start3A_687 = arith.constant 1 : i32
    %dma_start3A_688 = arith.constant 0 : i32
    %dma_start3A_689 = tpu.memref_slice %arg11[%dma_start3A_686, %dma_start3A_687, %dma_start3A_688] : memref<16x2x640xf32, #tpu.memory_space<vmem>> -> memref<1x1x640xf32, #tpu.memory_space<vmem>>
    %dma_start3A_690 = tpu.memref_squeeze %dma_start3A_689 : memref<1x1x640xf32, #tpu.memory_space<vmem>> -> memref<640xf32, #tpu.memory_space<vmem>>
    %dma_start3A_691 = tpu.memref_slice %arg10[%dma_start3A_684, %dma_start3A_685, %mul3A_683] : memref<16x2x10240xf32, #tpu.memory_space<vmem_shared>> -> memref<1x1x640xf32, #tpu.memory_space<vmem_shared>>
    %dma_start3A_692 = tpu.memref_squeeze %dma_start3A_691 : memref<1x1x640xf32, #tpu.memory_space<vmem_shared>> -> memref<640xf32, #tpu.memory_space<vmem_shared>>
    %dma_start3A_693 = arith.constant 0 : i32
    %dma_start3A_694 = tpu.memref_slice %arg11[%dma_start3A_686, %dma_start3A_687, %dma_start3A_693] : memref<16x2x640xf32, #tpu.memory_space<vmem>> -> memref<1x1x640xf32, #tpu.memory_space<vmem>>
    %dma_start3A_695 = tpu.memref_squeeze %dma_start3A_694 : memref<1x1x640xf32, #tpu.memory_space<vmem>> -> memref<640xf32, #tpu.memory_space<vmem>>
    %dma_start3A_696 = tpu.memref_slice %arg10[%dma_start3A_684, %dma_start3A_685, %mul3A_683] : memref<16x2x10240xf32, #tpu.memory_space<vmem_shared>> -> memref<1x1x640xf32, #tpu.memory_space<vmem_shared>>
    %dma_start3A_697 = tpu.memref_squeeze %dma_start3A_696 : memref<1x1x640xf32, #tpu.memory_space<vmem_shared>> -> memref<640xf32, #tpu.memory_space<vmem_shared>>
    tpu.enqueue_dma source(%dma_start3A_697 : memref<640xf32, #tpu.memory_space<vmem_shared>>) target(%dma_start3A_695 : memref<640xf32, #tpu.memory_space<vmem>>) target_semaphore(%arg13 : memref<!tpu.dma_semaphore, #tpu.memory_space<semaphore_mem>>)
    %mul3A_698 = arith.constant 640 : i32
    %mul3A_699 = arith.muli %arg1, %mul3A_698 : i32
    %dma_start3A_700 = arith.constant 15 : i32
    %dma_start3A_701 = arith.constant 0 : i32
    %dma_start3A_702 = arith.constant 15 : i32
    %dma_start3A_703 = arith.constant 0 : i32
    %dma_start3A_704 = arith.constant 0 : i32
    %dma_start3A_705 = tpu.memref_slice %arg11[%dma_start3A_702, %dma_start3A_703, %dma_start3A_704] : memref<16x2x640xf32, #tpu.memory_space<vmem>> -> memref<1x1x640xf32, #tpu.memory_space<vmem>>
    %dma_start3A_706 = tpu.memref_squeeze %dma_start3A_705 : memref<1x1x640xf32, #tpu.memory_space<vmem>> -> memref<640xf32, #tpu.memory_space<vmem>>
    %dma_start3A_707 = tpu.memref_slice %arg10[%dma_start3A_700, %dma_start3A_701, %mul3A_699] : memref<16x2x10240xf32, #tpu.memory_space<vmem_shared>> -> memref<1x1x640xf32, #tpu.memory_space<vmem_shared>>
    %dma_start3A_708 = tpu.memref_squeeze %dma_start3A_707 : memref<1x1x640xf32, #tpu.memory_space<vmem_shared>> -> memref<640xf32, #tpu.memory_space<vmem_shared>>
    %dma_start3A_709 = arith.constant 0 : i32
    %dma_start3A_710 = tpu.memref_slice %arg11[%dma_start3A_702, %dma_start3A_703, %dma_start3A_709] : memref<16x2x640xf32, #tpu.memory_space<vmem>> -> memref<1x1x640xf32, #tpu.memory_space<vmem>>
    %dma_start3A_711 = tpu.memref_squeeze %dma_start3A_710 : memref<1x1x640xf32, #tpu.memory_space<vmem>> -> memref<640xf32, #tpu.memory_space<vmem>>
    %dma_start3A_712 = tpu.memref_slice %arg10[%dma_start3A_700, %dma_start3A_701, %mul3A_699] : memref<16x2x10240xf32, #tpu.memory_space<vmem_shared>> -> memref<1x1x640xf32, #tpu.memory_space<vmem_shared>>
    %dma_start3A_713 = tpu.memref_squeeze %dma_start3A_712 : memref<1x1x640xf32, #tpu.memory_space<vmem_shared>> -> memref<640xf32, #tpu.memory_space<vmem_shared>>
    tpu.enqueue_dma source(%dma_start3A_713 : memref<640xf32, #tpu.memory_space<vmem_shared>>) target(%dma_start3A_711 : memref<640xf32, #tpu.memory_space<vmem>>) target_semaphore(%arg13 : memref<!tpu.dma_semaphore, #tpu.memory_space<semaphore_mem>>)
    %mul3A_714 = arith.constant 640 : i32
    %mul3A_715 = arith.muli %arg1, %mul3A_714 : i32
    %dma_start3A_716 = arith.constant 15 : i32
    %dma_start3A_717 = arith.constant 1 : i32
    %dma_start3A_718 = arith.constant 15 : i32
    %dma_start3A_719 = arith.constant 1 : i32
    %dma_start3A_720 = arith.constant 0 : i32
    %dma_start3A_721 = tpu.memref_slice %arg11[%dma_start3A_718, %dma_start3A_719, %dma_start3A_720] : memref<16x2x640xf32, #tpu.memory_space<vmem>> -> memref<1x1x640xf32, #tpu.memory_space<vmem>>
    %dma_start3A_722 = tpu.memref_squeeze %dma_start3A_721 : memref<1x1x640xf32, #tpu.memory_space<vmem>> -> memref<640xf32, #tpu.memory_space<vmem>>
    %dma_start3A_723 = tpu.memref_slice %arg10[%dma_start3A_716, %dma_start3A_717, %mul3A_715] : memref<16x2x10240xf32, #tpu.memory_space<vmem_shared>> -> memref<1x1x640xf32, #tpu.memory_space<vmem_shared>>
    %dma_start3A_724 = tpu.memref_squeeze %dma_start3A_723 : memref<1x1x640xf32, #tpu.memory_space<vmem_shared>> -> memref<640xf32, #tpu.memory_space<vmem_shared>>
    %dma_start3A_725 = arith.constant 0 : i32
    %dma_start3A_726 = tpu.memref_slice %arg11[%dma_start3A_718, %dma_start3A_719, %dma_start3A_725] : memref<16x2x640xf32, #tpu.memory_space<vmem>> -> memref<1x1x640xf32, #tpu.memory_space<vmem>>
    %dma_start3A_727 = tpu.memref_squeeze %dma_start3A_726 : memref<1x1x640xf32, #tpu.memory_space<vmem>> -> memref<640xf32, #tpu.memory_space<vmem>>
    %dma_start3A_728 = tpu.memref_slice %arg10[%dma_start3A_716, %dma_start3A_717, %mul3A_715] : memref<16x2x10240xf32, #tpu.memory_space<vmem_shared>> -> memref<1x1x640xf32, #tpu.memory_space<vmem_shared>>
    %dma_start3A_729 = tpu.memref_squeeze %dma_start3A_728 : memref<1x1x640xf32, #tpu.memory_space<vmem_shared>> -> memref<640xf32, #tpu.memory_space<vmem_shared>>
    tpu.enqueue_dma source(%dma_start3A_729 : memref<640xf32, #tpu.memory_space<vmem_shared>>) target(%dma_start3A_727 : memref<640xf32, #tpu.memory_space<vmem>>) target_semaphore(%arg13 : memref<!tpu.dma_semaphore, #tpu.memory_space<semaphore_mem>>)
    %dma_wait3A_730 = arith.constant 0 : i32
    %dma_wait3A_731 = arith.constant 0 : i32
    %dma_wait3A_732 = arith.constant 0 : i32
    %dma_wait3A_733 = arith.constant 0 : i32
    %dma_wait3A_734 = arith.constant 0 : i32
    %dma_wait3A_735 = tpu.memref_slice %arg11[%dma_wait3A_732, %dma_wait3A_733, %dma_wait3A_734] : memref<16x2x640xf32, #tpu.memory_space<vmem>> -> memref<1x1x640xf32, #tpu.memory_space<vmem>>
    %dma_wait3A_736 = tpu.memref_squeeze %dma_wait3A_735 : memref<1x1x640xf32, #tpu.memory_space<vmem>> -> memref<640xf32, #tpu.memory_space<vmem>>
    %dma_wait3A_737 = tpu.memref_slice %arg10[%dma_wait3A_730, %dma_wait3A_731, %mul3A_219] : memref<16x2x10240xf32, #tpu.memory_space<vmem_shared>> -> memref<1x1x640xf32, #tpu.memory_space<vmem_shared>>
    %dma_wait3A_738 = tpu.memref_squeeze %dma_wait3A_737 : memref<1x1x640xf32, #tpu.memory_space<vmem_shared>> -> memref<640xf32, #tpu.memory_space<vmem_shared>>
    %dma_wait3A_739 = arith.constant 0 : i32
    %dma_wait3A_740 = tpu.memref_slice %arg11[%dma_wait3A_732, %dma_wait3A_733, %dma_wait3A_739] : memref<16x2x640xf32, #tpu.memory_space<vmem>> -> memref<1x1x640xf32, #tpu.memory_space<vmem>>
    %dma_wait3A_741 = tpu.memref_squeeze %dma_wait3A_740 : memref<1x1x640xf32, #tpu.memory_space<vmem>> -> memref<640xf32, #tpu.memory_space<vmem>>
    %dma_wait3A_742 = tpu.memref_slice %arg10[%dma_wait3A_730, %dma_wait3A_731, %mul3A_219] : memref<16x2x10240xf32, #tpu.memory_space<vmem_shared>> -> memref<1x1x640xf32, #tpu.memory_space<vmem_shared>>
    %dma_wait3A_743 = tpu.memref_squeeze %dma_wait3A_742 : memref<1x1x640xf32, #tpu.memory_space<vmem_shared>> -> memref<640xf32, #tpu.memory_space<vmem_shared>>
    tpu.wait_dma2 semaphore(%arg13 : memref<!tpu.dma_semaphore, #tpu.memory_space<semaphore_mem>>) src(%dma_wait3A_743 : memref<640xf32, #tpu.memory_space<vmem_shared>>) dst(%dma_wait3A_741 : memref<640xf32, #tpu.memory_space<vmem>>)
    %dma_wait3A_744 = arith.constant 0 : i32
    %dma_wait3A_745 = arith.constant 1 : i32
    %dma_wait3A_746 = arith.constant 0 : i32
    %dma_wait3A_747 = arith.constant 1 : i32
    %dma_wait3A_748 = arith.constant 0 : i32
    %dma_wait3A_749 = tpu.memref_slice %arg11[%dma_wait3A_746, %dma_wait3A_747, %dma_wait3A_748] : memref<16x2x640xf32, #tpu.memory_space<vmem>> -> memref<1x1x640xf32, #tpu.memory_space<vmem>>
    %dma_wait3A_750 = tpu.memref_squeeze %dma_wait3A_749 : memref<1x1x640xf32, #tpu.memory_space<vmem>> -> memref<640xf32, #tpu.memory_space<vmem>>
    %dma_wait3A_751 = tpu.memref_slice %arg10[%dma_wait3A_744, %dma_wait3A_745, %mul3A_235] : memref<16x2x10240xf32, #tpu.memory_space<vmem_shared>> -> memref<1x1x640xf32, #tpu.memory_space<vmem_shared>>
    %dma_wait3A_752 = tpu.memref_squeeze %dma_wait3A_751 : memref<1x1x640xf32, #tpu.memory_space<vmem_shared>> -> memref<640xf32, #tpu.memory_space<vmem_shared>>
    %dma_wait3A_753 = arith.constant 0 : i32
    %dma_wait3A_754 = tpu.memref_slice %arg11[%dma_wait3A_746, %dma_wait3A_747, %dma_wait3A_753] : memref<16x2x640xf32, #tpu.memory_space<vmem>> -> memref<1x1x640xf32, #tpu.memory_space<vmem>>
    %dma_wait3A_755 = tpu.memref_squeeze %dma_wait3A_754 : memref<1x1x640xf32, #tpu.memory_space<vmem>> -> memref<640xf32, #tpu.memory_space<vmem>>
    %dma_wait3A_756 = tpu.memref_slice %arg10[%dma_wait3A_744, %dma_wait3A_745, %mul3A_235] : memref<16x2x10240xf32, #tpu.memory_space<vmem_shared>> -> memref<1x1x640xf32, #tpu.memory_space<vmem_shared>>
    %dma_wait3A_757 = tpu.memref_squeeze %dma_wait3A_756 : memref<1x1x640xf32, #tpu.memory_space<vmem_shared>> -> memref<640xf32, #tpu.memory_space<vmem_shared>>
    tpu.wait_dma2 semaphore(%arg13 : memref<!tpu.dma_semaphore, #tpu.memory_space<semaphore_mem>>) src(%dma_wait3A_757 : memref<640xf32, #tpu.memory_space<vmem_shared>>) dst(%dma_wait3A_755 : memref<640xf32, #tpu.memory_space<vmem>>)
    %dma_wait3A_758 = arith.constant 1 : i32
    %dma_wait3A_759 = arith.constant 0 : i32
    %dma_wait3A_760 = arith.constant 1 : i32
    %dma_wait3A_761 = arith.constant 0 : i32
    %dma_wait3A_762 = arith.constant 0 : i32
    %dma_wait3A_763 = tpu.memref_slice %arg11[%dma_wait3A_760, %dma_wait3A_761, %dma_wait3A_762] : memref<16x2x640xf32, #tpu.memory_space<vmem>> -> memref<1x1x640xf32, #tpu.memory_space<vmem>>
    %dma_wait3A_764 = tpu.memref_squeeze %dma_wait3A_763 : memref<1x1x640xf32, #tpu.memory_space<vmem>> -> memref<640xf32, #tpu.memory_space<vmem>>
    %dma_wait3A_765 = tpu.memref_slice %arg10[%dma_wait3A_758, %dma_wait3A_759, %mul3A_251] : memref<16x2x10240xf32, #tpu.memory_space<vmem_shared>> -> memref<1x1x640xf32, #tpu.memory_space<vmem_shared>>
    %dma_wait3A_766 = tpu.memref_squeeze %dma_wait3A_765 : memref<1x1x640xf32, #tpu.memory_space<vmem_shared>> -> memref<640xf32, #tpu.memory_space<vmem_shared>>
    %dma_wait3A_767 = arith.constant 0 : i32
    %dma_wait3A_768 = tpu.memref_slice %arg11[%dma_wait3A_760, %dma_wait3A_761, %dma_wait3A_767] : memref<16x2x640xf32, #tpu.memory_space<vmem>> -> memref<1x1x640xf32, #tpu.memory_space<vmem>>
    %dma_wait3A_769 = tpu.memref_squeeze %dma_wait3A_768 : memref<1x1x640xf32, #tpu.memory_space<vmem>> -> memref<640xf32, #tpu.memory_space<vmem>>
    %dma_wait3A_770 = tpu.memref_slice %arg10[%dma_wait3A_758, %dma_wait3A_759, %mul3A_251] : memref<16x2x10240xf32, #tpu.memory_space<vmem_shared>> -> memref<1x1x640xf32, #tpu.memory_space<vmem_shared>>
    %dma_wait3A_771 = tpu.memref_squeeze %dma_wait3A_770 : memref<1x1x640xf32, #tpu.memory_space<vmem_shared>> -> memref<640xf32, #tpu.memory_space<vmem_shared>>
    tpu.wait_dma2 semaphore(%arg13 : memref<!tpu.dma_semaphore, #tpu.memory_space<semaphore_mem>>) src(%dma_wait3A_771 : memref<640xf32, #tpu.memory_space<vmem_shared>>) dst(%dma_wait3A_769 : memref<640xf32, #tpu.memory_space<vmem>>)
    %dma_wait3A_772 = arith.constant 1 : i32
    %dma_wait3A_773 = arith.constant 1 : i32
    %dma_wait3A_774 = arith.constant 1 : i32
    %dma_wait3A_775 = arith.constant 1 : i32
    %dma_wait3A_776 = arith.constant 0 : i32
    %dma_wait3A_777 = tpu.memref_slice %arg11[%dma_wait3A_774, %dma_wait3A_775, %dma_wait3A_776] : memref<16x2x640xf32, #tpu.memory_space<vmem>> -> memref<1x1x640xf32, #tpu.memory_space<vmem>>
    %dma_wait3A_778 = tpu.memref_squeeze %dma_wait3A_777 : memref<1x1x640xf32, #tpu.memory_space<vmem>> -> memref<640xf32, #tpu.memory_space<vmem>>
    %dma_wait3A_779 = tpu.memref_slice %arg10[%dma_wait3A_772, %dma_wait3A_773, %mul3A_267] : memref<16x2x10240xf32, #tpu.memory_space<vmem_shared>> -> memref<1x1x640xf32, #tpu.memory_space<vmem_shared>>
    %dma_wait3A_780 = tpu.memref_squeeze %dma_wait3A_779 : memref<1x1x640xf32, #tpu.memory_space<vmem_shared>> -> memref<640xf32, #tpu.memory_space<vmem_shared>>
    %dma_wait3A_781 = arith.constant 0 : i32
    %dma_wait3A_782 = tpu.memref_slice %arg11[%dma_wait3A_774, %dma_wait3A_775, %dma_wait3A_781] : memref<16x2x640xf32, #tpu.memory_space<vmem>> -> memref<1x1x640xf32, #tpu.memory_space<vmem>>
    %dma_wait3A_783 = tpu.memref_squeeze %dma_wait3A_782 : memref<1x1x640xf32, #tpu.memory_space<vmem>> -> memref<640xf32, #tpu.memory_space<vmem>>
    %dma_wait3A_784 = tpu.memref_slice %arg10[%dma_wait3A_772, %dma_wait3A_773, %mul3A_267] : memref<16x2x10240xf32, #tpu.memory_space<vmem_shared>> -> memref<1x1x640xf32, #tpu.memory_space<vmem_shared>>
    %dma_wait3A_785 = tpu.memref_squeeze %dma_wait3A_784 : memref<1x1x640xf32, #tpu.memory_space<vmem_shared>> -> memref<640xf32, #tpu.memory_space<vmem_shared>>
    tpu.wait_dma2 semaphore(%arg13 : memref<!tpu.dma_semaphore, #tpu.memory_space<semaphore_mem>>) src(%dma_wait3A_785 : memref<640xf32, #tpu.memory_space<vmem_shared>>) dst(%dma_wait3A_783 : memref<640xf32, #tpu.memory_space<vmem>>)
    %dma_wait3A_786 = arith.constant 2 : i32
    %dma_wait3A_787 = arith.constant 0 : i32
    %dma_wait3A_788 = arith.constant 2 : i32
    %dma_wait3A_789 = arith.constant 0 : i32
    %dma_wait3A_790 = arith.constant 0 : i32
    %dma_wait3A_791 = tpu.memref_slice %arg11[%dma_wait3A_788, %dma_wait3A_789, %dma_wait3A_790] : memref<16x2x640xf32, #tpu.memory_space<vmem>> -> memref<1x1x640xf32, #tpu.memory_space<vmem>>
    %dma_wait3A_792 = tpu.memref_squeeze %dma_wait3A_791 : memref<1x1x640xf32, #tpu.memory_space<vmem>> -> memref<640xf32, #tpu.memory_space<vmem>>
    %dma_wait3A_793 = tpu.memref_slice %arg10[%dma_wait3A_786, %dma_wait3A_787, %mul3A_283] : memref<16x2x10240xf32, #tpu.memory_space<vmem_shared>> -> memref<1x1x640xf32, #tpu.memory_space<vmem_shared>>
    %dma_wait3A_794 = tpu.memref_squeeze %dma_wait3A_793 : memref<1x1x640xf32, #tpu.memory_space<vmem_shared>> -> memref<640xf32, #tpu.memory_space<vmem_shared>>
    %dma_wait3A_795 = arith.constant 0 : i32
    %dma_wait3A_796 = tpu.memref_slice %arg11[%dma_wait3A_788, %dma_wait3A_789, %dma_wait3A_795] : memref<16x2x640xf32, #tpu.memory_space<vmem>> -> memref<1x1x640xf32, #tpu.memory_space<vmem>>
    %dma_wait3A_797 = tpu.memref_squeeze %dma_wait3A_796 : memref<1x1x640xf32, #tpu.memory_space<vmem>> -> memref<640xf32, #tpu.memory_space<vmem>>
    %dma_wait3A_798 = tpu.memref_slice %arg10[%dma_wait3A_786, %dma_wait3A_787, %mul3A_283] : memref<16x2x10240xf32, #tpu.memory_space<vmem_shared>> -> memref<1x1x640xf32, #tpu.memory_space<vmem_shared>>
    %dma_wait3A_799 = tpu.memref_squeeze %dma_wait3A_798 : memref<1x1x640xf32, #tpu.memory_space<vmem_shared>> -> memref<640xf32, #tpu.memory_space<vmem_shared>>
    tpu.wait_dma2 semaphore(%arg13 : memref<!tpu.dma_semaphore, #tpu.memory_space<semaphore_mem>>) src(%dma_wait3A_799 : memref<640xf32, #tpu.memory_space<vmem_shared>>) dst(%dma_wait3A_797 : memref<640xf32, #tpu.memory_space<vmem>>)
    %dma_wait3A_800 = arith.constant 2 : i32
    %dma_wait3A_801 = arith.constant 1 : i32
    %dma_wait3A_802 = arith.constant 2 : i32
    %dma_wait3A_803 = arith.constant 1 : i32
    %dma_wait3A_804 = arith.constant 0 : i32
    %dma_wait3A_805 = tpu.memref_slice %arg11[%dma_wait3A_802, %dma_wait3A_803, %dma_wait3A_804] : memref<16x2x640xf32, #tpu.memory_space<vmem>> -> memref<1x1x640xf32, #tpu.memory_space<vmem>>
    %dma_wait3A_806 = tpu.memref_squeeze %dma_wait3A_805 : memref<1x1x640xf32, #tpu.memory_space<vmem>> -> memref<640xf32, #tpu.memory_space<vmem>>
    %dma_wait3A_807 = tpu.memref_slice %arg10[%dma_wait3A_800, %dma_wait3A_801, %mul3A_299] : memref<16x2x10240xf32, #tpu.memory_space<vmem_shared>> -> memref<1x1x640xf32, #tpu.memory_space<vmem_shared>>
    %dma_wait3A_808 = tpu.memref_squeeze %dma_wait3A_807 : memref<1x1x640xf32, #tpu.memory_space<vmem_shared>> -> memref<640xf32, #tpu.memory_space<vmem_shared>>
    %dma_wait3A_809 = arith.constant 0 : i32
    %dma_wait3A_810 = tpu.memref_slice %arg11[%dma_wait3A_802, %dma_wait3A_803, %dma_wait3A_809] : memref<16x2x640xf32, #tpu.memory_space<vmem>> -> memref<1x1x640xf32, #tpu.memory_space<vmem>>
    %dma_wait3A_811 = tpu.memref_squeeze %dma_wait3A_810 : memref<1x1x640xf32, #tpu.memory_space<vmem>> -> memref<640xf32, #tpu.memory_space<vmem>>
    %dma_wait3A_812 = tpu.memref_slice %arg10[%dma_wait3A_800, %dma_wait3A_801, %mul3A_299] : memref<16x2x10240xf32, #tpu.memory_space<vmem_shared>> -> memref<1x1x640xf32, #tpu.memory_space<vmem_shared>>
    %dma_wait3A_813 = tpu.memref_squeeze %dma_wait3A_812 : memref<1x1x640xf32, #tpu.memory_space<vmem_shared>> -> memref<640xf32, #tpu.memory_space<vmem_shared>>
    tpu.wait_dma2 semaphore(%arg13 : memref<!tpu.dma_semaphore, #tpu.memory_space<semaphore_mem>>) src(%dma_wait3A_813 : memref<640xf32, #tpu.memory_space<vmem_shared>>) dst(%dma_wait3A_811 : memref<640xf32, #tpu.memory_space<vmem>>)
    %dma_wait3A_814 = arith.constant 3 : i32
    %dma_wait3A_815 = arith.constant 0 : i32
    %dma_wait3A_816 = arith.constant 3 : i32
    %dma_wait3A_817 = arith.constant 0 : i32
    %dma_wait3A_818 = arith.constant 0 : i32
    %dma_wait3A_819 = tpu.memref_slice %arg11[%dma_wait3A_816, %dma_wait3A_817, %dma_wait3A_818] : memref<16x2x640xf32, #tpu.memory_space<vmem>> -> memref<1x1x640xf32, #tpu.memory_space<vmem>>
    %dma_wait3A_820 = tpu.memref_squeeze %dma_wait3A_819 : memref<1x1x640xf32, #tpu.memory_space<vmem>> -> memref<640xf32, #tpu.memory_space<vmem>>
    %dma_wait3A_821 = tpu.memref_slice %arg10[%dma_wait3A_814, %dma_wait3A_815, %mul3A_315] : memref<16x2x10240xf32, #tpu.memory_space<vmem_shared>> -> memref<1x1x640xf32, #tpu.memory_space<vmem_shared>>
    %dma_wait3A_822 = tpu.memref_squeeze %dma_wait3A_821 : memref<1x1x640xf32, #tpu.memory_space<vmem_shared>> -> memref<640xf32, #tpu.memory_space<vmem_shared>>
    %dma_wait3A_823 = arith.constant 0 : i32
    %dma_wait3A_824 = tpu.memref_slice %arg11[%dma_wait3A_816, %dma_wait3A_817, %dma_wait3A_823] : memref<16x2x640xf32, #tpu.memory_space<vmem>> -> memref<1x1x640xf32, #tpu.memory_space<vmem>>
    %dma_wait3A_825 = tpu.memref_squeeze %dma_wait3A_824 : memref<1x1x640xf32, #tpu.memory_space<vmem>> -> memref<640xf32, #tpu.memory_space<vmem>>
    %dma_wait3A_826 = tpu.memref_slice %arg10[%dma_wait3A_814, %dma_wait3A_815, %mul3A_315] : memref<16x2x10240xf32, #tpu.memory_space<vmem_shared>> -> memref<1x1x640xf32, #tpu.memory_space<vmem_shared>>
    %dma_wait3A_827 = tpu.memref_squeeze %dma_wait3A_826 : memref<1x1x640xf32, #tpu.memory_space<vmem_shared>> -> memref<640xf32, #tpu.memory_space<vmem_shared>>
    tpu.wait_dma2 semaphore(%arg13 : memref<!tpu.dma_semaphore, #tpu.memory_space<semaphore_mem>>) src(%dma_wait3A_827 : memref<640xf32, #tpu.memory_space<vmem_shared>>) dst(%dma_wait3A_825 : memref<640xf32, #tpu.memory_space<vmem>>)
    %dma_wait3A_828 = arith.constant 3 : i32
    %dma_wait3A_829 = arith.constant 1 : i32
    %dma_wait3A_830 = arith.constant 3 : i32
    %dma_wait3A_831 = arith.constant 1 : i32
    %dma_wait3A_832 = arith.constant 0 : i32
    %dma_wait3A_833 = tpu.memref_slice %arg11[%dma_wait3A_830, %dma_wait3A_831, %dma_wait3A_832] : memref<16x2x640xf32, #tpu.memory_space<vmem>> -> memref<1x1x640xf32, #tpu.memory_space<vmem>>
    %dma_wait3A_834 = tpu.memref_squeeze %dma_wait3A_833 : memref<1x1x640xf32, #tpu.memory_space<vmem>> -> memref<640xf32, #tpu.memory_space<vmem>>
    %dma_wait3A_835 = tpu.memref_slice %arg10[%dma_wait3A_828, %dma_wait3A_829, %mul3A_331] : memref<16x2x10240xf32, #tpu.memory_space<vmem_shared>> -> memref<1x1x640xf32, #tpu.memory_space<vmem_shared>>
    %dma_wait3A_836 = tpu.memref_squeeze %dma_wait3A_835 : memref<1x1x640xf32, #tpu.memory_space<vmem_shared>> -> memref<640xf32, #tpu.memory_space<vmem_shared>>
    %dma_wait3A_837 = arith.constant 0 : i32
    %dma_wait3A_838 = tpu.memref_slice %arg11[%dma_wait3A_830, %dma_wait3A_831, %dma_wait3A_837] : memref<16x2x640xf32, #tpu.memory_space<vmem>> -> memref<1x1x640xf32, #tpu.memory_space<vmem>>
    %dma_wait3A_839 = tpu.memref_squeeze %dma_wait3A_838 : memref<1x1x640xf32, #tpu.memory_space<vmem>> -> memref<640xf32, #tpu.memory_space<vmem>>
    %dma_wait3A_840 = tpu.memref_slice %arg10[%dma_wait3A_828, %dma_wait3A_829, %mul3A_331] : memref<16x2x10240xf32, #tpu.memory_space<vmem_shared>> -> memref<1x1x640xf32, #tpu.memory_space<vmem_shared>>
    %dma_wait3A_841 = tpu.memref_squeeze %dma_wait3A_840 : memref<1x1x640xf32, #tpu.memory_space<vmem_shared>> -> memref<640xf32, #tpu.memory_space<vmem_shared>>
    tpu.wait_dma2 semaphore(%arg13 : memref<!tpu.dma_semaphore, #tpu.memory_space<semaphore_mem>>) src(%dma_wait3A_841 : memref<640xf32, #tpu.memory_space<vmem_shared>>) dst(%dma_wait3A_839 : memref<640xf32, #tpu.memory_space<vmem>>)
    %dma_wait3A_842 = arith.constant 4 : i32
    %dma_wait3A_843 = arith.constant 0 : i32
    %dma_wait3A_844 = arith.constant 4 : i32
    %dma_wait3A_845 = arith.constant 0 : i32
    %dma_wait3A_846 = arith.constant 0 : i32
    %dma_wait3A_847 = tpu.memref_slice %arg11[%dma_wait3A_844, %dma_wait3A_845, %dma_wait3A_846] : memref<16x2x640xf32, #tpu.memory_space<vmem>> -> memref<1x1x640xf32, #tpu.memory_space<vmem>>
    %dma_wait3A_848 = tpu.memref_squeeze %dma_wait3A_847 : memref<1x1x640xf32, #tpu.memory_space<vmem>> -> memref<640xf32, #tpu.memory_space<vmem>>
    %dma_wait3A_849 = tpu.memref_slice %arg10[%dma_wait3A_842, %dma_wait3A_843, %mul3A_347] : memref<16x2x10240xf32, #tpu.memory_space<vmem_shared>> -> memref<1x1x640xf32, #tpu.memory_space<vmem_shared>>
    %dma_wait3A_850 = tpu.memref_squeeze %dma_wait3A_849 : memref<1x1x640xf32, #tpu.memory_space<vmem_shared>> -> memref<640xf32, #tpu.memory_space<vmem_shared>>
    %dma_wait3A_851 = arith.constant 0 : i32
    %dma_wait3A_852 = tpu.memref_slice %arg11[%dma_wait3A_844, %dma_wait3A_845, %dma_wait3A_851] : memref<16x2x640xf32, #tpu.memory_space<vmem>> -> memref<1x1x640xf32, #tpu.memory_space<vmem>>
    %dma_wait3A_853 = tpu.memref_squeeze %dma_wait3A_852 : memref<1x1x640xf32, #tpu.memory_space<vmem>> -> memref<640xf32, #tpu.memory_space<vmem>>
    %dma_wait3A_854 = tpu.memref_slice %arg10[%dma_wait3A_842, %dma_wait3A_843, %mul3A_347] : memref<16x2x10240xf32, #tpu.memory_space<vmem_shared>> -> memref<1x1x640xf32, #tpu.memory_space<vmem_shared>>
    %dma_wait3A_855 = tpu.memref_squeeze %dma_wait3A_854 : memref<1x1x640xf32, #tpu.memory_space<vmem_shared>> -> memref<640xf32, #tpu.memory_space<vmem_shared>>
    tpu.wait_dma2 semaphore(%arg13 : memref<!tpu.dma_semaphore, #tpu.memory_space<semaphore_mem>>) src(%dma_wait3A_855 : memref<640xf32, #tpu.memory_space<vmem_shared>>) dst(%dma_wait3A_853 : memref<640xf32, #tpu.memory_space<vmem>>)
    %dma_wait3A_856 = arith.constant 4 : i32
    %dma_wait3A_857 = arith.constant 1 : i32
    %dma_wait3A_858 = arith.constant 4 : i32
    %dma_wait3A_859 = arith.constant 1 : i32
    %dma_wait3A_860 = arith.constant 0 : i32
    %dma_wait3A_861 = tpu.memref_slice %arg11[%dma_wait3A_858, %dma_wait3A_859, %dma_wait3A_860] : memref<16x2x640xf32, #tpu.memory_space<vmem>> -> memref<1x1x640xf32, #tpu.memory_space<vmem>>
    %dma_wait3A_862 = tpu.memref_squeeze %dma_wait3A_861 : memref<1x1x640xf32, #tpu.memory_space<vmem>> -> memref<640xf32, #tpu.memory_space<vmem>>
    %dma_wait3A_863 = tpu.memref_slice %arg10[%dma_wait3A_856, %dma_wait3A_857, %mul3A_363] : memref<16x2x10240xf32, #tpu.memory_space<vmem_shared>> -> memref<1x1x640xf32, #tpu.memory_space<vmem_shared>>
    %dma_wait3A_864 = tpu.memref_squeeze %dma_wait3A_863 : memref<1x1x640xf32, #tpu.memory_space<vmem_shared>> -> memref<640xf32, #tpu.memory_space<vmem_shared>>
    %dma_wait3A_865 = arith.constant 0 : i32
    %dma_wait3A_866 = tpu.memref_slice %arg11[%dma_wait3A_858, %dma_wait3A_859, %dma_wait3A_865] : memref<16x2x640xf32, #tpu.memory_space<vmem>> -> memref<1x1x640xf32, #tpu.memory_space<vmem>>
    %dma_wait3A_867 = tpu.memref_squeeze %dma_wait3A_866 : memref<1x1x640xf32, #tpu.memory_space<vmem>> -> memref<640xf32, #tpu.memory_space<vmem>>
    %dma_wait3A_868 = tpu.memref_slice %arg10[%dma_wait3A_856, %dma_wait3A_857, %mul3A_363] : memref<16x2x10240xf32, #tpu.memory_space<vmem_shared>> -> memref<1x1x640xf32, #tpu.memory_space<vmem_shared>>
    %dma_wait3A_869 = tpu.memref_squeeze %dma_wait3A_868 : memref<1x1x640xf32, #tpu.memory_space<vmem_shared>> -> memref<640xf32, #tpu.memory_space<vmem_shared>>
    tpu.wait_dma2 semaphore(%arg13 : memref<!tpu.dma_semaphore, #tpu.memory_space<semaphore_mem>>) src(%dma_wait3A_869 : memref<640xf32, #tpu.memory_space<vmem_shared>>) dst(%dma_wait3A_867 : memref<640xf32, #tpu.memory_space<vmem>>)
    %dma_wait3A_870 = arith.constant 5 : i32
    %dma_wait3A_871 = arith.constant 0 : i32
    %dma_wait3A_872 = arith.constant 5 : i32
    %dma_wait3A_873 = arith.constant 0 : i32
    %dma_wait3A_874 = arith.constant 0 : i32
    %dma_wait3A_875 = tpu.memref_slice %arg11[%dma_wait3A_872, %dma_wait3A_873, %dma_wait3A_874] : memref<16x2x640xf32, #tpu.memory_space<vmem>> -> memref<1x1x640xf32, #tpu.memory_space<vmem>>
    %dma_wait3A_876 = tpu.memref_squeeze %dma_wait3A_875 : memref<1x1x640xf32, #tpu.memory_space<vmem>> -> memref<640xf32, #tpu.memory_space<vmem>>
    %dma_wait3A_877 = tpu.memref_slice %arg10[%dma_wait3A_870, %dma_wait3A_871, %mul3A_379] : memref<16x2x10240xf32, #tpu.memory_space<vmem_shared>> -> memref<1x1x640xf32, #tpu.memory_space<vmem_shared>>
    %dma_wait3A_878 = tpu.memref_squeeze %dma_wait3A_877 : memref<1x1x640xf32, #tpu.memory_space<vmem_shared>> -> memref<640xf32, #tpu.memory_space<vmem_shared>>
    %dma_wait3A_879 = arith.constant 0 : i32
    %dma_wait3A_880 = tpu.memref_slice %arg11[%dma_wait3A_872, %dma_wait3A_873, %dma_wait3A_879] : memref<16x2x640xf32, #tpu.memory_space<vmem>> -> memref<1x1x640xf32, #tpu.memory_space<vmem>>
    %dma_wait3A_881 = tpu.memref_squeeze %dma_wait3A_880 : memref<1x1x640xf32, #tpu.memory_space<vmem>> -> memref<640xf32, #tpu.memory_space<vmem>>
    %dma_wait3A_882 = tpu.memref_slice %arg10[%dma_wait3A_870, %dma_wait3A_871, %mul3A_379] : memref<16x2x10240xf32, #tpu.memory_space<vmem_shared>> -> memref<1x1x640xf32, #tpu.memory_space<vmem_shared>>
    %dma_wait3A_883 = tpu.memref_squeeze %dma_wait3A_882 : memref<1x1x640xf32, #tpu.memory_space<vmem_shared>> -> memref<640xf32, #tpu.memory_space<vmem_shared>>
    tpu.wait_dma2 semaphore(%arg13 : memref<!tpu.dma_semaphore, #tpu.memory_space<semaphore_mem>>) src(%dma_wait3A_883 : memref<640xf32, #tpu.memory_space<vmem_shared>>) dst(%dma_wait3A_881 : memref<640xf32, #tpu.memory_space<vmem>>)
    %dma_wait3A_884 = arith.constant 5 : i32
    %dma_wait3A_885 = arith.constant 1 : i32
    %dma_wait3A_886 = arith.constant 5 : i32
    %dma_wait3A_887 = arith.constant 1 : i32
    %dma_wait3A_888 = arith.constant 0 : i32
    %dma_wait3A_889 = tpu.memref_slice %arg11[%dma_wait3A_886, %dma_wait3A_887, %dma_wait3A_888] : memref<16x2x640xf32, #tpu.memory_space<vmem>> -> memref<1x1x640xf32, #tpu.memory_space<vmem>>
    %dma_wait3A_890 = tpu.memref_squeeze %dma_wait3A_889 : memref<1x1x640xf32, #tpu.memory_space<vmem>> -> memref<640xf32, #tpu.memory_space<vmem>>
    %dma_wait3A_891 = tpu.memref_slice %arg10[%dma_wait3A_884, %dma_wait3A_885, %mul3A_395] : memref<16x2x10240xf32, #tpu.memory_space<vmem_shared>> -> memref<1x1x640xf32, #tpu.memory_space<vmem_shared>>
    %dma_wait3A_892 = tpu.memref_squeeze %dma_wait3A_891 : memref<1x1x640xf32, #tpu.memory_space<vmem_shared>> -> memref<640xf32, #tpu.memory_space<vmem_shared>>
    %dma_wait3A_893 = arith.constant 0 : i32
    %dma_wait3A_894 = tpu.memref_slice %arg11[%dma_wait3A_886, %dma_wait3A_887, %dma_wait3A_893] : memref<16x2x640xf32, #tpu.memory_space<vmem>> -> memref<1x1x640xf32, #tpu.memory_space<vmem>>
    %dma_wait3A_895 = tpu.memref_squeeze %dma_wait3A_894 : memref<1x1x640xf32, #tpu.memory_space<vmem>> -> memref<640xf32, #tpu.memory_space<vmem>>
    %dma_wait3A_896 = tpu.memref_slice %arg10[%dma_wait3A_884, %dma_wait3A_885, %mul3A_395] : memref<16x2x10240xf32, #tpu.memory_space<vmem_shared>> -> memref<1x1x640xf32, #tpu.memory_space<vmem_shared>>
    %dma_wait3A_897 = tpu.memref_squeeze %dma_wait3A_896 : memref<1x1x640xf32, #tpu.memory_space<vmem_shared>> -> memref<640xf32, #tpu.memory_space<vmem_shared>>
    tpu.wait_dma2 semaphore(%arg13 : memref<!tpu.dma_semaphore, #tpu.memory_space<semaphore_mem>>) src(%dma_wait3A_897 : memref<640xf32, #tpu.memory_space<vmem_shared>>) dst(%dma_wait3A_895 : memref<640xf32, #tpu.memory_space<vmem>>)
    %dma_wait3A_898 = arith.constant 6 : i32
    %dma_wait3A_899 = arith.constant 0 : i32
    %dma_wait3A_900 = arith.constant 6 : i32
    %dma_wait3A_901 = arith.constant 0 : i32
    %dma_wait3A_902 = arith.constant 0 : i32
    %dma_wait3A_903 = tpu.memref_slice %arg11[%dma_wait3A_900, %dma_wait3A_901, %dma_wait3A_902] : memref<16x2x640xf32, #tpu.memory_space<vmem>> -> memref<1x1x640xf32, #tpu.memory_space<vmem>>
    %dma_wait3A_904 = tpu.memref_squeeze %dma_wait3A_903 : memref<1x1x640xf32, #tpu.memory_space<vmem>> -> memref<640xf32, #tpu.memory_space<vmem>>
    %dma_wait3A_905 = tpu.memref_slice %arg10[%dma_wait3A_898, %dma_wait3A_899, %mul3A_411] : memref<16x2x10240xf32, #tpu.memory_space<vmem_shared>> -> memref<1x1x640xf32, #tpu.memory_space<vmem_shared>>
    %dma_wait3A_906 = tpu.memref_squeeze %dma_wait3A_905 : memref<1x1x640xf32, #tpu.memory_space<vmem_shared>> -> memref<640xf32, #tpu.memory_space<vmem_shared>>
    %dma_wait3A_907 = arith.constant 0 : i32
    %dma_wait3A_908 = tpu.memref_slice %arg11[%dma_wait3A_900, %dma_wait3A_901, %dma_wait3A_907] : memref<16x2x640xf32, #tpu.memory_space<vmem>> -> memref<1x1x640xf32, #tpu.memory_space<vmem>>
    %dma_wait3A_909 = tpu.memref_squeeze %dma_wait3A_908 : memref<1x1x640xf32, #tpu.memory_space<vmem>> -> memref<640xf32, #tpu.memory_space<vmem>>
    %dma_wait3A_910 = tpu.memref_slice %arg10[%dma_wait3A_898, %dma_wait3A_899, %mul3A_411] : memref<16x2x10240xf32, #tpu.memory_space<vmem_shared>> -> memref<1x1x640xf32, #tpu.memory_space<vmem_shared>>
    %dma_wait3A_911 = tpu.memref_squeeze %dma_wait3A_910 : memref<1x1x640xf32, #tpu.memory_space<vmem_shared>> -> memref<640xf32, #tpu.memory_space<vmem_shared>>
    tpu.wait_dma2 semaphore(%arg13 : memref<!tpu.dma_semaphore, #tpu.memory_space<semaphore_mem>>) src(%dma_wait3A_911 : memref<640xf32, #tpu.memory_space<vmem_shared>>) dst(%dma_wait3A_909 : memref<640xf32, #tpu.memory_space<vmem>>)
    %dma_wait3A_912 = arith.constant 6 : i32
    %dma_wait3A_913 = arith.constant 1 : i32
    %dma_wait3A_914 = arith.constant 6 : i32
    %dma_wait3A_915 = arith.constant 1 : i32
    %dma_wait3A_916 = arith.constant 0 : i32
    %dma_wait3A_917 = tpu.memref_slice %arg11[%dma_wait3A_914, %dma_wait3A_915, %dma_wait3A_916] : memref<16x2x640xf32, #tpu.memory_space<vmem>> -> memref<1x1x640xf32, #tpu.memory_space<vmem>>
    %dma_wait3A_918 = tpu.memref_squeeze %dma_wait3A_917 : memref<1x1x640xf32, #tpu.memory_space<vmem>> -> memref<640xf32, #tpu.memory_space<vmem>>
    %dma_wait3A_919 = tpu.memref_slice %arg10[%dma_wait3A_912, %dma_wait3A_913, %mul3A_427] : memref<16x2x10240xf32, #tpu.memory_space<vmem_shared>> -> memref<1x1x640xf32, #tpu.memory_space<vmem_shared>>
    %dma_wait3A_920 = tpu.memref_squeeze %dma_wait3A_919 : memref<1x1x640xf32, #tpu.memory_space<vmem_shared>> -> memref<640xf32, #tpu.memory_space<vmem_shared>>
    %dma_wait3A_921 = arith.constant 0 : i32
    %dma_wait3A_922 = tpu.memref_slice %arg11[%dma_wait3A_914, %dma_wait3A_915, %dma_wait3A_921] : memref<16x2x640xf32, #tpu.memory_space<vmem>> -> memref<1x1x640xf32, #tpu.memory_space<vmem>>
    %dma_wait3A_923 = tpu.memref_squeeze %dma_wait3A_922 : memref<1x1x640xf32, #tpu.memory_space<vmem>> -> memref<640xf32, #tpu.memory_space<vmem>>
    %dma_wait3A_924 = tpu.memref_slice %arg10[%dma_wait3A_912, %dma_wait3A_913, %mul3A_427] : memref<16x2x10240xf32, #tpu.memory_space<vmem_shared>> -> memref<1x1x640xf32, #tpu.memory_space<vmem_shared>>
    %dma_wait3A_925 = tpu.memref_squeeze %dma_wait3A_924 : memref<1x1x640xf32, #tpu.memory_space<vmem_shared>> -> memref<640xf32, #tpu.memory_space<vmem_shared>>
    tpu.wait_dma2 semaphore(%arg13 : memref<!tpu.dma_semaphore, #tpu.memory_space<semaphore_mem>>) src(%dma_wait3A_925 : memref<640xf32, #tpu.memory_space<vmem_shared>>) dst(%dma_wait3A_923 : memref<640xf32, #tpu.memory_space<vmem>>)
    %dma_wait3A_926 = arith.constant 7 : i32
    %dma_wait3A_927 = arith.constant 0 : i32
    %dma_wait3A_928 = arith.constant 7 : i32
    %dma_wait3A_929 = arith.constant 0 : i32
    %dma_wait3A_930 = arith.constant 0 : i32
    %dma_wait3A_931 = tpu.memref_slice %arg11[%dma_wait3A_928, %dma_wait3A_929, %dma_wait3A_930] : memref<16x2x640xf32, #tpu.memory_space<vmem>> -> memref<1x1x640xf32, #tpu.memory_space<vmem>>
    %dma_wait3A_932 = tpu.memref_squeeze %dma_wait3A_931 : memref<1x1x640xf32, #tpu.memory_space<vmem>> -> memref<640xf32, #tpu.memory_space<vmem>>
    %dma_wait3A_933 = tpu.memref_slice %arg10[%dma_wait3A_926, %dma_wait3A_927, %mul3A_443] : memref<16x2x10240xf32, #tpu.memory_space<vmem_shared>> -> memref<1x1x640xf32, #tpu.memory_space<vmem_shared>>
    %dma_wait3A_934 = tpu.memref_squeeze %dma_wait3A_933 : memref<1x1x640xf32, #tpu.memory_space<vmem_shared>> -> memref<640xf32, #tpu.memory_space<vmem_shared>>
    %dma_wait3A_935 = arith.constant 0 : i32
    %dma_wait3A_936 = tpu.memref_slice %arg11[%dma_wait3A_928, %dma_wait3A_929, %dma_wait3A_935] : memref<16x2x640xf32, #tpu.memory_space<vmem>> -> memref<1x1x640xf32, #tpu.memory_space<vmem>>
    %dma_wait3A_937 = tpu.memref_squeeze %dma_wait3A_936 : memref<1x1x640xf32, #tpu.memory_space<vmem>> -> memref<640xf32, #tpu.memory_space<vmem>>
    %dma_wait3A_938 = tpu.memref_slice %arg10[%dma_wait3A_926, %dma_wait3A_927, %mul3A_443] : memref<16x2x10240xf32, #tpu.memory_space<vmem_shared>> -> memref<1x1x640xf32, #tpu.memory_space<vmem_shared>>
    %dma_wait3A_939 = tpu.memref_squeeze %dma_wait3A_938 : memref<1x1x640xf32, #tpu.memory_space<vmem_shared>> -> memref<640xf32, #tpu.memory_space<vmem_shared>>
    tpu.wait_dma2 semaphore(%arg13 : memref<!tpu.dma_semaphore, #tpu.memory_space<semaphore_mem>>) src(%dma_wait3A_939 : memref<640xf32, #tpu.memory_space<vmem_shared>>) dst(%dma_wait3A_937 : memref<640xf32, #tpu.memory_space<vmem>>)
    %dma_wait3A_940 = arith.constant 7 : i32
    %dma_wait3A_941 = arith.constant 1 : i32
    %dma_wait3A_942 = arith.constant 7 : i32
    %dma_wait3A_943 = arith.constant 1 : i32
    %dma_wait3A_944 = arith.constant 0 : i32
    %dma_wait3A_945 = tpu.memref_slice %arg11[%dma_wait3A_942, %dma_wait3A_943, %dma_wait3A_944] : memref<16x2x640xf32, #tpu.memory_space<vmem>> -> memref<1x1x640xf32, #tpu.memory_space<vmem>>
    %dma_wait3A_946 = tpu.memref_squeeze %dma_wait3A_945 : memref<1x1x640xf32, #tpu.memory_space<vmem>> -> memref<640xf32, #tpu.memory_space<vmem>>
    %dma_wait3A_947 = tpu.memref_slice %arg10[%dma_wait3A_940, %dma_wait3A_941, %mul3A_459] : memref<16x2x10240xf32, #tpu.memory_space<vmem_shared>> -> memref<1x1x640xf32, #tpu.memory_space<vmem_shared>>
    %dma_wait3A_948 = tpu.memref_squeeze %dma_wait3A_947 : memref<1x1x640xf32, #tpu.memory_space<vmem_shared>> -> memref<640xf32, #tpu.memory_space<vmem_shared>>
    %dma_wait3A_949 = arith.constant 0 : i32
    %dma_wait3A_950 = tpu.memref_slice %arg11[%dma_wait3A_942, %dma_wait3A_943, %dma_wait3A_949] : memref<16x2x640xf32, #tpu.memory_space<vmem>> -> memref<1x1x640xf32, #tpu.memory_space<vmem>>
    %dma_wait3A_951 = tpu.memref_squeeze %dma_wait3A_950 : memref<1x1x640xf32, #tpu.memory_space<vmem>> -> memref<640xf32, #tpu.memory_space<vmem>>
    %dma_wait3A_952 = tpu.memref_slice %arg10[%dma_wait3A_940, %dma_wait3A_941, %mul3A_459] : memref<16x2x10240xf32, #tpu.memory_space<vmem_shared>> -> memref<1x1x640xf32, #tpu.memory_space<vmem_shared>>
    %dma_wait3A_953 = tpu.memref_squeeze %dma_wait3A_952 : memref<1x1x640xf32, #tpu.memory_space<vmem_shared>> -> memref<640xf32, #tpu.memory_space<vmem_shared>>
    tpu.wait_dma2 semaphore(%arg13 : memref<!tpu.dma_semaphore, #tpu.memory_space<semaphore_mem>>) src(%dma_wait3A_953 : memref<640xf32, #tpu.memory_space<vmem_shared>>) dst(%dma_wait3A_951 : memref<640xf32, #tpu.memory_space<vmem>>)
    %dma_wait3A_954 = arith.constant 8 : i32
    %dma_wait3A_955 = arith.constant 0 : i32
    %dma_wait3A_956 = arith.constant 8 : i32
    %dma_wait3A_957 = arith.constant 0 : i32
    %dma_wait3A_958 = arith.constant 0 : i32
    %dma_wait3A_959 = tpu.memref_slice %arg11[%dma_wait3A_956, %dma_wait3A_957, %dma_wait3A_958] : memref<16x2x640xf32, #tpu.memory_space<vmem>> -> memref<1x1x640xf32, #tpu.memory_space<vmem>>
    %dma_wait3A_960 = tpu.memref_squeeze %dma_wait3A_959 : memref<1x1x640xf32, #tpu.memory_space<vmem>> -> memref<640xf32, #tpu.memory_space<vmem>>
    %dma_wait3A_961 = tpu.memref_slice %arg10[%dma_wait3A_954, %dma_wait3A_955, %mul3A_475] : memref<16x2x10240xf32, #tpu.memory_space<vmem_shared>> -> memref<1x1x640xf32, #tpu.memory_space<vmem_shared>>
    %dma_wait3A_962 = tpu.memref_squeeze %dma_wait3A_961 : memref<1x1x640xf32, #tpu.memory_space<vmem_shared>> -> memref<640xf32, #tpu.memory_space<vmem_shared>>
    %dma_wait3A_963 = arith.constant 0 : i32
    %dma_wait3A_964 = tpu.memref_slice %arg11[%dma_wait3A_956, %dma_wait3A_957, %dma_wait3A_963] : memref<16x2x640xf32, #tpu.memory_space<vmem>> -> memref<1x1x640xf32, #tpu.memory_space<vmem>>
    %dma_wait3A_965 = tpu.memref_squeeze %dma_wait3A_964 : memref<1x1x640xf32, #tpu.memory_space<vmem>> -> memref<640xf32, #tpu.memory_space<vmem>>
    %dma_wait3A_966 = tpu.memref_slice %arg10[%dma_wait3A_954, %dma_wait3A_955, %mul3A_475] : memref<16x2x10240xf32, #tpu.memory_space<vmem_shared>> -> memref<1x1x640xf32, #tpu.memory_space<vmem_shared>>
    %dma_wait3A_967 = tpu.memref_squeeze %dma_wait3A_966 : memref<1x1x640xf32, #tpu.memory_space<vmem_shared>> -> memref<640xf32, #tpu.memory_space<vmem_shared>>
    tpu.wait_dma2 semaphore(%arg13 : memref<!tpu.dma_semaphore, #tpu.memory_space<semaphore_mem>>) src(%dma_wait3A_967 : memref<640xf32, #tpu.memory_space<vmem_shared>>) dst(%dma_wait3A_965 : memref<640xf32, #tpu.memory_space<vmem>>)
    %dma_wait3A_968 = arith.constant 8 : i32
    %dma_wait3A_969 = arith.constant 1 : i32
    %dma_wait3A_970 = arith.constant 8 : i32
    %dma_wait3A_971 = arith.constant 1 : i32
    %dma_wait3A_972 = arith.constant 0 : i32
    %dma_wait3A_973 = tpu.memref_slice %arg11[%dma_wait3A_970, %dma_wait3A_971, %dma_wait3A_972] : memref<16x2x640xf32, #tpu.memory_space<vmem>> -> memref<1x1x640xf32, #tpu.memory_space<vmem>>
    %dma_wait3A_974 = tpu.memref_squeeze %dma_wait3A_973 : memref<1x1x640xf32, #tpu.memory_space<vmem>> -> memref<640xf32, #tpu.memory_space<vmem>>
    %dma_wait3A_975 = tpu.memref_slice %arg10[%dma_wait3A_968, %dma_wait3A_969, %mul3A_491] : memref<16x2x10240xf32, #tpu.memory_space<vmem_shared>> -> memref<1x1x640xf32, #tpu.memory_space<vmem_shared>>
    %dma_wait3A_976 = tpu.memref_squeeze %dma_wait3A_975 : memref<1x1x640xf32, #tpu.memory_space<vmem_shared>> -> memref<640xf32, #tpu.memory_space<vmem_shared>>
    %dma_wait3A_977 = arith.constant 0 : i32
    %dma_wait3A_978 = tpu.memref_slice %arg11[%dma_wait3A_970, %dma_wait3A_971, %dma_wait3A_977] : memref<16x2x640xf32, #tpu.memory_space<vmem>> -> memref<1x1x640xf32, #tpu.memory_space<vmem>>
    %dma_wait3A_979 = tpu.memref_squeeze %dma_wait3A_978 : memref<1x1x640xf32, #tpu.memory_space<vmem>> -> memref<640xf32, #tpu.memory_space<vmem>>
    %dma_wait3A_980 = tpu.memref_slice %arg10[%dma_wait3A_968, %dma_wait3A_969, %mul3A_491] : memref<16x2x10240xf32, #tpu.memory_space<vmem_shared>> -> memref<1x1x640xf32, #tpu.memory_space<vmem_shared>>
    %dma_wait3A_981 = tpu.memref_squeeze %dma_wait3A_980 : memref<1x1x640xf32, #tpu.memory_space<vmem_shared>> -> memref<640xf32, #tpu.memory_space<vmem_shared>>
    tpu.wait_dma2 semaphore(%arg13 : memref<!tpu.dma_semaphore, #tpu.memory_space<semaphore_mem>>) src(%dma_wait3A_981 : memref<640xf32, #tpu.memory_space<vmem_shared>>) dst(%dma_wait3A_979 : memref<640xf32, #tpu.memory_space<vmem>>)
    %dma_wait3A_982 = arith.constant 9 : i32
    %dma_wait3A_983 = arith.constant 0 : i32
    %dma_wait3A_984 = arith.constant 9 : i32
    %dma_wait3A_985 = arith.constant 0 : i32
    %dma_wait3A_986 = arith.constant 0 : i32
    %dma_wait3A_987 = tpu.memref_slice %arg11[%dma_wait3A_984, %dma_wait3A_985, %dma_wait3A_986] : memref<16x2x640xf32, #tpu.memory_space<vmem>> -> memref<1x1x640xf32, #tpu.memory_space<vmem>>
    %dma_wait3A_988 = tpu.memref_squeeze %dma_wait3A_987 : memref<1x1x640xf32, #tpu.memory_space<vmem>> -> memref<640xf32, #tpu.memory_space<vmem>>
    %dma_wait3A_989 = tpu.memref_slice %arg10[%dma_wait3A_982, %dma_wait3A_983, %mul3A_507] : memref<16x2x10240xf32, #tpu.memory_space<vmem_shared>> -> memref<1x1x640xf32, #tpu.memory_space<vmem_shared>>
    %dma_wait3A_990 = tpu.memref_squeeze %dma_wait3A_989 : memref<1x1x640xf32, #tpu.memory_space<vmem_shared>> -> memref<640xf32, #tpu.memory_space<vmem_shared>>
    %dma_wait3A_991 = arith.constant 0 : i32
    %dma_wait3A_992 = tpu.memref_slice %arg11[%dma_wait3A_984, %dma_wait3A_985, %dma_wait3A_991] : memref<16x2x640xf32, #tpu.memory_space<vmem>> -> memref<1x1x640xf32, #tpu.memory_space<vmem>>
    %dma_wait3A_993 = tpu.memref_squeeze %dma_wait3A_992 : memref<1x1x640xf32, #tpu.memory_space<vmem>> -> memref<640xf32, #tpu.memory_space<vmem>>
    %dma_wait3A_994 = tpu.memref_slice %arg10[%dma_wait3A_982, %dma_wait3A_983, %mul3A_507] : memref<16x2x10240xf32, #tpu.memory_space<vmem_shared>> -> memref<1x1x640xf32, #tpu.memory_space<vmem_shared>>
    %dma_wait3A_995 = tpu.memref_squeeze %dma_wait3A_994 : memref<1x1x640xf32, #tpu.memory_space<vmem_shared>> -> memref<640xf32, #tpu.memory_space<vmem_shared>>
    tpu.wait_dma2 semaphore(%arg13 : memref<!tpu.dma_semaphore, #tpu.memory_space<semaphore_mem>>) src(%dma_wait3A_995 : memref<640xf32, #tpu.memory_space<vmem_shared>>) dst(%dma_wait3A_993 : memref<640xf32, #tpu.memory_space<vmem>>)
    %dma_wait3A_996 = arith.constant 9 : i32
    %dma_wait3A_997 = arith.constant 1 : i32
    %dma_wait3A_998 = arith.constant 9 : i32
    %dma_wait3A_999 = arith.constant 1 : i32
    %dma_wait3A_1000 = arith.constant 0 : i32
    %dma_wait3A_1001 = tpu.memref_slice %arg11[%dma_wait3A_998, %dma_wait3A_999, %dma_wait3A_1000] : memref<16x2x640xf32, #tpu.memory_space<vmem>> -> memref<1x1x640xf32, #tpu.memory_space<vmem>>
    %dma_wait3A_1002 = tpu.memref_squeeze %dma_wait3A_1001 : memref<1x1x640xf32, #tpu.memory_space<vmem>> -> memref<640xf32, #tpu.memory_space<vmem>>
    %dma_wait3A_1003 = tpu.memref_slice %arg10[%dma_wait3A_996, %dma_wait3A_997, %mul3A_523] : memref<16x2x10240xf32, #tpu.memory_space<vmem_shared>> -> memref<1x1x640xf32, #tpu.memory_space<vmem_shared>>
    %dma_wait3A_1004 = tpu.memref_squeeze %dma_wait3A_1003 : memref<1x1x640xf32, #tpu.memory_space<vmem_shared>> -> memref<640xf32, #tpu.memory_space<vmem_shared>>
    %dma_wait3A_1005 = arith.constant 0 : i32
    %dma_wait3A_1006 = tpu.memref_slice %arg11[%dma_wait3A_998, %dma_wait3A_999, %dma_wait3A_1005] : memref<16x2x640xf32, #tpu.memory_space<vmem>> -> memref<1x1x640xf32, #tpu.memory_space<vmem>>
    %dma_wait3A_1007 = tpu.memref_squeeze %dma_wait3A_1006 : memref<1x1x640xf32, #tpu.memory_space<vmem>> -> memref<640xf32, #tpu.memory_space<vmem>>
    %dma_wait3A_1008 = tpu.memref_slice %arg10[%dma_wait3A_996, %dma_wait3A_997, %mul3A_523] : memref<16x2x10240xf32, #tpu.memory_space<vmem_shared>> -> memref<1x1x640xf32, #tpu.memory_space<vmem_shared>>
    %dma_wait3A_1009 = tpu.memref_squeeze %dma_wait3A_1008 : memref<1x1x640xf32, #tpu.memory_space<vmem_shared>> -> memref<640xf32, #tpu.memory_space<vmem_shared>>
    tpu.wait_dma2 semaphore(%arg13 : memref<!tpu.dma_semaphore, #tpu.memory_space<semaphore_mem>>) src(%dma_wait3A_1009 : memref<640xf32, #tpu.memory_space<vmem_shared>>) dst(%dma_wait3A_1007 : memref<640xf32, #tpu.memory_space<vmem>>)
    %dma_wait3A_1010 = arith.constant 10 : i32
    %dma_wait3A_1011 = arith.constant 0 : i32
    %dma_wait3A_1012 = arith.constant 10 : i32
    %dma_wait3A_1013 = arith.constant 0 : i32
    %dma_wait3A_1014 = arith.constant 0 : i32
    %dma_wait3A_1015 = tpu.memref_slice %arg11[%dma_wait3A_1012, %dma_wait3A_1013, %dma_wait3A_1014] : memref<16x2x640xf32, #tpu.memory_space<vmem>> -> memref<1x1x640xf32, #tpu.memory_space<vmem>>
    %dma_wait3A_1016 = tpu.memref_squeeze %dma_wait3A_1015 : memref<1x1x640xf32, #tpu.memory_space<vmem>> -> memref<640xf32, #tpu.memory_space<vmem>>
    %dma_wait3A_1017 = tpu.memref_slice %arg10[%dma_wait3A_1010, %dma_wait3A_1011, %mul3A_539] : memref<16x2x10240xf32, #tpu.memory_space<vmem_shared>> -> memref<1x1x640xf32, #tpu.memory_space<vmem_shared>>
    %dma_wait3A_1018 = tpu.memref_squeeze %dma_wait3A_1017 : memref<1x1x640xf32, #tpu.memory_space<vmem_shared>> -> memref<640xf32, #tpu.memory_space<vmem_shared>>
    %dma_wait3A_1019 = arith.constant 0 : i32
    %dma_wait3A_1020 = tpu.memref_slice %arg11[%dma_wait3A_1012, %dma_wait3A_1013, %dma_wait3A_1019] : memref<16x2x640xf32, #tpu.memory_space<vmem>> -> memref<1x1x640xf32, #tpu.memory_space<vmem>>
    %dma_wait3A_1021 = tpu.memref_squeeze %dma_wait3A_1020 : memref<1x1x640xf32, #tpu.memory_space<vmem>> -> memref<640xf32, #tpu.memory_space<vmem>>
    %dma_wait3A_1022 = tpu.memref_slice %arg10[%dma_wait3A_1010, %dma_wait3A_1011, %mul3A_539] : memref<16x2x10240xf32, #tpu.memory_space<vmem_shared>> -> memref<1x1x640xf32, #tpu.memory_space<vmem_shared>>
    %dma_wait3A_1023 = tpu.memref_squeeze %dma_wait3A_1022 : memref<1x1x640xf32, #tpu.memory_space<vmem_shared>> -> memref<640xf32, #tpu.memory_space<vmem_shared>>
    tpu.wait_dma2 semaphore(%arg13 : memref<!tpu.dma_semaphore, #tpu.memory_space<semaphore_mem>>) src(%dma_wait3A_1023 : memref<640xf32, #tpu.memory_space<vmem_shared>>) dst(%dma_wait3A_1021 : memref<640xf32, #tpu.memory_space<vmem>>)
    %dma_wait3A_1024 = arith.constant 10 : i32
    %dma_wait3A_1025 = arith.constant 1 : i32
    %dma_wait3A_1026 = arith.constant 10 : i32
    %dma_wait3A_1027 = arith.constant 1 : i32
    %dma_wait3A_1028 = arith.constant 0 : i32
    %dma_wait3A_1029 = tpu.memref_slice %arg11[%dma_wait3A_1026, %dma_wait3A_1027, %dma_wait3A_1028] : memref<16x2x640xf32, #tpu.memory_space<vmem>> -> memref<1x1x640xf32, #tpu.memory_space<vmem>>
    %dma_wait3A_1030 = tpu.memref_squeeze %dma_wait3A_1029 : memref<1x1x640xf32, #tpu.memory_space<vmem>> -> memref<640xf32, #tpu.memory_space<vmem>>
    %dma_wait3A_1031 = tpu.memref_slice %arg10[%dma_wait3A_1024, %dma_wait3A_1025, %mul3A_555] : memref<16x2x10240xf32, #tpu.memory_space<vmem_shared>> -> memref<1x1x640xf32, #tpu.memory_space<vmem_shared>>
    %dma_wait3A_1032 = tpu.memref_squeeze %dma_wait3A_1031 : memref<1x1x640xf32, #tpu.memory_space<vmem_shared>> -> memref<640xf32, #tpu.memory_space<vmem_shared>>
    %dma_wait3A_1033 = arith.constant 0 : i32
    %dma_wait3A_1034 = tpu.memref_slice %arg11[%dma_wait3A_1026, %dma_wait3A_1027, %dma_wait3A_1033] : memref<16x2x640xf32, #tpu.memory_space<vmem>> -> memref<1x1x640xf32, #tpu.memory_space<vmem>>
    %dma_wait3A_1035 = tpu.memref_squeeze %dma_wait3A_1034 : memref<1x1x640xf32, #tpu.memory_space<vmem>> -> memref<640xf32, #tpu.memory_space<vmem>>
    %dma_wait3A_1036 = tpu.memref_slice %arg10[%dma_wait3A_1024, %dma_wait3A_1025, %mul3A_555] : memref<16x2x10240xf32, #tpu.memory_space<vmem_shared>> -> memref<1x1x640xf32, #tpu.memory_space<vmem_shared>>
    %dma_wait3A_1037 = tpu.memref_squeeze %dma_wait3A_1036 : memref<1x1x640xf32, #tpu.memory_space<vmem_shared>> -> memref<640xf32, #tpu.memory_space<vmem_shared>>
    tpu.wait_dma2 semaphore(%arg13 : memref<!tpu.dma_semaphore, #tpu.memory_space<semaphore_mem>>) src(%dma_wait3A_1037 : memref<640xf32, #tpu.memory_space<vmem_shared>>) dst(%dma_wait3A_1035 : memref<640xf32, #tpu.memory_space<vmem>>)
    %dma_wait3A_1038 = arith.constant 11 : i32
    %dma_wait3A_1039 = arith.constant 0 : i32
    %dma_wait3A_1040 = arith.constant 11 : i32
    %dma_wait3A_1041 = arith.constant 0 : i32
    %dma_wait3A_1042 = arith.constant 0 : i32
    %dma_wait3A_1043 = tpu.memref_slice %arg11[%dma_wait3A_1040, %dma_wait3A_1041, %dma_wait3A_1042] : memref<16x2x640xf32, #tpu.memory_space<vmem>> -> memref<1x1x640xf32, #tpu.memory_space<vmem>>
    %dma_wait3A_1044 = tpu.memref_squeeze %dma_wait3A_1043 : memref<1x1x640xf32, #tpu.memory_space<vmem>> -> memref<640xf32, #tpu.memory_space<vmem>>
    %dma_wait3A_1045 = tpu.memref_slice %arg10[%dma_wait3A_1038, %dma_wait3A_1039, %mul3A_571] : memref<16x2x10240xf32, #tpu.memory_space<vmem_shared>> -> memref<1x1x640xf32, #tpu.memory_space<vmem_shared>>
    %dma_wait3A_1046 = tpu.memref_squeeze %dma_wait3A_1045 : memref<1x1x640xf32, #tpu.memory_space<vmem_shared>> -> memref<640xf32, #tpu.memory_space<vmem_shared>>
    %dma_wait3A_1047 = arith.constant 0 : i32
    %dma_wait3A_1048 = tpu.memref_slice %arg11[%dma_wait3A_1040, %dma_wait3A_1041, %dma_wait3A_1047] : memref<16x2x640xf32, #tpu.memory_space<vmem>> -> memref<1x1x640xf32, #tpu.memory_space<vmem>>
    %dma_wait3A_1049 = tpu.memref_squeeze %dma_wait3A_1048 : memref<1x1x640xf32, #tpu.memory_space<vmem>> -> memref<640xf32, #tpu.memory_space<vmem>>
    %dma_wait3A_1050 = tpu.memref_slice %arg10[%dma_wait3A_1038, %dma_wait3A_1039, %mul3A_571] : memref<16x2x10240xf32, #tpu.memory_space<vmem_shared>> -> memref<1x1x640xf32, #tpu.memory_space<vmem_shared>>
    %dma_wait3A_1051 = tpu.memref_squeeze %dma_wait3A_1050 : memref<1x1x640xf32, #tpu.memory_space<vmem_shared>> -> memref<640xf32, #tpu.memory_space<vmem_shared>>
    tpu.wait_dma2 semaphore(%arg13 : memref<!tpu.dma_semaphore, #tpu.memory_space<semaphore_mem>>) src(%dma_wait3A_1051 : memref<640xf32, #tpu.memory_space<vmem_shared>>) dst(%dma_wait3A_1049 : memref<640xf32, #tpu.memory_space<vmem>>)
    %dma_wait3A_1052 = arith.constant 11 : i32
    %dma_wait3A_1053 = arith.constant 1 : i32
    %dma_wait3A_1054 = arith.constant 11 : i32
    %dma_wait3A_1055 = arith.constant 1 : i32
    %dma_wait3A_1056 = arith.constant 0 : i32
    %dma_wait3A_1057 = tpu.memref_slice %arg11[%dma_wait3A_1054, %dma_wait3A_1055, %dma_wait3A_1056] : memref<16x2x640xf32, #tpu.memory_space<vmem>> -> memref<1x1x640xf32, #tpu.memory_space<vmem>>
    %dma_wait3A_1058 = tpu.memref_squeeze %dma_wait3A_1057 : memref<1x1x640xf32, #tpu.memory_space<vmem>> -> memref<640xf32, #tpu.memory_space<vmem>>
    %dma_wait3A_1059 = tpu.memref_slice %arg10[%dma_wait3A_1052, %dma_wait3A_1053, %mul3A_587] : memref<16x2x10240xf32, #tpu.memory_space<vmem_shared>> -> memref<1x1x640xf32, #tpu.memory_space<vmem_shared>>
    %dma_wait3A_1060 = tpu.memref_squeeze %dma_wait3A_1059 : memref<1x1x640xf32, #tpu.memory_space<vmem_shared>> -> memref<640xf32, #tpu.memory_space<vmem_shared>>
    %dma_wait3A_1061 = arith.constant 0 : i32
    %dma_wait3A_1062 = tpu.memref_slice %arg11[%dma_wait3A_1054, %dma_wait3A_1055, %dma_wait3A_1061] : memref<16x2x640xf32, #tpu.memory_space<vmem>> -> memref<1x1x640xf32, #tpu.memory_space<vmem>>
    %dma_wait3A_1063 = tpu.memref_squeeze %dma_wait3A_1062 : memref<1x1x640xf32, #tpu.memory_space<vmem>> -> memref<640xf32, #tpu.memory_space<vmem>>
    %dma_wait3A_1064 = tpu.memref_slice %arg10[%dma_wait3A_1052, %dma_wait3A_1053, %mul3A_587] : memref<16x2x10240xf32, #tpu.memory_space<vmem_shared>> -> memref<1x1x640xf32, #tpu.memory_space<vmem_shared>>
    %dma_wait3A_1065 = tpu.memref_squeeze %dma_wait3A_1064 : memref<1x1x640xf32, #tpu.memory_space<vmem_shared>> -> memref<640xf32, #tpu.memory_space<vmem_shared>>
    tpu.wait_dma2 semaphore(%arg13 : memref<!tpu.dma_semaphore, #tpu.memory_space<semaphore_mem>>) src(%dma_wait3A_1065 : memref<640xf32, #tpu.memory_space<vmem_shared>>) dst(%dma_wait3A_1063 : memref<640xf32, #tpu.memory_space<vmem>>)
    %dma_wait3A_1066 = arith.constant 12 : i32
    %dma_wait3A_1067 = arith.constant 0 : i32
    %dma_wait3A_1068 = arith.constant 12 : i32
    %dma_wait3A_1069 = arith.constant 0 : i32
    %dma_wait3A_1070 = arith.constant 0 : i32
    %dma_wait3A_1071 = tpu.memref_slice %arg11[%dma_wait3A_1068, %dma_wait3A_1069, %dma_wait3A_1070] : memref<16x2x640xf32, #tpu.memory_space<vmem>> -> memref<1x1x640xf32, #tpu.memory_space<vmem>>
    %dma_wait3A_1072 = tpu.memref_squeeze %dma_wait3A_1071 : memref<1x1x640xf32, #tpu.memory_space<vmem>> -> memref<640xf32, #tpu.memory_space<vmem>>
    %dma_wait3A_1073 = tpu.memref_slice %arg10[%dma_wait3A_1066, %dma_wait3A_1067, %mul3A_603] : memref<16x2x10240xf32, #tpu.memory_space<vmem_shared>> -> memref<1x1x640xf32, #tpu.memory_space<vmem_shared>>
    %dma_wait3A_1074 = tpu.memref_squeeze %dma_wait3A_1073 : memref<1x1x640xf32, #tpu.memory_space<vmem_shared>> -> memref<640xf32, #tpu.memory_space<vmem_shared>>
    %dma_wait3A_1075 = arith.constant 0 : i32
    %dma_wait3A_1076 = tpu.memref_slice %arg11[%dma_wait3A_1068, %dma_wait3A_1069, %dma_wait3A_1075] : memref<16x2x640xf32, #tpu.memory_space<vmem>> -> memref<1x1x640xf32, #tpu.memory_space<vmem>>
    %dma_wait3A_1077 = tpu.memref_squeeze %dma_wait3A_1076 : memref<1x1x640xf32, #tpu.memory_space<vmem>> -> memref<640xf32, #tpu.memory_space<vmem>>
    %dma_wait3A_1078 = tpu.memref_slice %arg10[%dma_wait3A_1066, %dma_wait3A_1067, %mul3A_603] : memref<16x2x10240xf32, #tpu.memory_space<vmem_shared>> -> memref<1x1x640xf32, #tpu.memory_space<vmem_shared>>
    %dma_wait3A_1079 = tpu.memref_squeeze %dma_wait3A_1078 : memref<1x1x640xf32, #tpu.memory_space<vmem_shared>> -> memref<640xf32, #tpu.memory_space<vmem_shared>>
    tpu.wait_dma2 semaphore(%arg13 : memref<!tpu.dma_semaphore, #tpu.memory_space<semaphore_mem>>) src(%dma_wait3A_1079 : memref<640xf32, #tpu.memory_space<vmem_shared>>) dst(%dma_wait3A_1077 : memref<640xf32, #tpu.memory_space<vmem>>)
    %dma_wait3A_1080 = arith.constant 12 : i32
    %dma_wait3A_1081 = arith.constant 1 : i32
    %dma_wait3A_1082 = arith.constant 12 : i32
    %dma_wait3A_1083 = arith.constant 1 : i32
    %dma_wait3A_1084 = arith.constant 0 : i32
    %dma_wait3A_1085 = tpu.memref_slice %arg11[%dma_wait3A_1082, %dma_wait3A_1083, %dma_wait3A_1084] : memref<16x2x640xf32, #tpu.memory_space<vmem>> -> memref<1x1x640xf32, #tpu.memory_space<vmem>>
    %dma_wait3A_1086 = tpu.memref_squeeze %dma_wait3A_1085 : memref<1x1x640xf32, #tpu.memory_space<vmem>> -> memref<640xf32, #tpu.memory_space<vmem>>
    %dma_wait3A_1087 = tpu.memref_slice %arg10[%dma_wait3A_1080, %dma_wait3A_1081, %mul3A_619] : memref<16x2x10240xf32, #tpu.memory_space<vmem_shared>> -> memref<1x1x640xf32, #tpu.memory_space<vmem_shared>>
    %dma_wait3A_1088 = tpu.memref_squeeze %dma_wait3A_1087 : memref<1x1x640xf32, #tpu.memory_space<vmem_shared>> -> memref<640xf32, #tpu.memory_space<vmem_shared>>
    %dma_wait3A_1089 = arith.constant 0 : i32
    %dma_wait3A_1090 = tpu.memref_slice %arg11[%dma_wait3A_1082, %dma_wait3A_1083, %dma_wait3A_1089] : memref<16x2x640xf32, #tpu.memory_space<vmem>> -> memref<1x1x640xf32, #tpu.memory_space<vmem>>
    %dma_wait3A_1091 = tpu.memref_squeeze %dma_wait3A_1090 : memref<1x1x640xf32, #tpu.memory_space<vmem>> -> memref<640xf32, #tpu.memory_space<vmem>>
    %dma_wait3A_1092 = tpu.memref_slice %arg10[%dma_wait3A_1080, %dma_wait3A_1081, %mul3A_619] : memref<16x2x10240xf32, #tpu.memory_space<vmem_shared>> -> memref<1x1x640xf32, #tpu.memory_space<vmem_shared>>
    %dma_wait3A_1093 = tpu.memref_squeeze %dma_wait3A_1092 : memref<1x1x640xf32, #tpu.memory_space<vmem_shared>> -> memref<640xf32, #tpu.memory_space<vmem_shared>>
    tpu.wait_dma2 semaphore(%arg13 : memref<!tpu.dma_semaphore, #tpu.memory_space<semaphore_mem>>) src(%dma_wait3A_1093 : memref<640xf32, #tpu.memory_space<vmem_shared>>) dst(%dma_wait3A_1091 : memref<640xf32, #tpu.memory_space<vmem>>)
    %dma_wait3A_1094 = arith.constant 13 : i32
    %dma_wait3A_1095 = arith.constant 0 : i32
    %dma_wait3A_1096 = arith.constant 13 : i32
    %dma_wait3A_1097 = arith.constant 0 : i32
    %dma_wait3A_1098 = arith.constant 0 : i32
    %dma_wait3A_1099 = tpu.memref_slice %arg11[%dma_wait3A_1096, %dma_wait3A_1097, %dma_wait3A_1098] : memref<16x2x640xf32, #tpu.memory_space<vmem>> -> memref<1x1x640xf32, #tpu.memory_space<vmem>>
    %dma_wait3A_1100 = tpu.memref_squeeze %dma_wait3A_1099 : memref<1x1x640xf32, #tpu.memory_space<vmem>> -> memref<640xf32, #tpu.memory_space<vmem>>
    %dma_wait3A_1101 = tpu.memref_slice %arg10[%dma_wait3A_1094, %dma_wait3A_1095, %mul3A_635] : memref<16x2x10240xf32, #tpu.memory_space<vmem_shared>> -> memref<1x1x640xf32, #tpu.memory_space<vmem_shared>>
    %dma_wait3A_1102 = tpu.memref_squeeze %dma_wait3A_1101 : memref<1x1x640xf32, #tpu.memory_space<vmem_shared>> -> memref<640xf32, #tpu.memory_space<vmem_shared>>
    %dma_wait3A_1103 = arith.constant 0 : i32
    %dma_wait3A_1104 = tpu.memref_slice %arg11[%dma_wait3A_1096, %dma_wait3A_1097, %dma_wait3A_1103] : memref<16x2x640xf32, #tpu.memory_space<vmem>> -> memref<1x1x640xf32, #tpu.memory_space<vmem>>
    %dma_wait3A_1105 = tpu.memref_squeeze %dma_wait3A_1104 : memref<1x1x640xf32, #tpu.memory_space<vmem>> -> memref<640xf32, #tpu.memory_space<vmem>>
    %dma_wait3A_1106 = tpu.memref_slice %arg10[%dma_wait3A_1094, %dma_wait3A_1095, %mul3A_635] : memref<16x2x10240xf32, #tpu.memory_space<vmem_shared>> -> memref<1x1x640xf32, #tpu.memory_space<vmem_shared>>
    %dma_wait3A_1107 = tpu.memref_squeeze %dma_wait3A_1106 : memref<1x1x640xf32, #tpu.memory_space<vmem_shared>> -> memref<640xf32, #tpu.memory_space<vmem_shared>>
    tpu.wait_dma2 semaphore(%arg13 : memref<!tpu.dma_semaphore, #tpu.memory_space<semaphore_mem>>) src(%dma_wait3A_1107 : memref<640xf32, #tpu.memory_space<vmem_shared>>) dst(%dma_wait3A_1105 : memref<640xf32, #tpu.memory_space<vmem>>)
    %dma_wait3A_1108 = arith.constant 13 : i32
    %dma_wait3A_1109 = arith.constant 1 : i32
    %dma_wait3A_1110 = arith.constant 13 : i32
    %dma_wait3A_1111 = arith.constant 1 : i32
    %dma_wait3A_1112 = arith.constant 0 : i32
    %dma_wait3A_1113 = tpu.memref_slice %arg11[%dma_wait3A_1110, %dma_wait3A_1111, %dma_wait3A_1112] : memref<16x2x640xf32, #tpu.memory_space<vmem>> -> memref<1x1x640xf32, #tpu.memory_space<vmem>>
    %dma_wait3A_1114 = tpu.memref_squeeze %dma_wait3A_1113 : memref<1x1x640xf32, #tpu.memory_space<vmem>> -> memref<640xf32, #tpu.memory_space<vmem>>
    %dma_wait3A_1115 = tpu.memref_slice %arg10[%dma_wait3A_1108, %dma_wait3A_1109, %mul3A_651] : memref<16x2x10240xf32, #tpu.memory_space<vmem_shared>> -> memref<1x1x640xf32, #tpu.memory_space<vmem_shared>>
    %dma_wait3A_1116 = tpu.memref_squeeze %dma_wait3A_1115 : memref<1x1x640xf32, #tpu.memory_space<vmem_shared>> -> memref<640xf32, #tpu.memory_space<vmem_shared>>
    %dma_wait3A_1117 = arith.constant 0 : i32
    %dma_wait3A_1118 = tpu.memref_slice %arg11[%dma_wait3A_1110, %dma_wait3A_1111, %dma_wait3A_1117] : memref<16x2x640xf32, #tpu.memory_space<vmem>> -> memref<1x1x640xf32, #tpu.memory_space<vmem>>
    %dma_wait3A_1119 = tpu.memref_squeeze %dma_wait3A_1118 : memref<1x1x640xf32, #tpu.memory_space<vmem>> -> memref<640xf32, #tpu.memory_space<vmem>>
    %dma_wait3A_1120 = tpu.memref_slice %arg10[%dma_wait3A_1108, %dma_wait3A_1109, %mul3A_651] : memref<16x2x10240xf32, #tpu.memory_space<vmem_shared>> -> memref<1x1x640xf32, #tpu.memory_space<vmem_shared>>
    %dma_wait3A_1121 = tpu.memref_squeeze %dma_wait3A_1120 : memref<1x1x640xf32, #tpu.memory_space<vmem_shared>> -> memref<640xf32, #tpu.memory_space<vmem_shared>>
    tpu.wait_dma2 semaphore(%arg13 : memref<!tpu.dma_semaphore, #tpu.memory_space<semaphore_mem>>) src(%dma_wait3A_1121 : memref<640xf32, #tpu.memory_space<vmem_shared>>) dst(%dma_wait3A_1119 : memref<640xf32, #tpu.memory_space<vmem>>)
    %dma_wait3A_1122 = arith.constant 14 : i32
    %dma_wait3A_1123 = arith.constant 0 : i32
    %dma_wait3A_1124 = arith.constant 14 : i32
    %dma_wait3A_1125 = arith.constant 0 : i32
    %dma_wait3A_1126 = arith.constant 0 : i32
    %dma_wait3A_1127 = tpu.memref_slice %arg11[%dma_wait3A_1124, %dma_wait3A_1125, %dma_wait3A_1126] : memref<16x2x640xf32, #tpu.memory_space<vmem>> -> memref<1x1x640xf32, #tpu.memory_space<vmem>>
    %dma_wait3A_1128 = tpu.memref_squeeze %dma_wait3A_1127 : memref<1x1x640xf32, #tpu.memory_space<vmem>> -> memref<640xf32, #tpu.memory_space<vmem>>
    %dma_wait3A_1129 = tpu.memref_slice %arg10[%dma_wait3A_1122, %dma_wait3A_1123, %mul3A_667] : memref<16x2x10240xf32, #tpu.memory_space<vmem_shared>> -> memref<1x1x640xf32, #tpu.memory_space<vmem_shared>>
    %dma_wait3A_1130 = tpu.memref_squeeze %dma_wait3A_1129 : memref<1x1x640xf32, #tpu.memory_space<vmem_shared>> -> memref<640xf32, #tpu.memory_space<vmem_shared>>
    %dma_wait3A_1131 = arith.constant 0 : i32
    %dma_wait3A_1132 = tpu.memref_slice %arg11[%dma_wait3A_1124, %dma_wait3A_1125, %dma_wait3A_1131] : memref<16x2x640xf32, #tpu.memory_space<vmem>> -> memref<1x1x640xf32, #tpu.memory_space<vmem>>
    %dma_wait3A_1133 = tpu.memref_squeeze %dma_wait3A_1132 : memref<1x1x640xf32, #tpu.memory_space<vmem>> -> memref<640xf32, #tpu.memory_space<vmem>>
    %dma_wait3A_1134 = tpu.memref_slice %arg10[%dma_wait3A_1122, %dma_wait3A_1123, %mul3A_667] : memref<16x2x10240xf32, #tpu.memory_space<vmem_shared>> -> memref<1x1x640xf32, #tpu.memory_space<vmem_shared>>
    %dma_wait3A_1135 = tpu.memref_squeeze %dma_wait3A_1134 : memref<1x1x640xf32, #tpu.memory_space<vmem_shared>> -> memref<640xf32, #tpu.memory_space<vmem_shared>>
    tpu.wait_dma2 semaphore(%arg13 : memref<!tpu.dma_semaphore, #tpu.memory_space<semaphore_mem>>) src(%dma_wait3A_1135 : memref<640xf32, #tpu.memory_space<vmem_shared>>) dst(%dma_wait3A_1133 : memref<640xf32, #tpu.memory_space<vmem>>)
    %dma_wait3A_1136 = arith.constant 14 : i32
    %dma_wait3A_1137 = arith.constant 1 : i32
    %dma_wait3A_1138 = arith.constant 14 : i32
    %dma_wait3A_1139 = arith.constant 1 : i32
    %dma_wait3A_1140 = arith.constant 0 : i32
    %dma_wait3A_1141 = tpu.memref_slice %arg11[%dma_wait3A_1138, %dma_wait3A_1139, %dma_wait3A_1140] : memref<16x2x640xf32, #tpu.memory_space<vmem>> -> memref<1x1x640xf32, #tpu.memory_space<vmem>>
    %dma_wait3A_1142 = tpu.memref_squeeze %dma_wait3A_1141 : memref<1x1x640xf32, #tpu.memory_space<vmem>> -> memref<640xf32, #tpu.memory_space<vmem>>
    %dma_wait3A_1143 = tpu.memref_slice %arg10[%dma_wait3A_1136, %dma_wait3A_1137, %mul3A_683] : memref<16x2x10240xf32, #tpu.memory_space<vmem_shared>> -> memref<1x1x640xf32, #tpu.memory_space<vmem_shared>>
    %dma_wait3A_1144 = tpu.memref_squeeze %dma_wait3A_1143 : memref<1x1x640xf32, #tpu.memory_space<vmem_shared>> -> memref<640xf32, #tpu.memory_space<vmem_shared>>
    %dma_wait3A_1145 = arith.constant 0 : i32
    %dma_wait3A_1146 = tpu.memref_slice %arg11[%dma_wait3A_1138, %dma_wait3A_1139, %dma_wait3A_1145] : memref<16x2x640xf32, #tpu.memory_space<vmem>> -> memref<1x1x640xf32, #tpu.memory_space<vmem>>
    %dma_wait3A_1147 = tpu.memref_squeeze %dma_wait3A_1146 : memref<1x1x640xf32, #tpu.memory_space<vmem>> -> memref<640xf32, #tpu.memory_space<vmem>>
    %dma_wait3A_1148 = tpu.memref_slice %arg10[%dma_wait3A_1136, %dma_wait3A_1137, %mul3A_683] : memref<16x2x10240xf32, #tpu.memory_space<vmem_shared>> -> memref<1x1x640xf32, #tpu.memory_space<vmem_shared>>
    %dma_wait3A_1149 = tpu.memref_squeeze %dma_wait3A_1148 : memref<1x1x640xf32, #tpu.memory_space<vmem_shared>> -> memref<640xf32, #tpu.memory_space<vmem_shared>>
    tpu.wait_dma2 semaphore(%arg13 : memref<!tpu.dma_semaphore, #tpu.memory_space<semaphore_mem>>) src(%dma_wait3A_1149 : memref<640xf32, #tpu.memory_space<vmem_shared>>) dst(%dma_wait3A_1147 : memref<640xf32, #tpu.memory_space<vmem>>)
    %dma_wait3A_1150 = arith.constant 15 : i32
    %dma_wait3A_1151 = arith.constant 0 : i32
    %dma_wait3A_1152 = arith.constant 15 : i32
    %dma_wait3A_1153 = arith.constant 0 : i32
    %dma_wait3A_1154 = arith.constant 0 : i32
    %dma_wait3A_1155 = tpu.memref_slice %arg11[%dma_wait3A_1152, %dma_wait3A_1153, %dma_wait3A_1154] : memref<16x2x640xf32, #tpu.memory_space<vmem>> -> memref<1x1x640xf32, #tpu.memory_space<vmem>>
    %dma_wait3A_1156 = tpu.memref_squeeze %dma_wait3A_1155 : memref<1x1x640xf32, #tpu.memory_space<vmem>> -> memref<640xf32, #tpu.memory_space<vmem>>
    %dma_wait3A_1157 = tpu.memref_slice %arg10[%dma_wait3A_1150, %dma_wait3A_1151, %mul3A_699] : memref<16x2x10240xf32, #tpu.memory_space<vmem_shared>> -> memref<1x1x640xf32, #tpu.memory_space<vmem_shared>>
    %dma_wait3A_1158 = tpu.memref_squeeze %dma_wait3A_1157 : memref<1x1x640xf32, #tpu.memory_space<vmem_shared>> -> memref<640xf32, #tpu.memory_space<vmem_shared>>
    %dma_wait3A_1159 = arith.constant 0 : i32
    %dma_wait3A_1160 = tpu.memref_slice %arg11[%dma_wait3A_1152, %dma_wait3A_1153, %dma_wait3A_1159] : memref<16x2x640xf32, #tpu.memory_space<vmem>> -> memref<1x1x640xf32, #tpu.memory_space<vmem>>
    %dma_wait3A_1161 = tpu.memref_squeeze %dma_wait3A_1160 : memref<1x1x640xf32, #tpu.memory_space<vmem>> -> memref<640xf32, #tpu.memory_space<vmem>>
    %dma_wait3A_1162 = tpu.memref_slice %arg10[%dma_wait3A_1150, %dma_wait3A_1151, %mul3A_699] : memref<16x2x10240xf32, #tpu.memory_space<vmem_shared>> -> memref<1x1x640xf32, #tpu.memory_space<vmem_shared>>
    %dma_wait3A_1163 = tpu.memref_squeeze %dma_wait3A_1162 : memref<1x1x640xf32, #tpu.memory_space<vmem_shared>> -> memref<640xf32, #tpu.memory_space<vmem_shared>>
    tpu.wait_dma2 semaphore(%arg13 : memref<!tpu.dma_semaphore, #tpu.memory_space<semaphore_mem>>) src(%dma_wait3A_1163 : memref<640xf32, #tpu.memory_space<vmem_shared>>) dst(%dma_wait3A_1161 : memref<640xf32, #tpu.memory_space<vmem>>)
    %dma_wait3A_1164 = arith.constant 15 : i32
    %dma_wait3A_1165 = arith.constant 1 : i32
    %dma_wait3A_1166 = arith.constant 15 : i32
    %dma_wait3A_1167 = arith.constant 1 : i32
    %dma_wait3A_1168 = arith.constant 0 : i32
    %dma_wait3A_1169 = tpu.memref_slice %arg11[%dma_wait3A_1166, %dma_wait3A_1167, %dma_wait3A_1168] : memref<16x2x640xf32, #tpu.memory_space<vmem>> -> memref<1x1x640xf32, #tpu.memory_space<vmem>>
    %dma_wait3A_1170 = tpu.memref_squeeze %dma_wait3A_1169 : memref<1x1x640xf32, #tpu.memory_space<vmem>> -> memref<640xf32, #tpu.memory_space<vmem>>
    %dma_wait3A_1171 = tpu.memref_slice %arg10[%dma_wait3A_1164, %dma_wait3A_1165, %mul3A_715] : memref<16x2x10240xf32, #tpu.memory_space<vmem_shared>> -> memref<1x1x640xf32, #tpu.memory_space<vmem_shared>>
    %dma_wait3A_1172 = tpu.memref_squeeze %dma_wait3A_1171 : memref<1x1x640xf32, #tpu.memory_space<vmem_shared>> -> memref<640xf32, #tpu.memory_space<vmem_shared>>
    %dma_wait3A_1173 = arith.constant 0 : i32
    %dma_wait3A_1174 = tpu.memref_slice %arg11[%dma_wait3A_1166, %dma_wait3A_1167, %dma_wait3A_1173] : memref<16x2x640xf32, #tpu.memory_space<vmem>> -> memref<1x1x640xf32, #tpu.memory_space<vmem>>
    %dma_wait3A_1175 = tpu.memref_squeeze %dma_wait3A_1174 : memref<1x1x640xf32, #tpu.memory_space<vmem>> -> memref<640xf32, #tpu.memory_space<vmem>>
    %dma_wait3A_1176 = tpu.memref_slice %arg10[%dma_wait3A_1164, %dma_wait3A_1165, %mul3A_715] : memref<16x2x10240xf32, #tpu.memory_space<vmem_shared>> -> memref<1x1x640xf32, #tpu.memory_space<vmem_shared>>
    %dma_wait3A_1177 = tpu.memref_squeeze %dma_wait3A_1176 : memref<1x1x640xf32, #tpu.memory_space<vmem_shared>> -> memref<640xf32, #tpu.memory_space<vmem_shared>>
    tpu.wait_dma2 semaphore(%arg13 : memref<!tpu.dma_semaphore, #tpu.memory_space<semaphore_mem>>) src(%dma_wait3A_1177 : memref<640xf32, #tpu.memory_space<vmem_shared>>) dst(%dma_wait3A_1175 : memref<640xf32, #tpu.memory_space<vmem>>)
    %scan3A_1178 = arith.constant 0 : i32
    %scan3A_1179 = arith.constant 0 : i32
    %scan3A_1180 = arith.constant 40 : i32
    %scan3A_1181 = arith.addi %scan3A_1179, %scan3A_1180 : i32
    %scan3A_1182 = arith.constant 1 : i32
    scf.for %scan3A_1208 = %scan3A_1179 to %scan3A_1181 step %scan3A_1182  : i32 {
      %mul3A_1209 = arith.constant 16 : i32
      %mul3A_1210 = arith.muli %scan3A_1208, %mul3A_1209 : i32
      %get3A_1211 = arith.constant 0 : i32
      %get3A_1212 = arith.constant 0 : i32
      %get3A_1213 = arith.index_cast %get3A_1211 : i32 to index
      %get3A_1214 = arith.index_cast %get3A_1212 : i32 to index
      %get3A_1215 = arith.index_cast %mul3A_1210 : i32 to index
      %get3A_1216 = tpu.vector_load %arg11[%get3A_1213, %get3A_1214, %get3A_1215] {strides = array<i32>} : memref<16x2x640xf32, #tpu.memory_space<vmem>>, vector<16xf32>,
      %mul3A_1217 = arith.constant 16 : i32
      %mul3A_1218 = arith.muli %scan3A_1208, %mul3A_1217 : i32
      %get3A_1219 = arith.constant 1 : i32
      %get3A_1220 = arith.constant 0 : i32
      %get3A_1221 = arith.index_cast %get3A_1219 : i32 to index
      %get3A_1222 = arith.index_cast %get3A_1220 : i32 to index
      %get3A_1223 = arith.index_cast %mul3A_1218 : i32 to index
      %get3A_1224 = tpu.vector_load %arg11[%get3A_1221, %get3A_1222, %get3A_1223] {strides = array<i32>} : memref<16x2x640xf32, #tpu.memory_space<vmem>>, vector<16xf32>,
      %add3A_1225 = arith.addf %get3A_1216, %get3A_1224 : vector<16xf32>
      %mul3A_1226 = arith.constant 16 : i32
      %mul3A_1227 = arith.muli %scan3A_1208, %mul3A_1226 : i32
      %get3A_1228 = arith.constant 2 : i32
      %get3A_1229 = arith.constant 0 : i32
      %get3A_1230 = arith.index_cast %get3A_1228 : i32 to index
      %get3A_1231 = arith.index_cast %get3A_1229 : i32 to index
      %get3A_1232 = arith.index_cast %mul3A_1227 : i32 to index
      %get3A_1233 = tpu.vector_load %arg11[%get3A_1230, %get3A_1231, %get3A_1232] {strides = array<i32>} : memref<16x2x640xf32, #tpu.memory_space<vmem>>, vector<16xf32>,
      %add3A_1234 = arith.addf %add3A_1225, %get3A_1233 : vector<16xf32>
      %mul3A_1235 = arith.constant 16 : i32
      %mul3A_1236 = arith.muli %scan3A_1208, %mul3A_1235 : i32
      %get3A_1237 = arith.constant 3 : i32
      %get3A_1238 = arith.constant 0 : i32
      %get3A_1239 = arith.index_cast %get3A_1237 : i32 to index
      %get3A_1240 = arith.index_cast %get3A_1238 : i32 to index
      %get3A_1241 = arith.index_cast %mul3A_1236 : i32 to index
      %get3A_1242 = tpu.vector_load %arg11[%get3A_1239, %get3A_1240, %get3A_1241] {strides = array<i32>} : memref<16x2x640xf32, #tpu.memory_space<vmem>>, vector<16xf32>,
      %add3A_1243 = arith.addf %add3A_1234, %get3A_1242 : vector<16xf32>
      %mul3A_1244 = arith.constant 16 : i32
      %mul3A_1245 = arith.muli %scan3A_1208, %mul3A_1244 : i32
      %get3A_1246 = arith.constant 4 : i32
      %get3A_1247 = arith.constant 0 : i32
      %get3A_1248 = arith.index_cast %get3A_1246 : i32 to index
      %get3A_1249 = arith.index_cast %get3A_1247 : i32 to index
      %get3A_1250 = arith.index_cast %mul3A_1245 : i32 to index
      %get3A_1251 = tpu.vector_load %arg11[%get3A_1248, %get3A_1249, %get3A_1250] {strides = array<i32>} : memref<16x2x640xf32, #tpu.memory_space<vmem>>, vector<16xf32>,
      %add3A_1252 = arith.addf %add3A_1243, %get3A_1251 : vector<16xf32>
      %mul3A_1253 = arith.constant 16 : i32
      %mul3A_1254 = arith.muli %scan3A_1208, %mul3A_1253 : i32
      %get3A_1255 = arith.constant 5 : i32
      %get3A_1256 = arith.constant 0 : i32
      %get3A_1257 = arith.index_cast %get3A_1255 : i32 to index
      %get3A_1258 = arith.index_cast %get3A_1256 : i32 to index
      %get3A_1259 = arith.index_cast %mul3A_1254 : i32 to index
      %get3A_1260 = tpu.vector_load %arg11[%get3A_1257, %get3A_1258, %get3A_1259] {strides = array<i32>} : memref<16x2x640xf32, #tpu.memory_space<vmem>>, vector<16xf32>,
      %add3A_1261 = arith.addf %add3A_1252, %get3A_1260 : vector<16xf32>
      %mul3A_1262 = arith.constant 16 : i32
      %mul3A_1263 = arith.muli %scan3A_1208, %mul3A_1262 : i32
      %get3A_1264 = arith.constant 6 : i32
      %get3A_1265 = arith.constant 0 : i32
      %get3A_1266 = arith.index_cast %get3A_1264 : i32 to index
      %get3A_1267 = arith.index_cast %get3A_1265 : i32 to index
      %get3A_1268 = arith.index_cast %mul3A_1263 : i32 to index
      %get3A_1269 = tpu.vector_load %arg11[%get3A_1266, %get3A_1267, %get3A_1268] {strides = array<i32>} : memref<16x2x640xf32, #tpu.memory_space<vmem>>, vector<16xf32>,
      %add3A_1270 = arith.addf %add3A_1261, %get3A_1269 : vector<16xf32>
      %mul3A_1271 = arith.constant 16 : i32
      %mul3A_1272 = arith.muli %scan3A_1208, %mul3A_1271 : i32
      %get3A_1273 = arith.constant 7 : i32
      %get3A_1274 = arith.constant 0 : i32
      %get3A_1275 = arith.index_cast %get3A_1273 : i32 to index
      %get3A_1276 = arith.index_cast %get3A_1274 : i32 to index
      %get3A_1277 = arith.index_cast %mul3A_1272 : i32 to index
      %get3A_1278 = tpu.vector_load %arg11[%get3A_1275, %get3A_1276, %get3A_1277] {strides = array<i32>} : memref<16x2x640xf32, #tpu.memory_space<vmem>>, vector<16xf32>,
      %add3A_1279 = arith.addf %add3A_1270, %get3A_1278 : vector<16xf32>
      %mul3A_1280 = arith.constant 16 : i32
      %mul3A_1281 = arith.muli %scan3A_1208, %mul3A_1280 : i32
      %get3A_1282 = arith.constant 8 : i32
      %get3A_1283 = arith.constant 0 : i32
      %get3A_1284 = arith.index_cast %get3A_1282 : i32 to index
      %get3A_1285 = arith.index_cast %get3A_1283 : i32 to index
      %get3A_1286 = arith.index_cast %mul3A_1281 : i32 to index
      %get3A_1287 = tpu.vector_load %arg11[%get3A_1284, %get3A_1285, %get3A_1286] {strides = array<i32>} : memref<16x2x640xf32, #tpu.memory_space<vmem>>, vector<16xf32>,
      %add3A_1288 = arith.addf %add3A_1279, %get3A_1287 : vector<16xf32>
      %mul3A_1289 = arith.constant 16 : i32
      %mul3A_1290 = arith.muli %scan3A_1208, %mul3A_1289 : i32
      %get3A_1291 = arith.constant 9 : i32
      %get3A_1292 = arith.constant 0 : i32
      %get3A_1293 = arith.index_cast %get3A_1291 : i32 to index
      %get3A_1294 = arith.index_cast %get3A_1292 : i32 to index
      %get3A_1295 = arith.index_cast %mul3A_1290 : i32 to index
      %get3A_1296 = tpu.vector_load %arg11[%get3A_1293, %get3A_1294, %get3A_1295] {strides = array<i32>} : memref<16x2x640xf32, #tpu.memory_space<vmem>>, vector<16xf32>,
      %add3A_1297 = arith.addf %add3A_1288, %get3A_1296 : vector<16xf32>
      %mul3A_1298 = arith.constant 16 : i32
      %mul3A_1299 = arith.muli %scan3A_1208, %mul3A_1298 : i32
      %get3A_1300 = arith.constant 10 : i32
      %get3A_1301 = arith.constant 0 : i32
      %get3A_1302 = arith.index_cast %get3A_1300 : i32 to index
      %get3A_1303 = arith.index_cast %get3A_1301 : i32 to index
      %get3A_1304 = arith.index_cast %mul3A_1299 : i32 to index
      %get3A_1305 = tpu.vector_load %arg11[%get3A_1302, %get3A_1303, %get3A_1304] {strides = array<i32>} : memref<16x2x640xf32, #tpu.memory_space<vmem>>, vector<16xf32>,
      %add3A_1306 = arith.addf %add3A_1297, %get3A_1305 : vector<16xf32>
      %mul3A_1307 = arith.constant 16 : i32
      %mul3A_1308 = arith.muli %scan3A_1208, %mul3A_1307 : i32
      %get3A_1309 = arith.constant 11 : i32
      %get3A_1310 = arith.constant 0 : i32
      %get3A_1311 = arith.index_cast %get3A_1309 : i32 to index
      %get3A_1312 = arith.index_cast %get3A_1310 : i32 to index
      %get3A_1313 = arith.index_cast %mul3A_1308 : i32 to index
      %get3A_1314 = tpu.vector_load %arg11[%get3A_1311, %get3A_1312, %get3A_1313] {strides = array<i32>} : memref<16x2x640xf32, #tpu.memory_space<vmem>>, vector<16xf32>,
      %add3A_1315 = arith.addf %add3A_1306, %get3A_1314 : vector<16xf32>
      %mul3A_1316 = arith.constant 16 : i32
      %mul3A_1317 = arith.muli %scan3A_1208, %mul3A_1316 : i32
      %get3A_1318 = arith.constant 12 : i32
      %get3A_1319 = arith.constant 0 : i32
      %get3A_1320 = arith.index_cast %get3A_1318 : i32 to index
      %get3A_1321 = arith.index_cast %get3A_1319 : i32 to index
      %get3A_1322 = arith.index_cast %mul3A_1317 : i32 to index
      %get3A_1323 = tpu.vector_load %arg11[%get3A_1320, %get3A_1321, %get3A_1322] {strides = array<i32>} : memref<16x2x640xf32, #tpu.memory_space<vmem>>, vector<16xf32>,
      %add3A_1324 = arith.addf %add3A_1315, %get3A_1323 : vector<16xf32>
      %mul3A_1325 = arith.constant 16 : i32
      %mul3A_1326 = arith.muli %scan3A_1208, %mul3A_1325 : i32
      %get3A_1327 = arith.constant 13 : i32
      %get3A_1328 = arith.constant 0 : i32
      %get3A_1329 = arith.index_cast %get3A_1327 : i32 to index
      %get3A_1330 = arith.index_cast %get3A_1328 : i32 to index
      %get3A_1331 = arith.index_cast %mul3A_1326 : i32 to index
      %get3A_1332 = tpu.vector_load %arg11[%get3A_1329, %get3A_1330, %get3A_1331] {strides = array<i32>} : memref<16x2x640xf32, #tpu.memory_space<vmem>>, vector<16xf32>,
      %add3A_1333 = arith.addf %add3A_1324, %get3A_1332 : vector<16xf32>
      %mul3A_1334 = arith.constant 16 : i32
      %mul3A_1335 = arith.muli %scan3A_1208, %mul3A_1334 : i32
      %get3A_1336 = arith.constant 14 : i32
      %get3A_1337 = arith.constant 0 : i32
      %get3A_1338 = arith.index_cast %get3A_1336 : i32 to index
      %get3A_1339 = arith.index_cast %get3A_1337 : i32 to index
      %get3A_1340 = arith.index_cast %mul3A_1335 : i32 to index
      %get3A_1341 = tpu.vector_load %arg11[%get3A_1338, %get3A_1339, %get3A_1340] {strides = array<i32>} : memref<16x2x640xf32, #tpu.memory_space<vmem>>, vector<16xf32>,
      %add3A_1342 = arith.addf %add3A_1333, %get3A_1341 : vector<16xf32>
      %mul3A_1343 = arith.constant 16 : i32
      %mul3A_1344 = arith.muli %scan3A_1208, %mul3A_1343 : i32
      %get3A_1345 = arith.constant 15 : i32
      %get3A_1346 = arith.constant 0 : i32
      %get3A_1347 = arith.index_cast %get3A_1345 : i32 to index
      %get3A_1348 = arith.index_cast %get3A_1346 : i32 to index
      %get3A_1349 = arith.index_cast %mul3A_1344 : i32 to index
      %get3A_1350 = tpu.vector_load %arg11[%get3A_1347, %get3A_1348, %get3A_1349] {strides = array<i32>} : memref<16x2x640xf32, #tpu.memory_space<vmem>>, vector<16xf32>,
      %add3A_1351 = arith.addf %add3A_1342, %get3A_1350 : vector<16xf32>
      %mul3A_1352 = arith.constant 8 : i32
      %mul3A_1353 = vector.broadcast %mul3A_1352 : i32 to vector<16xi32>
      %mul3A_1354 = arith.muli %iota3A, %mul3A_1353 : vector<16xi32>
      %add3A_1355 = arith.constant 0 : i32
      %add3A_1356 = vector.broadcast %add3A_1355 : i32 to vector<16xi32>
      %add3A_1357 = arith.addi %mul3A_1354, %add3A_1356 : vector<16xi32>
      %scatter3A = arith.constant 0 : i32
      %scatter3A_1358 = tpu.memref_slice %arg12[%scan3A_1208, %scatter3A] : memref<40x128xf32, #tpu.memory_space<vmem>> -> memref<1x128xf32, #tpu.memory_space<vmem>>
      %scatter3A_1359 = tpu.memref_squeeze %scatter3A_1358 : memref<1x128xf32, #tpu.memory_space<vmem>> -> memref<128xf32, #tpu.memory_space<vmem>>
      tpu.vector_store_idx %scatter3A_1359[%add3A_1357], %add3A_1351 : memref<128xf32, #tpu.memory_space<vmem>>[vector<16xi32>], vector<16xf32>,
      %mul3A_1360 = arith.constant 8 : i32
      %mul3A_1361 = vector.broadcast %mul3A_1360 : i32 to vector<16xi32>
      %mul3A_1362 = arith.muli %iota3A, %mul3A_1361 : vector<16xi32>
      %add3A_1363 = arith.constant 1 : i32
      %add3A_1364 = vector.broadcast %add3A_1363 : i32 to vector<16xi32>
      %add3A_1365 = arith.addi %mul3A_1362, %add3A_1364 : vector<16xi32>
      %scatter3A_1366 = arith.constant 0 : i32
      %scatter3A_1367 = tpu.memref_slice %arg12[%scan3A_1208, %scatter3A_1366] : memref<40x128xf32, #tpu.memory_space<vmem>> -> memref<1x128xf32, #tpu.memory_space<vmem>>
      %scatter3A_1368 = tpu.memref_squeeze %scatter3A_1367 : memref<1x128xf32, #tpu.memory_space<vmem>> -> memref<128xf32, #tpu.memory_space<vmem>>
      tpu.vector_store_idx %scatter3A_1368[%add3A_1365], %add3A_1351 : memref<128xf32, #tpu.memory_space<vmem>>[vector<16xi32>], vector<16xf32>,
      %mul3A_1369 = arith.constant 8 : i32
      %mul3A_1370 = vector.broadcast %mul3A_1369 : i32 to vector<16xi32>
      %mul3A_1371 = arith.muli %iota3A, %mul3A_1370 : vector<16xi32>
      %add3A_1372 = arith.constant 2 : i32
      %add3A_1373 = vector.broadcast %add3A_1372 : i32 to vector<16xi32>
      %add3A_1374 = arith.addi %mul3A_1371, %add3A_1373 : vector<16xi32>
      %scatter3A_1375 = arith.constant 0 : i32
      %scatter3A_1376 = tpu.memref_slice %arg12[%scan3A_1208, %scatter3A_1375] : memref<40x128xf32, #tpu.memory_space<vmem>> -> memref<1x128xf32, #tpu.memory_space<vmem>>
      %scatter3A_1377 = tpu.memref_squeeze %scatter3A_1376 : memref<1x128xf32, #tpu.memory_space<vmem>> -> memref<128xf32, #tpu.memory_space<vmem>>
      tpu.vector_store_idx %scatter3A_1377[%add3A_1374], %add3A_1351 : memref<128xf32, #tpu.memory_space<vmem>>[vector<16xi32>], vector<16xf32>,
      %mul3A_1378 = arith.constant 8 : i32
      %mul3A_1379 = vector.broadcast %mul3A_1378 : i32 to vector<16xi32>
      %mul3A_1380 = arith.muli %iota3A, %mul3A_1379 : vector<16xi32>
      %add3A_1381 = arith.constant 3 : i32
      %add3A_1382 = vector.broadcast %add3A_1381 : i32 to vector<16xi32>
      %add3A_1383 = arith.addi %mul3A_1380, %add3A_1382 : vector<16xi32>
      %scatter3A_1384 = arith.constant 0 : i32
      %scatter3A_1385 = tpu.memref_slice %arg12[%scan3A_1208, %scatter3A_1384] : memref<40x128xf32, #tpu.memory_space<vmem>> -> memref<1x128xf32, #tpu.memory_space<vmem>>
      %scatter3A_1386 = tpu.memref_squeeze %scatter3A_1385 : memref<1x128xf32, #tpu.memory_space<vmem>> -> memref<128xf32, #tpu.memory_space<vmem>>
      tpu.vector_store_idx %scatter3A_1386[%add3A_1383], %add3A_1351 : memref<128xf32, #tpu.memory_space<vmem>>[vector<16xi32>], vector<16xf32>,
      %mul3A_1387 = arith.constant 8 : i32
      %mul3A_1388 = vector.broadcast %mul3A_1387 : i32 to vector<16xi32>
      %mul3A_1389 = arith.muli %iota3A, %mul3A_1388 : vector<16xi32>
      %add3A_1390 = arith.constant 4 : i32
      %add3A_1391 = vector.broadcast %add3A_1390 : i32 to vector<16xi32>
      %add3A_1392 = arith.addi %mul3A_1389, %add3A_1391 : vector<16xi32>
      %scatter3A_1393 = arith.constant 0 : i32
      %scatter3A_1394 = tpu.memref_slice %arg12[%scan3A_1208, %scatter3A_1393] : memref<40x128xf32, #tpu.memory_space<vmem>> -> memref<1x128xf32, #tpu.memory_space<vmem>>
      %scatter3A_1395 = tpu.memref_squeeze %scatter3A_1394 : memref<1x128xf32, #tpu.memory_space<vmem>> -> memref<128xf32, #tpu.memory_space<vmem>>
      tpu.vector_store_idx %scatter3A_1395[%add3A_1392], %add3A_1351 : memref<128xf32, #tpu.memory_space<vmem>>[vector<16xi32>], vector<16xf32>,
      %mul3A_1396 = arith.constant 8 : i32
      %mul3A_1397 = vector.broadcast %mul3A_1396 : i32 to vector<16xi32>
      %mul3A_1398 = arith.muli %iota3A, %mul3A_1397 : vector<16xi32>
      %add3A_1399 = arith.constant 5 : i32
      %add3A_1400 = vector.broadcast %add3A_1399 : i32 to vector<16xi32>
      %add3A_1401 = arith.addi %mul3A_1398, %add3A_1400 : vector<16xi32>
      %scatter3A_1402 = arith.constant 0 : i32
      %scatter3A_1403 = tpu.memref_slice %arg12[%scan3A_1208, %scatter3A_1402] : memref<40x128xf32, #tpu.memory_space<vmem>> -> memref<1x128xf32, #tpu.memory_space<vmem>>
      %scatter3A_1404 = tpu.memref_squeeze %scatter3A_1403 : memref<1x128xf32, #tpu.memory_space<vmem>> -> memref<128xf32, #tpu.memory_space<vmem>>
      tpu.vector_store_idx %scatter3A_1404[%add3A_1401], %add3A_1351 : memref<128xf32, #tpu.memory_space<vmem>>[vector<16xi32>], vector<16xf32>,
      %mul3A_1405 = arith.constant 8 : i32
      %mul3A_1406 = vector.broadcast %mul3A_1405 : i32 to vector<16xi32>
      %mul3A_1407 = arith.muli %iota3A, %mul3A_1406 : vector<16xi32>
      %add3A_1408 = arith.constant 6 : i32
      %add3A_1409 = vector.broadcast %add3A_1408 : i32 to vector<16xi32>
      %add3A_1410 = arith.addi %mul3A_1407, %add3A_1409 : vector<16xi32>
      %scatter3A_1411 = arith.constant 0 : i32
      %scatter3A_1412 = tpu.memref_slice %arg12[%scan3A_1208, %scatter3A_1411] : memref<40x128xf32, #tpu.memory_space<vmem>> -> memref<1x128xf32, #tpu.memory_space<vmem>>
      %scatter3A_1413 = tpu.memref_squeeze %scatter3A_1412 : memref<1x128xf32, #tpu.memory_space<vmem>> -> memref<128xf32, #tpu.memory_space<vmem>>
      tpu.vector_store_idx %scatter3A_1413[%add3A_1410], %add3A_1351 : memref<128xf32, #tpu.memory_space<vmem>>[vector<16xi32>], vector<16xf32>,
      %mul3A_1414 = arith.constant 8 : i32
      %mul3A_1415 = vector.broadcast %mul3A_1414 : i32 to vector<16xi32>
      %mul3A_1416 = arith.muli %iota3A, %mul3A_1415 : vector<16xi32>
      %add3A_1417 = arith.constant 7 : i32
      %add3A_1418 = vector.broadcast %add3A_1417 : i32 to vector<16xi32>
      %add3A_1419 = arith.addi %mul3A_1416, %add3A_1418 : vector<16xi32>
      %scatter3A_1420 = arith.constant 0 : i32
      %scatter3A_1421 = tpu.memref_slice %arg12[%scan3A_1208, %scatter3A_1420] : memref<40x128xf32, #tpu.memory_space<vmem>> -> memref<1x128xf32, #tpu.memory_space<vmem>>
      %scatter3A_1422 = tpu.memref_squeeze %scatter3A_1421 : memref<1x128xf32, #tpu.memory_space<vmem>> -> memref<128xf32, #tpu.memory_space<vmem>>
      tpu.vector_store_idx %scatter3A_1422[%add3A_1419], %add3A_1351 : memref<128xf32, #tpu.memory_space<vmem>>[vector<16xi32>], vector<16xf32>,
    }
    %scan3A_1183 = arith.constant 40 : i32
    %mul3A_1184 = arith.constant 40 : i32
    %mul3A_1185 = arith.muli %arg1, %mul3A_1184 : i32
    %run_scoped3A_1186 = arith.constant 0 : i32
    "tpu.region"() ({
      %run_scoped3A_1208 = tpu.sem_alloc : memref<!tpu.dma_semaphore, #tpu.memory_space<semaphore_mem>>
      %dma_start3A_1209 = arith.constant 0 : i32
      %dma_start3A_1210 = tpu.memref_slice %arg3[%arg0, %run_scoped3A_1186, %mul3A_1185, %dma_start3A_1209] : memref<2x2x640x128xf32, #tpu.memory_space<hbm>> -> memref<1x1x40x128xf32, #tpu.memory_space<hbm>>
      %dma_start3A_1211 = tpu.memref_squeeze %dma_start3A_1210 : memref<1x1x40x128xf32, #tpu.memory_space<hbm>> -> memref<40x128xf32, #tpu.memory_space<hbm>>
      %dma_start3A_1212 = arith.constant 0 : i32
      %dma_start3A_1213 = tpu.memref_slice %arg3[%arg0, %run_scoped3A_1186, %mul3A_1185, %dma_start3A_1212] : memref<2x2x640x128xf32, #tpu.memory_space<hbm>> -> memref<1x1x40x128xf32, #tpu.memory_space<hbm>>
      %dma_start3A_1214 = tpu.memref_squeeze %dma_start3A_1213 : memref<1x1x40x128xf32, #tpu.memory_space<hbm>> -> memref<40x128xf32, #tpu.memory_space<hbm>>
      tpu.enqueue_dma source(%arg12 : memref<40x128xf32, #tpu.memory_space<vmem>>) target(%dma_start3A_1214 : memref<40x128xf32, #tpu.memory_space<hbm>>) target_semaphore(%run_scoped3A_1208 : memref<!tpu.dma_semaphore, #tpu.memory_space<semaphore_mem>>)
      %dma_wait3A_1215 = arith.constant 0 : i32
      %dma_wait3A_1216 = tpu.memref_slice %arg3[%arg0, %run_scoped3A_1186, %mul3A_1185, %dma_wait3A_1215] : memref<2x2x640x128xf32, #tpu.memory_space<hbm>> -> memref<1x1x40x128xf32, #tpu.memory_space<hbm>>
      %dma_wait3A_1217 = tpu.memref_squeeze %dma_wait3A_1216 : memref<1x1x40x128xf32, #tpu.memory_space<hbm>> -> memref<40x128xf32, #tpu.memory_space<hbm>>
      %dma_wait3A_1218 = arith.constant 0 : i32
      %dma_wait3A_1219 = tpu.memref_slice %arg3[%arg0, %run_scoped3A_1186, %mul3A_1185, %dma_wait3A_1218] : memref<2x2x640x128xf32, #tpu.memory_space<hbm>> -> memref<1x1x40x128xf32, #tpu.memory_space<hbm>>
      %dma_wait3A_1220 = tpu.memref_squeeze %dma_wait3A_1219 : memref<1x1x40x128xf32, #tpu.memory_space<hbm>> -> memref<40x128xf32, #tpu.memory_space<hbm>>
      tpu.wait_dma2 semaphore(%run_scoped3A_1208 : memref<!tpu.dma_semaphore, #tpu.memory_space<semaphore_mem>>) src(%arg12 : memref<40x128xf32, #tpu.memory_space<vmem>>) dst(%dma_wait3A_1220 : memref<40x128xf32, #tpu.memory_space<hbm>>)
      tpu.yield
    }) : () -> ()
    %scan3A_1187 = arith.constant 0 : i32
    %scan3A_1188 = arith.constant 0 : i32
    %scan3A_1189 = arith.constant 40 : i32
    %scan3A_1190 = arith.addi %scan3A_1188, %scan3A_1189 : i32
    %scan3A_1191 = arith.constant 1 : i32
    scf.for %scan3A_1208 = %scan3A_1188 to %scan3A_1190 step %scan3A_1191  : i32 {
      %mul3A_1209 = arith.constant 16 : i32
      %mul3A_1210 = arith.muli %scan3A_1208, %mul3A_1209 : i32
      %get3A_1211 = arith.constant 0 : i32
      %get3A_1212 = arith.constant 1 : i32
      %get3A_1213 = arith.index_cast %get3A_1211 : i32 to index
      %get3A_1214 = arith.index_cast %get3A_1212 : i32 to index
      %get3A_1215 = arith.index_cast %mul3A_1210 : i32 to index
      %get3A_1216 = tpu.vector_load %arg11[%get3A_1213, %get3A_1214, %get3A_1215] {strides = array<i32>} : memref<16x2x640xf32, #tpu.memory_space<vmem>>, vector<16xf32>,
      %mul3A_1217 = arith.constant 16 : i32
      %mul3A_1218 = arith.muli %scan3A_1208, %mul3A_1217 : i32
      %get3A_1219 = arith.constant 1 : i32
      %get3A_1220 = arith.constant 1 : i32
      %get3A_1221 = arith.index_cast %get3A_1219 : i32 to index
      %get3A_1222 = arith.index_cast %get3A_1220 : i32 to index
      %get3A_1223 = arith.index_cast %mul3A_1218 : i32 to index
      %get3A_1224 = tpu.vector_load %arg11[%get3A_1221, %get3A_1222, %get3A_1223] {strides = array<i32>} : memref<16x2x640xf32, #tpu.memory_space<vmem>>, vector<16xf32>,
      %add3A_1225 = arith.addf %get3A_1216, %get3A_1224 : vector<16xf32>
      %mul3A_1226 = arith.constant 16 : i32
      %mul3A_1227 = arith.muli %scan3A_1208, %mul3A_1226 : i32
      %get3A_1228 = arith.constant 2 : i32
      %get3A_1229 = arith.constant 1 : i32
      %get3A_1230 = arith.index_cast %get3A_1228 : i32 to index
      %get3A_1231 = arith.index_cast %get3A_1229 : i32 to index
      %get3A_1232 = arith.index_cast %mul3A_1227 : i32 to index
      %get3A_1233 = tpu.vector_load %arg11[%get3A_1230, %get3A_1231, %get3A_1232] {strides = array<i32>} : memref<16x2x640xf32, #tpu.memory_space<vmem>>, vector<16xf32>,
      %add3A_1234 = arith.addf %add3A_1225, %get3A_1233 : vector<16xf32>
      %mul3A_1235 = arith.constant 16 : i32
      %mul3A_1236 = arith.muli %scan3A_1208, %mul3A_1235 : i32
      %get3A_1237 = arith.constant 3 : i32
      %get3A_1238 = arith.constant 1 : i32
      %get3A_1239 = arith.index_cast %get3A_1237 : i32 to index
      %get3A_1240 = arith.index_cast %get3A_1238 : i32 to index
      %get3A_1241 = arith.index_cast %mul3A_1236 : i32 to index
      %get3A_1242 = tpu.vector_load %arg11[%get3A_1239, %get3A_1240, %get3A_1241] {strides = array<i32>} : memref<16x2x640xf32, #tpu.memory_space<vmem>>, vector<16xf32>,
      %add3A_1243 = arith.addf %add3A_1234, %get3A_1242 : vector<16xf32>
      %mul3A_1244 = arith.constant 16 : i32
      %mul3A_1245 = arith.muli %scan3A_1208, %mul3A_1244 : i32
      %get3A_1246 = arith.constant 4 : i32
      %get3A_1247 = arith.constant 1 : i32
      %get3A_1248 = arith.index_cast %get3A_1246 : i32 to index
      %get3A_1249 = arith.index_cast %get3A_1247 : i32 to index
      %get3A_1250 = arith.index_cast %mul3A_1245 : i32 to index
      %get3A_1251 = tpu.vector_load %arg11[%get3A_1248, %get3A_1249, %get3A_1250] {strides = array<i32>} : memref<16x2x640xf32, #tpu.memory_space<vmem>>, vector<16xf32>,
      %add3A_1252 = arith.addf %add3A_1243, %get3A_1251 : vector<16xf32>
      %mul3A_1253 = arith.constant 16 : i32
      %mul3A_1254 = arith.muli %scan3A_1208, %mul3A_1253 : i32
      %get3A_1255 = arith.constant 5 : i32
      %get3A_1256 = arith.constant 1 : i32
      %get3A_1257 = arith.index_cast %get3A_1255 : i32 to index
      %get3A_1258 = arith.index_cast %get3A_1256 : i32 to index
      %get3A_1259 = arith.index_cast %mul3A_1254 : i32 to index
      %get3A_1260 = tpu.vector_load %arg11[%get3A_1257, %get3A_1258, %get3A_1259] {strides = array<i32>} : memref<16x2x640xf32, #tpu.memory_space<vmem>>, vector<16xf32>,
      %add3A_1261 = arith.addf %add3A_1252, %get3A_1260 : vector<16xf32>
      %mul3A_1262 = arith.constant 16 : i32
      %mul3A_1263 = arith.muli %scan3A_1208, %mul3A_1262 : i32
      %get3A_1264 = arith.constant 6 : i32
      %get3A_1265 = arith.constant 1 : i32
      %get3A_1266 = arith.index_cast %get3A_1264 : i32 to index
      %get3A_1267 = arith.index_cast %get3A_1265 : i32 to index
      %get3A_1268 = arith.index_cast %mul3A_1263 : i32 to index
      %get3A_1269 = tpu.vector_load %arg11[%get3A_1266, %get3A_1267, %get3A_1268] {strides = array<i32>} : memref<16x2x640xf32, #tpu.memory_space<vmem>>, vector<16xf32>,
      %add3A_1270 = arith.addf %add3A_1261, %get3A_1269 : vector<16xf32>
      %mul3A_1271 = arith.constant 16 : i32
      %mul3A_1272 = arith.muli %scan3A_1208, %mul3A_1271 : i32
      %get3A_1273 = arith.constant 7 : i32
      %get3A_1274 = arith.constant 1 : i32
      %get3A_1275 = arith.index_cast %get3A_1273 : i32 to index
      %get3A_1276 = arith.index_cast %get3A_1274 : i32 to index
      %get3A_1277 = arith.index_cast %mul3A_1272 : i32 to index
      %get3A_1278 = tpu.vector_load %arg11[%get3A_1275, %get3A_1276, %get3A_1277] {strides = array<i32>} : memref<16x2x640xf32, #tpu.memory_space<vmem>>, vector<16xf32>,
      %add3A_1279 = arith.addf %add3A_1270, %get3A_1278 : vector<16xf32>
      %mul3A_1280 = arith.constant 16 : i32
      %mul3A_1281 = arith.muli %scan3A_1208, %mul3A_1280 : i32
      %get3A_1282 = arith.constant 8 : i32
      %get3A_1283 = arith.constant 1 : i32
      %get3A_1284 = arith.index_cast %get3A_1282 : i32 to index
      %get3A_1285 = arith.index_cast %get3A_1283 : i32 to index
      %get3A_1286 = arith.index_cast %mul3A_1281 : i32 to index
      %get3A_1287 = tpu.vector_load %arg11[%get3A_1284, %get3A_1285, %get3A_1286] {strides = array<i32>} : memref<16x2x640xf32, #tpu.memory_space<vmem>>, vector<16xf32>,
      %add3A_1288 = arith.addf %add3A_1279, %get3A_1287 : vector<16xf32>
      %mul3A_1289 = arith.constant 16 : i32
      %mul3A_1290 = arith.muli %scan3A_1208, %mul3A_1289 : i32
      %get3A_1291 = arith.constant 9 : i32
      %get3A_1292 = arith.constant 1 : i32
      %get3A_1293 = arith.index_cast %get3A_1291 : i32 to index
      %get3A_1294 = arith.index_cast %get3A_1292 : i32 to index
      %get3A_1295 = arith.index_cast %mul3A_1290 : i32 to index
      %get3A_1296 = tpu.vector_load %arg11[%get3A_1293, %get3A_1294, %get3A_1295] {strides = array<i32>} : memref<16x2x640xf32, #tpu.memory_space<vmem>>, vector<16xf32>,
      %add3A_1297 = arith.addf %add3A_1288, %get3A_1296 : vector<16xf32>
      %mul3A_1298 = arith.constant 16 : i32
      %mul3A_1299 = arith.muli %scan3A_1208, %mul3A_1298 : i32
      %get3A_1300 = arith.constant 10 : i32
      %get3A_1301 = arith.constant 1 : i32
      %get3A_1302 = arith.index_cast %get3A_1300 : i32 to index
      %get3A_1303 = arith.index_cast %get3A_1301 : i32 to index
      %get3A_1304 = arith.index_cast %mul3A_1299 : i32 to index
      %get3A_1305 = tpu.vector_load %arg11[%get3A_1302, %get3A_1303, %get3A_1304] {strides = array<i32>} : memref<16x2x640xf32, #tpu.memory_space<vmem>>, vector<16xf32>,
      %add3A_1306 = arith.addf %add3A_1297, %get3A_1305 : vector<16xf32>
      %mul3A_1307 = arith.constant 16 : i32
      %mul3A_1308 = arith.muli %scan3A_1208, %mul3A_1307 : i32
      %get3A_1309 = arith.constant 11 : i32
      %get3A_1310 = arith.constant 1 : i32
      %get3A_1311 = arith.index_cast %get3A_1309 : i32 to index
      %get3A_1312 = arith.index_cast %get3A_1310 : i32 to index
      %get3A_1313 = arith.index_cast %mul3A_1308 : i32 to index
      %get3A_1314 = tpu.vector_load %arg11[%get3A_1311, %get3A_1312, %get3A_1313] {strides = array<i32>} : memref<16x2x640xf32, #tpu.memory_space<vmem>>, vector<16xf32>,
      %add3A_1315 = arith.addf %add3A_1306, %get3A_1314 : vector<16xf32>
      %mul3A_1316 = arith.constant 16 : i32
      %mul3A_1317 = arith.muli %scan3A_1208, %mul3A_1316 : i32
      %get3A_1318 = arith.constant 12 : i32
      %get3A_1319 = arith.constant 1 : i32
      %get3A_1320 = arith.index_cast %get3A_1318 : i32 to index
      %get3A_1321 = arith.index_cast %get3A_1319 : i32 to index
      %get3A_1322 = arith.index_cast %mul3A_1317 : i32 to index
      %get3A_1323 = tpu.vector_load %arg11[%get3A_1320, %get3A_1321, %get3A_1322] {strides = array<i32>} : memref<16x2x640xf32, #tpu.memory_space<vmem>>, vector<16xf32>,
      %add3A_1324 = arith.addf %add3A_1315, %get3A_1323 : vector<16xf32>
      %mul3A_1325 = arith.constant 16 : i32
      %mul3A_1326 = arith.muli %scan3A_1208, %mul3A_1325 : i32
      %get3A_1327 = arith.constant 13 : i32
      %get3A_1328 = arith.constant 1 : i32
      %get3A_1329 = arith.index_cast %get3A_1327 : i32 to index
      %get3A_1330 = arith.index_cast %get3A_1328 : i32 to index
      %get3A_1331 = arith.index_cast %mul3A_1326 : i32 to index
      %get3A_1332 = tpu.vector_load %arg11[%get3A_1329, %get3A_1330, %get3A_1331] {strides = array<i32>} : memref<16x2x640xf32, #tpu.memory_space<vmem>>, vector<16xf32>,
      %add3A_1333 = arith.addf %add3A_1324, %get3A_1332 : vector<16xf32>
      %mul3A_1334 = arith.constant 16 : i32
      %mul3A_1335 = arith.muli %scan3A_1208, %mul3A_1334 : i32
      %get3A_1336 = arith.constant 14 : i32
      %get3A_1337 = arith.constant 1 : i32
      %get3A_1338 = arith.index_cast %get3A_1336 : i32 to index
      %get3A_1339 = arith.index_cast %get3A_1337 : i32 to index
      %get3A_1340 = arith.index_cast %mul3A_1335 : i32 to index
      %get3A_1341 = tpu.vector_load %arg11[%get3A_1338, %get3A_1339, %get3A_1340] {strides = array<i32>} : memref<16x2x640xf32, #tpu.memory_space<vmem>>, vector<16xf32>,
      %add3A_1342 = arith.addf %add3A_1333, %get3A_1341 : vector<16xf32>
      %mul3A_1343 = arith.constant 16 : i32
      %mul3A_1344 = arith.muli %scan3A_1208, %mul3A_1343 : i32
      %get3A_1345 = arith.constant 15 : i32
      %get3A_1346 = arith.constant 1 : i32
      %get3A_1347 = arith.index_cast %get3A_1345 : i32 to index
      %get3A_1348 = arith.index_cast %get3A_1346 : i32 to index
      %get3A_1349 = arith.index_cast %mul3A_1344 : i32 to index
      %get3A_1350 = tpu.vector_load %arg11[%get3A_1347, %get3A_1348, %get3A_1349] {strides = array<i32>} : memref<16x2x640xf32, #tpu.memory_space<vmem>>, vector<16xf32>,
      %add3A_1351 = arith.addf %add3A_1342, %get3A_1350 : vector<16xf32>
      %mul3A_1352 = arith.constant 8 : i32
      %mul3A_1353 = vector.broadcast %mul3A_1352 : i32 to vector<16xi32>
      %mul3A_1354 = arith.muli %iota3A, %mul3A_1353 : vector<16xi32>
      %add3A_1355 = arith.constant 0 : i32
      %add3A_1356 = vector.broadcast %add3A_1355 : i32 to vector<16xi32>
      %add3A_1357 = arith.addi %mul3A_1354, %add3A_1356 : vector<16xi32>
      %scatter3A = arith.constant 0 : i32
      %scatter3A_1358 = tpu.memref_slice %arg12[%scan3A_1208, %scatter3A] : memref<40x128xf32, #tpu.memory_space<vmem>> -> memref<1x128xf32, #tpu.memory_space<vmem>>
      %scatter3A_1359 = tpu.memref_squeeze %scatter3A_1358 : memref<1x128xf32, #tpu.memory_space<vmem>> -> memref<128xf32, #tpu.memory_space<vmem>>
      tpu.vector_store_idx %scatter3A_1359[%add3A_1357], %add3A_1351 : memref<128xf32, #tpu.memory_space<vmem>>[vector<16xi32>], vector<16xf32>,
      %mul3A_1360 = arith.constant 8 : i32
      %mul3A_1361 = vector.broadcast %mul3A_1360 : i32 to vector<16xi32>
      %mul3A_1362 = arith.muli %iota3A, %mul3A_1361 : vector<16xi32>
      %add3A_1363 = arith.constant 1 : i32
      %add3A_1364 = vector.broadcast %add3A_1363 : i32 to vector<16xi32>
      %add3A_1365 = arith.addi %mul3A_1362, %add3A_1364 : vector<16xi32>
      %scatter3A_1366 = arith.constant 0 : i32
      %scatter3A_1367 = tpu.memref_slice %arg12[%scan3A_1208, %scatter3A_1366] : memref<40x128xf32, #tpu.memory_space<vmem>> -> memref<1x128xf32, #tpu.memory_space<vmem>>
      %scatter3A_1368 = tpu.memref_squeeze %scatter3A_1367 : memref<1x128xf32, #tpu.memory_space<vmem>> -> memref<128xf32, #tpu.memory_space<vmem>>
      tpu.vector_store_idx %scatter3A_1368[%add3A_1365], %add3A_1351 : memref<128xf32, #tpu.memory_space<vmem>>[vector<16xi32>], vector<16xf32>,
      %mul3A_1369 = arith.constant 8 : i32
      %mul3A_1370 = vector.broadcast %mul3A_1369 : i32 to vector<16xi32>
      %mul3A_1371 = arith.muli %iota3A, %mul3A_1370 : vector<16xi32>
      %add3A_1372 = arith.constant 2 : i32
      %add3A_1373 = vector.broadcast %add3A_1372 : i32 to vector<16xi32>
      %add3A_1374 = arith.addi %mul3A_1371, %add3A_1373 : vector<16xi32>
      %scatter3A_1375 = arith.constant 0 : i32
      %scatter3A_1376 = tpu.memref_slice %arg12[%scan3A_1208, %scatter3A_1375] : memref<40x128xf32, #tpu.memory_space<vmem>> -> memref<1x128xf32, #tpu.memory_space<vmem>>
      %scatter3A_1377 = tpu.memref_squeeze %scatter3A_1376 : memref<1x128xf32, #tpu.memory_space<vmem>> -> memref<128xf32, #tpu.memory_space<vmem>>
      tpu.vector_store_idx %scatter3A_1377[%add3A_1374], %add3A_1351 : memref<128xf32, #tpu.memory_space<vmem>>[vector<16xi32>], vector<16xf32>,
      %mul3A_1378 = arith.constant 8 : i32
      %mul3A_1379 = vector.broadcast %mul3A_1378 : i32 to vector<16xi32>
      %mul3A_1380 = arith.muli %iota3A, %mul3A_1379 : vector<16xi32>
      %add3A_1381 = arith.constant 3 : i32
      %add3A_1382 = vector.broadcast %add3A_1381 : i32 to vector<16xi32>
      %add3A_1383 = arith.addi %mul3A_1380, %add3A_1382 : vector<16xi32>
      %scatter3A_1384 = arith.constant 0 : i32
      %scatter3A_1385 = tpu.memref_slice %arg12[%scan3A_1208, %scatter3A_1384] : memref<40x128xf32, #tpu.memory_space<vmem>> -> memref<1x128xf32, #tpu.memory_space<vmem>>
      %scatter3A_1386 = tpu.memref_squeeze %scatter3A_1385 : memref<1x128xf32, #tpu.memory_space<vmem>> -> memref<128xf32, #tpu.memory_space<vmem>>
      tpu.vector_store_idx %scatter3A_1386[%add3A_1383], %add3A_1351 : memref<128xf32, #tpu.memory_space<vmem>>[vector<16xi32>], vector<16xf32>,
      %mul3A_1387 = arith.constant 8 : i32
      %mul3A_1388 = vector.broadcast %mul3A_1387 : i32 to vector<16xi32>
      %mul3A_1389 = arith.muli %iota3A, %mul3A_1388 : vector<16xi32>
      %add3A_1390 = arith.constant 4 : i32
      %add3A_1391 = vector.broadcast %add3A_1390 : i32 to vector<16xi32>
      %add3A_1392 = arith.addi %mul3A_1389, %add3A_1391 : vector<16xi32>
      %scatter3A_1393 = arith.constant 0 : i32
      %scatter3A_1394 = tpu.memref_slice %arg12[%scan3A_1208, %scatter3A_1393] : memref<40x128xf32, #tpu.memory_space<vmem>> -> memref<1x128xf32, #tpu.memory_space<vmem>>
      %scatter3A_1395 = tpu.memref_squeeze %scatter3A_1394 : memref<1x128xf32, #tpu.memory_space<vmem>> -> memref<128xf32, #tpu.memory_space<vmem>>
      tpu.vector_store_idx %scatter3A_1395[%add3A_1392], %add3A_1351 : memref<128xf32, #tpu.memory_space<vmem>>[vector<16xi32>], vector<16xf32>,
      %mul3A_1396 = arith.constant 8 : i32
      %mul3A_1397 = vector.broadcast %mul3A_1396 : i32 to vector<16xi32>
      %mul3A_1398 = arith.muli %iota3A, %mul3A_1397 : vector<16xi32>
      %add3A_1399 = arith.constant 5 : i32
      %add3A_1400 = vector.broadcast %add3A_1399 : i32 to vector<16xi32>
      %add3A_1401 = arith.addi %mul3A_1398, %add3A_1400 : vector<16xi32>
      %scatter3A_1402 = arith.constant 0 : i32
      %scatter3A_1403 = tpu.memref_slice %arg12[%scan3A_1208, %scatter3A_1402] : memref<40x128xf32, #tpu.memory_space<vmem>> -> memref<1x128xf32, #tpu.memory_space<vmem>>
      %scatter3A_1404 = tpu.memref_squeeze %scatter3A_1403 : memref<1x128xf32, #tpu.memory_space<vmem>> -> memref<128xf32, #tpu.memory_space<vmem>>
      tpu.vector_store_idx %scatter3A_1404[%add3A_1401], %add3A_1351 : memref<128xf32, #tpu.memory_space<vmem>>[vector<16xi32>], vector<16xf32>,
      %mul3A_1405 = arith.constant 8 : i32
      %mul3A_1406 = vector.broadcast %mul3A_1405 : i32 to vector<16xi32>
      %mul3A_1407 = arith.muli %iota3A, %mul3A_1406 : vector<16xi32>
      %add3A_1408 = arith.constant 6 : i32
      %add3A_1409 = vector.broadcast %add3A_1408 : i32 to vector<16xi32>
      %add3A_1410 = arith.addi %mul3A_1407, %add3A_1409 : vector<16xi32>
      %scatter3A_1411 = arith.constant 0 : i32
      %scatter3A_1412 = tpu.memref_slice %arg12[%scan3A_1208, %scatter3A_1411] : memref<40x128xf32, #tpu.memory_space<vmem>> -> memref<1x128xf32, #tpu.memory_space<vmem>>
      %scatter3A_1413 = tpu.memref_squeeze %scatter3A_1412 : memref<1x128xf32, #tpu.memory_space<vmem>> -> memref<128xf32, #tpu.memory_space<vmem>>
      tpu.vector_store_idx %scatter3A_1413[%add3A_1410], %add3A_1351 : memref<128xf32, #tpu.memory_space<vmem>>[vector<16xi32>], vector<16xf32>,
      %mul3A_1414 = arith.constant 8 : i32
      %mul3A_1415 = vector.broadcast %mul3A_1414 : i32 to vector<16xi32>
      %mul3A_1416 = arith.muli %iota3A, %mul3A_1415 : vector<16xi32>
      %add3A_1417 = arith.constant 7 : i32
      %add3A_1418 = vector.broadcast %add3A_1417 : i32 to vector<16xi32>
      %add3A_1419 = arith.addi %mul3A_1416, %add3A_1418 : vector<16xi32>
      %scatter3A_1420 = arith.constant 0 : i32
      %scatter3A_1421 = tpu.memref_slice %arg12[%scan3A_1208, %scatter3A_1420] : memref<40x128xf32, #tpu.memory_space<vmem>> -> memref<1x128xf32, #tpu.memory_space<vmem>>
      %scatter3A_1422 = tpu.memref_squeeze %scatter3A_1421 : memref<1x128xf32, #tpu.memory_space<vmem>> -> memref<128xf32, #tpu.memory_space<vmem>>
      tpu.vector_store_idx %scatter3A_1422[%add3A_1419], %add3A_1351 : memref<128xf32, #tpu.memory_space<vmem>>[vector<16xi32>], vector<16xf32>,
    }
    %scan3A_1192 = arith.constant 40 : i32
    %mul3A_1193 = arith.constant 40 : i32
    %mul3A_1194 = arith.muli %arg1, %mul3A_1193 : i32
    %run_scoped3A_1195 = arith.constant 1 : i32
    "tpu.region"() ({
      %run_scoped3A_1208 = tpu.sem_alloc : memref<!tpu.dma_semaphore, #tpu.memory_space<semaphore_mem>>
      %dma_start3A_1209 = arith.constant 0 : i32
      %dma_start3A_1210 = tpu.memref_slice %arg3[%arg0, %run_scoped3A_1195, %mul3A_1194, %dma_start3A_1209] : memref<2x2x640x128xf32, #tpu.memory_space<hbm>> -> memref<1x1x40x128xf32, #tpu.memory_space<hbm>>
      %dma_start3A_1211 = tpu.memref_squeeze %dma_start3A_1210 : memref<1x1x40x128xf32, #tpu.memory_space<hbm>> -> memref<40x128xf32, #tpu.memory_space<hbm>>
      %dma_start3A_1212 = arith.constant 0 : i32
      %dma_start3A_1213 = tpu.memref_slice %arg3[%arg0, %run_scoped3A_1195, %mul3A_1194, %dma_start3A_1212] : memref<2x2x640x128xf32, #tpu.memory_space<hbm>> -> memref<1x1x40x128xf32, #tpu.memory_space<hbm>>
      %dma_start3A_1214 = tpu.memref_squeeze %dma_start3A_1213 : memref<1x1x40x128xf32, #tpu.memory_space<hbm>> -> memref<40x128xf32, #tpu.memory_space<hbm>>
      tpu.enqueue_dma source(%arg12 : memref<40x128xf32, #tpu.memory_space<vmem>>) target(%dma_start3A_1214 : memref<40x128xf32, #tpu.memory_space<hbm>>) target_semaphore(%run_scoped3A_1208 : memref<!tpu.dma_semaphore, #tpu.memory_space<semaphore_mem>>)
      %dma_wait3A_1215 = arith.constant 0 : i32
      %dma_wait3A_1216 = tpu.memref_slice %arg3[%arg0, %run_scoped3A_1195, %mul3A_1194, %dma_wait3A_1215] : memref<2x2x640x128xf32, #tpu.memory_space<hbm>> -> memref<1x1x40x128xf32, #tpu.memory_space<hbm>>
      %dma_wait3A_1217 = tpu.memref_squeeze %dma_wait3A_1216 : memref<1x1x40x128xf32, #tpu.memory_space<hbm>> -> memref<40x128xf32, #tpu.memory_space<hbm>>
      %dma_wait3A_1218 = arith.constant 0 : i32
      %dma_wait3A_1219 = tpu.memref_slice %arg3[%arg0, %run_scoped3A_1195, %mul3A_1194, %dma_wait3A_1218] : memref<2x2x640x128xf32, #tpu.memory_space<hbm>> -> memref<1x1x40x128xf32, #tpu.memory_space<hbm>>
      %dma_wait3A_1220 = tpu.memref_squeeze %dma_wait3A_1219 : memref<1x1x40x128xf32, #tpu.memory_space<hbm>> -> memref<40x128xf32, #tpu.memory_space<hbm>>
      tpu.wait_dma2 semaphore(%run_scoped3A_1208 : memref<!tpu.dma_semaphore, #tpu.memory_space<semaphore_mem>>) src(%arg12 : memref<40x128xf32, #tpu.memory_space<vmem>>) dst(%dma_wait3A_1220 : memref<40x128xf32, #tpu.memory_space<hbm>>)
      tpu.yield
    }) : () -> ()
    %dma_wait3A_1196 = arith.constant 0 : i32
    %dma_wait3A_1197 = tpu.memref_slice %arg4[%add3A, %dma_wait3A_1196] : memref<32x10240xi32, #tpu.memory_space<hbm>> -> memref<1x10240xi32, #tpu.memory_space<hbm>>
    %dma_wait3A_1198 = tpu.memref_squeeze %dma_wait3A_1197 : memref<1x10240xi32, #tpu.memory_space<hbm>> -> memref<10240xi32, #tpu.memory_space<hbm>>
    %dma_wait3A_1199 = arith.constant 0 : i32
    %dma_wait3A_1200 = tpu.memref_slice %arg4[%add3A, %dma_wait3A_1199] : memref<32x10240xi32, #tpu.memory_space<hbm>> -> memref<1x10240xi32, #tpu.memory_space<hbm>>
    %dma_wait3A_1201 = tpu.memref_squeeze %dma_wait3A_1200 : memref<1x10240xi32, #tpu.memory_space<hbm>> -> memref<10240xi32, #tpu.memory_space<hbm>>
    tpu.wait_dma2 semaphore(%arg14 : memref<!tpu.dma_semaphore, #tpu.memory_space<semaphore_mem>>) src(%arg6 : memref<10240xi32, #tpu.memory_space<vmem>>) dst(%dma_wait3A_1201 : memref<10240xi32, #tpu.memory_space<hbm>>)
    %dma_wait3A_1202 = arith.constant 0 : i32
    %dma_wait3A_1203 = tpu.memref_slice %arg5[%add3A, %dma_wait3A_1202] : memref<32x10240xi32, #tpu.memory_space<hbm>> -> memref<1x10240xi32, #tpu.memory_space<hbm>>
    %dma_wait3A_1204 = tpu.memref_squeeze %dma_wait3A_1203 : memref<1x10240xi32, #tpu.memory_space<hbm>> -> memref<10240xi32, #tpu.memory_space<hbm>>
    %dma_wait3A_1205 = arith.constant 0 : i32
    %dma_wait3A_1206 = tpu.memref_slice %arg5[%add3A, %dma_wait3A_1205] : memref<32x10240xi32, #tpu.memory_space<hbm>> -> memref<1x10240xi32, #tpu.memory_space<hbm>>
    %dma_wait3A_1207 = tpu.memref_squeeze %dma_wait3A_1206 : memref<1x10240xi32, #tpu.memory_space<hbm>> -> memref<10240xi32, #tpu.memory_space<hbm>>
    tpu.wait_dma2 semaphore(%arg14 : memref<!tpu.dma_semaphore, #tpu.memory_space<semaphore_mem>>) src(%arg7 : memref<10240xi32, #tpu.memory_space<vmem>>) dst(%dma_wait3A_1207 : memref<10240xi32, #tpu.memory_space<hbm>>)
    return
  }
}

#map = affine_map<(d0, d1) -> (0, 0)>
#map1 = affine_map<(d0, d1) -> (0, 0, 0)>
module attributes {stable_mosaic.version = 14 : i64} {
  func.func @_msg_body(%arg0: i32, %arg1: i32, %arg2: memref<10000x8xf32, #tpu.memory_space<hbm>>, %arg3: memref<32x80x128xi32, #tpu.memory_space<hbm>>, %arg4: memref<32x80x128xi32, #tpu.memory_space<hbm>>, %arg5: memref<10240x8xf32, #tpu.memory_space<hbm>>, %arg6: memref<2x10240x8xf32, #tpu.memory_space<hbm>>, %arg7: memref<80x128xi32, #tpu.memory_space<vmem>>, %arg8: memref<80x128xi32, #tpu.memory_space<vmem>>, %arg9: memref<128x8xf32, #tpu.memory_space<vmem>>, %arg10: memref<128x8xf32, #tpu.memory_space<vmem>>, %arg11: memref<128x8xf32, #tpu.memory_space<vmem>>, %arg12: memref<128x8xf32, #tpu.memory_space<vmem>>, %arg13: memref<128x8xf32, #tpu.memory_space<vmem>>, %arg14: memref<128x8xf32, #tpu.memory_space<vmem>>, %arg15: memref<128x8xf32, #tpu.memory_space<vmem>>, %arg16: memref<128x8xf32, #tpu.memory_space<vmem>>, %arg17: memref<128x8xf32, #tpu.memory_space<vmem>>, %arg18: memref<128x8xf32, #tpu.memory_space<vmem>>, %arg19: memref<10240x8xf32, #tpu.memory_space<vmem_shared>>, %arg20: memref<!tpu.dma_semaphore, #tpu.memory_space<semaphore_mem>>, %arg21: memref<10x!tpu.dma_semaphore, #tpu.memory_space<semaphore_mem>>, %arg22: memref<10x!tpu.dma_semaphore, #tpu.memory_space<semaphore_mem>>) attributes {dimension_semantics = [#tpu.dimension_semantics<core_parallel>, #tpu.dimension_semantics<subcore_parallel>], iteration_bounds = array<i64: 2, 16>, scalar_prefetch = 0 : i64, scratch_operands = 16 : i64, tpu.core_type = #tpu.core_type<sc_vector_subcore>, window_params = [{transform_indices = #map}, {transform_indices = #map1}, {transform_indices = #map1}, {transform_indices = #map}, {transform_indices = #map1}]} {
    %mul3A = arith.constant 16 : i32
    %mul3A_0 = arith.muli %arg0, %mul3A : i32
    %add3A = arith.addi %mul3A_0, %arg1 : i32
    %dma_start3A = arith.constant 0 : i32
    %dma_start3A_1 = arith.constant 0 : i32
    %dma_start3A_2 = tpu.memref_slice %arg3[%add3A, %dma_start3A, %dma_start3A_1] : memref<32x80x128xi32, #tpu.memory_space<hbm>> -> memref<1x80x128xi32, #tpu.memory_space<hbm>>
    %dma_start3A_3 = tpu.memref_squeeze %dma_start3A_2 : memref<1x80x128xi32, #tpu.memory_space<hbm>> -> memref<80x128xi32, #tpu.memory_space<hbm>>
    %dma_start3A_4 = arith.constant 0 : i32
    %dma_start3A_5 = arith.constant 0 : i32
    %dma_start3A_6 = tpu.memref_slice %arg3[%add3A, %dma_start3A_4, %dma_start3A_5] : memref<32x80x128xi32, #tpu.memory_space<hbm>> -> memref<1x80x128xi32, #tpu.memory_space<hbm>>
    %dma_start3A_7 = tpu.memref_squeeze %dma_start3A_6 : memref<1x80x128xi32, #tpu.memory_space<hbm>> -> memref<80x128xi32, #tpu.memory_space<hbm>>
    tpu.enqueue_dma source(%dma_start3A_7 : memref<80x128xi32, #tpu.memory_space<hbm>>) target(%arg7 : memref<80x128xi32, #tpu.memory_space<vmem>>) target_semaphore(%arg20 : memref<!tpu.dma_semaphore, #tpu.memory_space<semaphore_mem>>)
    %dma_start3A_8 = arith.constant 0 : i32
    %dma_start3A_9 = arith.constant 0 : i32
    %dma_start3A_10 = tpu.memref_slice %arg4[%add3A, %dma_start3A_8, %dma_start3A_9] : memref<32x80x128xi32, #tpu.memory_space<hbm>> -> memref<1x80x128xi32, #tpu.memory_space<hbm>>
    %dma_start3A_11 = tpu.memref_squeeze %dma_start3A_10 : memref<1x80x128xi32, #tpu.memory_space<hbm>> -> memref<80x128xi32, #tpu.memory_space<hbm>>
    %dma_start3A_12 = arith.constant 0 : i32
    %dma_start3A_13 = arith.constant 0 : i32
    %dma_start3A_14 = tpu.memref_slice %arg4[%add3A, %dma_start3A_12, %dma_start3A_13] : memref<32x80x128xi32, #tpu.memory_space<hbm>> -> memref<1x80x128xi32, #tpu.memory_space<hbm>>
    %dma_start3A_15 = tpu.memref_squeeze %dma_start3A_14 : memref<1x80x128xi32, #tpu.memory_space<hbm>> -> memref<80x128xi32, #tpu.memory_space<hbm>>
    tpu.enqueue_dma source(%dma_start3A_15 : memref<80x128xi32, #tpu.memory_space<hbm>>) target(%arg8 : memref<80x128xi32, #tpu.memory_space<vmem>>) target_semaphore(%arg20 : memref<!tpu.dma_semaphore, #tpu.memory_space<semaphore_mem>>)
    %mul3A_16 = arith.constant 640 : i32
    %mul3A_17 = arith.muli %arg1, %mul3A_16 : i32
    %mul3A_18 = arith.constant 640 : i32
    %mul3A_19 = arith.muli %arg1, %mul3A_18 : i32
    "tpu.region"() ({
      %run_scoped3A = tpu.sem_alloc : memref<!tpu.dma_semaphore, #tpu.memory_space<semaphore_mem>>
      %dma_start3A_195 = arith.constant 0 : i32
      %dma_start3A_196 = tpu.memref_slice %arg19[%mul3A_19, %dma_start3A_195] : memref<10240x8xf32, #tpu.memory_space<vmem_shared>> -> memref<640x8xf32, #tpu.memory_space<vmem_shared>>
      %dma_start3A_197 = arith.constant 0 : i32
      %dma_start3A_198 = tpu.memref_slice %arg5[%mul3A_17, %dma_start3A_197] : memref<10240x8xf32, #tpu.memory_space<hbm>> -> memref<640x8xf32, #tpu.memory_space<hbm>>
      tpu.enqueue_dma source(%dma_start3A_198 : memref<640x8xf32, #tpu.memory_space<hbm>>) target(%dma_start3A_196 : memref<640x8xf32, #tpu.memory_space<vmem_shared>>) target_semaphore(%run_scoped3A : memref<!tpu.dma_semaphore, #tpu.memory_space<semaphore_mem>>)
      %dma_wait3A_199 = arith.constant 0 : i32
      %dma_wait3A_200 = tpu.memref_slice %arg19[%mul3A_19, %dma_wait3A_199] : memref<10240x8xf32, #tpu.memory_space<vmem_shared>> -> memref<640x8xf32, #tpu.memory_space<vmem_shared>>
      %dma_wait3A_201 = arith.constant 0 : i32
      %dma_wait3A_202 = tpu.memref_slice %arg5[%mul3A_17, %dma_wait3A_201] : memref<10240x8xf32, #tpu.memory_space<hbm>> -> memref<640x8xf32, #tpu.memory_space<hbm>>
      tpu.wait_dma2 semaphore(%run_scoped3A : memref<!tpu.dma_semaphore, #tpu.memory_space<semaphore_mem>>) src(%dma_wait3A_202 : memref<640x8xf32, #tpu.memory_space<hbm>>) dst(%dma_wait3A_200 : memref<640x8xf32, #tpu.memory_space<vmem_shared>>)
      tpu.yield
    }) : () -> ()
    %dma_wait3A = arith.constant 0 : i32
    %dma_wait3A_20 = arith.constant 0 : i32
    %dma_wait3A_21 = tpu.memref_slice %arg3[%add3A, %dma_wait3A, %dma_wait3A_20] : memref<32x80x128xi32, #tpu.memory_space<hbm>> -> memref<1x80x128xi32, #tpu.memory_space<hbm>>
    %dma_wait3A_22 = tpu.memref_squeeze %dma_wait3A_21 : memref<1x80x128xi32, #tpu.memory_space<hbm>> -> memref<80x128xi32, #tpu.memory_space<hbm>>
    %dma_wait3A_23 = arith.constant 0 : i32
    %dma_wait3A_24 = arith.constant 0 : i32
    %dma_wait3A_25 = tpu.memref_slice %arg3[%add3A, %dma_wait3A_23, %dma_wait3A_24] : memref<32x80x128xi32, #tpu.memory_space<hbm>> -> memref<1x80x128xi32, #tpu.memory_space<hbm>>
    %dma_wait3A_26 = tpu.memref_squeeze %dma_wait3A_25 : memref<1x80x128xi32, #tpu.memory_space<hbm>> -> memref<80x128xi32, #tpu.memory_space<hbm>>
    tpu.wait_dma2 semaphore(%arg20 : memref<!tpu.dma_semaphore, #tpu.memory_space<semaphore_mem>>) src(%dma_wait3A_26 : memref<80x128xi32, #tpu.memory_space<hbm>>) dst(%arg7 : memref<80x128xi32, #tpu.memory_space<vmem>>)
    %dma_wait3A_27 = arith.constant 0 : i32
    %dma_wait3A_28 = arith.constant 0 : i32
    %dma_wait3A_29 = tpu.memref_slice %arg4[%add3A, %dma_wait3A_27, %dma_wait3A_28] : memref<32x80x128xi32, #tpu.memory_space<hbm>> -> memref<1x80x128xi32, #tpu.memory_space<hbm>>
    %dma_wait3A_30 = tpu.memref_squeeze %dma_wait3A_29 : memref<1x80x128xi32, #tpu.memory_space<hbm>> -> memref<80x128xi32, #tpu.memory_space<hbm>>
    %dma_wait3A_31 = arith.constant 0 : i32
    %dma_wait3A_32 = arith.constant 0 : i32
    %dma_wait3A_33 = tpu.memref_slice %arg4[%add3A, %dma_wait3A_31, %dma_wait3A_32] : memref<32x80x128xi32, #tpu.memory_space<hbm>> -> memref<1x80x128xi32, #tpu.memory_space<hbm>>
    %dma_wait3A_34 = tpu.memref_squeeze %dma_wait3A_33 : memref<1x80x128xi32, #tpu.memory_space<hbm>> -> memref<80x128xi32, #tpu.memory_space<hbm>>
    tpu.wait_dma2 semaphore(%arg20 : memref<!tpu.dma_semaphore, #tpu.memory_space<semaphore_mem>>) src(%dma_wait3A_34 : memref<80x128xi32, #tpu.memory_space<hbm>>) dst(%arg8 : memref<80x128xi32, #tpu.memory_space<vmem>>)
    %barrier3A = arith.constant 0 : index
    tpu.barrier barrier_id(%barrier3A)
    %dma_start3A_35 = arith.constant 0 : i32
    %dma_start3A_36 = arith.constant 0 : i32
    %dma_start3A_37 = arith.constant 0 : i32
    %dma_start3A_38 = tpu.memref_slice %arg7[%dma_start3A_35, %dma_start3A_37] : memref<80x128xi32, #tpu.memory_space<vmem>> -> memref<1x128xi32, #tpu.memory_space<vmem>>
    %dma_start3A_39 = tpu.memref_squeeze %dma_start3A_38 : memref<1x128xi32, #tpu.memory_space<vmem>> -> memref<128xi32, #tpu.memory_space<vmem>>
    %dma_start3A_40 = arith.constant 0 : i32
    %dma_start3A_41 = arith.constant 0 : i32
    %dma_start3A_42 = tpu.memref_slice %arg2[%dma_start3A_40, %dma_start3A_41] : memref<10000x8xf32, #tpu.memory_space<hbm>> -> memref<10000x8xf32, #tpu.memory_space<hbm>>
    %dma_start3A_43 = tpu.memref_slice %arg21[%dma_start3A_36] : memref<10x!tpu.dma_semaphore, #tpu.memory_space<semaphore_mem>> -> memref<1x!tpu.dma_semaphore, #tpu.memory_space<semaphore_mem>>
    %dma_start3A_44 = tpu.memref_squeeze %dma_start3A_43 : memref<1x!tpu.dma_semaphore, #tpu.memory_space<semaphore_mem>> -> memref<!tpu.dma_semaphore, #tpu.memory_space<semaphore_mem>>
    tpu.enqueue_indirect_dma source(%dma_start3A_42 : memref<10000x8xf32, #tpu.memory_space<hbm>>) target(%arg9 : memref<128x8xf32, #tpu.memory_space<vmem>>) offsets(%dma_start3A_39 : memref<128xi32, #tpu.memory_space<vmem>>) semaphore(%dma_start3A_44 : memref<!tpu.dma_semaphore, #tpu.memory_space<semaphore_mem>>)
    %dma_start3A_45 = arith.constant 1 : i32
    %dma_start3A_46 = arith.constant 1 : i32
    %dma_start3A_47 = arith.constant 0 : i32
    %dma_start3A_48 = tpu.memref_slice %arg7[%dma_start3A_45, %dma_start3A_47] : memref<80x128xi32, #tpu.memory_space<vmem>> -> memref<1x128xi32, #tpu.memory_space<vmem>>
    %dma_start3A_49 = tpu.memref_squeeze %dma_start3A_48 : memref<1x128xi32, #tpu.memory_space<vmem>> -> memref<128xi32, #tpu.memory_space<vmem>>
    %dma_start3A_50 = arith.constant 0 : i32
    %dma_start3A_51 = arith.constant 0 : i32
    %dma_start3A_52 = tpu.memref_slice %arg2[%dma_start3A_50, %dma_start3A_51] : memref<10000x8xf32, #tpu.memory_space<hbm>> -> memref<10000x8xf32, #tpu.memory_space<hbm>>
    %dma_start3A_53 = tpu.memref_slice %arg21[%dma_start3A_46] : memref<10x!tpu.dma_semaphore, #tpu.memory_space<semaphore_mem>> -> memref<1x!tpu.dma_semaphore, #tpu.memory_space<semaphore_mem>>
    %dma_start3A_54 = tpu.memref_squeeze %dma_start3A_53 : memref<1x!tpu.dma_semaphore, #tpu.memory_space<semaphore_mem>> -> memref<!tpu.dma_semaphore, #tpu.memory_space<semaphore_mem>>
    tpu.enqueue_indirect_dma source(%dma_start3A_52 : memref<10000x8xf32, #tpu.memory_space<hbm>>) target(%arg10 : memref<128x8xf32, #tpu.memory_space<vmem>>) offsets(%dma_start3A_49 : memref<128xi32, #tpu.memory_space<vmem>>) semaphore(%dma_start3A_54 : memref<!tpu.dma_semaphore, #tpu.memory_space<semaphore_mem>>)
    %dma_start3A_55 = arith.constant 2 : i32
    %dma_start3A_56 = arith.constant 2 : i32
    %dma_start3A_57 = arith.constant 0 : i32
    %dma_start3A_58 = tpu.memref_slice %arg7[%dma_start3A_55, %dma_start3A_57] : memref<80x128xi32, #tpu.memory_space<vmem>> -> memref<1x128xi32, #tpu.memory_space<vmem>>
    %dma_start3A_59 = tpu.memref_squeeze %dma_start3A_58 : memref<1x128xi32, #tpu.memory_space<vmem>> -> memref<128xi32, #tpu.memory_space<vmem>>
    %dma_start3A_60 = arith.constant 0 : i32
    %dma_start3A_61 = arith.constant 0 : i32
    %dma_start3A_62 = tpu.memref_slice %arg2[%dma_start3A_60, %dma_start3A_61] : memref<10000x8xf32, #tpu.memory_space<hbm>> -> memref<10000x8xf32, #tpu.memory_space<hbm>>
    %dma_start3A_63 = tpu.memref_slice %arg21[%dma_start3A_56] : memref<10x!tpu.dma_semaphore, #tpu.memory_space<semaphore_mem>> -> memref<1x!tpu.dma_semaphore, #tpu.memory_space<semaphore_mem>>
    %dma_start3A_64 = tpu.memref_squeeze %dma_start3A_63 : memref<1x!tpu.dma_semaphore, #tpu.memory_space<semaphore_mem>> -> memref<!tpu.dma_semaphore, #tpu.memory_space<semaphore_mem>>
    tpu.enqueue_indirect_dma source(%dma_start3A_62 : memref<10000x8xf32, #tpu.memory_space<hbm>>) target(%arg11 : memref<128x8xf32, #tpu.memory_space<vmem>>) offsets(%dma_start3A_59 : memref<128xi32, #tpu.memory_space<vmem>>) semaphore(%dma_start3A_64 : memref<!tpu.dma_semaphore, #tpu.memory_space<semaphore_mem>>)
    %dma_start3A_65 = arith.constant 3 : i32
    %dma_start3A_66 = arith.constant 3 : i32
    %dma_start3A_67 = arith.constant 0 : i32
    %dma_start3A_68 = tpu.memref_slice %arg7[%dma_start3A_65, %dma_start3A_67] : memref<80x128xi32, #tpu.memory_space<vmem>> -> memref<1x128xi32, #tpu.memory_space<vmem>>
    %dma_start3A_69 = tpu.memref_squeeze %dma_start3A_68 : memref<1x128xi32, #tpu.memory_space<vmem>> -> memref<128xi32, #tpu.memory_space<vmem>>
    %dma_start3A_70 = arith.constant 0 : i32
    %dma_start3A_71 = arith.constant 0 : i32
    %dma_start3A_72 = tpu.memref_slice %arg2[%dma_start3A_70, %dma_start3A_71] : memref<10000x8xf32, #tpu.memory_space<hbm>> -> memref<10000x8xf32, #tpu.memory_space<hbm>>
    %dma_start3A_73 = tpu.memref_slice %arg21[%dma_start3A_66] : memref<10x!tpu.dma_semaphore, #tpu.memory_space<semaphore_mem>> -> memref<1x!tpu.dma_semaphore, #tpu.memory_space<semaphore_mem>>
    %dma_start3A_74 = tpu.memref_squeeze %dma_start3A_73 : memref<1x!tpu.dma_semaphore, #tpu.memory_space<semaphore_mem>> -> memref<!tpu.dma_semaphore, #tpu.memory_space<semaphore_mem>>
    tpu.enqueue_indirect_dma source(%dma_start3A_72 : memref<10000x8xf32, #tpu.memory_space<hbm>>) target(%arg12 : memref<128x8xf32, #tpu.memory_space<vmem>>) offsets(%dma_start3A_69 : memref<128xi32, #tpu.memory_space<vmem>>) semaphore(%dma_start3A_74 : memref<!tpu.dma_semaphore, #tpu.memory_space<semaphore_mem>>)
    %dma_start3A_75 = arith.constant 4 : i32
    %dma_start3A_76 = arith.constant 4 : i32
    %dma_start3A_77 = arith.constant 0 : i32
    %dma_start3A_78 = tpu.memref_slice %arg7[%dma_start3A_75, %dma_start3A_77] : memref<80x128xi32, #tpu.memory_space<vmem>> -> memref<1x128xi32, #tpu.memory_space<vmem>>
    %dma_start3A_79 = tpu.memref_squeeze %dma_start3A_78 : memref<1x128xi32, #tpu.memory_space<vmem>> -> memref<128xi32, #tpu.memory_space<vmem>>
    %dma_start3A_80 = arith.constant 0 : i32
    %dma_start3A_81 = arith.constant 0 : i32
    %dma_start3A_82 = tpu.memref_slice %arg2[%dma_start3A_80, %dma_start3A_81] : memref<10000x8xf32, #tpu.memory_space<hbm>> -> memref<10000x8xf32, #tpu.memory_space<hbm>>
    %dma_start3A_83 = tpu.memref_slice %arg21[%dma_start3A_76] : memref<10x!tpu.dma_semaphore, #tpu.memory_space<semaphore_mem>> -> memref<1x!tpu.dma_semaphore, #tpu.memory_space<semaphore_mem>>
    %dma_start3A_84 = tpu.memref_squeeze %dma_start3A_83 : memref<1x!tpu.dma_semaphore, #tpu.memory_space<semaphore_mem>> -> memref<!tpu.dma_semaphore, #tpu.memory_space<semaphore_mem>>
    tpu.enqueue_indirect_dma source(%dma_start3A_82 : memref<10000x8xf32, #tpu.memory_space<hbm>>) target(%arg13 : memref<128x8xf32, #tpu.memory_space<vmem>>) offsets(%dma_start3A_79 : memref<128xi32, #tpu.memory_space<vmem>>) semaphore(%dma_start3A_84 : memref<!tpu.dma_semaphore, #tpu.memory_space<semaphore_mem>>)
    %scan3A = arith.constant 0 : i32
    %scan3A_85 = arith.constant 0 : i32
    %scan3A_86 = arith.constant 8 : i32
    %scan3A_87 = arith.addi %scan3A_85, %scan3A_86 : i32
    %scan3A_88 = arith.constant 1 : i32
    scf.for %scan3A_195 = %scan3A_85 to %scan3A_87 step %scan3A_88  : i32 {
      %mul3A_196 = arith.constant 10 : i32
      %mul3A_197 = arith.muli %scan3A_195, %mul3A_196 : i32
      %add3A_198 = arith.constant 0 : i32
      %add3A_199 = arith.addi %mul3A_197, %add3A_198 : i32
      %dma_wait3A_200 = arith.constant 0 : i32
      %dma_wait3A_201 = arith.constant 0 : i32
      %dma_wait3A_202 = tpu.memref_slice %arg7[%add3A_199, %dma_wait3A_201] : memref<80x128xi32, #tpu.memory_space<vmem>> -> memref<1x128xi32, #tpu.memory_space<vmem>>
      %dma_wait3A_203 = tpu.memref_squeeze %dma_wait3A_202 : memref<1x128xi32, #tpu.memory_space<vmem>> -> memref<128xi32, #tpu.memory_space<vmem>>
      %dma_wait3A_204 = arith.constant 0 : i32
      %dma_wait3A_205 = arith.constant 0 : i32
      %dma_wait3A_206 = tpu.memref_slice %arg2[%dma_wait3A_204, %dma_wait3A_205] : memref<10000x8xf32, #tpu.memory_space<hbm>> -> memref<10000x8xf32, #tpu.memory_space<hbm>>
      %dma_wait3A_207 = tpu.memref_slice %arg21[%dma_wait3A_200] : memref<10x!tpu.dma_semaphore, #tpu.memory_space<semaphore_mem>> -> memref<1x!tpu.dma_semaphore, #tpu.memory_space<semaphore_mem>>
      %dma_wait3A_208 = tpu.memref_squeeze %dma_wait3A_207 : memref<1x!tpu.dma_semaphore, #tpu.memory_space<semaphore_mem>> -> memref<!tpu.dma_semaphore, #tpu.memory_space<semaphore_mem>>
      tpu.wait_indirect_dma semaphore(%dma_wait3A_208 : memref<!tpu.dma_semaphore, #tpu.memory_space<semaphore_mem>>) src(%dma_wait3A_206 : memref<10000x8xf32, #tpu.memory_space<hbm>>) dst(%arg9 : memref<128x8xf32, #tpu.memory_space<vmem>>)
      %dma_start3A_209 = arith.constant 0 : i32
      %dma_start3A_210 = arith.constant 0 : i32
      %dma_start3A_211 = tpu.memref_slice %arg8[%add3A_199, %dma_start3A_210] : memref<80x128xi32, #tpu.memory_space<vmem>> -> memref<1x128xi32, #tpu.memory_space<vmem>>
      %dma_start3A_212 = tpu.memref_squeeze %dma_start3A_211 : memref<1x128xi32, #tpu.memory_space<vmem>> -> memref<128xi32, #tpu.memory_space<vmem>>
      %dma_start3A_213 = arith.constant 0 : i32
      %dma_start3A_214 = arith.constant 0 : i32
      %dma_start3A_215 = tpu.memref_slice %arg19[%dma_start3A_213, %dma_start3A_214] : memref<10240x8xf32, #tpu.memory_space<vmem_shared>> -> memref<10240x8xf32, #tpu.memory_space<vmem_shared>>
      %dma_start3A_216 = tpu.memref_slice %arg22[%dma_start3A_209] : memref<10x!tpu.dma_semaphore, #tpu.memory_space<semaphore_mem>> -> memref<1x!tpu.dma_semaphore, #tpu.memory_space<semaphore_mem>>
      %dma_start3A_217 = tpu.memref_squeeze %dma_start3A_216 : memref<1x!tpu.dma_semaphore, #tpu.memory_space<semaphore_mem>> -> memref<!tpu.dma_semaphore, #tpu.memory_space<semaphore_mem>>
      tpu.enqueue_indirect_dma source(%arg9 : memref<128x8xf32, #tpu.memory_space<vmem>>) target(%dma_start3A_215 : memref<10240x8xf32, #tpu.memory_space<vmem_shared>>) offsets(%dma_start3A_212 : memref<128xi32, #tpu.memory_space<vmem>>) semaphore(%dma_start3A_217 : memref<!tpu.dma_semaphore, #tpu.memory_space<semaphore_mem>>) {add = true}
      %ge3A = arith.constant 5 : i32
      %ge3A_218 = arith.cmpi sge, %add3A_199, %ge3A : i32
      %lt3A = arith.constant 75 : i32
      %lt3A_219 = arith.cmpi slt, %add3A_199, %lt3A : i32
      %and3A = arith.andi %ge3A_218, %lt3A_219 : i1
      %convert_element_type3A = arith.extui %and3A : i1 to i32
      %cond3A = arith.constant 0 : i32
      %cond3A_220 = arith.cmpi ne, %convert_element_type3A, %cond3A : i32
      scf.if %cond3A_220 {
        %dma_wait3A_541 = arith.constant 5 : i32
        %dma_wait3A_542 = arith.constant 0 : i32
        %dma_wait3A_543 = tpu.memref_slice %arg8[%add3A_199, %dma_wait3A_542] : memref<80x128xi32, #tpu.memory_space<vmem>> -> memref<1x128xi32, #tpu.memory_space<vmem>>
        %dma_wait3A_544 = tpu.memref_squeeze %dma_wait3A_543 : memref<1x128xi32, #tpu.memory_space<vmem>> -> memref<128xi32, #tpu.memory_space<vmem>>
        %dma_wait3A_545 = arith.constant 0 : i32
        %dma_wait3A_546 = arith.constant 0 : i32
        %dma_wait3A_547 = tpu.memref_slice %arg19[%dma_wait3A_545, %dma_wait3A_546] : memref<10240x8xf32, #tpu.memory_space<vmem_shared>> -> memref<10240x8xf32, #tpu.memory_space<vmem_shared>>
        %dma_wait3A_548 = tpu.memref_slice %arg22[%dma_wait3A_541] : memref<10x!tpu.dma_semaphore, #tpu.memory_space<semaphore_mem>> -> memref<1x!tpu.dma_semaphore, #tpu.memory_space<semaphore_mem>>
        %dma_wait3A_549 = tpu.memref_squeeze %dma_wait3A_548 : memref<1x!tpu.dma_semaphore, #tpu.memory_space<semaphore_mem>> -> memref<!tpu.dma_semaphore, #tpu.memory_space<semaphore_mem>>
        tpu.wait_indirect_dma semaphore(%dma_wait3A_549 : memref<!tpu.dma_semaphore, #tpu.memory_space<semaphore_mem>>) src(%arg14 : memref<128x8xf32, #tpu.memory_space<vmem>>) dst(%dma_wait3A_547 : memref<10240x8xf32, #tpu.memory_space<vmem_shared>>)
      } else {
      }
      %lt3A_221 = arith.constant 75 : i32
      %lt3A_222 = arith.cmpi slt, %add3A_199, %lt3A_221 : i32
      %convert_element_type3A_223 = arith.extui %lt3A_222 : i1 to i32
      %cond3A_224 = arith.constant 0 : i32
      %cond3A_225 = arith.cmpi ne, %convert_element_type3A_223, %cond3A_224 : i32
      scf.if %cond3A_225 {
        %add3A_541 = arith.constant 5 : i32
        %add3A_542 = arith.addi %add3A_199, %add3A_541 : i32
        %dma_start3A_543 = arith.constant 5 : i32
        %dma_start3A_544 = arith.constant 0 : i32
        %dma_start3A_545 = tpu.memref_slice %arg7[%add3A_542, %dma_start3A_544] : memref<80x128xi32, #tpu.memory_space<vmem>> -> memref<1x128xi32, #tpu.memory_space<vmem>>
        %dma_start3A_546 = tpu.memref_squeeze %dma_start3A_545 : memref<1x128xi32, #tpu.memory_space<vmem>> -> memref<128xi32, #tpu.memory_space<vmem>>
        %dma_start3A_547 = arith.constant 0 : i32
        %dma_start3A_548 = arith.constant 0 : i32
        %dma_start3A_549 = tpu.memref_slice %arg2[%dma_start3A_547, %dma_start3A_548] : memref<10000x8xf32, #tpu.memory_space<hbm>> -> memref<10000x8xf32, #tpu.memory_space<hbm>>
        %dma_start3A_550 = tpu.memref_slice %arg21[%dma_start3A_543] : memref<10x!tpu.dma_semaphore, #tpu.memory_space<semaphore_mem>> -> memref<1x!tpu.dma_semaphore, #tpu.memory_space<semaphore_mem>>
        %dma_start3A_551 = tpu.memref_squeeze %dma_start3A_550 : memref<1x!tpu.dma_semaphore, #tpu.memory_space<semaphore_mem>> -> memref<!tpu.dma_semaphore, #tpu.memory_space<semaphore_mem>>
        tpu.enqueue_indirect_dma source(%dma_start3A_549 : memref<10000x8xf32, #tpu.memory_space<hbm>>) target(%arg14 : memref<128x8xf32, #tpu.memory_space<vmem>>) offsets(%dma_start3A_546 : memref<128xi32, #tpu.memory_space<vmem>>) semaphore(%dma_start3A_551 : memref<!tpu.dma_semaphore, #tpu.memory_space<semaphore_mem>>)
      } else {
      }
      %mul3A_226 = arith.constant 10 : i32
      %mul3A_227 = arith.muli %scan3A_195, %mul3A_226 : i32
      %add3A_228 = arith.constant 1 : i32
      %add3A_229 = arith.addi %mul3A_227, %add3A_228 : i32
      %dma_wait3A_230 = arith.constant 1 : i32
      %dma_wait3A_231 = arith.constant 0 : i32
      %dma_wait3A_232 = tpu.memref_slice %arg7[%add3A_229, %dma_wait3A_231] : memref<80x128xi32, #tpu.memory_space<vmem>> -> memref<1x128xi32, #tpu.memory_space<vmem>>
      %dma_wait3A_233 = tpu.memref_squeeze %dma_wait3A_232 : memref<1x128xi32, #tpu.memory_space<vmem>> -> memref<128xi32, #tpu.memory_space<vmem>>
      %dma_wait3A_234 = arith.constant 0 : i32
      %dma_wait3A_235 = arith.constant 0 : i32
      %dma_wait3A_236 = tpu.memref_slice %arg2[%dma_wait3A_234, %dma_wait3A_235] : memref<10000x8xf32, #tpu.memory_space<hbm>> -> memref<10000x8xf32, #tpu.memory_space<hbm>>
      %dma_wait3A_237 = tpu.memref_slice %arg21[%dma_wait3A_230] : memref<10x!tpu.dma_semaphore, #tpu.memory_space<semaphore_mem>> -> memref<1x!tpu.dma_semaphore, #tpu.memory_space<semaphore_mem>>
      %dma_wait3A_238 = tpu.memref_squeeze %dma_wait3A_237 : memref<1x!tpu.dma_semaphore, #tpu.memory_space<semaphore_mem>> -> memref<!tpu.dma_semaphore, #tpu.memory_space<semaphore_mem>>
      tpu.wait_indirect_dma semaphore(%dma_wait3A_238 : memref<!tpu.dma_semaphore, #tpu.memory_space<semaphore_mem>>) src(%dma_wait3A_236 : memref<10000x8xf32, #tpu.memory_space<hbm>>) dst(%arg10 : memref<128x8xf32, #tpu.memory_space<vmem>>)
      %dma_start3A_239 = arith.constant 1 : i32
      %dma_start3A_240 = arith.constant 0 : i32
      %dma_start3A_241 = tpu.memref_slice %arg8[%add3A_229, %dma_start3A_240] : memref<80x128xi32, #tpu.memory_space<vmem>> -> memref<1x128xi32, #tpu.memory_space<vmem>>
      %dma_start3A_242 = tpu.memref_squeeze %dma_start3A_241 : memref<1x128xi32, #tpu.memory_space<vmem>> -> memref<128xi32, #tpu.memory_space<vmem>>
      %dma_start3A_243 = arith.constant 0 : i32
      %dma_start3A_244 = arith.constant 0 : i32
      %dma_start3A_245 = tpu.memref_slice %arg19[%dma_start3A_243, %dma_start3A_244] : memref<10240x8xf32, #tpu.memory_space<vmem_shared>> -> memref<10240x8xf32, #tpu.memory_space<vmem_shared>>
      %dma_start3A_246 = tpu.memref_slice %arg22[%dma_start3A_239] : memref<10x!tpu.dma_semaphore, #tpu.memory_space<semaphore_mem>> -> memref<1x!tpu.dma_semaphore, #tpu.memory_space<semaphore_mem>>
      %dma_start3A_247 = tpu.memref_squeeze %dma_start3A_246 : memref<1x!tpu.dma_semaphore, #tpu.memory_space<semaphore_mem>> -> memref<!tpu.dma_semaphore, #tpu.memory_space<semaphore_mem>>
      tpu.enqueue_indirect_dma source(%arg10 : memref<128x8xf32, #tpu.memory_space<vmem>>) target(%dma_start3A_245 : memref<10240x8xf32, #tpu.memory_space<vmem_shared>>) offsets(%dma_start3A_242 : memref<128xi32, #tpu.memory_space<vmem>>) semaphore(%dma_start3A_247 : memref<!tpu.dma_semaphore, #tpu.memory_space<semaphore_mem>>) {add = true}
      %ge3A_248 = arith.constant 5 : i32
      %ge3A_249 = arith.cmpi sge, %add3A_229, %ge3A_248 : i32
      %lt3A_250 = arith.constant 75 : i32
      %lt3A_251 = arith.cmpi slt, %add3A_229, %lt3A_250 : i32
      %and3A_252 = arith.andi %ge3A_249, %lt3A_251 : i1
      %convert_element_type3A_253 = arith.extui %and3A_252 : i1 to i32
      %cond3A_254 = arith.constant 0 : i32
      %cond3A_255 = arith.cmpi ne, %convert_element_type3A_253, %cond3A_254 : i32
      scf.if %cond3A_255 {
        %dma_wait3A_541 = arith.constant 6 : i32
        %dma_wait3A_542 = arith.constant 0 : i32
        %dma_wait3A_543 = tpu.memref_slice %arg8[%add3A_229, %dma_wait3A_542] : memref<80x128xi32, #tpu.memory_space<vmem>> -> memref<1x128xi32, #tpu.memory_space<vmem>>
        %dma_wait3A_544 = tpu.memref_squeeze %dma_wait3A_543 : memref<1x128xi32, #tpu.memory_space<vmem>> -> memref<128xi32, #tpu.memory_space<vmem>>
        %dma_wait3A_545 = arith.constant 0 : i32
        %dma_wait3A_546 = arith.constant 0 : i32
        %dma_wait3A_547 = tpu.memref_slice %arg19[%dma_wait3A_545, %dma_wait3A_546] : memref<10240x8xf32, #tpu.memory_space<vmem_shared>> -> memref<10240x8xf32, #tpu.memory_space<vmem_shared>>
        %dma_wait3A_548 = tpu.memref_slice %arg22[%dma_wait3A_541] : memref<10x!tpu.dma_semaphore, #tpu.memory_space<semaphore_mem>> -> memref<1x!tpu.dma_semaphore, #tpu.memory_space<semaphore_mem>>
        %dma_wait3A_549 = tpu.memref_squeeze %dma_wait3A_548 : memref<1x!tpu.dma_semaphore, #tpu.memory_space<semaphore_mem>> -> memref<!tpu.dma_semaphore, #tpu.memory_space<semaphore_mem>>
        tpu.wait_indirect_dma semaphore(%dma_wait3A_549 : memref<!tpu.dma_semaphore, #tpu.memory_space<semaphore_mem>>) src(%arg15 : memref<128x8xf32, #tpu.memory_space<vmem>>) dst(%dma_wait3A_547 : memref<10240x8xf32, #tpu.memory_space<vmem_shared>>)
      } else {
      }
      %lt3A_256 = arith.constant 75 : i32
      %lt3A_257 = arith.cmpi slt, %add3A_229, %lt3A_256 : i32
      %convert_element_type3A_258 = arith.extui %lt3A_257 : i1 to i32
      %cond3A_259 = arith.constant 0 : i32
      %cond3A_260 = arith.cmpi ne, %convert_element_type3A_258, %cond3A_259 : i32
      scf.if %cond3A_260 {
        %add3A_541 = arith.constant 5 : i32
        %add3A_542 = arith.addi %add3A_229, %add3A_541 : i32
        %dma_start3A_543 = arith.constant 6 : i32
        %dma_start3A_544 = arith.constant 0 : i32
        %dma_start3A_545 = tpu.memref_slice %arg7[%add3A_542, %dma_start3A_544] : memref<80x128xi32, #tpu.memory_space<vmem>> -> memref<1x128xi32, #tpu.memory_space<vmem>>
        %dma_start3A_546 = tpu.memref_squeeze %dma_start3A_545 : memref<1x128xi32, #tpu.memory_space<vmem>> -> memref<128xi32, #tpu.memory_space<vmem>>
        %dma_start3A_547 = arith.constant 0 : i32
        %dma_start3A_548 = arith.constant 0 : i32
        %dma_start3A_549 = tpu.memref_slice %arg2[%dma_start3A_547, %dma_start3A_548] : memref<10000x8xf32, #tpu.memory_space<hbm>> -> memref<10000x8xf32, #tpu.memory_space<hbm>>
        %dma_start3A_550 = tpu.memref_slice %arg21[%dma_start3A_543] : memref<10x!tpu.dma_semaphore, #tpu.memory_space<semaphore_mem>> -> memref<1x!tpu.dma_semaphore, #tpu.memory_space<semaphore_mem>>
        %dma_start3A_551 = tpu.memref_squeeze %dma_start3A_550 : memref<1x!tpu.dma_semaphore, #tpu.memory_space<semaphore_mem>> -> memref<!tpu.dma_semaphore, #tpu.memory_space<semaphore_mem>>
        tpu.enqueue_indirect_dma source(%dma_start3A_549 : memref<10000x8xf32, #tpu.memory_space<hbm>>) target(%arg15 : memref<128x8xf32, #tpu.memory_space<vmem>>) offsets(%dma_start3A_546 : memref<128xi32, #tpu.memory_space<vmem>>) semaphore(%dma_start3A_551 : memref<!tpu.dma_semaphore, #tpu.memory_space<semaphore_mem>>)
      } else {
      }
      %mul3A_261 = arith.constant 10 : i32
      %mul3A_262 = arith.muli %scan3A_195, %mul3A_261 : i32
      %add3A_263 = arith.constant 2 : i32
      %add3A_264 = arith.addi %mul3A_262, %add3A_263 : i32
      %dma_wait3A_265 = arith.constant 2 : i32
      %dma_wait3A_266 = arith.constant 0 : i32
      %dma_wait3A_267 = tpu.memref_slice %arg7[%add3A_264, %dma_wait3A_266] : memref<80x128xi32, #tpu.memory_space<vmem>> -> memref<1x128xi32, #tpu.memory_space<vmem>>
      %dma_wait3A_268 = tpu.memref_squeeze %dma_wait3A_267 : memref<1x128xi32, #tpu.memory_space<vmem>> -> memref<128xi32, #tpu.memory_space<vmem>>
      %dma_wait3A_269 = arith.constant 0 : i32
      %dma_wait3A_270 = arith.constant 0 : i32
      %dma_wait3A_271 = tpu.memref_slice %arg2[%dma_wait3A_269, %dma_wait3A_270] : memref<10000x8xf32, #tpu.memory_space<hbm>> -> memref<10000x8xf32, #tpu.memory_space<hbm>>
      %dma_wait3A_272 = tpu.memref_slice %arg21[%dma_wait3A_265] : memref<10x!tpu.dma_semaphore, #tpu.memory_space<semaphore_mem>> -> memref<1x!tpu.dma_semaphore, #tpu.memory_space<semaphore_mem>>
      %dma_wait3A_273 = tpu.memref_squeeze %dma_wait3A_272 : memref<1x!tpu.dma_semaphore, #tpu.memory_space<semaphore_mem>> -> memref<!tpu.dma_semaphore, #tpu.memory_space<semaphore_mem>>
      tpu.wait_indirect_dma semaphore(%dma_wait3A_273 : memref<!tpu.dma_semaphore, #tpu.memory_space<semaphore_mem>>) src(%dma_wait3A_271 : memref<10000x8xf32, #tpu.memory_space<hbm>>) dst(%arg11 : memref<128x8xf32, #tpu.memory_space<vmem>>)
      %dma_start3A_274 = arith.constant 2 : i32
      %dma_start3A_275 = arith.constant 0 : i32
      %dma_start3A_276 = tpu.memref_slice %arg8[%add3A_264, %dma_start3A_275] : memref<80x128xi32, #tpu.memory_space<vmem>> -> memref<1x128xi32, #tpu.memory_space<vmem>>
      %dma_start3A_277 = tpu.memref_squeeze %dma_start3A_276 : memref<1x128xi32, #tpu.memory_space<vmem>> -> memref<128xi32, #tpu.memory_space<vmem>>
      %dma_start3A_278 = arith.constant 0 : i32
      %dma_start3A_279 = arith.constant 0 : i32
      %dma_start3A_280 = tpu.memref_slice %arg19[%dma_start3A_278, %dma_start3A_279] : memref<10240x8xf32, #tpu.memory_space<vmem_shared>> -> memref<10240x8xf32, #tpu.memory_space<vmem_shared>>
      %dma_start3A_281 = tpu.memref_slice %arg22[%dma_start3A_274] : memref<10x!tpu.dma_semaphore, #tpu.memory_space<semaphore_mem>> -> memref<1x!tpu.dma_semaphore, #tpu.memory_space<semaphore_mem>>
      %dma_start3A_282 = tpu.memref_squeeze %dma_start3A_281 : memref<1x!tpu.dma_semaphore, #tpu.memory_space<semaphore_mem>> -> memref<!tpu.dma_semaphore, #tpu.memory_space<semaphore_mem>>
      tpu.enqueue_indirect_dma source(%arg11 : memref<128x8xf32, #tpu.memory_space<vmem>>) target(%dma_start3A_280 : memref<10240x8xf32, #tpu.memory_space<vmem_shared>>) offsets(%dma_start3A_277 : memref<128xi32, #tpu.memory_space<vmem>>) semaphore(%dma_start3A_282 : memref<!tpu.dma_semaphore, #tpu.memory_space<semaphore_mem>>) {add = true}
      %ge3A_283 = arith.constant 5 : i32
      %ge3A_284 = arith.cmpi sge, %add3A_264, %ge3A_283 : i32
      %lt3A_285 = arith.constant 75 : i32
      %lt3A_286 = arith.cmpi slt, %add3A_264, %lt3A_285 : i32
      %and3A_287 = arith.andi %ge3A_284, %lt3A_286 : i1
      %convert_element_type3A_288 = arith.extui %and3A_287 : i1 to i32
      %cond3A_289 = arith.constant 0 : i32
      %cond3A_290 = arith.cmpi ne, %convert_element_type3A_288, %cond3A_289 : i32
      scf.if %cond3A_290 {
        %dma_wait3A_541 = arith.constant 7 : i32
        %dma_wait3A_542 = arith.constant 0 : i32
        %dma_wait3A_543 = tpu.memref_slice %arg8[%add3A_264, %dma_wait3A_542] : memref<80x128xi32, #tpu.memory_space<vmem>> -> memref<1x128xi32, #tpu.memory_space<vmem>>
        %dma_wait3A_544 = tpu.memref_squeeze %dma_wait3A_543 : memref<1x128xi32, #tpu.memory_space<vmem>> -> memref<128xi32, #tpu.memory_space<vmem>>
        %dma_wait3A_545 = arith.constant 0 : i32
        %dma_wait3A_546 = arith.constant 0 : i32
        %dma_wait3A_547 = tpu.memref_slice %arg19[%dma_wait3A_545, %dma_wait3A_546] : memref<10240x8xf32, #tpu.memory_space<vmem_shared>> -> memref<10240x8xf32, #tpu.memory_space<vmem_shared>>
        %dma_wait3A_548 = tpu.memref_slice %arg22[%dma_wait3A_541] : memref<10x!tpu.dma_semaphore, #tpu.memory_space<semaphore_mem>> -> memref<1x!tpu.dma_semaphore, #tpu.memory_space<semaphore_mem>>
        %dma_wait3A_549 = tpu.memref_squeeze %dma_wait3A_548 : memref<1x!tpu.dma_semaphore, #tpu.memory_space<semaphore_mem>> -> memref<!tpu.dma_semaphore, #tpu.memory_space<semaphore_mem>>
        tpu.wait_indirect_dma semaphore(%dma_wait3A_549 : memref<!tpu.dma_semaphore, #tpu.memory_space<semaphore_mem>>) src(%arg16 : memref<128x8xf32, #tpu.memory_space<vmem>>) dst(%dma_wait3A_547 : memref<10240x8xf32, #tpu.memory_space<vmem_shared>>)
      } else {
      }
      %lt3A_291 = arith.constant 75 : i32
      %lt3A_292 = arith.cmpi slt, %add3A_264, %lt3A_291 : i32
      %convert_element_type3A_293 = arith.extui %lt3A_292 : i1 to i32
      %cond3A_294 = arith.constant 0 : i32
      %cond3A_295 = arith.cmpi ne, %convert_element_type3A_293, %cond3A_294 : i32
      scf.if %cond3A_295 {
        %add3A_541 = arith.constant 5 : i32
        %add3A_542 = arith.addi %add3A_264, %add3A_541 : i32
        %dma_start3A_543 = arith.constant 7 : i32
        %dma_start3A_544 = arith.constant 0 : i32
        %dma_start3A_545 = tpu.memref_slice %arg7[%add3A_542, %dma_start3A_544] : memref<80x128xi32, #tpu.memory_space<vmem>> -> memref<1x128xi32, #tpu.memory_space<vmem>>
        %dma_start3A_546 = tpu.memref_squeeze %dma_start3A_545 : memref<1x128xi32, #tpu.memory_space<vmem>> -> memref<128xi32, #tpu.memory_space<vmem>>
        %dma_start3A_547 = arith.constant 0 : i32
        %dma_start3A_548 = arith.constant 0 : i32
        %dma_start3A_549 = tpu.memref_slice %arg2[%dma_start3A_547, %dma_start3A_548] : memref<10000x8xf32, #tpu.memory_space<hbm>> -> memref<10000x8xf32, #tpu.memory_space<hbm>>
        %dma_start3A_550 = tpu.memref_slice %arg21[%dma_start3A_543] : memref<10x!tpu.dma_semaphore, #tpu.memory_space<semaphore_mem>> -> memref<1x!tpu.dma_semaphore, #tpu.memory_space<semaphore_mem>>
        %dma_start3A_551 = tpu.memref_squeeze %dma_start3A_550 : memref<1x!tpu.dma_semaphore, #tpu.memory_space<semaphore_mem>> -> memref<!tpu.dma_semaphore, #tpu.memory_space<semaphore_mem>>
        tpu.enqueue_indirect_dma source(%dma_start3A_549 : memref<10000x8xf32, #tpu.memory_space<hbm>>) target(%arg16 : memref<128x8xf32, #tpu.memory_space<vmem>>) offsets(%dma_start3A_546 : memref<128xi32, #tpu.memory_space<vmem>>) semaphore(%dma_start3A_551 : memref<!tpu.dma_semaphore, #tpu.memory_space<semaphore_mem>>)
      } else {
      }
      %mul3A_296 = arith.constant 10 : i32
      %mul3A_297 = arith.muli %scan3A_195, %mul3A_296 : i32
      %add3A_298 = arith.constant 3 : i32
      %add3A_299 = arith.addi %mul3A_297, %add3A_298 : i32
      %dma_wait3A_300 = arith.constant 3 : i32
      %dma_wait3A_301 = arith.constant 0 : i32
      %dma_wait3A_302 = tpu.memref_slice %arg7[%add3A_299, %dma_wait3A_301] : memref<80x128xi32, #tpu.memory_space<vmem>> -> memref<1x128xi32, #tpu.memory_space<vmem>>
      %dma_wait3A_303 = tpu.memref_squeeze %dma_wait3A_302 : memref<1x128xi32, #tpu.memory_space<vmem>> -> memref<128xi32, #tpu.memory_space<vmem>>
      %dma_wait3A_304 = arith.constant 0 : i32
      %dma_wait3A_305 = arith.constant 0 : i32
      %dma_wait3A_306 = tpu.memref_slice %arg2[%dma_wait3A_304, %dma_wait3A_305] : memref<10000x8xf32, #tpu.memory_space<hbm>> -> memref<10000x8xf32, #tpu.memory_space<hbm>>
      %dma_wait3A_307 = tpu.memref_slice %arg21[%dma_wait3A_300] : memref<10x!tpu.dma_semaphore, #tpu.memory_space<semaphore_mem>> -> memref<1x!tpu.dma_semaphore, #tpu.memory_space<semaphore_mem>>
      %dma_wait3A_308 = tpu.memref_squeeze %dma_wait3A_307 : memref<1x!tpu.dma_semaphore, #tpu.memory_space<semaphore_mem>> -> memref<!tpu.dma_semaphore, #tpu.memory_space<semaphore_mem>>
      tpu.wait_indirect_dma semaphore(%dma_wait3A_308 : memref<!tpu.dma_semaphore, #tpu.memory_space<semaphore_mem>>) src(%dma_wait3A_306 : memref<10000x8xf32, #tpu.memory_space<hbm>>) dst(%arg12 : memref<128x8xf32, #tpu.memory_space<vmem>>)
      %dma_start3A_309 = arith.constant 3 : i32
      %dma_start3A_310 = arith.constant 0 : i32
      %dma_start3A_311 = tpu.memref_slice %arg8[%add3A_299, %dma_start3A_310] : memref<80x128xi32, #tpu.memory_space<vmem>> -> memref<1x128xi32, #tpu.memory_space<vmem>>
      %dma_start3A_312 = tpu.memref_squeeze %dma_start3A_311 : memref<1x128xi32, #tpu.memory_space<vmem>> -> memref<128xi32, #tpu.memory_space<vmem>>
      %dma_start3A_313 = arith.constant 0 : i32
      %dma_start3A_314 = arith.constant 0 : i32
      %dma_start3A_315 = tpu.memref_slice %arg19[%dma_start3A_313, %dma_start3A_314] : memref<10240x8xf32, #tpu.memory_space<vmem_shared>> -> memref<10240x8xf32, #tpu.memory_space<vmem_shared>>
      %dma_start3A_316 = tpu.memref_slice %arg22[%dma_start3A_309] : memref<10x!tpu.dma_semaphore, #tpu.memory_space<semaphore_mem>> -> memref<1x!tpu.dma_semaphore, #tpu.memory_space<semaphore_mem>>
      %dma_start3A_317 = tpu.memref_squeeze %dma_start3A_316 : memref<1x!tpu.dma_semaphore, #tpu.memory_space<semaphore_mem>> -> memref<!tpu.dma_semaphore, #tpu.memory_space<semaphore_mem>>
      tpu.enqueue_indirect_dma source(%arg12 : memref<128x8xf32, #tpu.memory_space<vmem>>) target(%dma_start3A_315 : memref<10240x8xf32, #tpu.memory_space<vmem_shared>>) offsets(%dma_start3A_312 : memref<128xi32, #tpu.memory_space<vmem>>) semaphore(%dma_start3A_317 : memref<!tpu.dma_semaphore, #tpu.memory_space<semaphore_mem>>) {add = true}
      %ge3A_318 = arith.constant 5 : i32
      %ge3A_319 = arith.cmpi sge, %add3A_299, %ge3A_318 : i32
      %lt3A_320 = arith.constant 75 : i32
      %lt3A_321 = arith.cmpi slt, %add3A_299, %lt3A_320 : i32
      %and3A_322 = arith.andi %ge3A_319, %lt3A_321 : i1
      %convert_element_type3A_323 = arith.extui %and3A_322 : i1 to i32
      %cond3A_324 = arith.constant 0 : i32
      %cond3A_325 = arith.cmpi ne, %convert_element_type3A_323, %cond3A_324 : i32
      scf.if %cond3A_325 {
        %dma_wait3A_541 = arith.constant 8 : i32
        %dma_wait3A_542 = arith.constant 0 : i32
        %dma_wait3A_543 = tpu.memref_slice %arg8[%add3A_299, %dma_wait3A_542] : memref<80x128xi32, #tpu.memory_space<vmem>> -> memref<1x128xi32, #tpu.memory_space<vmem>>
        %dma_wait3A_544 = tpu.memref_squeeze %dma_wait3A_543 : memref<1x128xi32, #tpu.memory_space<vmem>> -> memref<128xi32, #tpu.memory_space<vmem>>
        %dma_wait3A_545 = arith.constant 0 : i32
        %dma_wait3A_546 = arith.constant 0 : i32
        %dma_wait3A_547 = tpu.memref_slice %arg19[%dma_wait3A_545, %dma_wait3A_546] : memref<10240x8xf32, #tpu.memory_space<vmem_shared>> -> memref<10240x8xf32, #tpu.memory_space<vmem_shared>>
        %dma_wait3A_548 = tpu.memref_slice %arg22[%dma_wait3A_541] : memref<10x!tpu.dma_semaphore, #tpu.memory_space<semaphore_mem>> -> memref<1x!tpu.dma_semaphore, #tpu.memory_space<semaphore_mem>>
        %dma_wait3A_549 = tpu.memref_squeeze %dma_wait3A_548 : memref<1x!tpu.dma_semaphore, #tpu.memory_space<semaphore_mem>> -> memref<!tpu.dma_semaphore, #tpu.memory_space<semaphore_mem>>
        tpu.wait_indirect_dma semaphore(%dma_wait3A_549 : memref<!tpu.dma_semaphore, #tpu.memory_space<semaphore_mem>>) src(%arg17 : memref<128x8xf32, #tpu.memory_space<vmem>>) dst(%dma_wait3A_547 : memref<10240x8xf32, #tpu.memory_space<vmem_shared>>)
      } else {
      }
      %lt3A_326 = arith.constant 75 : i32
      %lt3A_327 = arith.cmpi slt, %add3A_299, %lt3A_326 : i32
      %convert_element_type3A_328 = arith.extui %lt3A_327 : i1 to i32
      %cond3A_329 = arith.constant 0 : i32
      %cond3A_330 = arith.cmpi ne, %convert_element_type3A_328, %cond3A_329 : i32
      scf.if %cond3A_330 {
        %add3A_541 = arith.constant 5 : i32
        %add3A_542 = arith.addi %add3A_299, %add3A_541 : i32
        %dma_start3A_543 = arith.constant 8 : i32
        %dma_start3A_544 = arith.constant 0 : i32
        %dma_start3A_545 = tpu.memref_slice %arg7[%add3A_542, %dma_start3A_544] : memref<80x128xi32, #tpu.memory_space<vmem>> -> memref<1x128xi32, #tpu.memory_space<vmem>>
        %dma_start3A_546 = tpu.memref_squeeze %dma_start3A_545 : memref<1x128xi32, #tpu.memory_space<vmem>> -> memref<128xi32, #tpu.memory_space<vmem>>
        %dma_start3A_547 = arith.constant 0 : i32
        %dma_start3A_548 = arith.constant 0 : i32
        %dma_start3A_549 = tpu.memref_slice %arg2[%dma_start3A_547, %dma_start3A_548] : memref<10000x8xf32, #tpu.memory_space<hbm>> -> memref<10000x8xf32, #tpu.memory_space<hbm>>
        %dma_start3A_550 = tpu.memref_slice %arg21[%dma_start3A_543] : memref<10x!tpu.dma_semaphore, #tpu.memory_space<semaphore_mem>> -> memref<1x!tpu.dma_semaphore, #tpu.memory_space<semaphore_mem>>
        %dma_start3A_551 = tpu.memref_squeeze %dma_start3A_550 : memref<1x!tpu.dma_semaphore, #tpu.memory_space<semaphore_mem>> -> memref<!tpu.dma_semaphore, #tpu.memory_space<semaphore_mem>>
        tpu.enqueue_indirect_dma source(%dma_start3A_549 : memref<10000x8xf32, #tpu.memory_space<hbm>>) target(%arg17 : memref<128x8xf32, #tpu.memory_space<vmem>>) offsets(%dma_start3A_546 : memref<128xi32, #tpu.memory_space<vmem>>) semaphore(%dma_start3A_551 : memref<!tpu.dma_semaphore, #tpu.memory_space<semaphore_mem>>)
      } else {
      }
      %mul3A_331 = arith.constant 10 : i32
      %mul3A_332 = arith.muli %scan3A_195, %mul3A_331 : i32
      %add3A_333 = arith.constant 4 : i32
      %add3A_334 = arith.addi %mul3A_332, %add3A_333 : i32
      %dma_wait3A_335 = arith.constant 4 : i32
      %dma_wait3A_336 = arith.constant 0 : i32
      %dma_wait3A_337 = tpu.memref_slice %arg7[%add3A_334, %dma_wait3A_336] : memref<80x128xi32, #tpu.memory_space<vmem>> -> memref<1x128xi32, #tpu.memory_space<vmem>>
      %dma_wait3A_338 = tpu.memref_squeeze %dma_wait3A_337 : memref<1x128xi32, #tpu.memory_space<vmem>> -> memref<128xi32, #tpu.memory_space<vmem>>
      %dma_wait3A_339 = arith.constant 0 : i32
      %dma_wait3A_340 = arith.constant 0 : i32
      %dma_wait3A_341 = tpu.memref_slice %arg2[%dma_wait3A_339, %dma_wait3A_340] : memref<10000x8xf32, #tpu.memory_space<hbm>> -> memref<10000x8xf32, #tpu.memory_space<hbm>>
      %dma_wait3A_342 = tpu.memref_slice %arg21[%dma_wait3A_335] : memref<10x!tpu.dma_semaphore, #tpu.memory_space<semaphore_mem>> -> memref<1x!tpu.dma_semaphore, #tpu.memory_space<semaphore_mem>>
      %dma_wait3A_343 = tpu.memref_squeeze %dma_wait3A_342 : memref<1x!tpu.dma_semaphore, #tpu.memory_space<semaphore_mem>> -> memref<!tpu.dma_semaphore, #tpu.memory_space<semaphore_mem>>
      tpu.wait_indirect_dma semaphore(%dma_wait3A_343 : memref<!tpu.dma_semaphore, #tpu.memory_space<semaphore_mem>>) src(%dma_wait3A_341 : memref<10000x8xf32, #tpu.memory_space<hbm>>) dst(%arg13 : memref<128x8xf32, #tpu.memory_space<vmem>>)
      %dma_start3A_344 = arith.constant 4 : i32
      %dma_start3A_345 = arith.constant 0 : i32
      %dma_start3A_346 = tpu.memref_slice %arg8[%add3A_334, %dma_start3A_345] : memref<80x128xi32, #tpu.memory_space<vmem>> -> memref<1x128xi32, #tpu.memory_space<vmem>>
      %dma_start3A_347 = tpu.memref_squeeze %dma_start3A_346 : memref<1x128xi32, #tpu.memory_space<vmem>> -> memref<128xi32, #tpu.memory_space<vmem>>
      %dma_start3A_348 = arith.constant 0 : i32
      %dma_start3A_349 = arith.constant 0 : i32
      %dma_start3A_350 = tpu.memref_slice %arg19[%dma_start3A_348, %dma_start3A_349] : memref<10240x8xf32, #tpu.memory_space<vmem_shared>> -> memref<10240x8xf32, #tpu.memory_space<vmem_shared>>
      %dma_start3A_351 = tpu.memref_slice %arg22[%dma_start3A_344] : memref<10x!tpu.dma_semaphore, #tpu.memory_space<semaphore_mem>> -> memref<1x!tpu.dma_semaphore, #tpu.memory_space<semaphore_mem>>
      %dma_start3A_352 = tpu.memref_squeeze %dma_start3A_351 : memref<1x!tpu.dma_semaphore, #tpu.memory_space<semaphore_mem>> -> memref<!tpu.dma_semaphore, #tpu.memory_space<semaphore_mem>>
      tpu.enqueue_indirect_dma source(%arg13 : memref<128x8xf32, #tpu.memory_space<vmem>>) target(%dma_start3A_350 : memref<10240x8xf32, #tpu.memory_space<vmem_shared>>) offsets(%dma_start3A_347 : memref<128xi32, #tpu.memory_space<vmem>>) semaphore(%dma_start3A_352 : memref<!tpu.dma_semaphore, #tpu.memory_space<semaphore_mem>>) {add = true}
      %ge3A_353 = arith.constant 5 : i32
      %ge3A_354 = arith.cmpi sge, %add3A_334, %ge3A_353 : i32
      %lt3A_355 = arith.constant 75 : i32
      %lt3A_356 = arith.cmpi slt, %add3A_334, %lt3A_355 : i32
      %and3A_357 = arith.andi %ge3A_354, %lt3A_356 : i1
      %convert_element_type3A_358 = arith.extui %and3A_357 : i1 to i32
      %cond3A_359 = arith.constant 0 : i32
      %cond3A_360 = arith.cmpi ne, %convert_element_type3A_358, %cond3A_359 : i32
      scf.if %cond3A_360 {
        %dma_wait3A_541 = arith.constant 9 : i32
        %dma_wait3A_542 = arith.constant 0 : i32
        %dma_wait3A_543 = tpu.memref_slice %arg8[%add3A_334, %dma_wait3A_542] : memref<80x128xi32, #tpu.memory_space<vmem>> -> memref<1x128xi32, #tpu.memory_space<vmem>>
        %dma_wait3A_544 = tpu.memref_squeeze %dma_wait3A_543 : memref<1x128xi32, #tpu.memory_space<vmem>> -> memref<128xi32, #tpu.memory_space<vmem>>
        %dma_wait3A_545 = arith.constant 0 : i32
        %dma_wait3A_546 = arith.constant 0 : i32
        %dma_wait3A_547 = tpu.memref_slice %arg19[%dma_wait3A_545, %dma_wait3A_546] : memref<10240x8xf32, #tpu.memory_space<vmem_shared>> -> memref<10240x8xf32, #tpu.memory_space<vmem_shared>>
        %dma_wait3A_548 = tpu.memref_slice %arg22[%dma_wait3A_541] : memref<10x!tpu.dma_semaphore, #tpu.memory_space<semaphore_mem>> -> memref<1x!tpu.dma_semaphore, #tpu.memory_space<semaphore_mem>>
        %dma_wait3A_549 = tpu.memref_squeeze %dma_wait3A_548 : memref<1x!tpu.dma_semaphore, #tpu.memory_space<semaphore_mem>> -> memref<!tpu.dma_semaphore, #tpu.memory_space<semaphore_mem>>
        tpu.wait_indirect_dma semaphore(%dma_wait3A_549 : memref<!tpu.dma_semaphore, #tpu.memory_space<semaphore_mem>>) src(%arg18 : memref<128x8xf32, #tpu.memory_space<vmem>>) dst(%dma_wait3A_547 : memref<10240x8xf32, #tpu.memory_space<vmem_shared>>)
      } else {
      }
      %lt3A_361 = arith.constant 75 : i32
      %lt3A_362 = arith.cmpi slt, %add3A_334, %lt3A_361 : i32
      %convert_element_type3A_363 = arith.extui %lt3A_362 : i1 to i32
      %cond3A_364 = arith.constant 0 : i32
      %cond3A_365 = arith.cmpi ne, %convert_element_type3A_363, %cond3A_364 : i32
      scf.if %cond3A_365 {
        %add3A_541 = arith.constant 5 : i32
        %add3A_542 = arith.addi %add3A_334, %add3A_541 : i32
        %dma_start3A_543 = arith.constant 9 : i32
        %dma_start3A_544 = arith.constant 0 : i32
        %dma_start3A_545 = tpu.memref_slice %arg7[%add3A_542, %dma_start3A_544] : memref<80x128xi32, #tpu.memory_space<vmem>> -> memref<1x128xi32, #tpu.memory_space<vmem>>
        %dma_start3A_546 = tpu.memref_squeeze %dma_start3A_545 : memref<1x128xi32, #tpu.memory_space<vmem>> -> memref<128xi32, #tpu.memory_space<vmem>>
        %dma_start3A_547 = arith.constant 0 : i32
        %dma_start3A_548 = arith.constant 0 : i32
        %dma_start3A_549 = tpu.memref_slice %arg2[%dma_start3A_547, %dma_start3A_548] : memref<10000x8xf32, #tpu.memory_space<hbm>> -> memref<10000x8xf32, #tpu.memory_space<hbm>>
        %dma_start3A_550 = tpu.memref_slice %arg21[%dma_start3A_543] : memref<10x!tpu.dma_semaphore, #tpu.memory_space<semaphore_mem>> -> memref<1x!tpu.dma_semaphore, #tpu.memory_space<semaphore_mem>>
        %dma_start3A_551 = tpu.memref_squeeze %dma_start3A_550 : memref<1x!tpu.dma_semaphore, #tpu.memory_space<semaphore_mem>> -> memref<!tpu.dma_semaphore, #tpu.memory_space<semaphore_mem>>
        tpu.enqueue_indirect_dma source(%dma_start3A_549 : memref<10000x8xf32, #tpu.memory_space<hbm>>) target(%arg18 : memref<128x8xf32, #tpu.memory_space<vmem>>) offsets(%dma_start3A_546 : memref<128xi32, #tpu.memory_space<vmem>>) semaphore(%dma_start3A_551 : memref<!tpu.dma_semaphore, #tpu.memory_space<semaphore_mem>>)
      } else {
      }
      %mul3A_366 = arith.constant 10 : i32
      %mul3A_367 = arith.muli %scan3A_195, %mul3A_366 : i32
      %add3A_368 = arith.constant 5 : i32
      %add3A_369 = arith.addi %mul3A_367, %add3A_368 : i32
      %dma_wait3A_370 = arith.constant 5 : i32
      %dma_wait3A_371 = arith.constant 0 : i32
      %dma_wait3A_372 = tpu.memref_slice %arg7[%add3A_369, %dma_wait3A_371] : memref<80x128xi32, #tpu.memory_space<vmem>> -> memref<1x128xi32, #tpu.memory_space<vmem>>
      %dma_wait3A_373 = tpu.memref_squeeze %dma_wait3A_372 : memref<1x128xi32, #tpu.memory_space<vmem>> -> memref<128xi32, #tpu.memory_space<vmem>>
      %dma_wait3A_374 = arith.constant 0 : i32
      %dma_wait3A_375 = arith.constant 0 : i32
      %dma_wait3A_376 = tpu.memref_slice %arg2[%dma_wait3A_374, %dma_wait3A_375] : memref<10000x8xf32, #tpu.memory_space<hbm>> -> memref<10000x8xf32, #tpu.memory_space<hbm>>
      %dma_wait3A_377 = tpu.memref_slice %arg21[%dma_wait3A_370] : memref<10x!tpu.dma_semaphore, #tpu.memory_space<semaphore_mem>> -> memref<1x!tpu.dma_semaphore, #tpu.memory_space<semaphore_mem>>
      %dma_wait3A_378 = tpu.memref_squeeze %dma_wait3A_377 : memref<1x!tpu.dma_semaphore, #tpu.memory_space<semaphore_mem>> -> memref<!tpu.dma_semaphore, #tpu.memory_space<semaphore_mem>>
      tpu.wait_indirect_dma semaphore(%dma_wait3A_378 : memref<!tpu.dma_semaphore, #tpu.memory_space<semaphore_mem>>) src(%dma_wait3A_376 : memref<10000x8xf32, #tpu.memory_space<hbm>>) dst(%arg14 : memref<128x8xf32, #tpu.memory_space<vmem>>)
      %dma_start3A_379 = arith.constant 5 : i32
      %dma_start3A_380 = arith.constant 0 : i32
      %dma_start3A_381 = tpu.memref_slice %arg8[%add3A_369, %dma_start3A_380] : memref<80x128xi32, #tpu.memory_space<vmem>> -> memref<1x128xi32, #tpu.memory_space<vmem>>
      %dma_start3A_382 = tpu.memref_squeeze %dma_start3A_381 : memref<1x128xi32, #tpu.memory_space<vmem>> -> memref<128xi32, #tpu.memory_space<vmem>>
      %dma_start3A_383 = arith.constant 0 : i32
      %dma_start3A_384 = arith.constant 0 : i32
      %dma_start3A_385 = tpu.memref_slice %arg19[%dma_start3A_383, %dma_start3A_384] : memref<10240x8xf32, #tpu.memory_space<vmem_shared>> -> memref<10240x8xf32, #tpu.memory_space<vmem_shared>>
      %dma_start3A_386 = tpu.memref_slice %arg22[%dma_start3A_379] : memref<10x!tpu.dma_semaphore, #tpu.memory_space<semaphore_mem>> -> memref<1x!tpu.dma_semaphore, #tpu.memory_space<semaphore_mem>>
      %dma_start3A_387 = tpu.memref_squeeze %dma_start3A_386 : memref<1x!tpu.dma_semaphore, #tpu.memory_space<semaphore_mem>> -> memref<!tpu.dma_semaphore, #tpu.memory_space<semaphore_mem>>
      tpu.enqueue_indirect_dma source(%arg14 : memref<128x8xf32, #tpu.memory_space<vmem>>) target(%dma_start3A_385 : memref<10240x8xf32, #tpu.memory_space<vmem_shared>>) offsets(%dma_start3A_382 : memref<128xi32, #tpu.memory_space<vmem>>) semaphore(%dma_start3A_387 : memref<!tpu.dma_semaphore, #tpu.memory_space<semaphore_mem>>) {add = true}
      %ge3A_388 = arith.constant 5 : i32
      %ge3A_389 = arith.cmpi sge, %add3A_369, %ge3A_388 : i32
      %lt3A_390 = arith.constant 75 : i32
      %lt3A_391 = arith.cmpi slt, %add3A_369, %lt3A_390 : i32
      %and3A_392 = arith.andi %ge3A_389, %lt3A_391 : i1
      %convert_element_type3A_393 = arith.extui %and3A_392 : i1 to i32
      %cond3A_394 = arith.constant 0 : i32
      %cond3A_395 = arith.cmpi ne, %convert_element_type3A_393, %cond3A_394 : i32
      scf.if %cond3A_395 {
        %dma_wait3A_541 = arith.constant 0 : i32
        %dma_wait3A_542 = arith.constant 0 : i32
        %dma_wait3A_543 = tpu.memref_slice %arg8[%add3A_369, %dma_wait3A_542] : memref<80x128xi32, #tpu.memory_space<vmem>> -> memref<1x128xi32, #tpu.memory_space<vmem>>
        %dma_wait3A_544 = tpu.memref_squeeze %dma_wait3A_543 : memref<1x128xi32, #tpu.memory_space<vmem>> -> memref<128xi32, #tpu.memory_space<vmem>>
        %dma_wait3A_545 = arith.constant 0 : i32
        %dma_wait3A_546 = arith.constant 0 : i32
        %dma_wait3A_547 = tpu.memref_slice %arg19[%dma_wait3A_545, %dma_wait3A_546] : memref<10240x8xf32, #tpu.memory_space<vmem_shared>> -> memref<10240x8xf32, #tpu.memory_space<vmem_shared>>
        %dma_wait3A_548 = tpu.memref_slice %arg22[%dma_wait3A_541] : memref<10x!tpu.dma_semaphore, #tpu.memory_space<semaphore_mem>> -> memref<1x!tpu.dma_semaphore, #tpu.memory_space<semaphore_mem>>
        %dma_wait3A_549 = tpu.memref_squeeze %dma_wait3A_548 : memref<1x!tpu.dma_semaphore, #tpu.memory_space<semaphore_mem>> -> memref<!tpu.dma_semaphore, #tpu.memory_space<semaphore_mem>>
        tpu.wait_indirect_dma semaphore(%dma_wait3A_549 : memref<!tpu.dma_semaphore, #tpu.memory_space<semaphore_mem>>) src(%arg9 : memref<128x8xf32, #tpu.memory_space<vmem>>) dst(%dma_wait3A_547 : memref<10240x8xf32, #tpu.memory_space<vmem_shared>>)
      } else {
      }
      %lt3A_396 = arith.constant 75 : i32
      %lt3A_397 = arith.cmpi slt, %add3A_369, %lt3A_396 : i32
      %convert_element_type3A_398 = arith.extui %lt3A_397 : i1 to i32
      %cond3A_399 = arith.constant 0 : i32
      %cond3A_400 = arith.cmpi ne, %convert_element_type3A_398, %cond3A_399 : i32
      scf.if %cond3A_400 {
        %add3A_541 = arith.constant 5 : i32
        %add3A_542 = arith.addi %add3A_369, %add3A_541 : i32
        %dma_start3A_543 = arith.constant 0 : i32
        %dma_start3A_544 = arith.constant 0 : i32
        %dma_start3A_545 = tpu.memref_slice %arg7[%add3A_542, %dma_start3A_544] : memref<80x128xi32, #tpu.memory_space<vmem>> -> memref<1x128xi32, #tpu.memory_space<vmem>>
        %dma_start3A_546 = tpu.memref_squeeze %dma_start3A_545 : memref<1x128xi32, #tpu.memory_space<vmem>> -> memref<128xi32, #tpu.memory_space<vmem>>
        %dma_start3A_547 = arith.constant 0 : i32
        %dma_start3A_548 = arith.constant 0 : i32
        %dma_start3A_549 = tpu.memref_slice %arg2[%dma_start3A_547, %dma_start3A_548] : memref<10000x8xf32, #tpu.memory_space<hbm>> -> memref<10000x8xf32, #tpu.memory_space<hbm>>
        %dma_start3A_550 = tpu.memref_slice %arg21[%dma_start3A_543] : memref<10x!tpu.dma_semaphore, #tpu.memory_space<semaphore_mem>> -> memref<1x!tpu.dma_semaphore, #tpu.memory_space<semaphore_mem>>
        %dma_start3A_551 = tpu.memref_squeeze %dma_start3A_550 : memref<1x!tpu.dma_semaphore, #tpu.memory_space<semaphore_mem>> -> memref<!tpu.dma_semaphore, #tpu.memory_space<semaphore_mem>>
        tpu.enqueue_indirect_dma source(%dma_start3A_549 : memref<10000x8xf32, #tpu.memory_space<hbm>>) target(%arg9 : memref<128x8xf32, #tpu.memory_space<vmem>>) offsets(%dma_start3A_546 : memref<128xi32, #tpu.memory_space<vmem>>) semaphore(%dma_start3A_551 : memref<!tpu.dma_semaphore, #tpu.memory_space<semaphore_mem>>)
      } else {
      }
      %mul3A_401 = arith.constant 10 : i32
      %mul3A_402 = arith.muli %scan3A_195, %mul3A_401 : i32
      %add3A_403 = arith.constant 6 : i32
      %add3A_404 = arith.addi %mul3A_402, %add3A_403 : i32
      %dma_wait3A_405 = arith.constant 6 : i32
      %dma_wait3A_406 = arith.constant 0 : i32
      %dma_wait3A_407 = tpu.memref_slice %arg7[%add3A_404, %dma_wait3A_406] : memref<80x128xi32, #tpu.memory_space<vmem>> -> memref<1x128xi32, #tpu.memory_space<vmem>>
      %dma_wait3A_408 = tpu.memref_squeeze %dma_wait3A_407 : memref<1x128xi32, #tpu.memory_space<vmem>> -> memref<128xi32, #tpu.memory_space<vmem>>
      %dma_wait3A_409 = arith.constant 0 : i32
      %dma_wait3A_410 = arith.constant 0 : i32
      %dma_wait3A_411 = tpu.memref_slice %arg2[%dma_wait3A_409, %dma_wait3A_410] : memref<10000x8xf32, #tpu.memory_space<hbm>> -> memref<10000x8xf32, #tpu.memory_space<hbm>>
      %dma_wait3A_412 = tpu.memref_slice %arg21[%dma_wait3A_405] : memref<10x!tpu.dma_semaphore, #tpu.memory_space<semaphore_mem>> -> memref<1x!tpu.dma_semaphore, #tpu.memory_space<semaphore_mem>>
      %dma_wait3A_413 = tpu.memref_squeeze %dma_wait3A_412 : memref<1x!tpu.dma_semaphore, #tpu.memory_space<semaphore_mem>> -> memref<!tpu.dma_semaphore, #tpu.memory_space<semaphore_mem>>
      tpu.wait_indirect_dma semaphore(%dma_wait3A_413 : memref<!tpu.dma_semaphore, #tpu.memory_space<semaphore_mem>>) src(%dma_wait3A_411 : memref<10000x8xf32, #tpu.memory_space<hbm>>) dst(%arg15 : memref<128x8xf32, #tpu.memory_space<vmem>>)
      %dma_start3A_414 = arith.constant 6 : i32
      %dma_start3A_415 = arith.constant 0 : i32
      %dma_start3A_416 = tpu.memref_slice %arg8[%add3A_404, %dma_start3A_415] : memref<80x128xi32, #tpu.memory_space<vmem>> -> memref<1x128xi32, #tpu.memory_space<vmem>>
      %dma_start3A_417 = tpu.memref_squeeze %dma_start3A_416 : memref<1x128xi32, #tpu.memory_space<vmem>> -> memref<128xi32, #tpu.memory_space<vmem>>
      %dma_start3A_418 = arith.constant 0 : i32
      %dma_start3A_419 = arith.constant 0 : i32
      %dma_start3A_420 = tpu.memref_slice %arg19[%dma_start3A_418, %dma_start3A_419] : memref<10240x8xf32, #tpu.memory_space<vmem_shared>> -> memref<10240x8xf32, #tpu.memory_space<vmem_shared>>
      %dma_start3A_421 = tpu.memref_slice %arg22[%dma_start3A_414] : memref<10x!tpu.dma_semaphore, #tpu.memory_space<semaphore_mem>> -> memref<1x!tpu.dma_semaphore, #tpu.memory_space<semaphore_mem>>
      %dma_start3A_422 = tpu.memref_squeeze %dma_start3A_421 : memref<1x!tpu.dma_semaphore, #tpu.memory_space<semaphore_mem>> -> memref<!tpu.dma_semaphore, #tpu.memory_space<semaphore_mem>>
      tpu.enqueue_indirect_dma source(%arg15 : memref<128x8xf32, #tpu.memory_space<vmem>>) target(%dma_start3A_420 : memref<10240x8xf32, #tpu.memory_space<vmem_shared>>) offsets(%dma_start3A_417 : memref<128xi32, #tpu.memory_space<vmem>>) semaphore(%dma_start3A_422 : memref<!tpu.dma_semaphore, #tpu.memory_space<semaphore_mem>>) {add = true}
      %ge3A_423 = arith.constant 5 : i32
      %ge3A_424 = arith.cmpi sge, %add3A_404, %ge3A_423 : i32
      %lt3A_425 = arith.constant 75 : i32
      %lt3A_426 = arith.cmpi slt, %add3A_404, %lt3A_425 : i32
      %and3A_427 = arith.andi %ge3A_424, %lt3A_426 : i1
      %convert_element_type3A_428 = arith.extui %and3A_427 : i1 to i32
      %cond3A_429 = arith.constant 0 : i32
      %cond3A_430 = arith.cmpi ne, %convert_element_type3A_428, %cond3A_429 : i32
      scf.if %cond3A_430 {
        %dma_wait3A_541 = arith.constant 1 : i32
        %dma_wait3A_542 = arith.constant 0 : i32
        %dma_wait3A_543 = tpu.memref_slice %arg8[%add3A_404, %dma_wait3A_542] : memref<80x128xi32, #tpu.memory_space<vmem>> -> memref<1x128xi32, #tpu.memory_space<vmem>>
        %dma_wait3A_544 = tpu.memref_squeeze %dma_wait3A_543 : memref<1x128xi32, #tpu.memory_space<vmem>> -> memref<128xi32, #tpu.memory_space<vmem>>
        %dma_wait3A_545 = arith.constant 0 : i32
        %dma_wait3A_546 = arith.constant 0 : i32
        %dma_wait3A_547 = tpu.memref_slice %arg19[%dma_wait3A_545, %dma_wait3A_546] : memref<10240x8xf32, #tpu.memory_space<vmem_shared>> -> memref<10240x8xf32, #tpu.memory_space<vmem_shared>>
        %dma_wait3A_548 = tpu.memref_slice %arg22[%dma_wait3A_541] : memref<10x!tpu.dma_semaphore, #tpu.memory_space<semaphore_mem>> -> memref<1x!tpu.dma_semaphore, #tpu.memory_space<semaphore_mem>>
        %dma_wait3A_549 = tpu.memref_squeeze %dma_wait3A_548 : memref<1x!tpu.dma_semaphore, #tpu.memory_space<semaphore_mem>> -> memref<!tpu.dma_semaphore, #tpu.memory_space<semaphore_mem>>
        tpu.wait_indirect_dma semaphore(%dma_wait3A_549 : memref<!tpu.dma_semaphore, #tpu.memory_space<semaphore_mem>>) src(%arg10 : memref<128x8xf32, #tpu.memory_space<vmem>>) dst(%dma_wait3A_547 : memref<10240x8xf32, #tpu.memory_space<vmem_shared>>)
      } else {
      }
      %lt3A_431 = arith.constant 75 : i32
      %lt3A_432 = arith.cmpi slt, %add3A_404, %lt3A_431 : i32
      %convert_element_type3A_433 = arith.extui %lt3A_432 : i1 to i32
      %cond3A_434 = arith.constant 0 : i32
      %cond3A_435 = arith.cmpi ne, %convert_element_type3A_433, %cond3A_434 : i32
      scf.if %cond3A_435 {
        %add3A_541 = arith.constant 5 : i32
        %add3A_542 = arith.addi %add3A_404, %add3A_541 : i32
        %dma_start3A_543 = arith.constant 1 : i32
        %dma_start3A_544 = arith.constant 0 : i32
        %dma_start3A_545 = tpu.memref_slice %arg7[%add3A_542, %dma_start3A_544] : memref<80x128xi32, #tpu.memory_space<vmem>> -> memref<1x128xi32, #tpu.memory_space<vmem>>
        %dma_start3A_546 = tpu.memref_squeeze %dma_start3A_545 : memref<1x128xi32, #tpu.memory_space<vmem>> -> memref<128xi32, #tpu.memory_space<vmem>>
        %dma_start3A_547 = arith.constant 0 : i32
        %dma_start3A_548 = arith.constant 0 : i32
        %dma_start3A_549 = tpu.memref_slice %arg2[%dma_start3A_547, %dma_start3A_548] : memref<10000x8xf32, #tpu.memory_space<hbm>> -> memref<10000x8xf32, #tpu.memory_space<hbm>>
        %dma_start3A_550 = tpu.memref_slice %arg21[%dma_start3A_543] : memref<10x!tpu.dma_semaphore, #tpu.memory_space<semaphore_mem>> -> memref<1x!tpu.dma_semaphore, #tpu.memory_space<semaphore_mem>>
        %dma_start3A_551 = tpu.memref_squeeze %dma_start3A_550 : memref<1x!tpu.dma_semaphore, #tpu.memory_space<semaphore_mem>> -> memref<!tpu.dma_semaphore, #tpu.memory_space<semaphore_mem>>
        tpu.enqueue_indirect_dma source(%dma_start3A_549 : memref<10000x8xf32, #tpu.memory_space<hbm>>) target(%arg10 : memref<128x8xf32, #tpu.memory_space<vmem>>) offsets(%dma_start3A_546 : memref<128xi32, #tpu.memory_space<vmem>>) semaphore(%dma_start3A_551 : memref<!tpu.dma_semaphore, #tpu.memory_space<semaphore_mem>>)
      } else {
      }
      %mul3A_436 = arith.constant 10 : i32
      %mul3A_437 = arith.muli %scan3A_195, %mul3A_436 : i32
      %add3A_438 = arith.constant 7 : i32
      %add3A_439 = arith.addi %mul3A_437, %add3A_438 : i32
      %dma_wait3A_440 = arith.constant 7 : i32
      %dma_wait3A_441 = arith.constant 0 : i32
      %dma_wait3A_442 = tpu.memref_slice %arg7[%add3A_439, %dma_wait3A_441] : memref<80x128xi32, #tpu.memory_space<vmem>> -> memref<1x128xi32, #tpu.memory_space<vmem>>
      %dma_wait3A_443 = tpu.memref_squeeze %dma_wait3A_442 : memref<1x128xi32, #tpu.memory_space<vmem>> -> memref<128xi32, #tpu.memory_space<vmem>>
      %dma_wait3A_444 = arith.constant 0 : i32
      %dma_wait3A_445 = arith.constant 0 : i32
      %dma_wait3A_446 = tpu.memref_slice %arg2[%dma_wait3A_444, %dma_wait3A_445] : memref<10000x8xf32, #tpu.memory_space<hbm>> -> memref<10000x8xf32, #tpu.memory_space<hbm>>
      %dma_wait3A_447 = tpu.memref_slice %arg21[%dma_wait3A_440] : memref<10x!tpu.dma_semaphore, #tpu.memory_space<semaphore_mem>> -> memref<1x!tpu.dma_semaphore, #tpu.memory_space<semaphore_mem>>
      %dma_wait3A_448 = tpu.memref_squeeze %dma_wait3A_447 : memref<1x!tpu.dma_semaphore, #tpu.memory_space<semaphore_mem>> -> memref<!tpu.dma_semaphore, #tpu.memory_space<semaphore_mem>>
      tpu.wait_indirect_dma semaphore(%dma_wait3A_448 : memref<!tpu.dma_semaphore, #tpu.memory_space<semaphore_mem>>) src(%dma_wait3A_446 : memref<10000x8xf32, #tpu.memory_space<hbm>>) dst(%arg16 : memref<128x8xf32, #tpu.memory_space<vmem>>)
      %dma_start3A_449 = arith.constant 7 : i32
      %dma_start3A_450 = arith.constant 0 : i32
      %dma_start3A_451 = tpu.memref_slice %arg8[%add3A_439, %dma_start3A_450] : memref<80x128xi32, #tpu.memory_space<vmem>> -> memref<1x128xi32, #tpu.memory_space<vmem>>
      %dma_start3A_452 = tpu.memref_squeeze %dma_start3A_451 : memref<1x128xi32, #tpu.memory_space<vmem>> -> memref<128xi32, #tpu.memory_space<vmem>>
      %dma_start3A_453 = arith.constant 0 : i32
      %dma_start3A_454 = arith.constant 0 : i32
      %dma_start3A_455 = tpu.memref_slice %arg19[%dma_start3A_453, %dma_start3A_454] : memref<10240x8xf32, #tpu.memory_space<vmem_shared>> -> memref<10240x8xf32, #tpu.memory_space<vmem_shared>>
      %dma_start3A_456 = tpu.memref_slice %arg22[%dma_start3A_449] : memref<10x!tpu.dma_semaphore, #tpu.memory_space<semaphore_mem>> -> memref<1x!tpu.dma_semaphore, #tpu.memory_space<semaphore_mem>>
      %dma_start3A_457 = tpu.memref_squeeze %dma_start3A_456 : memref<1x!tpu.dma_semaphore, #tpu.memory_space<semaphore_mem>> -> memref<!tpu.dma_semaphore, #tpu.memory_space<semaphore_mem>>
      tpu.enqueue_indirect_dma source(%arg16 : memref<128x8xf32, #tpu.memory_space<vmem>>) target(%dma_start3A_455 : memref<10240x8xf32, #tpu.memory_space<vmem_shared>>) offsets(%dma_start3A_452 : memref<128xi32, #tpu.memory_space<vmem>>) semaphore(%dma_start3A_457 : memref<!tpu.dma_semaphore, #tpu.memory_space<semaphore_mem>>) {add = true}
      %ge3A_458 = arith.constant 5 : i32
      %ge3A_459 = arith.cmpi sge, %add3A_439, %ge3A_458 : i32
      %lt3A_460 = arith.constant 75 : i32
      %lt3A_461 = arith.cmpi slt, %add3A_439, %lt3A_460 : i32
      %and3A_462 = arith.andi %ge3A_459, %lt3A_461 : i1
      %convert_element_type3A_463 = arith.extui %and3A_462 : i1 to i32
      %cond3A_464 = arith.constant 0 : i32
      %cond3A_465 = arith.cmpi ne, %convert_element_type3A_463, %cond3A_464 : i32
      scf.if %cond3A_465 {
        %dma_wait3A_541 = arith.constant 2 : i32
        %dma_wait3A_542 = arith.constant 0 : i32
        %dma_wait3A_543 = tpu.memref_slice %arg8[%add3A_439, %dma_wait3A_542] : memref<80x128xi32, #tpu.memory_space<vmem>> -> memref<1x128xi32, #tpu.memory_space<vmem>>
        %dma_wait3A_544 = tpu.memref_squeeze %dma_wait3A_543 : memref<1x128xi32, #tpu.memory_space<vmem>> -> memref<128xi32, #tpu.memory_space<vmem>>
        %dma_wait3A_545 = arith.constant 0 : i32
        %dma_wait3A_546 = arith.constant 0 : i32
        %dma_wait3A_547 = tpu.memref_slice %arg19[%dma_wait3A_545, %dma_wait3A_546] : memref<10240x8xf32, #tpu.memory_space<vmem_shared>> -> memref<10240x8xf32, #tpu.memory_space<vmem_shared>>
        %dma_wait3A_548 = tpu.memref_slice %arg22[%dma_wait3A_541] : memref<10x!tpu.dma_semaphore, #tpu.memory_space<semaphore_mem>> -> memref<1x!tpu.dma_semaphore, #tpu.memory_space<semaphore_mem>>
        %dma_wait3A_549 = tpu.memref_squeeze %dma_wait3A_548 : memref<1x!tpu.dma_semaphore, #tpu.memory_space<semaphore_mem>> -> memref<!tpu.dma_semaphore, #tpu.memory_space<semaphore_mem>>
        tpu.wait_indirect_dma semaphore(%dma_wait3A_549 : memref<!tpu.dma_semaphore, #tpu.memory_space<semaphore_mem>>) src(%arg11 : memref<128x8xf32, #tpu.memory_space<vmem>>) dst(%dma_wait3A_547 : memref<10240x8xf32, #tpu.memory_space<vmem_shared>>)
      } else {
      }
      %lt3A_466 = arith.constant 75 : i32
      %lt3A_467 = arith.cmpi slt, %add3A_439, %lt3A_466 : i32
      %convert_element_type3A_468 = arith.extui %lt3A_467 : i1 to i32
      %cond3A_469 = arith.constant 0 : i32
      %cond3A_470 = arith.cmpi ne, %convert_element_type3A_468, %cond3A_469 : i32
      scf.if %cond3A_470 {
        %add3A_541 = arith.constant 5 : i32
        %add3A_542 = arith.addi %add3A_439, %add3A_541 : i32
        %dma_start3A_543 = arith.constant 2 : i32
        %dma_start3A_544 = arith.constant 0 : i32
        %dma_start3A_545 = tpu.memref_slice %arg7[%add3A_542, %dma_start3A_544] : memref<80x128xi32, #tpu.memory_space<vmem>> -> memref<1x128xi32, #tpu.memory_space<vmem>>
        %dma_start3A_546 = tpu.memref_squeeze %dma_start3A_545 : memref<1x128xi32, #tpu.memory_space<vmem>> -> memref<128xi32, #tpu.memory_space<vmem>>
        %dma_start3A_547 = arith.constant 0 : i32
        %dma_start3A_548 = arith.constant 0 : i32
        %dma_start3A_549 = tpu.memref_slice %arg2[%dma_start3A_547, %dma_start3A_548] : memref<10000x8xf32, #tpu.memory_space<hbm>> -> memref<10000x8xf32, #tpu.memory_space<hbm>>
        %dma_start3A_550 = tpu.memref_slice %arg21[%dma_start3A_543] : memref<10x!tpu.dma_semaphore, #tpu.memory_space<semaphore_mem>> -> memref<1x!tpu.dma_semaphore, #tpu.memory_space<semaphore_mem>>
        %dma_start3A_551 = tpu.memref_squeeze %dma_start3A_550 : memref<1x!tpu.dma_semaphore, #tpu.memory_space<semaphore_mem>> -> memref<!tpu.dma_semaphore, #tpu.memory_space<semaphore_mem>>
        tpu.enqueue_indirect_dma source(%dma_start3A_549 : memref<10000x8xf32, #tpu.memory_space<hbm>>) target(%arg11 : memref<128x8xf32, #tpu.memory_space<vmem>>) offsets(%dma_start3A_546 : memref<128xi32, #tpu.memory_space<vmem>>) semaphore(%dma_start3A_551 : memref<!tpu.dma_semaphore, #tpu.memory_space<semaphore_mem>>)
      } else {
      }
      %mul3A_471 = arith.constant 10 : i32
      %mul3A_472 = arith.muli %scan3A_195, %mul3A_471 : i32
      %add3A_473 = arith.constant 8 : i32
      %add3A_474 = arith.addi %mul3A_472, %add3A_473 : i32
      %dma_wait3A_475 = arith.constant 8 : i32
      %dma_wait3A_476 = arith.constant 0 : i32
      %dma_wait3A_477 = tpu.memref_slice %arg7[%add3A_474, %dma_wait3A_476] : memref<80x128xi32, #tpu.memory_space<vmem>> -> memref<1x128xi32, #tpu.memory_space<vmem>>
      %dma_wait3A_478 = tpu.memref_squeeze %dma_wait3A_477 : memref<1x128xi32, #tpu.memory_space<vmem>> -> memref<128xi32, #tpu.memory_space<vmem>>
      %dma_wait3A_479 = arith.constant 0 : i32
      %dma_wait3A_480 = arith.constant 0 : i32
      %dma_wait3A_481 = tpu.memref_slice %arg2[%dma_wait3A_479, %dma_wait3A_480] : memref<10000x8xf32, #tpu.memory_space<hbm>> -> memref<10000x8xf32, #tpu.memory_space<hbm>>
      %dma_wait3A_482 = tpu.memref_slice %arg21[%dma_wait3A_475] : memref<10x!tpu.dma_semaphore, #tpu.memory_space<semaphore_mem>> -> memref<1x!tpu.dma_semaphore, #tpu.memory_space<semaphore_mem>>
      %dma_wait3A_483 = tpu.memref_squeeze %dma_wait3A_482 : memref<1x!tpu.dma_semaphore, #tpu.memory_space<semaphore_mem>> -> memref<!tpu.dma_semaphore, #tpu.memory_space<semaphore_mem>>
      tpu.wait_indirect_dma semaphore(%dma_wait3A_483 : memref<!tpu.dma_semaphore, #tpu.memory_space<semaphore_mem>>) src(%dma_wait3A_481 : memref<10000x8xf32, #tpu.memory_space<hbm>>) dst(%arg17 : memref<128x8xf32, #tpu.memory_space<vmem>>)
      %dma_start3A_484 = arith.constant 8 : i32
      %dma_start3A_485 = arith.constant 0 : i32
      %dma_start3A_486 = tpu.memref_slice %arg8[%add3A_474, %dma_start3A_485] : memref<80x128xi32, #tpu.memory_space<vmem>> -> memref<1x128xi32, #tpu.memory_space<vmem>>
      %dma_start3A_487 = tpu.memref_squeeze %dma_start3A_486 : memref<1x128xi32, #tpu.memory_space<vmem>> -> memref<128xi32, #tpu.memory_space<vmem>>
      %dma_start3A_488 = arith.constant 0 : i32
      %dma_start3A_489 = arith.constant 0 : i32
      %dma_start3A_490 = tpu.memref_slice %arg19[%dma_start3A_488, %dma_start3A_489] : memref<10240x8xf32, #tpu.memory_space<vmem_shared>> -> memref<10240x8xf32, #tpu.memory_space<vmem_shared>>
      %dma_start3A_491 = tpu.memref_slice %arg22[%dma_start3A_484] : memref<10x!tpu.dma_semaphore, #tpu.memory_space<semaphore_mem>> -> memref<1x!tpu.dma_semaphore, #tpu.memory_space<semaphore_mem>>
      %dma_start3A_492 = tpu.memref_squeeze %dma_start3A_491 : memref<1x!tpu.dma_semaphore, #tpu.memory_space<semaphore_mem>> -> memref<!tpu.dma_semaphore, #tpu.memory_space<semaphore_mem>>
      tpu.enqueue_indirect_dma source(%arg17 : memref<128x8xf32, #tpu.memory_space<vmem>>) target(%dma_start3A_490 : memref<10240x8xf32, #tpu.memory_space<vmem_shared>>) offsets(%dma_start3A_487 : memref<128xi32, #tpu.memory_space<vmem>>) semaphore(%dma_start3A_492 : memref<!tpu.dma_semaphore, #tpu.memory_space<semaphore_mem>>) {add = true}
      %ge3A_493 = arith.constant 5 : i32
      %ge3A_494 = arith.cmpi sge, %add3A_474, %ge3A_493 : i32
      %lt3A_495 = arith.constant 75 : i32
      %lt3A_496 = arith.cmpi slt, %add3A_474, %lt3A_495 : i32
      %and3A_497 = arith.andi %ge3A_494, %lt3A_496 : i1
      %convert_element_type3A_498 = arith.extui %and3A_497 : i1 to i32
      %cond3A_499 = arith.constant 0 : i32
      %cond3A_500 = arith.cmpi ne, %convert_element_type3A_498, %cond3A_499 : i32
      scf.if %cond3A_500 {
        %dma_wait3A_541 = arith.constant 3 : i32
        %dma_wait3A_542 = arith.constant 0 : i32
        %dma_wait3A_543 = tpu.memref_slice %arg8[%add3A_474, %dma_wait3A_542] : memref<80x128xi32, #tpu.memory_space<vmem>> -> memref<1x128xi32, #tpu.memory_space<vmem>>
        %dma_wait3A_544 = tpu.memref_squeeze %dma_wait3A_543 : memref<1x128xi32, #tpu.memory_space<vmem>> -> memref<128xi32, #tpu.memory_space<vmem>>
        %dma_wait3A_545 = arith.constant 0 : i32
        %dma_wait3A_546 = arith.constant 0 : i32
        %dma_wait3A_547 = tpu.memref_slice %arg19[%dma_wait3A_545, %dma_wait3A_546] : memref<10240x8xf32, #tpu.memory_space<vmem_shared>> -> memref<10240x8xf32, #tpu.memory_space<vmem_shared>>
        %dma_wait3A_548 = tpu.memref_slice %arg22[%dma_wait3A_541] : memref<10x!tpu.dma_semaphore, #tpu.memory_space<semaphore_mem>> -> memref<1x!tpu.dma_semaphore, #tpu.memory_space<semaphore_mem>>
        %dma_wait3A_549 = tpu.memref_squeeze %dma_wait3A_548 : memref<1x!tpu.dma_semaphore, #tpu.memory_space<semaphore_mem>> -> memref<!tpu.dma_semaphore, #tpu.memory_space<semaphore_mem>>
        tpu.wait_indirect_dma semaphore(%dma_wait3A_549 : memref<!tpu.dma_semaphore, #tpu.memory_space<semaphore_mem>>) src(%arg12 : memref<128x8xf32, #tpu.memory_space<vmem>>) dst(%dma_wait3A_547 : memref<10240x8xf32, #tpu.memory_space<vmem_shared>>)
      } else {
      }
      %lt3A_501 = arith.constant 75 : i32
      %lt3A_502 = arith.cmpi slt, %add3A_474, %lt3A_501 : i32
      %convert_element_type3A_503 = arith.extui %lt3A_502 : i1 to i32
      %cond3A_504 = arith.constant 0 : i32
      %cond3A_505 = arith.cmpi ne, %convert_element_type3A_503, %cond3A_504 : i32
      scf.if %cond3A_505 {
        %add3A_541 = arith.constant 5 : i32
        %add3A_542 = arith.addi %add3A_474, %add3A_541 : i32
        %dma_start3A_543 = arith.constant 3 : i32
        %dma_start3A_544 = arith.constant 0 : i32
        %dma_start3A_545 = tpu.memref_slice %arg7[%add3A_542, %dma_start3A_544] : memref<80x128xi32, #tpu.memory_space<vmem>> -> memref<1x128xi32, #tpu.memory_space<vmem>>
        %dma_start3A_546 = tpu.memref_squeeze %dma_start3A_545 : memref<1x128xi32, #tpu.memory_space<vmem>> -> memref<128xi32, #tpu.memory_space<vmem>>
        %dma_start3A_547 = arith.constant 0 : i32
        %dma_start3A_548 = arith.constant 0 : i32
        %dma_start3A_549 = tpu.memref_slice %arg2[%dma_start3A_547, %dma_start3A_548] : memref<10000x8xf32, #tpu.memory_space<hbm>> -> memref<10000x8xf32, #tpu.memory_space<hbm>>
        %dma_start3A_550 = tpu.memref_slice %arg21[%dma_start3A_543] : memref<10x!tpu.dma_semaphore, #tpu.memory_space<semaphore_mem>> -> memref<1x!tpu.dma_semaphore, #tpu.memory_space<semaphore_mem>>
        %dma_start3A_551 = tpu.memref_squeeze %dma_start3A_550 : memref<1x!tpu.dma_semaphore, #tpu.memory_space<semaphore_mem>> -> memref<!tpu.dma_semaphore, #tpu.memory_space<semaphore_mem>>
        tpu.enqueue_indirect_dma source(%dma_start3A_549 : memref<10000x8xf32, #tpu.memory_space<hbm>>) target(%arg12 : memref<128x8xf32, #tpu.memory_space<vmem>>) offsets(%dma_start3A_546 : memref<128xi32, #tpu.memory_space<vmem>>) semaphore(%dma_start3A_551 : memref<!tpu.dma_semaphore, #tpu.memory_space<semaphore_mem>>)
      } else {
      }
      %mul3A_506 = arith.constant 10 : i32
      %mul3A_507 = arith.muli %scan3A_195, %mul3A_506 : i32
      %add3A_508 = arith.constant 9 : i32
      %add3A_509 = arith.addi %mul3A_507, %add3A_508 : i32
      %dma_wait3A_510 = arith.constant 9 : i32
      %dma_wait3A_511 = arith.constant 0 : i32
      %dma_wait3A_512 = tpu.memref_slice %arg7[%add3A_509, %dma_wait3A_511] : memref<80x128xi32, #tpu.memory_space<vmem>> -> memref<1x128xi32, #tpu.memory_space<vmem>>
      %dma_wait3A_513 = tpu.memref_squeeze %dma_wait3A_512 : memref<1x128xi32, #tpu.memory_space<vmem>> -> memref<128xi32, #tpu.memory_space<vmem>>
      %dma_wait3A_514 = arith.constant 0 : i32
      %dma_wait3A_515 = arith.constant 0 : i32
      %dma_wait3A_516 = tpu.memref_slice %arg2[%dma_wait3A_514, %dma_wait3A_515] : memref<10000x8xf32, #tpu.memory_space<hbm>> -> memref<10000x8xf32, #tpu.memory_space<hbm>>
      %dma_wait3A_517 = tpu.memref_slice %arg21[%dma_wait3A_510] : memref<10x!tpu.dma_semaphore, #tpu.memory_space<semaphore_mem>> -> memref<1x!tpu.dma_semaphore, #tpu.memory_space<semaphore_mem>>
      %dma_wait3A_518 = tpu.memref_squeeze %dma_wait3A_517 : memref<1x!tpu.dma_semaphore, #tpu.memory_space<semaphore_mem>> -> memref<!tpu.dma_semaphore, #tpu.memory_space<semaphore_mem>>
      tpu.wait_indirect_dma semaphore(%dma_wait3A_518 : memref<!tpu.dma_semaphore, #tpu.memory_space<semaphore_mem>>) src(%dma_wait3A_516 : memref<10000x8xf32, #tpu.memory_space<hbm>>) dst(%arg18 : memref<128x8xf32, #tpu.memory_space<vmem>>)
      %dma_start3A_519 = arith.constant 9 : i32
      %dma_start3A_520 = arith.constant 0 : i32
      %dma_start3A_521 = tpu.memref_slice %arg8[%add3A_509, %dma_start3A_520] : memref<80x128xi32, #tpu.memory_space<vmem>> -> memref<1x128xi32, #tpu.memory_space<vmem>>
      %dma_start3A_522 = tpu.memref_squeeze %dma_start3A_521 : memref<1x128xi32, #tpu.memory_space<vmem>> -> memref<128xi32, #tpu.memory_space<vmem>>
      %dma_start3A_523 = arith.constant 0 : i32
      %dma_start3A_524 = arith.constant 0 : i32
      %dma_start3A_525 = tpu.memref_slice %arg19[%dma_start3A_523, %dma_start3A_524] : memref<10240x8xf32, #tpu.memory_space<vmem_shared>> -> memref<10240x8xf32, #tpu.memory_space<vmem_shared>>
      %dma_start3A_526 = tpu.memref_slice %arg22[%dma_start3A_519] : memref<10x!tpu.dma_semaphore, #tpu.memory_space<semaphore_mem>> -> memref<1x!tpu.dma_semaphore, #tpu.memory_space<semaphore_mem>>
      %dma_start3A_527 = tpu.memref_squeeze %dma_start3A_526 : memref<1x!tpu.dma_semaphore, #tpu.memory_space<semaphore_mem>> -> memref<!tpu.dma_semaphore, #tpu.memory_space<semaphore_mem>>
      tpu.enqueue_indirect_dma source(%arg18 : memref<128x8xf32, #tpu.memory_space<vmem>>) target(%dma_start3A_525 : memref<10240x8xf32, #tpu.memory_space<vmem_shared>>) offsets(%dma_start3A_522 : memref<128xi32, #tpu.memory_space<vmem>>) semaphore(%dma_start3A_527 : memref<!tpu.dma_semaphore, #tpu.memory_space<semaphore_mem>>) {add = true}
      %ge3A_528 = arith.constant 5 : i32
      %ge3A_529 = arith.cmpi sge, %add3A_509, %ge3A_528 : i32
      %lt3A_530 = arith.constant 75 : i32
      %lt3A_531 = arith.cmpi slt, %add3A_509, %lt3A_530 : i32
      %and3A_532 = arith.andi %ge3A_529, %lt3A_531 : i1
      %convert_element_type3A_533 = arith.extui %and3A_532 : i1 to i32
      %cond3A_534 = arith.constant 0 : i32
      %cond3A_535 = arith.cmpi ne, %convert_element_type3A_533, %cond3A_534 : i32
      scf.if %cond3A_535 {
        %dma_wait3A_541 = arith.constant 4 : i32
        %dma_wait3A_542 = arith.constant 0 : i32
        %dma_wait3A_543 = tpu.memref_slice %arg8[%add3A_509, %dma_wait3A_542] : memref<80x128xi32, #tpu.memory_space<vmem>> -> memref<1x128xi32, #tpu.memory_space<vmem>>
        %dma_wait3A_544 = tpu.memref_squeeze %dma_wait3A_543 : memref<1x128xi32, #tpu.memory_space<vmem>> -> memref<128xi32, #tpu.memory_space<vmem>>
        %dma_wait3A_545 = arith.constant 0 : i32
        %dma_wait3A_546 = arith.constant 0 : i32
        %dma_wait3A_547 = tpu.memref_slice %arg19[%dma_wait3A_545, %dma_wait3A_546] : memref<10240x8xf32, #tpu.memory_space<vmem_shared>> -> memref<10240x8xf32, #tpu.memory_space<vmem_shared>>
        %dma_wait3A_548 = tpu.memref_slice %arg22[%dma_wait3A_541] : memref<10x!tpu.dma_semaphore, #tpu.memory_space<semaphore_mem>> -> memref<1x!tpu.dma_semaphore, #tpu.memory_space<semaphore_mem>>
        %dma_wait3A_549 = tpu.memref_squeeze %dma_wait3A_548 : memref<1x!tpu.dma_semaphore, #tpu.memory_space<semaphore_mem>> -> memref<!tpu.dma_semaphore, #tpu.memory_space<semaphore_mem>>
        tpu.wait_indirect_dma semaphore(%dma_wait3A_549 : memref<!tpu.dma_semaphore, #tpu.memory_space<semaphore_mem>>) src(%arg13 : memref<128x8xf32, #tpu.memory_space<vmem>>) dst(%dma_wait3A_547 : memref<10240x8xf32, #tpu.memory_space<vmem_shared>>)
      } else {
      }
      %lt3A_536 = arith.constant 75 : i32
      %lt3A_537 = arith.cmpi slt, %add3A_509, %lt3A_536 : i32
      %convert_element_type3A_538 = arith.extui %lt3A_537 : i1 to i32
      %cond3A_539 = arith.constant 0 : i32
      %cond3A_540 = arith.cmpi ne, %convert_element_type3A_538, %cond3A_539 : i32
      scf.if %cond3A_540 {
        %add3A_541 = arith.constant 5 : i32
        %add3A_542 = arith.addi %add3A_509, %add3A_541 : i32
        %dma_start3A_543 = arith.constant 4 : i32
        %dma_start3A_544 = arith.constant 0 : i32
        %dma_start3A_545 = tpu.memref_slice %arg7[%add3A_542, %dma_start3A_544] : memref<80x128xi32, #tpu.memory_space<vmem>> -> memref<1x128xi32, #tpu.memory_space<vmem>>
        %dma_start3A_546 = tpu.memref_squeeze %dma_start3A_545 : memref<1x128xi32, #tpu.memory_space<vmem>> -> memref<128xi32, #tpu.memory_space<vmem>>
        %dma_start3A_547 = arith.constant 0 : i32
        %dma_start3A_548 = arith.constant 0 : i32
        %dma_start3A_549 = tpu.memref_slice %arg2[%dma_start3A_547, %dma_start3A_548] : memref<10000x8xf32, #tpu.memory_space<hbm>> -> memref<10000x8xf32, #tpu.memory_space<hbm>>
        %dma_start3A_550 = tpu.memref_slice %arg21[%dma_start3A_543] : memref<10x!tpu.dma_semaphore, #tpu.memory_space<semaphore_mem>> -> memref<1x!tpu.dma_semaphore, #tpu.memory_space<semaphore_mem>>
        %dma_start3A_551 = tpu.memref_squeeze %dma_start3A_550 : memref<1x!tpu.dma_semaphore, #tpu.memory_space<semaphore_mem>> -> memref<!tpu.dma_semaphore, #tpu.memory_space<semaphore_mem>>
        tpu.enqueue_indirect_dma source(%dma_start3A_549 : memref<10000x8xf32, #tpu.memory_space<hbm>>) target(%arg13 : memref<128x8xf32, #tpu.memory_space<vmem>>) offsets(%dma_start3A_546 : memref<128xi32, #tpu.memory_space<vmem>>) semaphore(%dma_start3A_551 : memref<!tpu.dma_semaphore, #tpu.memory_space<semaphore_mem>>)
      } else {
      }
    }
    %scan3A_89 = arith.constant 8 : i32
    %dma_wait3A_90 = arith.constant 0 : i32
    %dma_wait3A_91 = arith.constant 0 : i32
    %dma_wait3A_92 = arith.constant 0 : i32
    %dma_wait3A_93 = tpu.memref_slice %arg8[%dma_wait3A_90, %dma_wait3A_92] : memref<80x128xi32, #tpu.memory_space<vmem>> -> memref<1x128xi32, #tpu.memory_space<vmem>>
    %dma_wait3A_94 = tpu.memref_squeeze %dma_wait3A_93 : memref<1x128xi32, #tpu.memory_space<vmem>> -> memref<128xi32, #tpu.memory_space<vmem>>
    %dma_wait3A_95 = arith.constant 0 : i32
    %dma_wait3A_96 = arith.constant 0 : i32
    %dma_wait3A_97 = tpu.memref_slice %arg19[%dma_wait3A_95, %dma_wait3A_96] : memref<10240x8xf32, #tpu.memory_space<vmem_shared>> -> memref<10240x8xf32, #tpu.memory_space<vmem_shared>>
    %dma_wait3A_98 = tpu.memref_slice %arg22[%dma_wait3A_91] : memref<10x!tpu.dma_semaphore, #tpu.memory_space<semaphore_mem>> -> memref<1x!tpu.dma_semaphore, #tpu.memory_space<semaphore_mem>>
    %dma_wait3A_99 = tpu.memref_squeeze %dma_wait3A_98 : memref<1x!tpu.dma_semaphore, #tpu.memory_space<semaphore_mem>> -> memref<!tpu.dma_semaphore, #tpu.memory_space<semaphore_mem>>
    tpu.wait_indirect_dma semaphore(%dma_wait3A_99 : memref<!tpu.dma_semaphore, #tpu.memory_space<semaphore_mem>>) src(%arg9 : memref<128x8xf32, #tpu.memory_space<vmem>>) dst(%dma_wait3A_97 : memref<10240x8xf32, #tpu.memory_space<vmem_shared>>)
    %dma_wait3A_100 = arith.constant 0 : i32
    %dma_wait3A_101 = arith.constant 1 : i32
    %dma_wait3A_102 = arith.constant 0 : i32
    %dma_wait3A_103 = tpu.memref_slice %arg8[%dma_wait3A_100, %dma_wait3A_102] : memref<80x128xi32, #tpu.memory_space<vmem>> -> memref<1x128xi32, #tpu.memory_space<vmem>>
    %dma_wait3A_104 = tpu.memref_squeeze %dma_wait3A_103 : memref<1x128xi32, #tpu.memory_space<vmem>> -> memref<128xi32, #tpu.memory_space<vmem>>
    %dma_wait3A_105 = arith.constant 0 : i32
    %dma_wait3A_106 = arith.constant 0 : i32
    %dma_wait3A_107 = tpu.memref_slice %arg19[%dma_wait3A_105, %dma_wait3A_106] : memref<10240x8xf32, #tpu.memory_space<vmem_shared>> -> memref<10240x8xf32, #tpu.memory_space<vmem_shared>>
    %dma_wait3A_108 = tpu.memref_slice %arg22[%dma_wait3A_101] : memref<10x!tpu.dma_semaphore, #tpu.memory_space<semaphore_mem>> -> memref<1x!tpu.dma_semaphore, #tpu.memory_space<semaphore_mem>>
    %dma_wait3A_109 = tpu.memref_squeeze %dma_wait3A_108 : memref<1x!tpu.dma_semaphore, #tpu.memory_space<semaphore_mem>> -> memref<!tpu.dma_semaphore, #tpu.memory_space<semaphore_mem>>
    tpu.wait_indirect_dma semaphore(%dma_wait3A_109 : memref<!tpu.dma_semaphore, #tpu.memory_space<semaphore_mem>>) src(%arg10 : memref<128x8xf32, #tpu.memory_space<vmem>>) dst(%dma_wait3A_107 : memref<10240x8xf32, #tpu.memory_space<vmem_shared>>)
    %dma_wait3A_110 = arith.constant 0 : i32
    %dma_wait3A_111 = arith.constant 2 : i32
    %dma_wait3A_112 = arith.constant 0 : i32
    %dma_wait3A_113 = tpu.memref_slice %arg8[%dma_wait3A_110, %dma_wait3A_112] : memref<80x128xi32, #tpu.memory_space<vmem>> -> memref<1x128xi32, #tpu.memory_space<vmem>>
    %dma_wait3A_114 = tpu.memref_squeeze %dma_wait3A_113 : memref<1x128xi32, #tpu.memory_space<vmem>> -> memref<128xi32, #tpu.memory_space<vmem>>
    %dma_wait3A_115 = arith.constant 0 : i32
    %dma_wait3A_116 = arith.constant 0 : i32
    %dma_wait3A_117 = tpu.memref_slice %arg19[%dma_wait3A_115, %dma_wait3A_116] : memref<10240x8xf32, #tpu.memory_space<vmem_shared>> -> memref<10240x8xf32, #tpu.memory_space<vmem_shared>>
    %dma_wait3A_118 = tpu.memref_slice %arg22[%dma_wait3A_111] : memref<10x!tpu.dma_semaphore, #tpu.memory_space<semaphore_mem>> -> memref<1x!tpu.dma_semaphore, #tpu.memory_space<semaphore_mem>>
    %dma_wait3A_119 = tpu.memref_squeeze %dma_wait3A_118 : memref<1x!tpu.dma_semaphore, #tpu.memory_space<semaphore_mem>> -> memref<!tpu.dma_semaphore, #tpu.memory_space<semaphore_mem>>
    tpu.wait_indirect_dma semaphore(%dma_wait3A_119 : memref<!tpu.dma_semaphore, #tpu.memory_space<semaphore_mem>>) src(%arg11 : memref<128x8xf32, #tpu.memory_space<vmem>>) dst(%dma_wait3A_117 : memref<10240x8xf32, #tpu.memory_space<vmem_shared>>)
    %dma_wait3A_120 = arith.constant 0 : i32
    %dma_wait3A_121 = arith.constant 3 : i32
    %dma_wait3A_122 = arith.constant 0 : i32
    %dma_wait3A_123 = tpu.memref_slice %arg8[%dma_wait3A_120, %dma_wait3A_122] : memref<80x128xi32, #tpu.memory_space<vmem>> -> memref<1x128xi32, #tpu.memory_space<vmem>>
    %dma_wait3A_124 = tpu.memref_squeeze %dma_wait3A_123 : memref<1x128xi32, #tpu.memory_space<vmem>> -> memref<128xi32, #tpu.memory_space<vmem>>
    %dma_wait3A_125 = arith.constant 0 : i32
    %dma_wait3A_126 = arith.constant 0 : i32
    %dma_wait3A_127 = tpu.memref_slice %arg19[%dma_wait3A_125, %dma_wait3A_126] : memref<10240x8xf32, #tpu.memory_space<vmem_shared>> -> memref<10240x8xf32, #tpu.memory_space<vmem_shared>>
    %dma_wait3A_128 = tpu.memref_slice %arg22[%dma_wait3A_121] : memref<10x!tpu.dma_semaphore, #tpu.memory_space<semaphore_mem>> -> memref<1x!tpu.dma_semaphore, #tpu.memory_space<semaphore_mem>>
    %dma_wait3A_129 = tpu.memref_squeeze %dma_wait3A_128 : memref<1x!tpu.dma_semaphore, #tpu.memory_space<semaphore_mem>> -> memref<!tpu.dma_semaphore, #tpu.memory_space<semaphore_mem>>
    tpu.wait_indirect_dma semaphore(%dma_wait3A_129 : memref<!tpu.dma_semaphore, #tpu.memory_space<semaphore_mem>>) src(%arg12 : memref<128x8xf32, #tpu.memory_space<vmem>>) dst(%dma_wait3A_127 : memref<10240x8xf32, #tpu.memory_space<vmem_shared>>)
    %dma_wait3A_130 = arith.constant 0 : i32
    %dma_wait3A_131 = arith.constant 4 : i32
    %dma_wait3A_132 = arith.constant 0 : i32
    %dma_wait3A_133 = tpu.memref_slice %arg8[%dma_wait3A_130, %dma_wait3A_132] : memref<80x128xi32, #tpu.memory_space<vmem>> -> memref<1x128xi32, #tpu.memory_space<vmem>>
    %dma_wait3A_134 = tpu.memref_squeeze %dma_wait3A_133 : memref<1x128xi32, #tpu.memory_space<vmem>> -> memref<128xi32, #tpu.memory_space<vmem>>
    %dma_wait3A_135 = arith.constant 0 : i32
    %dma_wait3A_136 = arith.constant 0 : i32
    %dma_wait3A_137 = tpu.memref_slice %arg19[%dma_wait3A_135, %dma_wait3A_136] : memref<10240x8xf32, #tpu.memory_space<vmem_shared>> -> memref<10240x8xf32, #tpu.memory_space<vmem_shared>>
    %dma_wait3A_138 = tpu.memref_slice %arg22[%dma_wait3A_131] : memref<10x!tpu.dma_semaphore, #tpu.memory_space<semaphore_mem>> -> memref<1x!tpu.dma_semaphore, #tpu.memory_space<semaphore_mem>>
    %dma_wait3A_139 = tpu.memref_squeeze %dma_wait3A_138 : memref<1x!tpu.dma_semaphore, #tpu.memory_space<semaphore_mem>> -> memref<!tpu.dma_semaphore, #tpu.memory_space<semaphore_mem>>
    tpu.wait_indirect_dma semaphore(%dma_wait3A_139 : memref<!tpu.dma_semaphore, #tpu.memory_space<semaphore_mem>>) src(%arg13 : memref<128x8xf32, #tpu.memory_space<vmem>>) dst(%dma_wait3A_137 : memref<10240x8xf32, #tpu.memory_space<vmem_shared>>)
    %dma_wait3A_140 = arith.constant 0 : i32
    %dma_wait3A_141 = arith.constant 5 : i32
    %dma_wait3A_142 = arith.constant 0 : i32
    %dma_wait3A_143 = tpu.memref_slice %arg8[%dma_wait3A_140, %dma_wait3A_142] : memref<80x128xi32, #tpu.memory_space<vmem>> -> memref<1x128xi32, #tpu.memory_space<vmem>>
    %dma_wait3A_144 = tpu.memref_squeeze %dma_wait3A_143 : memref<1x128xi32, #tpu.memory_space<vmem>> -> memref<128xi32, #tpu.memory_space<vmem>>
    %dma_wait3A_145 = arith.constant 0 : i32
    %dma_wait3A_146 = arith.constant 0 : i32
    %dma_wait3A_147 = tpu.memref_slice %arg19[%dma_wait3A_145, %dma_wait3A_146] : memref<10240x8xf32, #tpu.memory_space<vmem_shared>> -> memref<10240x8xf32, #tpu.memory_space<vmem_shared>>
    %dma_wait3A_148 = tpu.memref_slice %arg22[%dma_wait3A_141] : memref<10x!tpu.dma_semaphore, #tpu.memory_space<semaphore_mem>> -> memref<1x!tpu.dma_semaphore, #tpu.memory_space<semaphore_mem>>
    %dma_wait3A_149 = tpu.memref_squeeze %dma_wait3A_148 : memref<1x!tpu.dma_semaphore, #tpu.memory_space<semaphore_mem>> -> memref<!tpu.dma_semaphore, #tpu.memory_space<semaphore_mem>>
    tpu.wait_indirect_dma semaphore(%dma_wait3A_149 : memref<!tpu.dma_semaphore, #tpu.memory_space<semaphore_mem>>) src(%arg14 : memref<128x8xf32, #tpu.memory_space<vmem>>) dst(%dma_wait3A_147 : memref<10240x8xf32, #tpu.memory_space<vmem_shared>>)
    %dma_wait3A_150 = arith.constant 0 : i32
    %dma_wait3A_151 = arith.constant 6 : i32
    %dma_wait3A_152 = arith.constant 0 : i32
    %dma_wait3A_153 = tpu.memref_slice %arg8[%dma_wait3A_150, %dma_wait3A_152] : memref<80x128xi32, #tpu.memory_space<vmem>> -> memref<1x128xi32, #tpu.memory_space<vmem>>
    %dma_wait3A_154 = tpu.memref_squeeze %dma_wait3A_153 : memref<1x128xi32, #tpu.memory_space<vmem>> -> memref<128xi32, #tpu.memory_space<vmem>>
    %dma_wait3A_155 = arith.constant 0 : i32
    %dma_wait3A_156 = arith.constant 0 : i32
    %dma_wait3A_157 = tpu.memref_slice %arg19[%dma_wait3A_155, %dma_wait3A_156] : memref<10240x8xf32, #tpu.memory_space<vmem_shared>> -> memref<10240x8xf32, #tpu.memory_space<vmem_shared>>
    %dma_wait3A_158 = tpu.memref_slice %arg22[%dma_wait3A_151] : memref<10x!tpu.dma_semaphore, #tpu.memory_space<semaphore_mem>> -> memref<1x!tpu.dma_semaphore, #tpu.memory_space<semaphore_mem>>
    %dma_wait3A_159 = tpu.memref_squeeze %dma_wait3A_158 : memref<1x!tpu.dma_semaphore, #tpu.memory_space<semaphore_mem>> -> memref<!tpu.dma_semaphore, #tpu.memory_space<semaphore_mem>>
    tpu.wait_indirect_dma semaphore(%dma_wait3A_159 : memref<!tpu.dma_semaphore, #tpu.memory_space<semaphore_mem>>) src(%arg15 : memref<128x8xf32, #tpu.memory_space<vmem>>) dst(%dma_wait3A_157 : memref<10240x8xf32, #tpu.memory_space<vmem_shared>>)
    %dma_wait3A_160 = arith.constant 0 : i32
    %dma_wait3A_161 = arith.constant 7 : i32
    %dma_wait3A_162 = arith.constant 0 : i32
    %dma_wait3A_163 = tpu.memref_slice %arg8[%dma_wait3A_160, %dma_wait3A_162] : memref<80x128xi32, #tpu.memory_space<vmem>> -> memref<1x128xi32, #tpu.memory_space<vmem>>
    %dma_wait3A_164 = tpu.memref_squeeze %dma_wait3A_163 : memref<1x128xi32, #tpu.memory_space<vmem>> -> memref<128xi32, #tpu.memory_space<vmem>>
    %dma_wait3A_165 = arith.constant 0 : i32
    %dma_wait3A_166 = arith.constant 0 : i32
    %dma_wait3A_167 = tpu.memref_slice %arg19[%dma_wait3A_165, %dma_wait3A_166] : memref<10240x8xf32, #tpu.memory_space<vmem_shared>> -> memref<10240x8xf32, #tpu.memory_space<vmem_shared>>
    %dma_wait3A_168 = tpu.memref_slice %arg22[%dma_wait3A_161] : memref<10x!tpu.dma_semaphore, #tpu.memory_space<semaphore_mem>> -> memref<1x!tpu.dma_semaphore, #tpu.memory_space<semaphore_mem>>
    %dma_wait3A_169 = tpu.memref_squeeze %dma_wait3A_168 : memref<1x!tpu.dma_semaphore, #tpu.memory_space<semaphore_mem>> -> memref<!tpu.dma_semaphore, #tpu.memory_space<semaphore_mem>>
    tpu.wait_indirect_dma semaphore(%dma_wait3A_169 : memref<!tpu.dma_semaphore, #tpu.memory_space<semaphore_mem>>) src(%arg16 : memref<128x8xf32, #tpu.memory_space<vmem>>) dst(%dma_wait3A_167 : memref<10240x8xf32, #tpu.memory_space<vmem_shared>>)
    %dma_wait3A_170 = arith.constant 0 : i32
    %dma_wait3A_171 = arith.constant 8 : i32
    %dma_wait3A_172 = arith.constant 0 : i32
    %dma_wait3A_173 = tpu.memref_slice %arg8[%dma_wait3A_170, %dma_wait3A_172] : memref<80x128xi32, #tpu.memory_space<vmem>> -> memref<1x128xi32, #tpu.memory_space<vmem>>
    %dma_wait3A_174 = tpu.memref_squeeze %dma_wait3A_173 : memref<1x128xi32, #tpu.memory_space<vmem>> -> memref<128xi32, #tpu.memory_space<vmem>>
    %dma_wait3A_175 = arith.constant 0 : i32
    %dma_wait3A_176 = arith.constant 0 : i32
    %dma_wait3A_177 = tpu.memref_slice %arg19[%dma_wait3A_175, %dma_wait3A_176] : memref<10240x8xf32, #tpu.memory_space<vmem_shared>> -> memref<10240x8xf32, #tpu.memory_space<vmem_shared>>
    %dma_wait3A_178 = tpu.memref_slice %arg22[%dma_wait3A_171] : memref<10x!tpu.dma_semaphore, #tpu.memory_space<semaphore_mem>> -> memref<1x!tpu.dma_semaphore, #tpu.memory_space<semaphore_mem>>
    %dma_wait3A_179 = tpu.memref_squeeze %dma_wait3A_178 : memref<1x!tpu.dma_semaphore, #tpu.memory_space<semaphore_mem>> -> memref<!tpu.dma_semaphore, #tpu.memory_space<semaphore_mem>>
    tpu.wait_indirect_dma semaphore(%dma_wait3A_179 : memref<!tpu.dma_semaphore, #tpu.memory_space<semaphore_mem>>) src(%arg17 : memref<128x8xf32, #tpu.memory_space<vmem>>) dst(%dma_wait3A_177 : memref<10240x8xf32, #tpu.memory_space<vmem_shared>>)
    %dma_wait3A_180 = arith.constant 0 : i32
    %dma_wait3A_181 = arith.constant 9 : i32
    %dma_wait3A_182 = arith.constant 0 : i32
    %dma_wait3A_183 = tpu.memref_slice %arg8[%dma_wait3A_180, %dma_wait3A_182] : memref<80x128xi32, #tpu.memory_space<vmem>> -> memref<1x128xi32, #tpu.memory_space<vmem>>
    %dma_wait3A_184 = tpu.memref_squeeze %dma_wait3A_183 : memref<1x128xi32, #tpu.memory_space<vmem>> -> memref<128xi32, #tpu.memory_space<vmem>>
    %dma_wait3A_185 = arith.constant 0 : i32
    %dma_wait3A_186 = arith.constant 0 : i32
    %dma_wait3A_187 = tpu.memref_slice %arg19[%dma_wait3A_185, %dma_wait3A_186] : memref<10240x8xf32, #tpu.memory_space<vmem_shared>> -> memref<10240x8xf32, #tpu.memory_space<vmem_shared>>
    %dma_wait3A_188 = tpu.memref_slice %arg22[%dma_wait3A_181] : memref<10x!tpu.dma_semaphore, #tpu.memory_space<semaphore_mem>> -> memref<1x!tpu.dma_semaphore, #tpu.memory_space<semaphore_mem>>
    %dma_wait3A_189 = tpu.memref_squeeze %dma_wait3A_188 : memref<1x!tpu.dma_semaphore, #tpu.memory_space<semaphore_mem>> -> memref<!tpu.dma_semaphore, #tpu.memory_space<semaphore_mem>>
    tpu.wait_indirect_dma semaphore(%dma_wait3A_189 : memref<!tpu.dma_semaphore, #tpu.memory_space<semaphore_mem>>) src(%arg18 : memref<128x8xf32, #tpu.memory_space<vmem>>) dst(%dma_wait3A_187 : memref<10240x8xf32, #tpu.memory_space<vmem_shared>>)
    %barrier3A_190 = arith.constant 0 : index
    tpu.barrier barrier_id(%barrier3A_190)
    %mul3A_191 = arith.constant 640 : i32
    %mul3A_192 = arith.muli %arg1, %mul3A_191 : i32
    %mul3A_193 = arith.constant 640 : i32
    %mul3A_194 = arith.muli %arg1, %mul3A_193 : i32
    "tpu.region"() ({
      %run_scoped3A = tpu.sem_alloc : memref<!tpu.dma_semaphore, #tpu.memory_space<semaphore_mem>>
      %dma_start3A_195 = arith.constant 0 : i32
      %dma_start3A_196 = tpu.memref_slice %arg6[%arg0, %mul3A_194, %dma_start3A_195] : memref<2x10240x8xf32, #tpu.memory_space<hbm>> -> memref<1x640x8xf32, #tpu.memory_space<hbm>>
      %dma_start3A_197 = tpu.memref_squeeze %dma_start3A_196 : memref<1x640x8xf32, #tpu.memory_space<hbm>> -> memref<640x8xf32, #tpu.memory_space<hbm>>
      %dma_start3A_198 = arith.constant 0 : i32
      %dma_start3A_199 = tpu.memref_slice %arg19[%mul3A_192, %dma_start3A_198] : memref<10240x8xf32, #tpu.memory_space<vmem_shared>> -> memref<640x8xf32, #tpu.memory_space<vmem_shared>>
      tpu.enqueue_dma source(%dma_start3A_199 : memref<640x8xf32, #tpu.memory_space<vmem_shared>>) target(%dma_start3A_197 : memref<640x8xf32, #tpu.memory_space<hbm>>) target_semaphore(%run_scoped3A : memref<!tpu.dma_semaphore, #tpu.memory_space<semaphore_mem>>)
      %dma_wait3A_200 = arith.constant 0 : i32
      %dma_wait3A_201 = tpu.memref_slice %arg6[%arg0, %mul3A_194, %dma_wait3A_200] : memref<2x10240x8xf32, #tpu.memory_space<hbm>> -> memref<1x640x8xf32, #tpu.memory_space<hbm>>
      %dma_wait3A_202 = tpu.memref_squeeze %dma_wait3A_201 : memref<1x640x8xf32, #tpu.memory_space<hbm>> -> memref<640x8xf32, #tpu.memory_space<hbm>>
      %dma_wait3A_203 = arith.constant 0 : i32
      %dma_wait3A_204 = tpu.memref_slice %arg19[%mul3A_192, %dma_wait3A_203] : memref<10240x8xf32, #tpu.memory_space<vmem_shared>> -> memref<640x8xf32, #tpu.memory_space<vmem_shared>>
      tpu.wait_dma2 semaphore(%run_scoped3A : memref<!tpu.dma_semaphore, #tpu.memory_space<semaphore_mem>>) src(%dma_wait3A_204 : memref<640x8xf32, #tpu.memory_space<vmem_shared>>) dst(%dma_wait3A_202 : memref<640x8xf32, #tpu.memory_space<hbm>>)
      tpu.yield
    }) : () -> ()
    return
  }
}

#map = affine_map<(d0, d1) -> (0, 0)>
#map1 = affine_map<(d0, d1) -> (0, 0, 0)>
module attributes {stable_mosaic.version = 14 : i64} {
  func.func @_msg_body(%arg0: i32, %arg1: i32, %arg2: memref<10000x8xf32, #tpu.memory_space<hbm>>, %arg3: memref<32x80x128xi32, #tpu.memory_space<hbm>>, %arg4: memref<32x80x128xi32, #tpu.memory_space<hbm>>, %arg5: memref<10240x8xf32, #tpu.memory_space<hbm>>, %arg6: memref<2x10240x8xf32, #tpu.memory_space<hbm>>, %arg7: memref<80x128xi32, #tpu.memory_space<vmem>>, %arg8: memref<80x128xi32, #tpu.memory_space<vmem>>, %arg9: memref<128x8xf32, #tpu.memory_space<vmem>>, %arg10: memref<128x8xf32, #tpu.memory_space<vmem>>, %arg11: memref<128x8xf32, #tpu.memory_space<vmem>>, %arg12: memref<128x8xf32, #tpu.memory_space<vmem>>, %arg13: memref<128x8xf32, #tpu.memory_space<vmem>>, %arg14: memref<128x8xf32, #tpu.memory_space<vmem>>, %arg15: memref<128x8xf32, #tpu.memory_space<vmem>>, %arg16: memref<128x8xf32, #tpu.memory_space<vmem>>, %arg17: memref<128x8xf32, #tpu.memory_space<vmem>>, %arg18: memref<128x8xf32, #tpu.memory_space<vmem>>, %arg19: memref<10240x8xf32, #tpu.memory_space<vmem_shared>>, %arg20: memref<!tpu.dma_semaphore, #tpu.memory_space<semaphore_mem>>, %arg21: memref<10x!tpu.dma_semaphore, #tpu.memory_space<semaphore_mem>>, %arg22: memref<10x!tpu.dma_semaphore, #tpu.memory_space<semaphore_mem>>) attributes {dimension_semantics = [#tpu.dimension_semantics<core_parallel>, #tpu.dimension_semantics<subcore_parallel>], iteration_bounds = array<i64: 2, 16>, scalar_prefetch = 0 : i64, scratch_operands = 16 : i64, tpu.core_type = #tpu.core_type<sc_vector_subcore>, window_params = [{transform_indices = #map}, {transform_indices = #map1}, {transform_indices = #map1}, {transform_indices = #map}, {transform_indices = #map1}]} {
    %mul3A = arith.constant 16 : i32
    %mul3A_0 = arith.muli %arg0, %mul3A : i32
    %add3A = arith.addi %mul3A_0, %arg1 : i32
    %dma_start3A = arith.constant 0 : i32
    %dma_start3A_1 = arith.constant 0 : i32
    %dma_start3A_2 = tpu.memref_slice %arg3[%add3A, %dma_start3A, %dma_start3A_1] : memref<32x80x128xi32, #tpu.memory_space<hbm>> -> memref<1x80x128xi32, #tpu.memory_space<hbm>>
    %dma_start3A_3 = tpu.memref_squeeze %dma_start3A_2 : memref<1x80x128xi32, #tpu.memory_space<hbm>> -> memref<80x128xi32, #tpu.memory_space<hbm>>
    %dma_start3A_4 = arith.constant 0 : i32
    %dma_start3A_5 = arith.constant 0 : i32
    %dma_start3A_6 = tpu.memref_slice %arg3[%add3A, %dma_start3A_4, %dma_start3A_5] : memref<32x80x128xi32, #tpu.memory_space<hbm>> -> memref<1x80x128xi32, #tpu.memory_space<hbm>>
    %dma_start3A_7 = tpu.memref_squeeze %dma_start3A_6 : memref<1x80x128xi32, #tpu.memory_space<hbm>> -> memref<80x128xi32, #tpu.memory_space<hbm>>
    tpu.enqueue_dma source(%dma_start3A_7 : memref<80x128xi32, #tpu.memory_space<hbm>>) target(%arg7 : memref<80x128xi32, #tpu.memory_space<vmem>>) target_semaphore(%arg20 : memref<!tpu.dma_semaphore, #tpu.memory_space<semaphore_mem>>)
    %dma_start3A_8 = arith.constant 0 : i32
    %dma_start3A_9 = arith.constant 0 : i32
    %dma_start3A_10 = tpu.memref_slice %arg4[%add3A, %dma_start3A_8, %dma_start3A_9] : memref<32x80x128xi32, #tpu.memory_space<hbm>> -> memref<1x80x128xi32, #tpu.memory_space<hbm>>
    %dma_start3A_11 = tpu.memref_squeeze %dma_start3A_10 : memref<1x80x128xi32, #tpu.memory_space<hbm>> -> memref<80x128xi32, #tpu.memory_space<hbm>>
    %dma_start3A_12 = arith.constant 0 : i32
    %dma_start3A_13 = arith.constant 0 : i32
    %dma_start3A_14 = tpu.memref_slice %arg4[%add3A, %dma_start3A_12, %dma_start3A_13] : memref<32x80x128xi32, #tpu.memory_space<hbm>> -> memref<1x80x128xi32, #tpu.memory_space<hbm>>
    %dma_start3A_15 = tpu.memref_squeeze %dma_start3A_14 : memref<1x80x128xi32, #tpu.memory_space<hbm>> -> memref<80x128xi32, #tpu.memory_space<hbm>>
    tpu.enqueue_dma source(%dma_start3A_15 : memref<80x128xi32, #tpu.memory_space<hbm>>) target(%arg8 : memref<80x128xi32, #tpu.memory_space<vmem>>) target_semaphore(%arg20 : memref<!tpu.dma_semaphore, #tpu.memory_space<semaphore_mem>>)
    %mul3A_16 = arith.constant 640 : i32
    %mul3A_17 = arith.muli %arg1, %mul3A_16 : i32
    %mul3A_18 = arith.constant 640 : i32
    %mul3A_19 = arith.muli %arg1, %mul3A_18 : i32
    "tpu.region"() ({
      %run_scoped3A = tpu.sem_alloc : memref<!tpu.dma_semaphore, #tpu.memory_space<semaphore_mem>>
      %dma_start3A_195 = arith.constant 0 : i32
      %dma_start3A_196 = tpu.memref_slice %arg19[%mul3A_19, %dma_start3A_195] : memref<10240x8xf32, #tpu.memory_space<vmem_shared>> -> memref<640x8xf32, #tpu.memory_space<vmem_shared>>
      %dma_start3A_197 = arith.constant 0 : i32
      %dma_start3A_198 = tpu.memref_slice %arg5[%mul3A_17, %dma_start3A_197] : memref<10240x8xf32, #tpu.memory_space<hbm>> -> memref<640x8xf32, #tpu.memory_space<hbm>>
      tpu.enqueue_dma source(%dma_start3A_198 : memref<640x8xf32, #tpu.memory_space<hbm>>) target(%dma_start3A_196 : memref<640x8xf32, #tpu.memory_space<vmem_shared>>) target_semaphore(%run_scoped3A : memref<!tpu.dma_semaphore, #tpu.memory_space<semaphore_mem>>)
      %dma_wait3A_199 = arith.constant 0 : i32
      %dma_wait3A_200 = tpu.memref_slice %arg19[%mul3A_19, %dma_wait3A_199] : memref<10240x8xf32, #tpu.memory_space<vmem_shared>> -> memref<640x8xf32, #tpu.memory_space<vmem_shared>>
      %dma_wait3A_201 = arith.constant 0 : i32
      %dma_wait3A_202 = tpu.memref_slice %arg5[%mul3A_17, %dma_wait3A_201] : memref<10240x8xf32, #tpu.memory_space<hbm>> -> memref<640x8xf32, #tpu.memory_space<hbm>>
      tpu.wait_dma2 semaphore(%run_scoped3A : memref<!tpu.dma_semaphore, #tpu.memory_space<semaphore_mem>>) src(%dma_wait3A_202 : memref<640x8xf32, #tpu.memory_space<hbm>>) dst(%dma_wait3A_200 : memref<640x8xf32, #tpu.memory_space<vmem_shared>>)
      tpu.yield
    }) : () -> ()
    %dma_wait3A = arith.constant 0 : i32
    %dma_wait3A_20 = arith.constant 0 : i32
    %dma_wait3A_21 = tpu.memref_slice %arg3[%add3A, %dma_wait3A, %dma_wait3A_20] : memref<32x80x128xi32, #tpu.memory_space<hbm>> -> memref<1x80x128xi32, #tpu.memory_space<hbm>>
    %dma_wait3A_22 = tpu.memref_squeeze %dma_wait3A_21 : memref<1x80x128xi32, #tpu.memory_space<hbm>> -> memref<80x128xi32, #tpu.memory_space<hbm>>
    %dma_wait3A_23 = arith.constant 0 : i32
    %dma_wait3A_24 = arith.constant 0 : i32
    %dma_wait3A_25 = tpu.memref_slice %arg3[%add3A, %dma_wait3A_23, %dma_wait3A_24] : memref<32x80x128xi32, #tpu.memory_space<hbm>> -> memref<1x80x128xi32, #tpu.memory_space<hbm>>
    %dma_wait3A_26 = tpu.memref_squeeze %dma_wait3A_25 : memref<1x80x128xi32, #tpu.memory_space<hbm>> -> memref<80x128xi32, #tpu.memory_space<hbm>>
    tpu.wait_dma2 semaphore(%arg20 : memref<!tpu.dma_semaphore, #tpu.memory_space<semaphore_mem>>) src(%dma_wait3A_26 : memref<80x128xi32, #tpu.memory_space<hbm>>) dst(%arg7 : memref<80x128xi32, #tpu.memory_space<vmem>>)
    %dma_wait3A_27 = arith.constant 0 : i32
    %dma_wait3A_28 = arith.constant 0 : i32
    %dma_wait3A_29 = tpu.memref_slice %arg4[%add3A, %dma_wait3A_27, %dma_wait3A_28] : memref<32x80x128xi32, #tpu.memory_space<hbm>> -> memref<1x80x128xi32, #tpu.memory_space<hbm>>
    %dma_wait3A_30 = tpu.memref_squeeze %dma_wait3A_29 : memref<1x80x128xi32, #tpu.memory_space<hbm>> -> memref<80x128xi32, #tpu.memory_space<hbm>>
    %dma_wait3A_31 = arith.constant 0 : i32
    %dma_wait3A_32 = arith.constant 0 : i32
    %dma_wait3A_33 = tpu.memref_slice %arg4[%add3A, %dma_wait3A_31, %dma_wait3A_32] : memref<32x80x128xi32, #tpu.memory_space<hbm>> -> memref<1x80x128xi32, #tpu.memory_space<hbm>>
    %dma_wait3A_34 = tpu.memref_squeeze %dma_wait3A_33 : memref<1x80x128xi32, #tpu.memory_space<hbm>> -> memref<80x128xi32, #tpu.memory_space<hbm>>
    tpu.wait_dma2 semaphore(%arg20 : memref<!tpu.dma_semaphore, #tpu.memory_space<semaphore_mem>>) src(%dma_wait3A_34 : memref<80x128xi32, #tpu.memory_space<hbm>>) dst(%arg8 : memref<80x128xi32, #tpu.memory_space<vmem>>)
    %barrier3A = arith.constant 0 : index
    tpu.barrier barrier_id(%barrier3A)
    %dma_start3A_35 = arith.constant 0 : i32
    %dma_start3A_36 = arith.constant 0 : i32
    %dma_start3A_37 = arith.constant 0 : i32
    %dma_start3A_38 = tpu.memref_slice %arg7[%dma_start3A_35, %dma_start3A_37] : memref<80x128xi32, #tpu.memory_space<vmem>> -> memref<1x128xi32, #tpu.memory_space<vmem>>
    %dma_start3A_39 = tpu.memref_squeeze %dma_start3A_38 : memref<1x128xi32, #tpu.memory_space<vmem>> -> memref<128xi32, #tpu.memory_space<vmem>>
    %dma_start3A_40 = arith.constant 0 : i32
    %dma_start3A_41 = arith.constant 0 : i32
    %dma_start3A_42 = tpu.memref_slice %arg2[%dma_start3A_40, %dma_start3A_41] : memref<10000x8xf32, #tpu.memory_space<hbm>> -> memref<10000x8xf32, #tpu.memory_space<hbm>>
    %dma_start3A_43 = tpu.memref_slice %arg21[%dma_start3A_36] : memref<10x!tpu.dma_semaphore, #tpu.memory_space<semaphore_mem>> -> memref<1x!tpu.dma_semaphore, #tpu.memory_space<semaphore_mem>>
    %dma_start3A_44 = tpu.memref_squeeze %dma_start3A_43 : memref<1x!tpu.dma_semaphore, #tpu.memory_space<semaphore_mem>> -> memref<!tpu.dma_semaphore, #tpu.memory_space<semaphore_mem>>
    tpu.enqueue_indirect_dma source(%dma_start3A_42 : memref<10000x8xf32, #tpu.memory_space<hbm>>) target(%arg9 : memref<128x8xf32, #tpu.memory_space<vmem>>) offsets(%dma_start3A_39 : memref<128xi32, #tpu.memory_space<vmem>>) semaphore(%dma_start3A_44 : memref<!tpu.dma_semaphore, #tpu.memory_space<semaphore_mem>>)
    %dma_start3A_45 = arith.constant 1 : i32
    %dma_start3A_46 = arith.constant 1 : i32
    %dma_start3A_47 = arith.constant 0 : i32
    %dma_start3A_48 = tpu.memref_slice %arg7[%dma_start3A_45, %dma_start3A_47] : memref<80x128xi32, #tpu.memory_space<vmem>> -> memref<1x128xi32, #tpu.memory_space<vmem>>
    %dma_start3A_49 = tpu.memref_squeeze %dma_start3A_48 : memref<1x128xi32, #tpu.memory_space<vmem>> -> memref<128xi32, #tpu.memory_space<vmem>>
    %dma_start3A_50 = arith.constant 0 : i32
    %dma_start3A_51 = arith.constant 0 : i32
    %dma_start3A_52 = tpu.memref_slice %arg2[%dma_start3A_50, %dma_start3A_51] : memref<10000x8xf32, #tpu.memory_space<hbm>> -> memref<10000x8xf32, #tpu.memory_space<hbm>>
    %dma_start3A_53 = tpu.memref_slice %arg21[%dma_start3A_46] : memref<10x!tpu.dma_semaphore, #tpu.memory_space<semaphore_mem>> -> memref<1x!tpu.dma_semaphore, #tpu.memory_space<semaphore_mem>>
    %dma_start3A_54 = tpu.memref_squeeze %dma_start3A_53 : memref<1x!tpu.dma_semaphore, #tpu.memory_space<semaphore_mem>> -> memref<!tpu.dma_semaphore, #tpu.memory_space<semaphore_mem>>
    tpu.enqueue_indirect_dma source(%dma_start3A_52 : memref<10000x8xf32, #tpu.memory_space<hbm>>) target(%arg10 : memref<128x8xf32, #tpu.memory_space<vmem>>) offsets(%dma_start3A_49 : memref<128xi32, #tpu.memory_space<vmem>>) semaphore(%dma_start3A_54 : memref<!tpu.dma_semaphore, #tpu.memory_space<semaphore_mem>>)
    %dma_start3A_55 = arith.constant 2 : i32
    %dma_start3A_56 = arith.constant 2 : i32
    %dma_start3A_57 = arith.constant 0 : i32
    %dma_start3A_58 = tpu.memref_slice %arg7[%dma_start3A_55, %dma_start3A_57] : memref<80x128xi32, #tpu.memory_space<vmem>> -> memref<1x128xi32, #tpu.memory_space<vmem>>
    %dma_start3A_59 = tpu.memref_squeeze %dma_start3A_58 : memref<1x128xi32, #tpu.memory_space<vmem>> -> memref<128xi32, #tpu.memory_space<vmem>>
    %dma_start3A_60 = arith.constant 0 : i32
    %dma_start3A_61 = arith.constant 0 : i32
    %dma_start3A_62 = tpu.memref_slice %arg2[%dma_start3A_60, %dma_start3A_61] : memref<10000x8xf32, #tpu.memory_space<hbm>> -> memref<10000x8xf32, #tpu.memory_space<hbm>>
    %dma_start3A_63 = tpu.memref_slice %arg21[%dma_start3A_56] : memref<10x!tpu.dma_semaphore, #tpu.memory_space<semaphore_mem>> -> memref<1x!tpu.dma_semaphore, #tpu.memory_space<semaphore_mem>>
    %dma_start3A_64 = tpu.memref_squeeze %dma_start3A_63 : memref<1x!tpu.dma_semaphore, #tpu.memory_space<semaphore_mem>> -> memref<!tpu.dma_semaphore, #tpu.memory_space<semaphore_mem>>
    tpu.enqueue_indirect_dma source(%dma_start3A_62 : memref<10000x8xf32, #tpu.memory_space<hbm>>) target(%arg11 : memref<128x8xf32, #tpu.memory_space<vmem>>) offsets(%dma_start3A_59 : memref<128xi32, #tpu.memory_space<vmem>>) semaphore(%dma_start3A_64 : memref<!tpu.dma_semaphore, #tpu.memory_space<semaphore_mem>>)
    %dma_start3A_65 = arith.constant 3 : i32
    %dma_start3A_66 = arith.constant 3 : i32
    %dma_start3A_67 = arith.constant 0 : i32
    %dma_start3A_68 = tpu.memref_slice %arg7[%dma_start3A_65, %dma_start3A_67] : memref<80x128xi32, #tpu.memory_space<vmem>> -> memref<1x128xi32, #tpu.memory_space<vmem>>
    %dma_start3A_69 = tpu.memref_squeeze %dma_start3A_68 : memref<1x128xi32, #tpu.memory_space<vmem>> -> memref<128xi32, #tpu.memory_space<vmem>>
    %dma_start3A_70 = arith.constant 0 : i32
    %dma_start3A_71 = arith.constant 0 : i32
    %dma_start3A_72 = tpu.memref_slice %arg2[%dma_start3A_70, %dma_start3A_71] : memref<10000x8xf32, #tpu.memory_space<hbm>> -> memref<10000x8xf32, #tpu.memory_space<hbm>>
    %dma_start3A_73 = tpu.memref_slice %arg21[%dma_start3A_66] : memref<10x!tpu.dma_semaphore, #tpu.memory_space<semaphore_mem>> -> memref<1x!tpu.dma_semaphore, #tpu.memory_space<semaphore_mem>>
    %dma_start3A_74 = tpu.memref_squeeze %dma_start3A_73 : memref<1x!tpu.dma_semaphore, #tpu.memory_space<semaphore_mem>> -> memref<!tpu.dma_semaphore, #tpu.memory_space<semaphore_mem>>
    tpu.enqueue_indirect_dma source(%dma_start3A_72 : memref<10000x8xf32, #tpu.memory_space<hbm>>) target(%arg12 : memref<128x8xf32, #tpu.memory_space<vmem>>) offsets(%dma_start3A_69 : memref<128xi32, #tpu.memory_space<vmem>>) semaphore(%dma_start3A_74 : memref<!tpu.dma_semaphore, #tpu.memory_space<semaphore_mem>>)
    %dma_start3A_75 = arith.constant 4 : i32
    %dma_start3A_76 = arith.constant 4 : i32
    %dma_start3A_77 = arith.constant 0 : i32
    %dma_start3A_78 = tpu.memref_slice %arg7[%dma_start3A_75, %dma_start3A_77] : memref<80x128xi32, #tpu.memory_space<vmem>> -> memref<1x128xi32, #tpu.memory_space<vmem>>
    %dma_start3A_79 = tpu.memref_squeeze %dma_start3A_78 : memref<1x128xi32, #tpu.memory_space<vmem>> -> memref<128xi32, #tpu.memory_space<vmem>>
    %dma_start3A_80 = arith.constant 0 : i32
    %dma_start3A_81 = arith.constant 0 : i32
    %dma_start3A_82 = tpu.memref_slice %arg2[%dma_start3A_80, %dma_start3A_81] : memref<10000x8xf32, #tpu.memory_space<hbm>> -> memref<10000x8xf32, #tpu.memory_space<hbm>>
    %dma_start3A_83 = tpu.memref_slice %arg21[%dma_start3A_76] : memref<10x!tpu.dma_semaphore, #tpu.memory_space<semaphore_mem>> -> memref<1x!tpu.dma_semaphore, #tpu.memory_space<semaphore_mem>>
    %dma_start3A_84 = tpu.memref_squeeze %dma_start3A_83 : memref<1x!tpu.dma_semaphore, #tpu.memory_space<semaphore_mem>> -> memref<!tpu.dma_semaphore, #tpu.memory_space<semaphore_mem>>
    tpu.enqueue_indirect_dma source(%dma_start3A_82 : memref<10000x8xf32, #tpu.memory_space<hbm>>) target(%arg13 : memref<128x8xf32, #tpu.memory_space<vmem>>) offsets(%dma_start3A_79 : memref<128xi32, #tpu.memory_space<vmem>>) semaphore(%dma_start3A_84 : memref<!tpu.dma_semaphore, #tpu.memory_space<semaphore_mem>>)
    %scan3A = arith.constant 0 : i32
    %scan3A_85 = arith.constant 0 : i32
    %scan3A_86 = arith.constant 8 : i32
    %scan3A_87 = arith.addi %scan3A_85, %scan3A_86 : i32
    %scan3A_88 = arith.constant 1 : i32
    scf.for %scan3A_195 = %scan3A_85 to %scan3A_87 step %scan3A_88  : i32 {
      %mul3A_196 = arith.constant 10 : i32
      %mul3A_197 = arith.muli %scan3A_195, %mul3A_196 : i32
      %add3A_198 = arith.constant 0 : i32
      %add3A_199 = arith.addi %mul3A_197, %add3A_198 : i32
      %dma_wait3A_200 = arith.constant 0 : i32
      %dma_wait3A_201 = arith.constant 0 : i32
      %dma_wait3A_202 = tpu.memref_slice %arg7[%add3A_199, %dma_wait3A_201] : memref<80x128xi32, #tpu.memory_space<vmem>> -> memref<1x128xi32, #tpu.memory_space<vmem>>
      %dma_wait3A_203 = tpu.memref_squeeze %dma_wait3A_202 : memref<1x128xi32, #tpu.memory_space<vmem>> -> memref<128xi32, #tpu.memory_space<vmem>>
      %dma_wait3A_204 = arith.constant 0 : i32
      %dma_wait3A_205 = arith.constant 0 : i32
      %dma_wait3A_206 = tpu.memref_slice %arg2[%dma_wait3A_204, %dma_wait3A_205] : memref<10000x8xf32, #tpu.memory_space<hbm>> -> memref<10000x8xf32, #tpu.memory_space<hbm>>
      %dma_wait3A_207 = tpu.memref_slice %arg21[%dma_wait3A_200] : memref<10x!tpu.dma_semaphore, #tpu.memory_space<semaphore_mem>> -> memref<1x!tpu.dma_semaphore, #tpu.memory_space<semaphore_mem>>
      %dma_wait3A_208 = tpu.memref_squeeze %dma_wait3A_207 : memref<1x!tpu.dma_semaphore, #tpu.memory_space<semaphore_mem>> -> memref<!tpu.dma_semaphore, #tpu.memory_space<semaphore_mem>>
      tpu.wait_indirect_dma semaphore(%dma_wait3A_208 : memref<!tpu.dma_semaphore, #tpu.memory_space<semaphore_mem>>) src(%dma_wait3A_206 : memref<10000x8xf32, #tpu.memory_space<hbm>>) dst(%arg9 : memref<128x8xf32, #tpu.memory_space<vmem>>)
      %dma_start3A_209 = arith.constant 0 : i32
      %dma_start3A_210 = arith.constant 0 : i32
      %dma_start3A_211 = tpu.memref_slice %arg8[%add3A_199, %dma_start3A_210] : memref<80x128xi32, #tpu.memory_space<vmem>> -> memref<1x128xi32, #tpu.memory_space<vmem>>
      %dma_start3A_212 = tpu.memref_squeeze %dma_start3A_211 : memref<1x128xi32, #tpu.memory_space<vmem>> -> memref<128xi32, #tpu.memory_space<vmem>>
      %dma_start3A_213 = arith.constant 0 : i32
      %dma_start3A_214 = arith.constant 0 : i32
      %dma_start3A_215 = tpu.memref_slice %arg19[%dma_start3A_213, %dma_start3A_214] : memref<10240x8xf32, #tpu.memory_space<vmem_shared>> -> memref<10240x8xf32, #tpu.memory_space<vmem_shared>>
      %dma_start3A_216 = tpu.memref_slice %arg22[%dma_start3A_209] : memref<10x!tpu.dma_semaphore, #tpu.memory_space<semaphore_mem>> -> memref<1x!tpu.dma_semaphore, #tpu.memory_space<semaphore_mem>>
      %dma_start3A_217 = tpu.memref_squeeze %dma_start3A_216 : memref<1x!tpu.dma_semaphore, #tpu.memory_space<semaphore_mem>> -> memref<!tpu.dma_semaphore, #tpu.memory_space<semaphore_mem>>
      tpu.enqueue_indirect_dma source(%arg9 : memref<128x8xf32, #tpu.memory_space<vmem>>) target(%dma_start3A_215 : memref<10240x8xf32, #tpu.memory_space<vmem_shared>>) offsets(%dma_start3A_212 : memref<128xi32, #tpu.memory_space<vmem>>) semaphore(%dma_start3A_217 : memref<!tpu.dma_semaphore, #tpu.memory_space<semaphore_mem>>) {add = true}
      %ge3A = arith.constant 5 : i32
      %ge3A_218 = arith.cmpi sge, %add3A_199, %ge3A : i32
      %lt3A = arith.constant 75 : i32
      %lt3A_219 = arith.cmpi slt, %add3A_199, %lt3A : i32
      %and3A = arith.andi %ge3A_218, %lt3A_219 : i1
      %convert_element_type3A = arith.extui %and3A : i1 to i32
      %cond3A = arith.constant 0 : i32
      %cond3A_220 = arith.cmpi ne, %convert_element_type3A, %cond3A : i32
      scf.if %cond3A_220 {
        %dma_wait3A_541 = arith.constant 5 : i32
        %dma_wait3A_542 = arith.constant 0 : i32
        %dma_wait3A_543 = tpu.memref_slice %arg8[%add3A_199, %dma_wait3A_542] : memref<80x128xi32, #tpu.memory_space<vmem>> -> memref<1x128xi32, #tpu.memory_space<vmem>>
        %dma_wait3A_544 = tpu.memref_squeeze %dma_wait3A_543 : memref<1x128xi32, #tpu.memory_space<vmem>> -> memref<128xi32, #tpu.memory_space<vmem>>
        %dma_wait3A_545 = arith.constant 0 : i32
        %dma_wait3A_546 = arith.constant 0 : i32
        %dma_wait3A_547 = tpu.memref_slice %arg19[%dma_wait3A_545, %dma_wait3A_546] : memref<10240x8xf32, #tpu.memory_space<vmem_shared>> -> memref<10240x8xf32, #tpu.memory_space<vmem_shared>>
        %dma_wait3A_548 = tpu.memref_slice %arg22[%dma_wait3A_541] : memref<10x!tpu.dma_semaphore, #tpu.memory_space<semaphore_mem>> -> memref<1x!tpu.dma_semaphore, #tpu.memory_space<semaphore_mem>>
        %dma_wait3A_549 = tpu.memref_squeeze %dma_wait3A_548 : memref<1x!tpu.dma_semaphore, #tpu.memory_space<semaphore_mem>> -> memref<!tpu.dma_semaphore, #tpu.memory_space<semaphore_mem>>
        tpu.wait_indirect_dma semaphore(%dma_wait3A_549 : memref<!tpu.dma_semaphore, #tpu.memory_space<semaphore_mem>>) src(%arg14 : memref<128x8xf32, #tpu.memory_space<vmem>>) dst(%dma_wait3A_547 : memref<10240x8xf32, #tpu.memory_space<vmem_shared>>)
      } else {
      }
      %lt3A_221 = arith.constant 75 : i32
      %lt3A_222 = arith.cmpi slt, %add3A_199, %lt3A_221 : i32
      %convert_element_type3A_223 = arith.extui %lt3A_222 : i1 to i32
      %cond3A_224 = arith.constant 0 : i32
      %cond3A_225 = arith.cmpi ne, %convert_element_type3A_223, %cond3A_224 : i32
      scf.if %cond3A_225 {
        %add3A_541 = arith.constant 5 : i32
        %add3A_542 = arith.addi %add3A_199, %add3A_541 : i32
        %dma_start3A_543 = arith.constant 5 : i32
        %dma_start3A_544 = arith.constant 0 : i32
        %dma_start3A_545 = tpu.memref_slice %arg7[%add3A_542, %dma_start3A_544] : memref<80x128xi32, #tpu.memory_space<vmem>> -> memref<1x128xi32, #tpu.memory_space<vmem>>
        %dma_start3A_546 = tpu.memref_squeeze %dma_start3A_545 : memref<1x128xi32, #tpu.memory_space<vmem>> -> memref<128xi32, #tpu.memory_space<vmem>>
        %dma_start3A_547 = arith.constant 0 : i32
        %dma_start3A_548 = arith.constant 0 : i32
        %dma_start3A_549 = tpu.memref_slice %arg2[%dma_start3A_547, %dma_start3A_548] : memref<10000x8xf32, #tpu.memory_space<hbm>> -> memref<10000x8xf32, #tpu.memory_space<hbm>>
        %dma_start3A_550 = tpu.memref_slice %arg21[%dma_start3A_543] : memref<10x!tpu.dma_semaphore, #tpu.memory_space<semaphore_mem>> -> memref<1x!tpu.dma_semaphore, #tpu.memory_space<semaphore_mem>>
        %dma_start3A_551 = tpu.memref_squeeze %dma_start3A_550 : memref<1x!tpu.dma_semaphore, #tpu.memory_space<semaphore_mem>> -> memref<!tpu.dma_semaphore, #tpu.memory_space<semaphore_mem>>
        tpu.enqueue_indirect_dma source(%dma_start3A_549 : memref<10000x8xf32, #tpu.memory_space<hbm>>) target(%arg14 : memref<128x8xf32, #tpu.memory_space<vmem>>) offsets(%dma_start3A_546 : memref<128xi32, #tpu.memory_space<vmem>>) semaphore(%dma_start3A_551 : memref<!tpu.dma_semaphore, #tpu.memory_space<semaphore_mem>>)
      } else {
      }
      %mul3A_226 = arith.constant 10 : i32
      %mul3A_227 = arith.muli %scan3A_195, %mul3A_226 : i32
      %add3A_228 = arith.constant 1 : i32
      %add3A_229 = arith.addi %mul3A_227, %add3A_228 : i32
      %dma_wait3A_230 = arith.constant 1 : i32
      %dma_wait3A_231 = arith.constant 0 : i32
      %dma_wait3A_232 = tpu.memref_slice %arg7[%add3A_229, %dma_wait3A_231] : memref<80x128xi32, #tpu.memory_space<vmem>> -> memref<1x128xi32, #tpu.memory_space<vmem>>
      %dma_wait3A_233 = tpu.memref_squeeze %dma_wait3A_232 : memref<1x128xi32, #tpu.memory_space<vmem>> -> memref<128xi32, #tpu.memory_space<vmem>>
      %dma_wait3A_234 = arith.constant 0 : i32
      %dma_wait3A_235 = arith.constant 0 : i32
      %dma_wait3A_236 = tpu.memref_slice %arg2[%dma_wait3A_234, %dma_wait3A_235] : memref<10000x8xf32, #tpu.memory_space<hbm>> -> memref<10000x8xf32, #tpu.memory_space<hbm>>
      %dma_wait3A_237 = tpu.memref_slice %arg21[%dma_wait3A_230] : memref<10x!tpu.dma_semaphore, #tpu.memory_space<semaphore_mem>> -> memref<1x!tpu.dma_semaphore, #tpu.memory_space<semaphore_mem>>
      %dma_wait3A_238 = tpu.memref_squeeze %dma_wait3A_237 : memref<1x!tpu.dma_semaphore, #tpu.memory_space<semaphore_mem>> -> memref<!tpu.dma_semaphore, #tpu.memory_space<semaphore_mem>>
      tpu.wait_indirect_dma semaphore(%dma_wait3A_238 : memref<!tpu.dma_semaphore, #tpu.memory_space<semaphore_mem>>) src(%dma_wait3A_236 : memref<10000x8xf32, #tpu.memory_space<hbm>>) dst(%arg10 : memref<128x8xf32, #tpu.memory_space<vmem>>)
      %dma_start3A_239 = arith.constant 1 : i32
      %dma_start3A_240 = arith.constant 0 : i32
      %dma_start3A_241 = tpu.memref_slice %arg8[%add3A_229, %dma_start3A_240] : memref<80x128xi32, #tpu.memory_space<vmem>> -> memref<1x128xi32, #tpu.memory_space<vmem>>
      %dma_start3A_242 = tpu.memref_squeeze %dma_start3A_241 : memref<1x128xi32, #tpu.memory_space<vmem>> -> memref<128xi32, #tpu.memory_space<vmem>>
      %dma_start3A_243 = arith.constant 0 : i32
      %dma_start3A_244 = arith.constant 0 : i32
      %dma_start3A_245 = tpu.memref_slice %arg19[%dma_start3A_243, %dma_start3A_244] : memref<10240x8xf32, #tpu.memory_space<vmem_shared>> -> memref<10240x8xf32, #tpu.memory_space<vmem_shared>>
      %dma_start3A_246 = tpu.memref_slice %arg22[%dma_start3A_239] : memref<10x!tpu.dma_semaphore, #tpu.memory_space<semaphore_mem>> -> memref<1x!tpu.dma_semaphore, #tpu.memory_space<semaphore_mem>>
      %dma_start3A_247 = tpu.memref_squeeze %dma_start3A_246 : memref<1x!tpu.dma_semaphore, #tpu.memory_space<semaphore_mem>> -> memref<!tpu.dma_semaphore, #tpu.memory_space<semaphore_mem>>
      tpu.enqueue_indirect_dma source(%arg10 : memref<128x8xf32, #tpu.memory_space<vmem>>) target(%dma_start3A_245 : memref<10240x8xf32, #tpu.memory_space<vmem_shared>>) offsets(%dma_start3A_242 : memref<128xi32, #tpu.memory_space<vmem>>) semaphore(%dma_start3A_247 : memref<!tpu.dma_semaphore, #tpu.memory_space<semaphore_mem>>) {add = true}
      %ge3A_248 = arith.constant 5 : i32
      %ge3A_249 = arith.cmpi sge, %add3A_229, %ge3A_248 : i32
      %lt3A_250 = arith.constant 75 : i32
      %lt3A_251 = arith.cmpi slt, %add3A_229, %lt3A_250 : i32
      %and3A_252 = arith.andi %ge3A_249, %lt3A_251 : i1
      %convert_element_type3A_253 = arith.extui %and3A_252 : i1 to i32
      %cond3A_254 = arith.constant 0 : i32
      %cond3A_255 = arith.cmpi ne, %convert_element_type3A_253, %cond3A_254 : i32
      scf.if %cond3A_255 {
        %dma_wait3A_541 = arith.constant 6 : i32
        %dma_wait3A_542 = arith.constant 0 : i32
        %dma_wait3A_543 = tpu.memref_slice %arg8[%add3A_229, %dma_wait3A_542] : memref<80x128xi32, #tpu.memory_space<vmem>> -> memref<1x128xi32, #tpu.memory_space<vmem>>
        %dma_wait3A_544 = tpu.memref_squeeze %dma_wait3A_543 : memref<1x128xi32, #tpu.memory_space<vmem>> -> memref<128xi32, #tpu.memory_space<vmem>>
        %dma_wait3A_545 = arith.constant 0 : i32
        %dma_wait3A_546 = arith.constant 0 : i32
        %dma_wait3A_547 = tpu.memref_slice %arg19[%dma_wait3A_545, %dma_wait3A_546] : memref<10240x8xf32, #tpu.memory_space<vmem_shared>> -> memref<10240x8xf32, #tpu.memory_space<vmem_shared>>
        %dma_wait3A_548 = tpu.memref_slice %arg22[%dma_wait3A_541] : memref<10x!tpu.dma_semaphore, #tpu.memory_space<semaphore_mem>> -> memref<1x!tpu.dma_semaphore, #tpu.memory_space<semaphore_mem>>
        %dma_wait3A_549 = tpu.memref_squeeze %dma_wait3A_548 : memref<1x!tpu.dma_semaphore, #tpu.memory_space<semaphore_mem>> -> memref<!tpu.dma_semaphore, #tpu.memory_space<semaphore_mem>>
        tpu.wait_indirect_dma semaphore(%dma_wait3A_549 : memref<!tpu.dma_semaphore, #tpu.memory_space<semaphore_mem>>) src(%arg15 : memref<128x8xf32, #tpu.memory_space<vmem>>) dst(%dma_wait3A_547 : memref<10240x8xf32, #tpu.memory_space<vmem_shared>>)
      } else {
      }
      %lt3A_256 = arith.constant 75 : i32
      %lt3A_257 = arith.cmpi slt, %add3A_229, %lt3A_256 : i32
      %convert_element_type3A_258 = arith.extui %lt3A_257 : i1 to i32
      %cond3A_259 = arith.constant 0 : i32
      %cond3A_260 = arith.cmpi ne, %convert_element_type3A_258, %cond3A_259 : i32
      scf.if %cond3A_260 {
        %add3A_541 = arith.constant 5 : i32
        %add3A_542 = arith.addi %add3A_229, %add3A_541 : i32
        %dma_start3A_543 = arith.constant 6 : i32
        %dma_start3A_544 = arith.constant 0 : i32
        %dma_start3A_545 = tpu.memref_slice %arg7[%add3A_542, %dma_start3A_544] : memref<80x128xi32, #tpu.memory_space<vmem>> -> memref<1x128xi32, #tpu.memory_space<vmem>>
        %dma_start3A_546 = tpu.memref_squeeze %dma_start3A_545 : memref<1x128xi32, #tpu.memory_space<vmem>> -> memref<128xi32, #tpu.memory_space<vmem>>
        %dma_start3A_547 = arith.constant 0 : i32
        %dma_start3A_548 = arith.constant 0 : i32
        %dma_start3A_549 = tpu.memref_slice %arg2[%dma_start3A_547, %dma_start3A_548] : memref<10000x8xf32, #tpu.memory_space<hbm>> -> memref<10000x8xf32, #tpu.memory_space<hbm>>
        %dma_start3A_550 = tpu.memref_slice %arg21[%dma_start3A_543] : memref<10x!tpu.dma_semaphore, #tpu.memory_space<semaphore_mem>> -> memref<1x!tpu.dma_semaphore, #tpu.memory_space<semaphore_mem>>
        %dma_start3A_551 = tpu.memref_squeeze %dma_start3A_550 : memref<1x!tpu.dma_semaphore, #tpu.memory_space<semaphore_mem>> -> memref<!tpu.dma_semaphore, #tpu.memory_space<semaphore_mem>>
        tpu.enqueue_indirect_dma source(%dma_start3A_549 : memref<10000x8xf32, #tpu.memory_space<hbm>>) target(%arg15 : memref<128x8xf32, #tpu.memory_space<vmem>>) offsets(%dma_start3A_546 : memref<128xi32, #tpu.memory_space<vmem>>) semaphore(%dma_start3A_551 : memref<!tpu.dma_semaphore, #tpu.memory_space<semaphore_mem>>)
      } else {
      }
      %mul3A_261 = arith.constant 10 : i32
      %mul3A_262 = arith.muli %scan3A_195, %mul3A_261 : i32
      %add3A_263 = arith.constant 2 : i32
      %add3A_264 = arith.addi %mul3A_262, %add3A_263 : i32
      %dma_wait3A_265 = arith.constant 2 : i32
      %dma_wait3A_266 = arith.constant 0 : i32
      %dma_wait3A_267 = tpu.memref_slice %arg7[%add3A_264, %dma_wait3A_266] : memref<80x128xi32, #tpu.memory_space<vmem>> -> memref<1x128xi32, #tpu.memory_space<vmem>>
      %dma_wait3A_268 = tpu.memref_squeeze %dma_wait3A_267 : memref<1x128xi32, #tpu.memory_space<vmem>> -> memref<128xi32, #tpu.memory_space<vmem>>
      %dma_wait3A_269 = arith.constant 0 : i32
      %dma_wait3A_270 = arith.constant 0 : i32
      %dma_wait3A_271 = tpu.memref_slice %arg2[%dma_wait3A_269, %dma_wait3A_270] : memref<10000x8xf32, #tpu.memory_space<hbm>> -> memref<10000x8xf32, #tpu.memory_space<hbm>>
      %dma_wait3A_272 = tpu.memref_slice %arg21[%dma_wait3A_265] : memref<10x!tpu.dma_semaphore, #tpu.memory_space<semaphore_mem>> -> memref<1x!tpu.dma_semaphore, #tpu.memory_space<semaphore_mem>>
      %dma_wait3A_273 = tpu.memref_squeeze %dma_wait3A_272 : memref<1x!tpu.dma_semaphore, #tpu.memory_space<semaphore_mem>> -> memref<!tpu.dma_semaphore, #tpu.memory_space<semaphore_mem>>
      tpu.wait_indirect_dma semaphore(%dma_wait3A_273 : memref<!tpu.dma_semaphore, #tpu.memory_space<semaphore_mem>>) src(%dma_wait3A_271 : memref<10000x8xf32, #tpu.memory_space<hbm>>) dst(%arg11 : memref<128x8xf32, #tpu.memory_space<vmem>>)
      %dma_start3A_274 = arith.constant 2 : i32
      %dma_start3A_275 = arith.constant 0 : i32
      %dma_start3A_276 = tpu.memref_slice %arg8[%add3A_264, %dma_start3A_275] : memref<80x128xi32, #tpu.memory_space<vmem>> -> memref<1x128xi32, #tpu.memory_space<vmem>>
      %dma_start3A_277 = tpu.memref_squeeze %dma_start3A_276 : memref<1x128xi32, #tpu.memory_space<vmem>> -> memref<128xi32, #tpu.memory_space<vmem>>
      %dma_start3A_278 = arith.constant 0 : i32
      %dma_start3A_279 = arith.constant 0 : i32
      %dma_start3A_280 = tpu.memref_slice %arg19[%dma_start3A_278, %dma_start3A_279] : memref<10240x8xf32, #tpu.memory_space<vmem_shared>> -> memref<10240x8xf32, #tpu.memory_space<vmem_shared>>
      %dma_start3A_281 = tpu.memref_slice %arg22[%dma_start3A_274] : memref<10x!tpu.dma_semaphore, #tpu.memory_space<semaphore_mem>> -> memref<1x!tpu.dma_semaphore, #tpu.memory_space<semaphore_mem>>
      %dma_start3A_282 = tpu.memref_squeeze %dma_start3A_281 : memref<1x!tpu.dma_semaphore, #tpu.memory_space<semaphore_mem>> -> memref<!tpu.dma_semaphore, #tpu.memory_space<semaphore_mem>>
      tpu.enqueue_indirect_dma source(%arg11 : memref<128x8xf32, #tpu.memory_space<vmem>>) target(%dma_start3A_280 : memref<10240x8xf32, #tpu.memory_space<vmem_shared>>) offsets(%dma_start3A_277 : memref<128xi32, #tpu.memory_space<vmem>>) semaphore(%dma_start3A_282 : memref<!tpu.dma_semaphore, #tpu.memory_space<semaphore_mem>>) {add = true}
      %ge3A_283 = arith.constant 5 : i32
      %ge3A_284 = arith.cmpi sge, %add3A_264, %ge3A_283 : i32
      %lt3A_285 = arith.constant 75 : i32
      %lt3A_286 = arith.cmpi slt, %add3A_264, %lt3A_285 : i32
      %and3A_287 = arith.andi %ge3A_284, %lt3A_286 : i1
      %convert_element_type3A_288 = arith.extui %and3A_287 : i1 to i32
      %cond3A_289 = arith.constant 0 : i32
      %cond3A_290 = arith.cmpi ne, %convert_element_type3A_288, %cond3A_289 : i32
      scf.if %cond3A_290 {
        %dma_wait3A_541 = arith.constant 7 : i32
        %dma_wait3A_542 = arith.constant 0 : i32
        %dma_wait3A_543 = tpu.memref_slice %arg8[%add3A_264, %dma_wait3A_542] : memref<80x128xi32, #tpu.memory_space<vmem>> -> memref<1x128xi32, #tpu.memory_space<vmem>>
        %dma_wait3A_544 = tpu.memref_squeeze %dma_wait3A_543 : memref<1x128xi32, #tpu.memory_space<vmem>> -> memref<128xi32, #tpu.memory_space<vmem>>
        %dma_wait3A_545 = arith.constant 0 : i32
        %dma_wait3A_546 = arith.constant 0 : i32
        %dma_wait3A_547 = tpu.memref_slice %arg19[%dma_wait3A_545, %dma_wait3A_546] : memref<10240x8xf32, #tpu.memory_space<vmem_shared>> -> memref<10240x8xf32, #tpu.memory_space<vmem_shared>>
        %dma_wait3A_548 = tpu.memref_slice %arg22[%dma_wait3A_541] : memref<10x!tpu.dma_semaphore, #tpu.memory_space<semaphore_mem>> -> memref<1x!tpu.dma_semaphore, #tpu.memory_space<semaphore_mem>>
        %dma_wait3A_549 = tpu.memref_squeeze %dma_wait3A_548 : memref<1x!tpu.dma_semaphore, #tpu.memory_space<semaphore_mem>> -> memref<!tpu.dma_semaphore, #tpu.memory_space<semaphore_mem>>
        tpu.wait_indirect_dma semaphore(%dma_wait3A_549 : memref<!tpu.dma_semaphore, #tpu.memory_space<semaphore_mem>>) src(%arg16 : memref<128x8xf32, #tpu.memory_space<vmem>>) dst(%dma_wait3A_547 : memref<10240x8xf32, #tpu.memory_space<vmem_shared>>)
      } else {
      }
      %lt3A_291 = arith.constant 75 : i32
      %lt3A_292 = arith.cmpi slt, %add3A_264, %lt3A_291 : i32
      %convert_element_type3A_293 = arith.extui %lt3A_292 : i1 to i32
      %cond3A_294 = arith.constant 0 : i32
      %cond3A_295 = arith.cmpi ne, %convert_element_type3A_293, %cond3A_294 : i32
      scf.if %cond3A_295 {
        %add3A_541 = arith.constant 5 : i32
        %add3A_542 = arith.addi %add3A_264, %add3A_541 : i32
        %dma_start3A_543 = arith.constant 7 : i32
        %dma_start3A_544 = arith.constant 0 : i32
        %dma_start3A_545 = tpu.memref_slice %arg7[%add3A_542, %dma_start3A_544] : memref<80x128xi32, #tpu.memory_space<vmem>> -> memref<1x128xi32, #tpu.memory_space<vmem>>
        %dma_start3A_546 = tpu.memref_squeeze %dma_start3A_545 : memref<1x128xi32, #tpu.memory_space<vmem>> -> memref<128xi32, #tpu.memory_space<vmem>>
        %dma_start3A_547 = arith.constant 0 : i32
        %dma_start3A_548 = arith.constant 0 : i32
        %dma_start3A_549 = tpu.memref_slice %arg2[%dma_start3A_547, %dma_start3A_548] : memref<10000x8xf32, #tpu.memory_space<hbm>> -> memref<10000x8xf32, #tpu.memory_space<hbm>>
        %dma_start3A_550 = tpu.memref_slice %arg21[%dma_start3A_543] : memref<10x!tpu.dma_semaphore, #tpu.memory_space<semaphore_mem>> -> memref<1x!tpu.dma_semaphore, #tpu.memory_space<semaphore_mem>>
        %dma_start3A_551 = tpu.memref_squeeze %dma_start3A_550 : memref<1x!tpu.dma_semaphore, #tpu.memory_space<semaphore_mem>> -> memref<!tpu.dma_semaphore, #tpu.memory_space<semaphore_mem>>
        tpu.enqueue_indirect_dma source(%dma_start3A_549 : memref<10000x8xf32, #tpu.memory_space<hbm>>) target(%arg16 : memref<128x8xf32, #tpu.memory_space<vmem>>) offsets(%dma_start3A_546 : memref<128xi32, #tpu.memory_space<vmem>>) semaphore(%dma_start3A_551 : memref<!tpu.dma_semaphore, #tpu.memory_space<semaphore_mem>>)
      } else {
      }
      %mul3A_296 = arith.constant 10 : i32
      %mul3A_297 = arith.muli %scan3A_195, %mul3A_296 : i32
      %add3A_298 = arith.constant 3 : i32
      %add3A_299 = arith.addi %mul3A_297, %add3A_298 : i32
      %dma_wait3A_300 = arith.constant 3 : i32
      %dma_wait3A_301 = arith.constant 0 : i32
      %dma_wait3A_302 = tpu.memref_slice %arg7[%add3A_299, %dma_wait3A_301] : memref<80x128xi32, #tpu.memory_space<vmem>> -> memref<1x128xi32, #tpu.memory_space<vmem>>
      %dma_wait3A_303 = tpu.memref_squeeze %dma_wait3A_302 : memref<1x128xi32, #tpu.memory_space<vmem>> -> memref<128xi32, #tpu.memory_space<vmem>>
      %dma_wait3A_304 = arith.constant 0 : i32
      %dma_wait3A_305 = arith.constant 0 : i32
      %dma_wait3A_306 = tpu.memref_slice %arg2[%dma_wait3A_304, %dma_wait3A_305] : memref<10000x8xf32, #tpu.memory_space<hbm>> -> memref<10000x8xf32, #tpu.memory_space<hbm>>
      %dma_wait3A_307 = tpu.memref_slice %arg21[%dma_wait3A_300] : memref<10x!tpu.dma_semaphore, #tpu.memory_space<semaphore_mem>> -> memref<1x!tpu.dma_semaphore, #tpu.memory_space<semaphore_mem>>
      %dma_wait3A_308 = tpu.memref_squeeze %dma_wait3A_307 : memref<1x!tpu.dma_semaphore, #tpu.memory_space<semaphore_mem>> -> memref<!tpu.dma_semaphore, #tpu.memory_space<semaphore_mem>>
      tpu.wait_indirect_dma semaphore(%dma_wait3A_308 : memref<!tpu.dma_semaphore, #tpu.memory_space<semaphore_mem>>) src(%dma_wait3A_306 : memref<10000x8xf32, #tpu.memory_space<hbm>>) dst(%arg12 : memref<128x8xf32, #tpu.memory_space<vmem>>)
      %dma_start3A_309 = arith.constant 3 : i32
      %dma_start3A_310 = arith.constant 0 : i32
      %dma_start3A_311 = tpu.memref_slice %arg8[%add3A_299, %dma_start3A_310] : memref<80x128xi32, #tpu.memory_space<vmem>> -> memref<1x128xi32, #tpu.memory_space<vmem>>
      %dma_start3A_312 = tpu.memref_squeeze %dma_start3A_311 : memref<1x128xi32, #tpu.memory_space<vmem>> -> memref<128xi32, #tpu.memory_space<vmem>>
      %dma_start3A_313 = arith.constant 0 : i32
      %dma_start3A_314 = arith.constant 0 : i32
      %dma_start3A_315 = tpu.memref_slice %arg19[%dma_start3A_313, %dma_start3A_314] : memref<10240x8xf32, #tpu.memory_space<vmem_shared>> -> memref<10240x8xf32, #tpu.memory_space<vmem_shared>>
      %dma_start3A_316 = tpu.memref_slice %arg22[%dma_start3A_309] : memref<10x!tpu.dma_semaphore, #tpu.memory_space<semaphore_mem>> -> memref<1x!tpu.dma_semaphore, #tpu.memory_space<semaphore_mem>>
      %dma_start3A_317 = tpu.memref_squeeze %dma_start3A_316 : memref<1x!tpu.dma_semaphore, #tpu.memory_space<semaphore_mem>> -> memref<!tpu.dma_semaphore, #tpu.memory_space<semaphore_mem>>
      tpu.enqueue_indirect_dma source(%arg12 : memref<128x8xf32, #tpu.memory_space<vmem>>) target(%dma_start3A_315 : memref<10240x8xf32, #tpu.memory_space<vmem_shared>>) offsets(%dma_start3A_312 : memref<128xi32, #tpu.memory_space<vmem>>) semaphore(%dma_start3A_317 : memref<!tpu.dma_semaphore, #tpu.memory_space<semaphore_mem>>) {add = true}
      %ge3A_318 = arith.constant 5 : i32
      %ge3A_319 = arith.cmpi sge, %add3A_299, %ge3A_318 : i32
      %lt3A_320 = arith.constant 75 : i32
      %lt3A_321 = arith.cmpi slt, %add3A_299, %lt3A_320 : i32
      %and3A_322 = arith.andi %ge3A_319, %lt3A_321 : i1
      %convert_element_type3A_323 = arith.extui %and3A_322 : i1 to i32
      %cond3A_324 = arith.constant 0 : i32
      %cond3A_325 = arith.cmpi ne, %convert_element_type3A_323, %cond3A_324 : i32
      scf.if %cond3A_325 {
        %dma_wait3A_541 = arith.constant 8 : i32
        %dma_wait3A_542 = arith.constant 0 : i32
        %dma_wait3A_543 = tpu.memref_slice %arg8[%add3A_299, %dma_wait3A_542] : memref<80x128xi32, #tpu.memory_space<vmem>> -> memref<1x128xi32, #tpu.memory_space<vmem>>
        %dma_wait3A_544 = tpu.memref_squeeze %dma_wait3A_543 : memref<1x128xi32, #tpu.memory_space<vmem>> -> memref<128xi32, #tpu.memory_space<vmem>>
        %dma_wait3A_545 = arith.constant 0 : i32
        %dma_wait3A_546 = arith.constant 0 : i32
        %dma_wait3A_547 = tpu.memref_slice %arg19[%dma_wait3A_545, %dma_wait3A_546] : memref<10240x8xf32, #tpu.memory_space<vmem_shared>> -> memref<10240x8xf32, #tpu.memory_space<vmem_shared>>
        %dma_wait3A_548 = tpu.memref_slice %arg22[%dma_wait3A_541] : memref<10x!tpu.dma_semaphore, #tpu.memory_space<semaphore_mem>> -> memref<1x!tpu.dma_semaphore, #tpu.memory_space<semaphore_mem>>
        %dma_wait3A_549 = tpu.memref_squeeze %dma_wait3A_548 : memref<1x!tpu.dma_semaphore, #tpu.memory_space<semaphore_mem>> -> memref<!tpu.dma_semaphore, #tpu.memory_space<semaphore_mem>>
        tpu.wait_indirect_dma semaphore(%dma_wait3A_549 : memref<!tpu.dma_semaphore, #tpu.memory_space<semaphore_mem>>) src(%arg17 : memref<128x8xf32, #tpu.memory_space<vmem>>) dst(%dma_wait3A_547 : memref<10240x8xf32, #tpu.memory_space<vmem_shared>>)
      } else {
      }
      %lt3A_326 = arith.constant 75 : i32
      %lt3A_327 = arith.cmpi slt, %add3A_299, %lt3A_326 : i32
      %convert_element_type3A_328 = arith.extui %lt3A_327 : i1 to i32
      %cond3A_329 = arith.constant 0 : i32
      %cond3A_330 = arith.cmpi ne, %convert_element_type3A_328, %cond3A_329 : i32
      scf.if %cond3A_330 {
        %add3A_541 = arith.constant 5 : i32
        %add3A_542 = arith.addi %add3A_299, %add3A_541 : i32
        %dma_start3A_543 = arith.constant 8 : i32
        %dma_start3A_544 = arith.constant 0 : i32
        %dma_start3A_545 = tpu.memref_slice %arg7[%add3A_542, %dma_start3A_544] : memref<80x128xi32, #tpu.memory_space<vmem>> -> memref<1x128xi32, #tpu.memory_space<vmem>>
        %dma_start3A_546 = tpu.memref_squeeze %dma_start3A_545 : memref<1x128xi32, #tpu.memory_space<vmem>> -> memref<128xi32, #tpu.memory_space<vmem>>
        %dma_start3A_547 = arith.constant 0 : i32
        %dma_start3A_548 = arith.constant 0 : i32
        %dma_start3A_549 = tpu.memref_slice %arg2[%dma_start3A_547, %dma_start3A_548] : memref<10000x8xf32, #tpu.memory_space<hbm>> -> memref<10000x8xf32, #tpu.memory_space<hbm>>
        %dma_start3A_550 = tpu.memref_slice %arg21[%dma_start3A_543] : memref<10x!tpu.dma_semaphore, #tpu.memory_space<semaphore_mem>> -> memref<1x!tpu.dma_semaphore, #tpu.memory_space<semaphore_mem>>
        %dma_start3A_551 = tpu.memref_squeeze %dma_start3A_550 : memref<1x!tpu.dma_semaphore, #tpu.memory_space<semaphore_mem>> -> memref<!tpu.dma_semaphore, #tpu.memory_space<semaphore_mem>>
        tpu.enqueue_indirect_dma source(%dma_start3A_549 : memref<10000x8xf32, #tpu.memory_space<hbm>>) target(%arg17 : memref<128x8xf32, #tpu.memory_space<vmem>>) offsets(%dma_start3A_546 : memref<128xi32, #tpu.memory_space<vmem>>) semaphore(%dma_start3A_551 : memref<!tpu.dma_semaphore, #tpu.memory_space<semaphore_mem>>)
      } else {
      }
      %mul3A_331 = arith.constant 10 : i32
      %mul3A_332 = arith.muli %scan3A_195, %mul3A_331 : i32
      %add3A_333 = arith.constant 4 : i32
      %add3A_334 = arith.addi %mul3A_332, %add3A_333 : i32
      %dma_wait3A_335 = arith.constant 4 : i32
      %dma_wait3A_336 = arith.constant 0 : i32
      %dma_wait3A_337 = tpu.memref_slice %arg7[%add3A_334, %dma_wait3A_336] : memref<80x128xi32, #tpu.memory_space<vmem>> -> memref<1x128xi32, #tpu.memory_space<vmem>>
      %dma_wait3A_338 = tpu.memref_squeeze %dma_wait3A_337 : memref<1x128xi32, #tpu.memory_space<vmem>> -> memref<128xi32, #tpu.memory_space<vmem>>
      %dma_wait3A_339 = arith.constant 0 : i32
      %dma_wait3A_340 = arith.constant 0 : i32
      %dma_wait3A_341 = tpu.memref_slice %arg2[%dma_wait3A_339, %dma_wait3A_340] : memref<10000x8xf32, #tpu.memory_space<hbm>> -> memref<10000x8xf32, #tpu.memory_space<hbm>>
      %dma_wait3A_342 = tpu.memref_slice %arg21[%dma_wait3A_335] : memref<10x!tpu.dma_semaphore, #tpu.memory_space<semaphore_mem>> -> memref<1x!tpu.dma_semaphore, #tpu.memory_space<semaphore_mem>>
      %dma_wait3A_343 = tpu.memref_squeeze %dma_wait3A_342 : memref<1x!tpu.dma_semaphore, #tpu.memory_space<semaphore_mem>> -> memref<!tpu.dma_semaphore, #tpu.memory_space<semaphore_mem>>
      tpu.wait_indirect_dma semaphore(%dma_wait3A_343 : memref<!tpu.dma_semaphore, #tpu.memory_space<semaphore_mem>>) src(%dma_wait3A_341 : memref<10000x8xf32, #tpu.memory_space<hbm>>) dst(%arg13 : memref<128x8xf32, #tpu.memory_space<vmem>>)
      %dma_start3A_344 = arith.constant 4 : i32
      %dma_start3A_345 = arith.constant 0 : i32
      %dma_start3A_346 = tpu.memref_slice %arg8[%add3A_334, %dma_start3A_345] : memref<80x128xi32, #tpu.memory_space<vmem>> -> memref<1x128xi32, #tpu.memory_space<vmem>>
      %dma_start3A_347 = tpu.memref_squeeze %dma_start3A_346 : memref<1x128xi32, #tpu.memory_space<vmem>> -> memref<128xi32, #tpu.memory_space<vmem>>
      %dma_start3A_348 = arith.constant 0 : i32
      %dma_start3A_349 = arith.constant 0 : i32
      %dma_start3A_350 = tpu.memref_slice %arg19[%dma_start3A_348, %dma_start3A_349] : memref<10240x8xf32, #tpu.memory_space<vmem_shared>> -> memref<10240x8xf32, #tpu.memory_space<vmem_shared>>
      %dma_start3A_351 = tpu.memref_slice %arg22[%dma_start3A_344] : memref<10x!tpu.dma_semaphore, #tpu.memory_space<semaphore_mem>> -> memref<1x!tpu.dma_semaphore, #tpu.memory_space<semaphore_mem>>
      %dma_start3A_352 = tpu.memref_squeeze %dma_start3A_351 : memref<1x!tpu.dma_semaphore, #tpu.memory_space<semaphore_mem>> -> memref<!tpu.dma_semaphore, #tpu.memory_space<semaphore_mem>>
      tpu.enqueue_indirect_dma source(%arg13 : memref<128x8xf32, #tpu.memory_space<vmem>>) target(%dma_start3A_350 : memref<10240x8xf32, #tpu.memory_space<vmem_shared>>) offsets(%dma_start3A_347 : memref<128xi32, #tpu.memory_space<vmem>>) semaphore(%dma_start3A_352 : memref<!tpu.dma_semaphore, #tpu.memory_space<semaphore_mem>>) {add = true}
      %ge3A_353 = arith.constant 5 : i32
      %ge3A_354 = arith.cmpi sge, %add3A_334, %ge3A_353 : i32
      %lt3A_355 = arith.constant 75 : i32
      %lt3A_356 = arith.cmpi slt, %add3A_334, %lt3A_355 : i32
      %and3A_357 = arith.andi %ge3A_354, %lt3A_356 : i1
      %convert_element_type3A_358 = arith.extui %and3A_357 : i1 to i32
      %cond3A_359 = arith.constant 0 : i32
      %cond3A_360 = arith.cmpi ne, %convert_element_type3A_358, %cond3A_359 : i32
      scf.if %cond3A_360 {
        %dma_wait3A_541 = arith.constant 9 : i32
        %dma_wait3A_542 = arith.constant 0 : i32
        %dma_wait3A_543 = tpu.memref_slice %arg8[%add3A_334, %dma_wait3A_542] : memref<80x128xi32, #tpu.memory_space<vmem>> -> memref<1x128xi32, #tpu.memory_space<vmem>>
        %dma_wait3A_544 = tpu.memref_squeeze %dma_wait3A_543 : memref<1x128xi32, #tpu.memory_space<vmem>> -> memref<128xi32, #tpu.memory_space<vmem>>
        %dma_wait3A_545 = arith.constant 0 : i32
        %dma_wait3A_546 = arith.constant 0 : i32
        %dma_wait3A_547 = tpu.memref_slice %arg19[%dma_wait3A_545, %dma_wait3A_546] : memref<10240x8xf32, #tpu.memory_space<vmem_shared>> -> memref<10240x8xf32, #tpu.memory_space<vmem_shared>>
        %dma_wait3A_548 = tpu.memref_slice %arg22[%dma_wait3A_541] : memref<10x!tpu.dma_semaphore, #tpu.memory_space<semaphore_mem>> -> memref<1x!tpu.dma_semaphore, #tpu.memory_space<semaphore_mem>>
        %dma_wait3A_549 = tpu.memref_squeeze %dma_wait3A_548 : memref<1x!tpu.dma_semaphore, #tpu.memory_space<semaphore_mem>> -> memref<!tpu.dma_semaphore, #tpu.memory_space<semaphore_mem>>
        tpu.wait_indirect_dma semaphore(%dma_wait3A_549 : memref<!tpu.dma_semaphore, #tpu.memory_space<semaphore_mem>>) src(%arg18 : memref<128x8xf32, #tpu.memory_space<vmem>>) dst(%dma_wait3A_547 : memref<10240x8xf32, #tpu.memory_space<vmem_shared>>)
      } else {
      }
      %lt3A_361 = arith.constant 75 : i32
      %lt3A_362 = arith.cmpi slt, %add3A_334, %lt3A_361 : i32
      %convert_element_type3A_363 = arith.extui %lt3A_362 : i1 to i32
      %cond3A_364 = arith.constant 0 : i32
      %cond3A_365 = arith.cmpi ne, %convert_element_type3A_363, %cond3A_364 : i32
      scf.if %cond3A_365 {
        %add3A_541 = arith.constant 5 : i32
        %add3A_542 = arith.addi %add3A_334, %add3A_541 : i32
        %dma_start3A_543 = arith.constant 9 : i32
        %dma_start3A_544 = arith.constant 0 : i32
        %dma_start3A_545 = tpu.memref_slice %arg7[%add3A_542, %dma_start3A_544] : memref<80x128xi32, #tpu.memory_space<vmem>> -> memref<1x128xi32, #tpu.memory_space<vmem>>
        %dma_start3A_546 = tpu.memref_squeeze %dma_start3A_545 : memref<1x128xi32, #tpu.memory_space<vmem>> -> memref<128xi32, #tpu.memory_space<vmem>>
        %dma_start3A_547 = arith.constant 0 : i32
        %dma_start3A_548 = arith.constant 0 : i32
        %dma_start3A_549 = tpu.memref_slice %arg2[%dma_start3A_547, %dma_start3A_548] : memref<10000x8xf32, #tpu.memory_space<hbm>> -> memref<10000x8xf32, #tpu.memory_space<hbm>>
        %dma_start3A_550 = tpu.memref_slice %arg21[%dma_start3A_543] : memref<10x!tpu.dma_semaphore, #tpu.memory_space<semaphore_mem>> -> memref<1x!tpu.dma_semaphore, #tpu.memory_space<semaphore_mem>>
        %dma_start3A_551 = tpu.memref_squeeze %dma_start3A_550 : memref<1x!tpu.dma_semaphore, #tpu.memory_space<semaphore_mem>> -> memref<!tpu.dma_semaphore, #tpu.memory_space<semaphore_mem>>
        tpu.enqueue_indirect_dma source(%dma_start3A_549 : memref<10000x8xf32, #tpu.memory_space<hbm>>) target(%arg18 : memref<128x8xf32, #tpu.memory_space<vmem>>) offsets(%dma_start3A_546 : memref<128xi32, #tpu.memory_space<vmem>>) semaphore(%dma_start3A_551 : memref<!tpu.dma_semaphore, #tpu.memory_space<semaphore_mem>>)
      } else {
      }
      %mul3A_366 = arith.constant 10 : i32
      %mul3A_367 = arith.muli %scan3A_195, %mul3A_366 : i32
      %add3A_368 = arith.constant 5 : i32
      %add3A_369 = arith.addi %mul3A_367, %add3A_368 : i32
      %dma_wait3A_370 = arith.constant 5 : i32
      %dma_wait3A_371 = arith.constant 0 : i32
      %dma_wait3A_372 = tpu.memref_slice %arg7[%add3A_369, %dma_wait3A_371] : memref<80x128xi32, #tpu.memory_space<vmem>> -> memref<1x128xi32, #tpu.memory_space<vmem>>
      %dma_wait3A_373 = tpu.memref_squeeze %dma_wait3A_372 : memref<1x128xi32, #tpu.memory_space<vmem>> -> memref<128xi32, #tpu.memory_space<vmem>>
      %dma_wait3A_374 = arith.constant 0 : i32
      %dma_wait3A_375 = arith.constant 0 : i32
      %dma_wait3A_376 = tpu.memref_slice %arg2[%dma_wait3A_374, %dma_wait3A_375] : memref<10000x8xf32, #tpu.memory_space<hbm>> -> memref<10000x8xf32, #tpu.memory_space<hbm>>
      %dma_wait3A_377 = tpu.memref_slice %arg21[%dma_wait3A_370] : memref<10x!tpu.dma_semaphore, #tpu.memory_space<semaphore_mem>> -> memref<1x!tpu.dma_semaphore, #tpu.memory_space<semaphore_mem>>
      %dma_wait3A_378 = tpu.memref_squeeze %dma_wait3A_377 : memref<1x!tpu.dma_semaphore, #tpu.memory_space<semaphore_mem>> -> memref<!tpu.dma_semaphore, #tpu.memory_space<semaphore_mem>>
      tpu.wait_indirect_dma semaphore(%dma_wait3A_378 : memref<!tpu.dma_semaphore, #tpu.memory_space<semaphore_mem>>) src(%dma_wait3A_376 : memref<10000x8xf32, #tpu.memory_space<hbm>>) dst(%arg14 : memref<128x8xf32, #tpu.memory_space<vmem>>)
      %dma_start3A_379 = arith.constant 5 : i32
      %dma_start3A_380 = arith.constant 0 : i32
      %dma_start3A_381 = tpu.memref_slice %arg8[%add3A_369, %dma_start3A_380] : memref<80x128xi32, #tpu.memory_space<vmem>> -> memref<1x128xi32, #tpu.memory_space<vmem>>
      %dma_start3A_382 = tpu.memref_squeeze %dma_start3A_381 : memref<1x128xi32, #tpu.memory_space<vmem>> -> memref<128xi32, #tpu.memory_space<vmem>>
      %dma_start3A_383 = arith.constant 0 : i32
      %dma_start3A_384 = arith.constant 0 : i32
      %dma_start3A_385 = tpu.memref_slice %arg19[%dma_start3A_383, %dma_start3A_384] : memref<10240x8xf32, #tpu.memory_space<vmem_shared>> -> memref<10240x8xf32, #tpu.memory_space<vmem_shared>>
      %dma_start3A_386 = tpu.memref_slice %arg22[%dma_start3A_379] : memref<10x!tpu.dma_semaphore, #tpu.memory_space<semaphore_mem>> -> memref<1x!tpu.dma_semaphore, #tpu.memory_space<semaphore_mem>>
      %dma_start3A_387 = tpu.memref_squeeze %dma_start3A_386 : memref<1x!tpu.dma_semaphore, #tpu.memory_space<semaphore_mem>> -> memref<!tpu.dma_semaphore, #tpu.memory_space<semaphore_mem>>
      tpu.enqueue_indirect_dma source(%arg14 : memref<128x8xf32, #tpu.memory_space<vmem>>) target(%dma_start3A_385 : memref<10240x8xf32, #tpu.memory_space<vmem_shared>>) offsets(%dma_start3A_382 : memref<128xi32, #tpu.memory_space<vmem>>) semaphore(%dma_start3A_387 : memref<!tpu.dma_semaphore, #tpu.memory_space<semaphore_mem>>) {add = true}
      %ge3A_388 = arith.constant 5 : i32
      %ge3A_389 = arith.cmpi sge, %add3A_369, %ge3A_388 : i32
      %lt3A_390 = arith.constant 75 : i32
      %lt3A_391 = arith.cmpi slt, %add3A_369, %lt3A_390 : i32
      %and3A_392 = arith.andi %ge3A_389, %lt3A_391 : i1
      %convert_element_type3A_393 = arith.extui %and3A_392 : i1 to i32
      %cond3A_394 = arith.constant 0 : i32
      %cond3A_395 = arith.cmpi ne, %convert_element_type3A_393, %cond3A_394 : i32
      scf.if %cond3A_395 {
        %dma_wait3A_541 = arith.constant 0 : i32
        %dma_wait3A_542 = arith.constant 0 : i32
        %dma_wait3A_543 = tpu.memref_slice %arg8[%add3A_369, %dma_wait3A_542] : memref<80x128xi32, #tpu.memory_space<vmem>> -> memref<1x128xi32, #tpu.memory_space<vmem>>
        %dma_wait3A_544 = tpu.memref_squeeze %dma_wait3A_543 : memref<1x128xi32, #tpu.memory_space<vmem>> -> memref<128xi32, #tpu.memory_space<vmem>>
        %dma_wait3A_545 = arith.constant 0 : i32
        %dma_wait3A_546 = arith.constant 0 : i32
        %dma_wait3A_547 = tpu.memref_slice %arg19[%dma_wait3A_545, %dma_wait3A_546] : memref<10240x8xf32, #tpu.memory_space<vmem_shared>> -> memref<10240x8xf32, #tpu.memory_space<vmem_shared>>
        %dma_wait3A_548 = tpu.memref_slice %arg22[%dma_wait3A_541] : memref<10x!tpu.dma_semaphore, #tpu.memory_space<semaphore_mem>> -> memref<1x!tpu.dma_semaphore, #tpu.memory_space<semaphore_mem>>
        %dma_wait3A_549 = tpu.memref_squeeze %dma_wait3A_548 : memref<1x!tpu.dma_semaphore, #tpu.memory_space<semaphore_mem>> -> memref<!tpu.dma_semaphore, #tpu.memory_space<semaphore_mem>>
        tpu.wait_indirect_dma semaphore(%dma_wait3A_549 : memref<!tpu.dma_semaphore, #tpu.memory_space<semaphore_mem>>) src(%arg9 : memref<128x8xf32, #tpu.memory_space<vmem>>) dst(%dma_wait3A_547 : memref<10240x8xf32, #tpu.memory_space<vmem_shared>>)
      } else {
      }
      %lt3A_396 = arith.constant 75 : i32
      %lt3A_397 = arith.cmpi slt, %add3A_369, %lt3A_396 : i32
      %convert_element_type3A_398 = arith.extui %lt3A_397 : i1 to i32
      %cond3A_399 = arith.constant 0 : i32
      %cond3A_400 = arith.cmpi ne, %convert_element_type3A_398, %cond3A_399 : i32
      scf.if %cond3A_400 {
        %add3A_541 = arith.constant 5 : i32
        %add3A_542 = arith.addi %add3A_369, %add3A_541 : i32
        %dma_start3A_543 = arith.constant 0 : i32
        %dma_start3A_544 = arith.constant 0 : i32
        %dma_start3A_545 = tpu.memref_slice %arg7[%add3A_542, %dma_start3A_544] : memref<80x128xi32, #tpu.memory_space<vmem>> -> memref<1x128xi32, #tpu.memory_space<vmem>>
        %dma_start3A_546 = tpu.memref_squeeze %dma_start3A_545 : memref<1x128xi32, #tpu.memory_space<vmem>> -> memref<128xi32, #tpu.memory_space<vmem>>
        %dma_start3A_547 = arith.constant 0 : i32
        %dma_start3A_548 = arith.constant 0 : i32
        %dma_start3A_549 = tpu.memref_slice %arg2[%dma_start3A_547, %dma_start3A_548] : memref<10000x8xf32, #tpu.memory_space<hbm>> -> memref<10000x8xf32, #tpu.memory_space<hbm>>
        %dma_start3A_550 = tpu.memref_slice %arg21[%dma_start3A_543] : memref<10x!tpu.dma_semaphore, #tpu.memory_space<semaphore_mem>> -> memref<1x!tpu.dma_semaphore, #tpu.memory_space<semaphore_mem>>
        %dma_start3A_551 = tpu.memref_squeeze %dma_start3A_550 : memref<1x!tpu.dma_semaphore, #tpu.memory_space<semaphore_mem>> -> memref<!tpu.dma_semaphore, #tpu.memory_space<semaphore_mem>>
        tpu.enqueue_indirect_dma source(%dma_start3A_549 : memref<10000x8xf32, #tpu.memory_space<hbm>>) target(%arg9 : memref<128x8xf32, #tpu.memory_space<vmem>>) offsets(%dma_start3A_546 : memref<128xi32, #tpu.memory_space<vmem>>) semaphore(%dma_start3A_551 : memref<!tpu.dma_semaphore, #tpu.memory_space<semaphore_mem>>)
      } else {
      }
      %mul3A_401 = arith.constant 10 : i32
      %mul3A_402 = arith.muli %scan3A_195, %mul3A_401 : i32
      %add3A_403 = arith.constant 6 : i32
      %add3A_404 = arith.addi %mul3A_402, %add3A_403 : i32
      %dma_wait3A_405 = arith.constant 6 : i32
      %dma_wait3A_406 = arith.constant 0 : i32
      %dma_wait3A_407 = tpu.memref_slice %arg7[%add3A_404, %dma_wait3A_406] : memref<80x128xi32, #tpu.memory_space<vmem>> -> memref<1x128xi32, #tpu.memory_space<vmem>>
      %dma_wait3A_408 = tpu.memref_squeeze %dma_wait3A_407 : memref<1x128xi32, #tpu.memory_space<vmem>> -> memref<128xi32, #tpu.memory_space<vmem>>
      %dma_wait3A_409 = arith.constant 0 : i32
      %dma_wait3A_410 = arith.constant 0 : i32
      %dma_wait3A_411 = tpu.memref_slice %arg2[%dma_wait3A_409, %dma_wait3A_410] : memref<10000x8xf32, #tpu.memory_space<hbm>> -> memref<10000x8xf32, #tpu.memory_space<hbm>>
      %dma_wait3A_412 = tpu.memref_slice %arg21[%dma_wait3A_405] : memref<10x!tpu.dma_semaphore, #tpu.memory_space<semaphore_mem>> -> memref<1x!tpu.dma_semaphore, #tpu.memory_space<semaphore_mem>>
      %dma_wait3A_413 = tpu.memref_squeeze %dma_wait3A_412 : memref<1x!tpu.dma_semaphore, #tpu.memory_space<semaphore_mem>> -> memref<!tpu.dma_semaphore, #tpu.memory_space<semaphore_mem>>
      tpu.wait_indirect_dma semaphore(%dma_wait3A_413 : memref<!tpu.dma_semaphore, #tpu.memory_space<semaphore_mem>>) src(%dma_wait3A_411 : memref<10000x8xf32, #tpu.memory_space<hbm>>) dst(%arg15 : memref<128x8xf32, #tpu.memory_space<vmem>>)
      %dma_start3A_414 = arith.constant 6 : i32
      %dma_start3A_415 = arith.constant 0 : i32
      %dma_start3A_416 = tpu.memref_slice %arg8[%add3A_404, %dma_start3A_415] : memref<80x128xi32, #tpu.memory_space<vmem>> -> memref<1x128xi32, #tpu.memory_space<vmem>>
      %dma_start3A_417 = tpu.memref_squeeze %dma_start3A_416 : memref<1x128xi32, #tpu.memory_space<vmem>> -> memref<128xi32, #tpu.memory_space<vmem>>
      %dma_start3A_418 = arith.constant 0 : i32
      %dma_start3A_419 = arith.constant 0 : i32
      %dma_start3A_420 = tpu.memref_slice %arg19[%dma_start3A_418, %dma_start3A_419] : memref<10240x8xf32, #tpu.memory_space<vmem_shared>> -> memref<10240x8xf32, #tpu.memory_space<vmem_shared>>
      %dma_start3A_421 = tpu.memref_slice %arg22[%dma_start3A_414] : memref<10x!tpu.dma_semaphore, #tpu.memory_space<semaphore_mem>> -> memref<1x!tpu.dma_semaphore, #tpu.memory_space<semaphore_mem>>
      %dma_start3A_422 = tpu.memref_squeeze %dma_start3A_421 : memref<1x!tpu.dma_semaphore, #tpu.memory_space<semaphore_mem>> -> memref<!tpu.dma_semaphore, #tpu.memory_space<semaphore_mem>>
      tpu.enqueue_indirect_dma source(%arg15 : memref<128x8xf32, #tpu.memory_space<vmem>>) target(%dma_start3A_420 : memref<10240x8xf32, #tpu.memory_space<vmem_shared>>) offsets(%dma_start3A_417 : memref<128xi32, #tpu.memory_space<vmem>>) semaphore(%dma_start3A_422 : memref<!tpu.dma_semaphore, #tpu.memory_space<semaphore_mem>>) {add = true}
      %ge3A_423 = arith.constant 5 : i32
      %ge3A_424 = arith.cmpi sge, %add3A_404, %ge3A_423 : i32
      %lt3A_425 = arith.constant 75 : i32
      %lt3A_426 = arith.cmpi slt, %add3A_404, %lt3A_425 : i32
      %and3A_427 = arith.andi %ge3A_424, %lt3A_426 : i1
      %convert_element_type3A_428 = arith.extui %and3A_427 : i1 to i32
      %cond3A_429 = arith.constant 0 : i32
      %cond3A_430 = arith.cmpi ne, %convert_element_type3A_428, %cond3A_429 : i32
      scf.if %cond3A_430 {
        %dma_wait3A_541 = arith.constant 1 : i32
        %dma_wait3A_542 = arith.constant 0 : i32
        %dma_wait3A_543 = tpu.memref_slice %arg8[%add3A_404, %dma_wait3A_542] : memref<80x128xi32, #tpu.memory_space<vmem>> -> memref<1x128xi32, #tpu.memory_space<vmem>>
        %dma_wait3A_544 = tpu.memref_squeeze %dma_wait3A_543 : memref<1x128xi32, #tpu.memory_space<vmem>> -> memref<128xi32, #tpu.memory_space<vmem>>
        %dma_wait3A_545 = arith.constant 0 : i32
        %dma_wait3A_546 = arith.constant 0 : i32
        %dma_wait3A_547 = tpu.memref_slice %arg19[%dma_wait3A_545, %dma_wait3A_546] : memref<10240x8xf32, #tpu.memory_space<vmem_shared>> -> memref<10240x8xf32, #tpu.memory_space<vmem_shared>>
        %dma_wait3A_548 = tpu.memref_slice %arg22[%dma_wait3A_541] : memref<10x!tpu.dma_semaphore, #tpu.memory_space<semaphore_mem>> -> memref<1x!tpu.dma_semaphore, #tpu.memory_space<semaphore_mem>>
        %dma_wait3A_549 = tpu.memref_squeeze %dma_wait3A_548 : memref<1x!tpu.dma_semaphore, #tpu.memory_space<semaphore_mem>> -> memref<!tpu.dma_semaphore, #tpu.memory_space<semaphore_mem>>
        tpu.wait_indirect_dma semaphore(%dma_wait3A_549 : memref<!tpu.dma_semaphore, #tpu.memory_space<semaphore_mem>>) src(%arg10 : memref<128x8xf32, #tpu.memory_space<vmem>>) dst(%dma_wait3A_547 : memref<10240x8xf32, #tpu.memory_space<vmem_shared>>)
      } else {
      }
      %lt3A_431 = arith.constant 75 : i32
      %lt3A_432 = arith.cmpi slt, %add3A_404, %lt3A_431 : i32
      %convert_element_type3A_433 = arith.extui %lt3A_432 : i1 to i32
      %cond3A_434 = arith.constant 0 : i32
      %cond3A_435 = arith.cmpi ne, %convert_element_type3A_433, %cond3A_434 : i32
      scf.if %cond3A_435 {
        %add3A_541 = arith.constant 5 : i32
        %add3A_542 = arith.addi %add3A_404, %add3A_541 : i32
        %dma_start3A_543 = arith.constant 1 : i32
        %dma_start3A_544 = arith.constant 0 : i32
        %dma_start3A_545 = tpu.memref_slice %arg7[%add3A_542, %dma_start3A_544] : memref<80x128xi32, #tpu.memory_space<vmem>> -> memref<1x128xi32, #tpu.memory_space<vmem>>
        %dma_start3A_546 = tpu.memref_squeeze %dma_start3A_545 : memref<1x128xi32, #tpu.memory_space<vmem>> -> memref<128xi32, #tpu.memory_space<vmem>>
        %dma_start3A_547 = arith.constant 0 : i32
        %dma_start3A_548 = arith.constant 0 : i32
        %dma_start3A_549 = tpu.memref_slice %arg2[%dma_start3A_547, %dma_start3A_548] : memref<10000x8xf32, #tpu.memory_space<hbm>> -> memref<10000x8xf32, #tpu.memory_space<hbm>>
        %dma_start3A_550 = tpu.memref_slice %arg21[%dma_start3A_543] : memref<10x!tpu.dma_semaphore, #tpu.memory_space<semaphore_mem>> -> memref<1x!tpu.dma_semaphore, #tpu.memory_space<semaphore_mem>>
        %dma_start3A_551 = tpu.memref_squeeze %dma_start3A_550 : memref<1x!tpu.dma_semaphore, #tpu.memory_space<semaphore_mem>> -> memref<!tpu.dma_semaphore, #tpu.memory_space<semaphore_mem>>
        tpu.enqueue_indirect_dma source(%dma_start3A_549 : memref<10000x8xf32, #tpu.memory_space<hbm>>) target(%arg10 : memref<128x8xf32, #tpu.memory_space<vmem>>) offsets(%dma_start3A_546 : memref<128xi32, #tpu.memory_space<vmem>>) semaphore(%dma_start3A_551 : memref<!tpu.dma_semaphore, #tpu.memory_space<semaphore_mem>>)
      } else {
      }
      %mul3A_436 = arith.constant 10 : i32
      %mul3A_437 = arith.muli %scan3A_195, %mul3A_436 : i32
      %add3A_438 = arith.constant 7 : i32
      %add3A_439 = arith.addi %mul3A_437, %add3A_438 : i32
      %dma_wait3A_440 = arith.constant 7 : i32
      %dma_wait3A_441 = arith.constant 0 : i32
      %dma_wait3A_442 = tpu.memref_slice %arg7[%add3A_439, %dma_wait3A_441] : memref<80x128xi32, #tpu.memory_space<vmem>> -> memref<1x128xi32, #tpu.memory_space<vmem>>
      %dma_wait3A_443 = tpu.memref_squeeze %dma_wait3A_442 : memref<1x128xi32, #tpu.memory_space<vmem>> -> memref<128xi32, #tpu.memory_space<vmem>>
      %dma_wait3A_444 = arith.constant 0 : i32
      %dma_wait3A_445 = arith.constant 0 : i32
      %dma_wait3A_446 = tpu.memref_slice %arg2[%dma_wait3A_444, %dma_wait3A_445] : memref<10000x8xf32, #tpu.memory_space<hbm>> -> memref<10000x8xf32, #tpu.memory_space<hbm>>
      %dma_wait3A_447 = tpu.memref_slice %arg21[%dma_wait3A_440] : memref<10x!tpu.dma_semaphore, #tpu.memory_space<semaphore_mem>> -> memref<1x!tpu.dma_semaphore, #tpu.memory_space<semaphore_mem>>
      %dma_wait3A_448 = tpu.memref_squeeze %dma_wait3A_447 : memref<1x!tpu.dma_semaphore, #tpu.memory_space<semaphore_mem>> -> memref<!tpu.dma_semaphore, #tpu.memory_space<semaphore_mem>>
      tpu.wait_indirect_dma semaphore(%dma_wait3A_448 : memref<!tpu.dma_semaphore, #tpu.memory_space<semaphore_mem>>) src(%dma_wait3A_446 : memref<10000x8xf32, #tpu.memory_space<hbm>>) dst(%arg16 : memref<128x8xf32, #tpu.memory_space<vmem>>)
      %dma_start3A_449 = arith.constant 7 : i32
      %dma_start3A_450 = arith.constant 0 : i32
      %dma_start3A_451 = tpu.memref_slice %arg8[%add3A_439, %dma_start3A_450] : memref<80x128xi32, #tpu.memory_space<vmem>> -> memref<1x128xi32, #tpu.memory_space<vmem>>
      %dma_start3A_452 = tpu.memref_squeeze %dma_start3A_451 : memref<1x128xi32, #tpu.memory_space<vmem>> -> memref<128xi32, #tpu.memory_space<vmem>>
      %dma_start3A_453 = arith.constant 0 : i32
      %dma_start3A_454 = arith.constant 0 : i32
      %dma_start3A_455 = tpu.memref_slice %arg19[%dma_start3A_453, %dma_start3A_454] : memref<10240x8xf32, #tpu.memory_space<vmem_shared>> -> memref<10240x8xf32, #tpu.memory_space<vmem_shared>>
      %dma_start3A_456 = tpu.memref_slice %arg22[%dma_start3A_449] : memref<10x!tpu.dma_semaphore, #tpu.memory_space<semaphore_mem>> -> memref<1x!tpu.dma_semaphore, #tpu.memory_space<semaphore_mem>>
      %dma_start3A_457 = tpu.memref_squeeze %dma_start3A_456 : memref<1x!tpu.dma_semaphore, #tpu.memory_space<semaphore_mem>> -> memref<!tpu.dma_semaphore, #tpu.memory_space<semaphore_mem>>
      tpu.enqueue_indirect_dma source(%arg16 : memref<128x8xf32, #tpu.memory_space<vmem>>) target(%dma_start3A_455 : memref<10240x8xf32, #tpu.memory_space<vmem_shared>>) offsets(%dma_start3A_452 : memref<128xi32, #tpu.memory_space<vmem>>) semaphore(%dma_start3A_457 : memref<!tpu.dma_semaphore, #tpu.memory_space<semaphore_mem>>) {add = true}
      %ge3A_458 = arith.constant 5 : i32
      %ge3A_459 = arith.cmpi sge, %add3A_439, %ge3A_458 : i32
      %lt3A_460 = arith.constant 75 : i32
      %lt3A_461 = arith.cmpi slt, %add3A_439, %lt3A_460 : i32
      %and3A_462 = arith.andi %ge3A_459, %lt3A_461 : i1
      %convert_element_type3A_463 = arith.extui %and3A_462 : i1 to i32
      %cond3A_464 = arith.constant 0 : i32
      %cond3A_465 = arith.cmpi ne, %convert_element_type3A_463, %cond3A_464 : i32
      scf.if %cond3A_465 {
        %dma_wait3A_541 = arith.constant 2 : i32
        %dma_wait3A_542 = arith.constant 0 : i32
        %dma_wait3A_543 = tpu.memref_slice %arg8[%add3A_439, %dma_wait3A_542] : memref<80x128xi32, #tpu.memory_space<vmem>> -> memref<1x128xi32, #tpu.memory_space<vmem>>
        %dma_wait3A_544 = tpu.memref_squeeze %dma_wait3A_543 : memref<1x128xi32, #tpu.memory_space<vmem>> -> memref<128xi32, #tpu.memory_space<vmem>>
        %dma_wait3A_545 = arith.constant 0 : i32
        %dma_wait3A_546 = arith.constant 0 : i32
        %dma_wait3A_547 = tpu.memref_slice %arg19[%dma_wait3A_545, %dma_wait3A_546] : memref<10240x8xf32, #tpu.memory_space<vmem_shared>> -> memref<10240x8xf32, #tpu.memory_space<vmem_shared>>
        %dma_wait3A_548 = tpu.memref_slice %arg22[%dma_wait3A_541] : memref<10x!tpu.dma_semaphore, #tpu.memory_space<semaphore_mem>> -> memref<1x!tpu.dma_semaphore, #tpu.memory_space<semaphore_mem>>
        %dma_wait3A_549 = tpu.memref_squeeze %dma_wait3A_548 : memref<1x!tpu.dma_semaphore, #tpu.memory_space<semaphore_mem>> -> memref<!tpu.dma_semaphore, #tpu.memory_space<semaphore_mem>>
        tpu.wait_indirect_dma semaphore(%dma_wait3A_549 : memref<!tpu.dma_semaphore, #tpu.memory_space<semaphore_mem>>) src(%arg11 : memref<128x8xf32, #tpu.memory_space<vmem>>) dst(%dma_wait3A_547 : memref<10240x8xf32, #tpu.memory_space<vmem_shared>>)
      } else {
      }
      %lt3A_466 = arith.constant 75 : i32
      %lt3A_467 = arith.cmpi slt, %add3A_439, %lt3A_466 : i32
      %convert_element_type3A_468 = arith.extui %lt3A_467 : i1 to i32
      %cond3A_469 = arith.constant 0 : i32
      %cond3A_470 = arith.cmpi ne, %convert_element_type3A_468, %cond3A_469 : i32
      scf.if %cond3A_470 {
        %add3A_541 = arith.constant 5 : i32
        %add3A_542 = arith.addi %add3A_439, %add3A_541 : i32
        %dma_start3A_543 = arith.constant 2 : i32
        %dma_start3A_544 = arith.constant 0 : i32
        %dma_start3A_545 = tpu.memref_slice %arg7[%add3A_542, %dma_start3A_544] : memref<80x128xi32, #tpu.memory_space<vmem>> -> memref<1x128xi32, #tpu.memory_space<vmem>>
        %dma_start3A_546 = tpu.memref_squeeze %dma_start3A_545 : memref<1x128xi32, #tpu.memory_space<vmem>> -> memref<128xi32, #tpu.memory_space<vmem>>
        %dma_start3A_547 = arith.constant 0 : i32
        %dma_start3A_548 = arith.constant 0 : i32
        %dma_start3A_549 = tpu.memref_slice %arg2[%dma_start3A_547, %dma_start3A_548] : memref<10000x8xf32, #tpu.memory_space<hbm>> -> memref<10000x8xf32, #tpu.memory_space<hbm>>
        %dma_start3A_550 = tpu.memref_slice %arg21[%dma_start3A_543] : memref<10x!tpu.dma_semaphore, #tpu.memory_space<semaphore_mem>> -> memref<1x!tpu.dma_semaphore, #tpu.memory_space<semaphore_mem>>
        %dma_start3A_551 = tpu.memref_squeeze %dma_start3A_550 : memref<1x!tpu.dma_semaphore, #tpu.memory_space<semaphore_mem>> -> memref<!tpu.dma_semaphore, #tpu.memory_space<semaphore_mem>>
        tpu.enqueue_indirect_dma source(%dma_start3A_549 : memref<10000x8xf32, #tpu.memory_space<hbm>>) target(%arg11 : memref<128x8xf32, #tpu.memory_space<vmem>>) offsets(%dma_start3A_546 : memref<128xi32, #tpu.memory_space<vmem>>) semaphore(%dma_start3A_551 : memref<!tpu.dma_semaphore, #tpu.memory_space<semaphore_mem>>)
      } else {
      }
      %mul3A_471 = arith.constant 10 : i32
      %mul3A_472 = arith.muli %scan3A_195, %mul3A_471 : i32
      %add3A_473 = arith.constant 8 : i32
      %add3A_474 = arith.addi %mul3A_472, %add3A_473 : i32
      %dma_wait3A_475 = arith.constant 8 : i32
      %dma_wait3A_476 = arith.constant 0 : i32
      %dma_wait3A_477 = tpu.memref_slice %arg7[%add3A_474, %dma_wait3A_476] : memref<80x128xi32, #tpu.memory_space<vmem>> -> memref<1x128xi32, #tpu.memory_space<vmem>>
      %dma_wait3A_478 = tpu.memref_squeeze %dma_wait3A_477 : memref<1x128xi32, #tpu.memory_space<vmem>> -> memref<128xi32, #tpu.memory_space<vmem>>
      %dma_wait3A_479 = arith.constant 0 : i32
      %dma_wait3A_480 = arith.constant 0 : i32
      %dma_wait3A_481 = tpu.memref_slice %arg2[%dma_wait3A_479, %dma_wait3A_480] : memref<10000x8xf32, #tpu.memory_space<hbm>> -> memref<10000x8xf32, #tpu.memory_space<hbm>>
      %dma_wait3A_482 = tpu.memref_slice %arg21[%dma_wait3A_475] : memref<10x!tpu.dma_semaphore, #tpu.memory_space<semaphore_mem>> -> memref<1x!tpu.dma_semaphore, #tpu.memory_space<semaphore_mem>>
      %dma_wait3A_483 = tpu.memref_squeeze %dma_wait3A_482 : memref<1x!tpu.dma_semaphore, #tpu.memory_space<semaphore_mem>> -> memref<!tpu.dma_semaphore, #tpu.memory_space<semaphore_mem>>
      tpu.wait_indirect_dma semaphore(%dma_wait3A_483 : memref<!tpu.dma_semaphore, #tpu.memory_space<semaphore_mem>>) src(%dma_wait3A_481 : memref<10000x8xf32, #tpu.memory_space<hbm>>) dst(%arg17 : memref<128x8xf32, #tpu.memory_space<vmem>>)
      %dma_start3A_484 = arith.constant 8 : i32
      %dma_start3A_485 = arith.constant 0 : i32
      %dma_start3A_486 = tpu.memref_slice %arg8[%add3A_474, %dma_start3A_485] : memref<80x128xi32, #tpu.memory_space<vmem>> -> memref<1x128xi32, #tpu.memory_space<vmem>>
      %dma_start3A_487 = tpu.memref_squeeze %dma_start3A_486 : memref<1x128xi32, #tpu.memory_space<vmem>> -> memref<128xi32, #tpu.memory_space<vmem>>
      %dma_start3A_488 = arith.constant 0 : i32
      %dma_start3A_489 = arith.constant 0 : i32
      %dma_start3A_490 = tpu.memref_slice %arg19[%dma_start3A_488, %dma_start3A_489] : memref<10240x8xf32, #tpu.memory_space<vmem_shared>> -> memref<10240x8xf32, #tpu.memory_space<vmem_shared>>
      %dma_start3A_491 = tpu.memref_slice %arg22[%dma_start3A_484] : memref<10x!tpu.dma_semaphore, #tpu.memory_space<semaphore_mem>> -> memref<1x!tpu.dma_semaphore, #tpu.memory_space<semaphore_mem>>
      %dma_start3A_492 = tpu.memref_squeeze %dma_start3A_491 : memref<1x!tpu.dma_semaphore, #tpu.memory_space<semaphore_mem>> -> memref<!tpu.dma_semaphore, #tpu.memory_space<semaphore_mem>>
      tpu.enqueue_indirect_dma source(%arg17 : memref<128x8xf32, #tpu.memory_space<vmem>>) target(%dma_start3A_490 : memref<10240x8xf32, #tpu.memory_space<vmem_shared>>) offsets(%dma_start3A_487 : memref<128xi32, #tpu.memory_space<vmem>>) semaphore(%dma_start3A_492 : memref<!tpu.dma_semaphore, #tpu.memory_space<semaphore_mem>>) {add = true}
      %ge3A_493 = arith.constant 5 : i32
      %ge3A_494 = arith.cmpi sge, %add3A_474, %ge3A_493 : i32
      %lt3A_495 = arith.constant 75 : i32
      %lt3A_496 = arith.cmpi slt, %add3A_474, %lt3A_495 : i32
      %and3A_497 = arith.andi %ge3A_494, %lt3A_496 : i1
      %convert_element_type3A_498 = arith.extui %and3A_497 : i1 to i32
      %cond3A_499 = arith.constant 0 : i32
      %cond3A_500 = arith.cmpi ne, %convert_element_type3A_498, %cond3A_499 : i32
      scf.if %cond3A_500 {
        %dma_wait3A_541 = arith.constant 3 : i32
        %dma_wait3A_542 = arith.constant 0 : i32
        %dma_wait3A_543 = tpu.memref_slice %arg8[%add3A_474, %dma_wait3A_542] : memref<80x128xi32, #tpu.memory_space<vmem>> -> memref<1x128xi32, #tpu.memory_space<vmem>>
        %dma_wait3A_544 = tpu.memref_squeeze %dma_wait3A_543 : memref<1x128xi32, #tpu.memory_space<vmem>> -> memref<128xi32, #tpu.memory_space<vmem>>
        %dma_wait3A_545 = arith.constant 0 : i32
        %dma_wait3A_546 = arith.constant 0 : i32
        %dma_wait3A_547 = tpu.memref_slice %arg19[%dma_wait3A_545, %dma_wait3A_546] : memref<10240x8xf32, #tpu.memory_space<vmem_shared>> -> memref<10240x8xf32, #tpu.memory_space<vmem_shared>>
        %dma_wait3A_548 = tpu.memref_slice %arg22[%dma_wait3A_541] : memref<10x!tpu.dma_semaphore, #tpu.memory_space<semaphore_mem>> -> memref<1x!tpu.dma_semaphore, #tpu.memory_space<semaphore_mem>>
        %dma_wait3A_549 = tpu.memref_squeeze %dma_wait3A_548 : memref<1x!tpu.dma_semaphore, #tpu.memory_space<semaphore_mem>> -> memref<!tpu.dma_semaphore, #tpu.memory_space<semaphore_mem>>
        tpu.wait_indirect_dma semaphore(%dma_wait3A_549 : memref<!tpu.dma_semaphore, #tpu.memory_space<semaphore_mem>>) src(%arg12 : memref<128x8xf32, #tpu.memory_space<vmem>>) dst(%dma_wait3A_547 : memref<10240x8xf32, #tpu.memory_space<vmem_shared>>)
      } else {
      }
      %lt3A_501 = arith.constant 75 : i32
      %lt3A_502 = arith.cmpi slt, %add3A_474, %lt3A_501 : i32
      %convert_element_type3A_503 = arith.extui %lt3A_502 : i1 to i32
      %cond3A_504 = arith.constant 0 : i32
      %cond3A_505 = arith.cmpi ne, %convert_element_type3A_503, %cond3A_504 : i32
      scf.if %cond3A_505 {
        %add3A_541 = arith.constant 5 : i32
        %add3A_542 = arith.addi %add3A_474, %add3A_541 : i32
        %dma_start3A_543 = arith.constant 3 : i32
        %dma_start3A_544 = arith.constant 0 : i32
        %dma_start3A_545 = tpu.memref_slice %arg7[%add3A_542, %dma_start3A_544] : memref<80x128xi32, #tpu.memory_space<vmem>> -> memref<1x128xi32, #tpu.memory_space<vmem>>
        %dma_start3A_546 = tpu.memref_squeeze %dma_start3A_545 : memref<1x128xi32, #tpu.memory_space<vmem>> -> memref<128xi32, #tpu.memory_space<vmem>>
        %dma_start3A_547 = arith.constant 0 : i32
        %dma_start3A_548 = arith.constant 0 : i32
        %dma_start3A_549 = tpu.memref_slice %arg2[%dma_start3A_547, %dma_start3A_548] : memref<10000x8xf32, #tpu.memory_space<hbm>> -> memref<10000x8xf32, #tpu.memory_space<hbm>>
        %dma_start3A_550 = tpu.memref_slice %arg21[%dma_start3A_543] : memref<10x!tpu.dma_semaphore, #tpu.memory_space<semaphore_mem>> -> memref<1x!tpu.dma_semaphore, #tpu.memory_space<semaphore_mem>>
        %dma_start3A_551 = tpu.memref_squeeze %dma_start3A_550 : memref<1x!tpu.dma_semaphore, #tpu.memory_space<semaphore_mem>> -> memref<!tpu.dma_semaphore, #tpu.memory_space<semaphore_mem>>
        tpu.enqueue_indirect_dma source(%dma_start3A_549 : memref<10000x8xf32, #tpu.memory_space<hbm>>) target(%arg12 : memref<128x8xf32, #tpu.memory_space<vmem>>) offsets(%dma_start3A_546 : memref<128xi32, #tpu.memory_space<vmem>>) semaphore(%dma_start3A_551 : memref<!tpu.dma_semaphore, #tpu.memory_space<semaphore_mem>>)
      } else {
      }
      %mul3A_506 = arith.constant 10 : i32
      %mul3A_507 = arith.muli %scan3A_195, %mul3A_506 : i32
      %add3A_508 = arith.constant 9 : i32
      %add3A_509 = arith.addi %mul3A_507, %add3A_508 : i32
      %dma_wait3A_510 = arith.constant 9 : i32
      %dma_wait3A_511 = arith.constant 0 : i32
      %dma_wait3A_512 = tpu.memref_slice %arg7[%add3A_509, %dma_wait3A_511] : memref<80x128xi32, #tpu.memory_space<vmem>> -> memref<1x128xi32, #tpu.memory_space<vmem>>
      %dma_wait3A_513 = tpu.memref_squeeze %dma_wait3A_512 : memref<1x128xi32, #tpu.memory_space<vmem>> -> memref<128xi32, #tpu.memory_space<vmem>>
      %dma_wait3A_514 = arith.constant 0 : i32
      %dma_wait3A_515 = arith.constant 0 : i32
      %dma_wait3A_516 = tpu.memref_slice %arg2[%dma_wait3A_514, %dma_wait3A_515] : memref<10000x8xf32, #tpu.memory_space<hbm>> -> memref<10000x8xf32, #tpu.memory_space<hbm>>
      %dma_wait3A_517 = tpu.memref_slice %arg21[%dma_wait3A_510] : memref<10x!tpu.dma_semaphore, #tpu.memory_space<semaphore_mem>> -> memref<1x!tpu.dma_semaphore, #tpu.memory_space<semaphore_mem>>
      %dma_wait3A_518 = tpu.memref_squeeze %dma_wait3A_517 : memref<1x!tpu.dma_semaphore, #tpu.memory_space<semaphore_mem>> -> memref<!tpu.dma_semaphore, #tpu.memory_space<semaphore_mem>>
      tpu.wait_indirect_dma semaphore(%dma_wait3A_518 : memref<!tpu.dma_semaphore, #tpu.memory_space<semaphore_mem>>) src(%dma_wait3A_516 : memref<10000x8xf32, #tpu.memory_space<hbm>>) dst(%arg18 : memref<128x8xf32, #tpu.memory_space<vmem>>)
      %dma_start3A_519 = arith.constant 9 : i32
      %dma_start3A_520 = arith.constant 0 : i32
      %dma_start3A_521 = tpu.memref_slice %arg8[%add3A_509, %dma_start3A_520] : memref<80x128xi32, #tpu.memory_space<vmem>> -> memref<1x128xi32, #tpu.memory_space<vmem>>
      %dma_start3A_522 = tpu.memref_squeeze %dma_start3A_521 : memref<1x128xi32, #tpu.memory_space<vmem>> -> memref<128xi32, #tpu.memory_space<vmem>>
      %dma_start3A_523 = arith.constant 0 : i32
      %dma_start3A_524 = arith.constant 0 : i32
      %dma_start3A_525 = tpu.memref_slice %arg19[%dma_start3A_523, %dma_start3A_524] : memref<10240x8xf32, #tpu.memory_space<vmem_shared>> -> memref<10240x8xf32, #tpu.memory_space<vmem_shared>>
      %dma_start3A_526 = tpu.memref_slice %arg22[%dma_start3A_519] : memref<10x!tpu.dma_semaphore, #tpu.memory_space<semaphore_mem>> -> memref<1x!tpu.dma_semaphore, #tpu.memory_space<semaphore_mem>>
      %dma_start3A_527 = tpu.memref_squeeze %dma_start3A_526 : memref<1x!tpu.dma_semaphore, #tpu.memory_space<semaphore_mem>> -> memref<!tpu.dma_semaphore, #tpu.memory_space<semaphore_mem>>
      tpu.enqueue_indirect_dma source(%arg18 : memref<128x8xf32, #tpu.memory_space<vmem>>) target(%dma_start3A_525 : memref<10240x8xf32, #tpu.memory_space<vmem_shared>>) offsets(%dma_start3A_522 : memref<128xi32, #tpu.memory_space<vmem>>) semaphore(%dma_start3A_527 : memref<!tpu.dma_semaphore, #tpu.memory_space<semaphore_mem>>) {add = true}
      %ge3A_528 = arith.constant 5 : i32
      %ge3A_529 = arith.cmpi sge, %add3A_509, %ge3A_528 : i32
      %lt3A_530 = arith.constant 75 : i32
      %lt3A_531 = arith.cmpi slt, %add3A_509, %lt3A_530 : i32
      %and3A_532 = arith.andi %ge3A_529, %lt3A_531 : i1
      %convert_element_type3A_533 = arith.extui %and3A_532 : i1 to i32
      %cond3A_534 = arith.constant 0 : i32
      %cond3A_535 = arith.cmpi ne, %convert_element_type3A_533, %cond3A_534 : i32
      scf.if %cond3A_535 {
        %dma_wait3A_541 = arith.constant 4 : i32
        %dma_wait3A_542 = arith.constant 0 : i32
        %dma_wait3A_543 = tpu.memref_slice %arg8[%add3A_509, %dma_wait3A_542] : memref<80x128xi32, #tpu.memory_space<vmem>> -> memref<1x128xi32, #tpu.memory_space<vmem>>
        %dma_wait3A_544 = tpu.memref_squeeze %dma_wait3A_543 : memref<1x128xi32, #tpu.memory_space<vmem>> -> memref<128xi32, #tpu.memory_space<vmem>>
        %dma_wait3A_545 = arith.constant 0 : i32
        %dma_wait3A_546 = arith.constant 0 : i32
        %dma_wait3A_547 = tpu.memref_slice %arg19[%dma_wait3A_545, %dma_wait3A_546] : memref<10240x8xf32, #tpu.memory_space<vmem_shared>> -> memref<10240x8xf32, #tpu.memory_space<vmem_shared>>
        %dma_wait3A_548 = tpu.memref_slice %arg22[%dma_wait3A_541] : memref<10x!tpu.dma_semaphore, #tpu.memory_space<semaphore_mem>> -> memref<1x!tpu.dma_semaphore, #tpu.memory_space<semaphore_mem>>
        %dma_wait3A_549 = tpu.memref_squeeze %dma_wait3A_548 : memref<1x!tpu.dma_semaphore, #tpu.memory_space<semaphore_mem>> -> memref<!tpu.dma_semaphore, #tpu.memory_space<semaphore_mem>>
        tpu.wait_indirect_dma semaphore(%dma_wait3A_549 : memref<!tpu.dma_semaphore, #tpu.memory_space<semaphore_mem>>) src(%arg13 : memref<128x8xf32, #tpu.memory_space<vmem>>) dst(%dma_wait3A_547 : memref<10240x8xf32, #tpu.memory_space<vmem_shared>>)
      } else {
      }
      %lt3A_536 = arith.constant 75 : i32
      %lt3A_537 = arith.cmpi slt, %add3A_509, %lt3A_536 : i32
      %convert_element_type3A_538 = arith.extui %lt3A_537 : i1 to i32
      %cond3A_539 = arith.constant 0 : i32
      %cond3A_540 = arith.cmpi ne, %convert_element_type3A_538, %cond3A_539 : i32
      scf.if %cond3A_540 {
        %add3A_541 = arith.constant 5 : i32
        %add3A_542 = arith.addi %add3A_509, %add3A_541 : i32
        %dma_start3A_543 = arith.constant 4 : i32
        %dma_start3A_544 = arith.constant 0 : i32
        %dma_start3A_545 = tpu.memref_slice %arg7[%add3A_542, %dma_start3A_544] : memref<80x128xi32, #tpu.memory_space<vmem>> -> memref<1x128xi32, #tpu.memory_space<vmem>>
        %dma_start3A_546 = tpu.memref_squeeze %dma_start3A_545 : memref<1x128xi32, #tpu.memory_space<vmem>> -> memref<128xi32, #tpu.memory_space<vmem>>
        %dma_start3A_547 = arith.constant 0 : i32
        %dma_start3A_548 = arith.constant 0 : i32
        %dma_start3A_549 = tpu.memref_slice %arg2[%dma_start3A_547, %dma_start3A_548] : memref<10000x8xf32, #tpu.memory_space<hbm>> -> memref<10000x8xf32, #tpu.memory_space<hbm>>
        %dma_start3A_550 = tpu.memref_slice %arg21[%dma_start3A_543] : memref<10x!tpu.dma_semaphore, #tpu.memory_space<semaphore_mem>> -> memref<1x!tpu.dma_semaphore, #tpu.memory_space<semaphore_mem>>
        %dma_start3A_551 = tpu.memref_squeeze %dma_start3A_550 : memref<1x!tpu.dma_semaphore, #tpu.memory_space<semaphore_mem>> -> memref<!tpu.dma_semaphore, #tpu.memory_space<semaphore_mem>>
        tpu.enqueue_indirect_dma source(%dma_start3A_549 : memref<10000x8xf32, #tpu.memory_space<hbm>>) target(%arg13 : memref<128x8xf32, #tpu.memory_space<vmem>>) offsets(%dma_start3A_546 : memref<128xi32, #tpu.memory_space<vmem>>) semaphore(%dma_start3A_551 : memref<!tpu.dma_semaphore, #tpu.memory_space<semaphore_mem>>)
      } else {
      }
    }
    %scan3A_89 = arith.constant 8 : i32
    %dma_wait3A_90 = arith.constant 0 : i32
    %dma_wait3A_91 = arith.constant 0 : i32
    %dma_wait3A_92 = arith.constant 0 : i32
    %dma_wait3A_93 = tpu.memref_slice %arg8[%dma_wait3A_90, %dma_wait3A_92] : memref<80x128xi32, #tpu.memory_space<vmem>> -> memref<1x128xi32, #tpu.memory_space<vmem>>
    %dma_wait3A_94 = tpu.memref_squeeze %dma_wait3A_93 : memref<1x128xi32, #tpu.memory_space<vmem>> -> memref<128xi32, #tpu.memory_space<vmem>>
    %dma_wait3A_95 = arith.constant 0 : i32
    %dma_wait3A_96 = arith.constant 0 : i32
    %dma_wait3A_97 = tpu.memref_slice %arg19[%dma_wait3A_95, %dma_wait3A_96] : memref<10240x8xf32, #tpu.memory_space<vmem_shared>> -> memref<10240x8xf32, #tpu.memory_space<vmem_shared>>
    %dma_wait3A_98 = tpu.memref_slice %arg22[%dma_wait3A_91] : memref<10x!tpu.dma_semaphore, #tpu.memory_space<semaphore_mem>> -> memref<1x!tpu.dma_semaphore, #tpu.memory_space<semaphore_mem>>
    %dma_wait3A_99 = tpu.memref_squeeze %dma_wait3A_98 : memref<1x!tpu.dma_semaphore, #tpu.memory_space<semaphore_mem>> -> memref<!tpu.dma_semaphore, #tpu.memory_space<semaphore_mem>>
    tpu.wait_indirect_dma semaphore(%dma_wait3A_99 : memref<!tpu.dma_semaphore, #tpu.memory_space<semaphore_mem>>) src(%arg9 : memref<128x8xf32, #tpu.memory_space<vmem>>) dst(%dma_wait3A_97 : memref<10240x8xf32, #tpu.memory_space<vmem_shared>>)
    %dma_wait3A_100 = arith.constant 0 : i32
    %dma_wait3A_101 = arith.constant 1 : i32
    %dma_wait3A_102 = arith.constant 0 : i32
    %dma_wait3A_103 = tpu.memref_slice %arg8[%dma_wait3A_100, %dma_wait3A_102] : memref<80x128xi32, #tpu.memory_space<vmem>> -> memref<1x128xi32, #tpu.memory_space<vmem>>
    %dma_wait3A_104 = tpu.memref_squeeze %dma_wait3A_103 : memref<1x128xi32, #tpu.memory_space<vmem>> -> memref<128xi32, #tpu.memory_space<vmem>>
    %dma_wait3A_105 = arith.constant 0 : i32
    %dma_wait3A_106 = arith.constant 0 : i32
    %dma_wait3A_107 = tpu.memref_slice %arg19[%dma_wait3A_105, %dma_wait3A_106] : memref<10240x8xf32, #tpu.memory_space<vmem_shared>> -> memref<10240x8xf32, #tpu.memory_space<vmem_shared>>
    %dma_wait3A_108 = tpu.memref_slice %arg22[%dma_wait3A_101] : memref<10x!tpu.dma_semaphore, #tpu.memory_space<semaphore_mem>> -> memref<1x!tpu.dma_semaphore, #tpu.memory_space<semaphore_mem>>
    %dma_wait3A_109 = tpu.memref_squeeze %dma_wait3A_108 : memref<1x!tpu.dma_semaphore, #tpu.memory_space<semaphore_mem>> -> memref<!tpu.dma_semaphore, #tpu.memory_space<semaphore_mem>>
    tpu.wait_indirect_dma semaphore(%dma_wait3A_109 : memref<!tpu.dma_semaphore, #tpu.memory_space<semaphore_mem>>) src(%arg10 : memref<128x8xf32, #tpu.memory_space<vmem>>) dst(%dma_wait3A_107 : memref<10240x8xf32, #tpu.memory_space<vmem_shared>>)
    %dma_wait3A_110 = arith.constant 0 : i32
    %dma_wait3A_111 = arith.constant 2 : i32
    %dma_wait3A_112 = arith.constant 0 : i32
    %dma_wait3A_113 = tpu.memref_slice %arg8[%dma_wait3A_110, %dma_wait3A_112] : memref<80x128xi32, #tpu.memory_space<vmem>> -> memref<1x128xi32, #tpu.memory_space<vmem>>
    %dma_wait3A_114 = tpu.memref_squeeze %dma_wait3A_113 : memref<1x128xi32, #tpu.memory_space<vmem>> -> memref<128xi32, #tpu.memory_space<vmem>>
    %dma_wait3A_115 = arith.constant 0 : i32
    %dma_wait3A_116 = arith.constant 0 : i32
    %dma_wait3A_117 = tpu.memref_slice %arg19[%dma_wait3A_115, %dma_wait3A_116] : memref<10240x8xf32, #tpu.memory_space<vmem_shared>> -> memref<10240x8xf32, #tpu.memory_space<vmem_shared>>
    %dma_wait3A_118 = tpu.memref_slice %arg22[%dma_wait3A_111] : memref<10x!tpu.dma_semaphore, #tpu.memory_space<semaphore_mem>> -> memref<1x!tpu.dma_semaphore, #tpu.memory_space<semaphore_mem>>
    %dma_wait3A_119 = tpu.memref_squeeze %dma_wait3A_118 : memref<1x!tpu.dma_semaphore, #tpu.memory_space<semaphore_mem>> -> memref<!tpu.dma_semaphore, #tpu.memory_space<semaphore_mem>>
    tpu.wait_indirect_dma semaphore(%dma_wait3A_119 : memref<!tpu.dma_semaphore, #tpu.memory_space<semaphore_mem>>) src(%arg11 : memref<128x8xf32, #tpu.memory_space<vmem>>) dst(%dma_wait3A_117 : memref<10240x8xf32, #tpu.memory_space<vmem_shared>>)
    %dma_wait3A_120 = arith.constant 0 : i32
    %dma_wait3A_121 = arith.constant 3 : i32
    %dma_wait3A_122 = arith.constant 0 : i32
    %dma_wait3A_123 = tpu.memref_slice %arg8[%dma_wait3A_120, %dma_wait3A_122] : memref<80x128xi32, #tpu.memory_space<vmem>> -> memref<1x128xi32, #tpu.memory_space<vmem>>
    %dma_wait3A_124 = tpu.memref_squeeze %dma_wait3A_123 : memref<1x128xi32, #tpu.memory_space<vmem>> -> memref<128xi32, #tpu.memory_space<vmem>>
    %dma_wait3A_125 = arith.constant 0 : i32
    %dma_wait3A_126 = arith.constant 0 : i32
    %dma_wait3A_127 = tpu.memref_slice %arg19[%dma_wait3A_125, %dma_wait3A_126] : memref<10240x8xf32, #tpu.memory_space<vmem_shared>> -> memref<10240x8xf32, #tpu.memory_space<vmem_shared>>
    %dma_wait3A_128 = tpu.memref_slice %arg22[%dma_wait3A_121] : memref<10x!tpu.dma_semaphore, #tpu.memory_space<semaphore_mem>> -> memref<1x!tpu.dma_semaphore, #tpu.memory_space<semaphore_mem>>
    %dma_wait3A_129 = tpu.memref_squeeze %dma_wait3A_128 : memref<1x!tpu.dma_semaphore, #tpu.memory_space<semaphore_mem>> -> memref<!tpu.dma_semaphore, #tpu.memory_space<semaphore_mem>>
    tpu.wait_indirect_dma semaphore(%dma_wait3A_129 : memref<!tpu.dma_semaphore, #tpu.memory_space<semaphore_mem>>) src(%arg12 : memref<128x8xf32, #tpu.memory_space<vmem>>) dst(%dma_wait3A_127 : memref<10240x8xf32, #tpu.memory_space<vmem_shared>>)
    %dma_wait3A_130 = arith.constant 0 : i32
    %dma_wait3A_131 = arith.constant 4 : i32
    %dma_wait3A_132 = arith.constant 0 : i32
    %dma_wait3A_133 = tpu.memref_slice %arg8[%dma_wait3A_130, %dma_wait3A_132] : memref<80x128xi32, #tpu.memory_space<vmem>> -> memref<1x128xi32, #tpu.memory_space<vmem>>
    %dma_wait3A_134 = tpu.memref_squeeze %dma_wait3A_133 : memref<1x128xi32, #tpu.memory_space<vmem>> -> memref<128xi32, #tpu.memory_space<vmem>>
    %dma_wait3A_135 = arith.constant 0 : i32
    %dma_wait3A_136 = arith.constant 0 : i32
    %dma_wait3A_137 = tpu.memref_slice %arg19[%dma_wait3A_135, %dma_wait3A_136] : memref<10240x8xf32, #tpu.memory_space<vmem_shared>> -> memref<10240x8xf32, #tpu.memory_space<vmem_shared>>
    %dma_wait3A_138 = tpu.memref_slice %arg22[%dma_wait3A_131] : memref<10x!tpu.dma_semaphore, #tpu.memory_space<semaphore_mem>> -> memref<1x!tpu.dma_semaphore, #tpu.memory_space<semaphore_mem>>
    %dma_wait3A_139 = tpu.memref_squeeze %dma_wait3A_138 : memref<1x!tpu.dma_semaphore, #tpu.memory_space<semaphore_mem>> -> memref<!tpu.dma_semaphore, #tpu.memory_space<semaphore_mem>>
    tpu.wait_indirect_dma semaphore(%dma_wait3A_139 : memref<!tpu.dma_semaphore, #tpu.memory_space<semaphore_mem>>) src(%arg13 : memref<128x8xf32, #tpu.memory_space<vmem>>) dst(%dma_wait3A_137 : memref<10240x8xf32, #tpu.memory_space<vmem_shared>>)
    %dma_wait3A_140 = arith.constant 0 : i32
    %dma_wait3A_141 = arith.constant 5 : i32
    %dma_wait3A_142 = arith.constant 0 : i32
    %dma_wait3A_143 = tpu.memref_slice %arg8[%dma_wait3A_140, %dma_wait3A_142] : memref<80x128xi32, #tpu.memory_space<vmem>> -> memref<1x128xi32, #tpu.memory_space<vmem>>
    %dma_wait3A_144 = tpu.memref_squeeze %dma_wait3A_143 : memref<1x128xi32, #tpu.memory_space<vmem>> -> memref<128xi32, #tpu.memory_space<vmem>>
    %dma_wait3A_145 = arith.constant 0 : i32
    %dma_wait3A_146 = arith.constant 0 : i32
    %dma_wait3A_147 = tpu.memref_slice %arg19[%dma_wait3A_145, %dma_wait3A_146] : memref<10240x8xf32, #tpu.memory_space<vmem_shared>> -> memref<10240x8xf32, #tpu.memory_space<vmem_shared>>
    %dma_wait3A_148 = tpu.memref_slice %arg22[%dma_wait3A_141] : memref<10x!tpu.dma_semaphore, #tpu.memory_space<semaphore_mem>> -> memref<1x!tpu.dma_semaphore, #tpu.memory_space<semaphore_mem>>
    %dma_wait3A_149 = tpu.memref_squeeze %dma_wait3A_148 : memref<1x!tpu.dma_semaphore, #tpu.memory_space<semaphore_mem>> -> memref<!tpu.dma_semaphore, #tpu.memory_space<semaphore_mem>>
    tpu.wait_indirect_dma semaphore(%dma_wait3A_149 : memref<!tpu.dma_semaphore, #tpu.memory_space<semaphore_mem>>) src(%arg14 : memref<128x8xf32, #tpu.memory_space<vmem>>) dst(%dma_wait3A_147 : memref<10240x8xf32, #tpu.memory_space<vmem_shared>>)
    %dma_wait3A_150 = arith.constant 0 : i32
    %dma_wait3A_151 = arith.constant 6 : i32
    %dma_wait3A_152 = arith.constant 0 : i32
    %dma_wait3A_153 = tpu.memref_slice %arg8[%dma_wait3A_150, %dma_wait3A_152] : memref<80x128xi32, #tpu.memory_space<vmem>> -> memref<1x128xi32, #tpu.memory_space<vmem>>
    %dma_wait3A_154 = tpu.memref_squeeze %dma_wait3A_153 : memref<1x128xi32, #tpu.memory_space<vmem>> -> memref<128xi32, #tpu.memory_space<vmem>>
    %dma_wait3A_155 = arith.constant 0 : i32
    %dma_wait3A_156 = arith.constant 0 : i32
    %dma_wait3A_157 = tpu.memref_slice %arg19[%dma_wait3A_155, %dma_wait3A_156] : memref<10240x8xf32, #tpu.memory_space<vmem_shared>> -> memref<10240x8xf32, #tpu.memory_space<vmem_shared>>
    %dma_wait3A_158 = tpu.memref_slice %arg22[%dma_wait3A_151] : memref<10x!tpu.dma_semaphore, #tpu.memory_space<semaphore_mem>> -> memref<1x!tpu.dma_semaphore, #tpu.memory_space<semaphore_mem>>
    %dma_wait3A_159 = tpu.memref_squeeze %dma_wait3A_158 : memref<1x!tpu.dma_semaphore, #tpu.memory_space<semaphore_mem>> -> memref<!tpu.dma_semaphore, #tpu.memory_space<semaphore_mem>>
    tpu.wait_indirect_dma semaphore(%dma_wait3A_159 : memref<!tpu.dma_semaphore, #tpu.memory_space<semaphore_mem>>) src(%arg15 : memref<128x8xf32, #tpu.memory_space<vmem>>) dst(%dma_wait3A_157 : memref<10240x8xf32, #tpu.memory_space<vmem_shared>>)
    %dma_wait3A_160 = arith.constant 0 : i32
    %dma_wait3A_161 = arith.constant 7 : i32
    %dma_wait3A_162 = arith.constant 0 : i32
    %dma_wait3A_163 = tpu.memref_slice %arg8[%dma_wait3A_160, %dma_wait3A_162] : memref<80x128xi32, #tpu.memory_space<vmem>> -> memref<1x128xi32, #tpu.memory_space<vmem>>
    %dma_wait3A_164 = tpu.memref_squeeze %dma_wait3A_163 : memref<1x128xi32, #tpu.memory_space<vmem>> -> memref<128xi32, #tpu.memory_space<vmem>>
    %dma_wait3A_165 = arith.constant 0 : i32
    %dma_wait3A_166 = arith.constant 0 : i32
    %dma_wait3A_167 = tpu.memref_slice %arg19[%dma_wait3A_165, %dma_wait3A_166] : memref<10240x8xf32, #tpu.memory_space<vmem_shared>> -> memref<10240x8xf32, #tpu.memory_space<vmem_shared>>
    %dma_wait3A_168 = tpu.memref_slice %arg22[%dma_wait3A_161] : memref<10x!tpu.dma_semaphore, #tpu.memory_space<semaphore_mem>> -> memref<1x!tpu.dma_semaphore, #tpu.memory_space<semaphore_mem>>
    %dma_wait3A_169 = tpu.memref_squeeze %dma_wait3A_168 : memref<1x!tpu.dma_semaphore, #tpu.memory_space<semaphore_mem>> -> memref<!tpu.dma_semaphore, #tpu.memory_space<semaphore_mem>>
    tpu.wait_indirect_dma semaphore(%dma_wait3A_169 : memref<!tpu.dma_semaphore, #tpu.memory_space<semaphore_mem>>) src(%arg16 : memref<128x8xf32, #tpu.memory_space<vmem>>) dst(%dma_wait3A_167 : memref<10240x8xf32, #tpu.memory_space<vmem_shared>>)
    %dma_wait3A_170 = arith.constant 0 : i32
    %dma_wait3A_171 = arith.constant 8 : i32
    %dma_wait3A_172 = arith.constant 0 : i32
    %dma_wait3A_173 = tpu.memref_slice %arg8[%dma_wait3A_170, %dma_wait3A_172] : memref<80x128xi32, #tpu.memory_space<vmem>> -> memref<1x128xi32, #tpu.memory_space<vmem>>
    %dma_wait3A_174 = tpu.memref_squeeze %dma_wait3A_173 : memref<1x128xi32, #tpu.memory_space<vmem>> -> memref<128xi32, #tpu.memory_space<vmem>>
    %dma_wait3A_175 = arith.constant 0 : i32
    %dma_wait3A_176 = arith.constant 0 : i32
    %dma_wait3A_177 = tpu.memref_slice %arg19[%dma_wait3A_175, %dma_wait3A_176] : memref<10240x8xf32, #tpu.memory_space<vmem_shared>> -> memref<10240x8xf32, #tpu.memory_space<vmem_shared>>
    %dma_wait3A_178 = tpu.memref_slice %arg22[%dma_wait3A_171] : memref<10x!tpu.dma_semaphore, #tpu.memory_space<semaphore_mem>> -> memref<1x!tpu.dma_semaphore, #tpu.memory_space<semaphore_mem>>
    %dma_wait3A_179 = tpu.memref_squeeze %dma_wait3A_178 : memref<1x!tpu.dma_semaphore, #tpu.memory_space<semaphore_mem>> -> memref<!tpu.dma_semaphore, #tpu.memory_space<semaphore_mem>>
    tpu.wait_indirect_dma semaphore(%dma_wait3A_179 : memref<!tpu.dma_semaphore, #tpu.memory_space<semaphore_mem>>) src(%arg17 : memref<128x8xf32, #tpu.memory_space<vmem>>) dst(%dma_wait3A_177 : memref<10240x8xf32, #tpu.memory_space<vmem_shared>>)
    %dma_wait3A_180 = arith.constant 0 : i32
    %dma_wait3A_181 = arith.constant 9 : i32
    %dma_wait3A_182 = arith.constant 0 : i32
    %dma_wait3A_183 = tpu.memref_slice %arg8[%dma_wait3A_180, %dma_wait3A_182] : memref<80x128xi32, #tpu.memory_space<vmem>> -> memref<1x128xi32, #tpu.memory_space<vmem>>
    %dma_wait3A_184 = tpu.memref_squeeze %dma_wait3A_183 : memref<1x128xi32, #tpu.memory_space<vmem>> -> memref<128xi32, #tpu.memory_space<vmem>>
    %dma_wait3A_185 = arith.constant 0 : i32
    %dma_wait3A_186 = arith.constant 0 : i32
    %dma_wait3A_187 = tpu.memref_slice %arg19[%dma_wait3A_185, %dma_wait3A_186] : memref<10240x8xf32, #tpu.memory_space<vmem_shared>> -> memref<10240x8xf32, #tpu.memory_space<vmem_shared>>
    %dma_wait3A_188 = tpu.memref_slice %arg22[%dma_wait3A_181] : memref<10x!tpu.dma_semaphore, #tpu.memory_space<semaphore_mem>> -> memref<1x!tpu.dma_semaphore, #tpu.memory_space<semaphore_mem>>
    %dma_wait3A_189 = tpu.memref_squeeze %dma_wait3A_188 : memref<1x!tpu.dma_semaphore, #tpu.memory_space<semaphore_mem>> -> memref<!tpu.dma_semaphore, #tpu.memory_space<semaphore_mem>>
    tpu.wait_indirect_dma semaphore(%dma_wait3A_189 : memref<!tpu.dma_semaphore, #tpu.memory_space<semaphore_mem>>) src(%arg18 : memref<128x8xf32, #tpu.memory_space<vmem>>) dst(%dma_wait3A_187 : memref<10240x8xf32, #tpu.memory_space<vmem_shared>>)
    %barrier3A_190 = arith.constant 0 : index
    tpu.barrier barrier_id(%barrier3A_190)
    %mul3A_191 = arith.constant 640 : i32
    %mul3A_192 = arith.muli %arg1, %mul3A_191 : i32
    %mul3A_193 = arith.constant 640 : i32
    %mul3A_194 = arith.muli %arg1, %mul3A_193 : i32
    "tpu.region"() ({
      %run_scoped3A = tpu.sem_alloc : memref<!tpu.dma_semaphore, #tpu.memory_space<semaphore_mem>>
      %dma_start3A_195 = arith.constant 0 : i32
      %dma_start3A_196 = tpu.memref_slice %arg6[%arg0, %mul3A_194, %dma_start3A_195] : memref<2x10240x8xf32, #tpu.memory_space<hbm>> -> memref<1x640x8xf32, #tpu.memory_space<hbm>>
      %dma_start3A_197 = tpu.memref_squeeze %dma_start3A_196 : memref<1x640x8xf32, #tpu.memory_space<hbm>> -> memref<640x8xf32, #tpu.memory_space<hbm>>
      %dma_start3A_198 = arith.constant 0 : i32
      %dma_start3A_199 = tpu.memref_slice %arg19[%mul3A_192, %dma_start3A_198] : memref<10240x8xf32, #tpu.memory_space<vmem_shared>> -> memref<640x8xf32, #tpu.memory_space<vmem_shared>>
      tpu.enqueue_dma source(%dma_start3A_199 : memref<640x8xf32, #tpu.memory_space<vmem_shared>>) target(%dma_start3A_197 : memref<640x8xf32, #tpu.memory_space<hbm>>) target_semaphore(%run_scoped3A : memref<!tpu.dma_semaphore, #tpu.memory_space<semaphore_mem>>)
      %dma_wait3A_200 = arith.constant 0 : i32
      %dma_wait3A_201 = tpu.memref_slice %arg6[%arg0, %mul3A_194, %dma_wait3A_200] : memref<2x10240x8xf32, #tpu.memory_space<hbm>> -> memref<1x640x8xf32, #tpu.memory_space<hbm>>
      %dma_wait3A_202 = tpu.memref_squeeze %dma_wait3A_201 : memref<1x640x8xf32, #tpu.memory_space<hbm>> -> memref<640x8xf32, #tpu.memory_space<hbm>>
      %dma_wait3A_203 = arith.constant 0 : i32
      %dma_wait3A_204 = tpu.memref_slice %arg19[%mul3A_192, %dma_wait3A_203] : memref<10240x8xf32, #tpu.memory_space<vmem_shared>> -> memref<640x8xf32, #tpu.memory_space<vmem_shared>>
      tpu.wait_dma2 semaphore(%run_scoped3A : memref<!tpu.dma_semaphore, #tpu.memory_space<semaphore_mem>>) src(%dma_wait3A_204 : memref<640x8xf32, #tpu.memory_space<vmem_shared>>) dst(%dma_wait3A_202 : memref<640x8xf32, #tpu.memory_space<hbm>>)
      tpu.yield
    }) : () -> ()
    return
  }
}

module attributes {stable_mosaic.version = 14 : i64} {
  func.func @_mm1_body(%arg0: memref<625x2048xf32, #tpu.memory_space<vmem>>, %arg1: memref<2048x128xf32, #tpu.memory_space<vmem>>, %arg2: memref<625x128xf32, #tpu.memory_space<vmem>>) attributes {dimension_semantics = [], scalar_prefetch = 0 : i64, scratch_operands = 0 : i64, tpu.core_type = #tpu.core_type<tc>} {
    %get3A = arith.constant 0 : index
    %get3A_0 = arith.constant 0 : index
    %get3A_1 = vector.load %arg0[%get3A, %get3A_0] : memref<625x2048xf32, #tpu.memory_space<vmem>>, vector<625x2048xf32>
    %get3A_2 = arith.constant 0 : index
    %get3A_3 = arith.constant 0 : index
    %get3A_4 = vector.load %arg1[%get3A_2, %get3A_3] : memref<2048x128xf32, #tpu.memory_space<vmem>>, vector<2048x128xf32>
    %dot_general3A = arith.constant dense<0.000000e+00> : vector<625x128xf32>
    %dot_general3A_5 = tpu.matmul %get3A_1, %get3A_4, %dot_general3A {dimension_numbers = #tpu.dot_dimension_numbers<[1], [0], [0], [1], [0, 0, 1, 1], [], []>, transpose_lhs_hint = false} : vector<625x2048xf32>, vector<2048x128xf32>, vector<625x128xf32> -> vector<625x128xf32>
    %swap3A = arith.constant 0 : index
    %swap3A_6 = arith.constant 0 : index
    %swap3A_7 = vector.load %arg2[%swap3A, %swap3A_6] : memref<625x128xf32, #tpu.memory_space<vmem>>, vector<625x128xf32>
    tpu.vector_store %arg2[%swap3A, %swap3A_6], %dot_general3A_5 {strides = array<i32>} : memref<625x128xf32, #tpu.memory_space<vmem>>, vector<625x128xf32>,
    return
  }
}

module attributes {stable_mosaic.version = 14 : i64} {
  func.func @_norm_mm_body(%arg0: memref<2x2x640x128xf32, #tpu.memory_space<vmem>>, %arg1: memref<625x128xf32, #tpu.memory_space<vmem>>, %arg2: memref<625x128xf32, #tpu.memory_space<vmem>>, %arg3: memref<2x640x128xf32, #tpu.memory_space<vmem>>) attributes {dimension_semantics = [], scalar_prefetch = 0 : i64, scratch_operands = 0 : i64, tpu.core_type = #tpu.core_type<tc>} {
    %get3A = arith.constant 0 : index
    %get3A_0 = arith.constant 0 : index
    %get3A_1 = arith.constant 0 : index
    %get3A_2 = arith.constant 0 : index
    %get3A_3 = vector.load %arg0[%get3A, %get3A_0, %get3A_1, %get3A_2] : memref<2x2x640x128xf32, #tpu.memory_space<vmem>>, vector<1x2x640x128xf32>
    %get3A_4 = vector.shape_cast %get3A_3 : vector<1x2x640x128xf32> to vector<2x640x128xf32>
    %get3A_5 = arith.constant 1 : index
    %get3A_6 = arith.constant 0 : index
    %get3A_7 = arith.constant 0 : index
    %get3A_8 = arith.constant 0 : index
    %get3A_9 = vector.load %arg0[%get3A_5, %get3A_6, %get3A_7, %get3A_8] : memref<2x2x640x128xf32, #tpu.memory_space<vmem>>, vector<1x2x640x128xf32>
    %get3A_10 = vector.shape_cast %get3A_9 : vector<1x2x640x128xf32> to vector<2x640x128xf32>
    %add3A = arith.addf %get3A_4, %get3A_10 : vector<2x640x128xf32>
    %max3A = arith.constant 1.000000e+00 : f32
    %max3A_11 = vector.broadcast %max3A : f32 to vector<2x640x128xf32>
    %max3A_12 = arith.maximumf %add3A, %max3A_11 : vector<2x640x128xf32>
    %rsqrt3A = math.rsqrt %max3A_12 : vector<2x640x128xf32>
    %swap3A = arith.constant 0 : index
    %swap3A_13 = arith.constant 0 : index
    %swap3A_14 = arith.constant 0 : index
    %swap3A_15 = vector.load %arg3[%swap3A, %swap3A_13, %swap3A_14] : memref<2x640x128xf32, #tpu.memory_space<vmem>>, vector<2x640x128xf32>
    tpu.vector_store %arg3[%swap3A, %swap3A_13, %swap3A_14], %rsqrt3A {strides = array<i32>} : memref<2x640x128xf32, #tpu.memory_space<vmem>>, vector<2x640x128xf32>,
    %get3A_16 = arith.constant 0 : index
    %get3A_17 = arith.constant 0 : index
    %get3A_18 = vector.load %arg1[%get3A_16, %get3A_17] : memref<625x128xf32, #tpu.memory_space<vmem>>, vector<625x128xf32>
    %slice3A = vector.extract_strided_slice %rsqrt3A {offsets = [0, 0, 0], sizes = [1, 625, 128], strides = [1, 1, 1]} : vector<2x640x128xf32> to vector<1x625x128xf32>
    %squeeze3A = vector.shape_cast %slice3A : vector<1x625x128xf32> to vector<625x128xf32>
    %mul3A = arith.mulf %get3A_18, %squeeze3A : vector<625x128xf32>
    %swap3A_19 = arith.constant 0 : index
    %swap3A_20 = arith.constant 0 : index
    %swap3A_21 = vector.load %arg2[%swap3A_19, %swap3A_20] : memref<625x128xf32, #tpu.memory_space<vmem>>, vector<625x128xf32>
    tpu.vector_store %arg2[%swap3A_19, %swap3A_20], %mul3A {strides = array<i32>} : memref<625x128xf32, #tpu.memory_space<vmem>>, vector<625x128xf32>,
    return
  }
}

module attributes {stable_mosaic.version = 14 : i64} {
  func.func @_mid_body(%arg0: memref<2x640x128xf32, #tpu.memory_space<vmem>>, %arg1: memref<2x640x128xf32, #tpu.memory_space<vmem>>, %arg2: memref<1x128xf32, #tpu.memory_space<vmem>>, %arg3: memref<128x128xf32, #tpu.memory_space<vmem>>, %arg4: memref<625x128xf32, #tpu.memory_space<vmem>>) attributes {dimension_semantics = [], scalar_prefetch = 0 : i64, scratch_operands = 0 : i64, tpu.core_type = #tpu.core_type<tc>} {
    %get3A = arith.constant 0 : index
    %get3A_0 = arith.constant 0 : index
    %get3A_1 = arith.constant 0 : index
    %get3A_2 = vector.load %arg0[%get3A, %get3A_0, %get3A_1] : memref<2x640x128xf32, #tpu.memory_space<vmem>>, vector<1x640x128xf32>
    %get3A_3 = vector.shape_cast %get3A_2 : vector<1x640x128xf32> to vector<640x128xf32>
    %get3A_4 = arith.constant 1 : index
    %get3A_5 = arith.constant 0 : index
    %get3A_6 = arith.constant 0 : index
    %get3A_7 = vector.load %arg0[%get3A_4, %get3A_5, %get3A_6] : memref<2x640x128xf32, #tpu.memory_space<vmem>>, vector<1x640x128xf32>
    %get3A_8 = vector.shape_cast %get3A_7 : vector<1x640x128xf32> to vector<640x128xf32>
    %add3A = arith.addf %get3A_3, %get3A_8 : vector<640x128xf32>
    %get3A_9 = arith.constant 1 : index
    %get3A_10 = arith.constant 0 : index
    %get3A_11 = arith.constant 0 : index
    %get3A_12 = vector.load %arg1[%get3A_9, %get3A_10, %get3A_11] : memref<2x640x128xf32, #tpu.memory_space<vmem>>, vector<1x640x128xf32>
    %get3A_13 = vector.shape_cast %get3A_12 : vector<1x640x128xf32> to vector<640x128xf32>
    %mul3A = arith.mulf %add3A, %get3A_13 : vector<640x128xf32>
    %get3A_14 = arith.constant 0 : index
    %get3A_15 = arith.constant 0 : index
    %get3A_16 = vector.load %arg2[%get3A_14, %get3A_15] : memref<1x128xf32, #tpu.memory_space<vmem>>, vector<1x128xf32>
    %add3A_17 = vector.broadcast %get3A_16 : vector<1x128xf32> to vector<640x128xf32>
    %add3A_18 = arith.addf %mul3A, %add3A_17 : vector<640x128xf32>
    %max3A = arith.constant 0.000000e+00 : f32
    %max3A_19 = vector.broadcast %max3A : f32 to vector<640x128xf32>
    %max3A_20 = arith.maximumf %add3A_18, %max3A_19 : vector<640x128xf32>
    %get3A_21 = arith.constant 0 : index
    %get3A_22 = arith.constant 0 : index
    %get3A_23 = arith.constant 0 : index
    %get3A_24 = vector.load %arg1[%get3A_21, %get3A_22, %get3A_23] : memref<2x640x128xf32, #tpu.memory_space<vmem>>, vector<1x640x128xf32>
    %get3A_25 = vector.shape_cast %get3A_24 : vector<1x640x128xf32> to vector<640x128xf32>
    %mul3A_26 = arith.mulf %max3A_20, %get3A_25 : vector<640x128xf32>
    %slice3A = vector.extract_strided_slice %mul3A_26 {offsets = [0, 0], sizes = [625, 128], strides = [1, 1]} : vector<640x128xf32> to vector<625x128xf32>
    %get3A_27 = arith.constant 0 : index
    %get3A_28 = arith.constant 0 : index
    %get3A_29 = vector.load %arg3[%get3A_27, %get3A_28] : memref<128x128xf32, #tpu.memory_space<vmem>>, vector<128x128xf32>
    %dot_general3A = arith.constant dense<0.000000e+00> : vector<625x128xf32>
    %dot_general3A_30 = tpu.matmul %slice3A, %get3A_29, %dot_general3A {dimension_numbers = #tpu.dot_dimension_numbers<[1], [0], [0], [1], [0, 0, 1, 1], [], []>, transpose_lhs_hint = false} : vector<625x128xf32>, vector<128x128xf32>, vector<625x128xf32> -> vector<625x128xf32>
    %swap3A = arith.constant 0 : index
    %swap3A_31 = arith.constant 0 : index
    %swap3A_32 = vector.load %arg4[%swap3A, %swap3A_31] : memref<625x128xf32, #tpu.memory_space<vmem>>, vector<625x128xf32>
    tpu.vector_store %arg4[%swap3A, %swap3A_31], %dot_general3A_30 {strides = array<i32>} : memref<625x128xf32, #tpu.memory_space<vmem>>, vector<625x128xf32>,
    return
  }
}

module attributes {stable_mosaic.version = 14 : i64} {
  func.func @_final_body(%arg0: memref<2x640x128xf32, #tpu.memory_space<vmem>>, %arg1: memref<2x640x128xf32, #tpu.memory_space<vmem>>, %arg2: memref<1x128xf32, #tpu.memory_space<vmem>>, %arg3: memref<128x640xf32, #tpu.memory_space<vmem>>, %arg4: memref<1x640xf32, #tpu.memory_space<vmem>>, %arg5: memref<625x640xf32, #tpu.memory_space<vmem>>) attributes {dimension_semantics = [], scalar_prefetch = 0 : i64, scratch_operands = 0 : i64, tpu.core_type = #tpu.core_type<tc>} {
    %get3A = arith.constant 0 : index
    %get3A_0 = arith.constant 0 : index
    %get3A_1 = arith.constant 0 : index
    %get3A_2 = vector.load %arg0[%get3A, %get3A_0, %get3A_1] : memref<2x640x128xf32, #tpu.memory_space<vmem>>, vector<1x640x128xf32>
    %get3A_3 = vector.shape_cast %get3A_2 : vector<1x640x128xf32> to vector<640x128xf32>
    %get3A_4 = arith.constant 1 : index
    %get3A_5 = arith.constant 0 : index
    %get3A_6 = arith.constant 0 : index
    %get3A_7 = vector.load %arg0[%get3A_4, %get3A_5, %get3A_6] : memref<2x640x128xf32, #tpu.memory_space<vmem>>, vector<1x640x128xf32>
    %get3A_8 = vector.shape_cast %get3A_7 : vector<1x640x128xf32> to vector<640x128xf32>
    %add3A = arith.addf %get3A_3, %get3A_8 : vector<640x128xf32>
    %get3A_9 = arith.constant 1 : index
    %get3A_10 = arith.constant 0 : index
    %get3A_11 = arith.constant 0 : index
    %get3A_12 = vector.load %arg1[%get3A_9, %get3A_10, %get3A_11] : memref<2x640x128xf32, #tpu.memory_space<vmem>>, vector<1x640x128xf32>
    %get3A_13 = vector.shape_cast %get3A_12 : vector<1x640x128xf32> to vector<640x128xf32>
    %mul3A = arith.mulf %add3A, %get3A_13 : vector<640x128xf32>
    %get3A_14 = arith.constant 0 : index
    %get3A_15 = arith.constant 0 : index
    %get3A_16 = vector.load %arg2[%get3A_14, %get3A_15] : memref<1x128xf32, #tpu.memory_space<vmem>>, vector<1x128xf32>
    %add3A_17 = vector.broadcast %get3A_16 : vector<1x128xf32> to vector<640x128xf32>
    %add3A_18 = arith.addf %mul3A, %add3A_17 : vector<640x128xf32>
    %max3A = arith.constant 0.000000e+00 : f32
    %max3A_19 = vector.broadcast %max3A : f32 to vector<640x128xf32>
    %max3A_20 = arith.maximumf %add3A_18, %max3A_19 : vector<640x128xf32>
    %slice3A = vector.extract_strided_slice %max3A_20 {offsets = [0, 0], sizes = [625, 128], strides = [1, 1]} : vector<640x128xf32> to vector<625x128xf32>
    %get3A_21 = arith.constant 0 : index
    %get3A_22 = arith.constant 0 : index
    %get3A_23 = vector.load %arg3[%get3A_21, %get3A_22] : memref<128x640xf32, #tpu.memory_space<vmem>>, vector<128x640xf32>
    %dot_general3A = arith.constant dense<0.000000e+00> : vector<625x640xf32>
    %dot_general3A_24 = tpu.matmul %slice3A, %get3A_23, %dot_general3A {dimension_numbers = #tpu.dot_dimension_numbers<[1], [0], [0], [1], [0, 0, 1, 1], [], []>, transpose_lhs_hint = false} : vector<625x128xf32>, vector<128x640xf32>, vector<625x640xf32> -> vector<625x640xf32>
    %get3A_25 = arith.constant 0 : index
    %get3A_26 = arith.constant 0 : index
    %get3A_27 = vector.load %arg4[%get3A_25, %get3A_26] : memref<1x640xf32, #tpu.memory_space<vmem>>, vector<1x640xf32>
    %add3A_28 = vector.broadcast %get3A_27 : vector<1x640xf32> to vector<625x640xf32>
    %add3A_29 = arith.addf %dot_general3A_24, %add3A_28 : vector<625x640xf32>
    %max3A_30 = arith.constant 0.000000e+00 : f32
    %max3A_31 = vector.broadcast %max3A_30 : f32 to vector<625x640xf32>
    %max3A_32 = arith.maximumf %add3A_29, %max3A_31 : vector<625x640xf32>
    %swap3A = arith.constant 0 : index
    %swap3A_33 = arith.constant 0 : index
    %swap3A_34 = vector.load %arg5[%swap3A, %swap3A_33] : memref<625x640xf32, #tpu.memory_space<vmem>>, vector<625x640xf32>
    tpu.vector_store %arg5[%swap3A, %swap3A_33], %max3A_32 {strides = array<i32>} : memref<625x640xf32, #tpu.memory_space<vmem>>, vector<625x640xf32>,
    return
  }
}

</mosaic_0001>

<sc_bundles>
// kernel: kernel.12.cloned.1.call-start
scs
__scs_entry_jumppad:
0x0: {  	(pc) =	sbr.rel $0x88, $3  }
0x1: {  	(tag) =	ssettag $0x0;
	lr =	simm.s32 $0x1  }
0x2: {  	[smem:$0x3F99] =	sst lr;
	_ =	strace $0xD0000000  }
0x3: {  	_ = 	snop  }
0x4: {  	_ = 	snop  }
0x5: {  	_ = 	snop  }
0x6: {  	_ = 	snop  }
0x7: {  	_ = 	snop  }
__scs_overlays_trampoline_lowered:
0x8: {  	[smem:$0x3FA8] =	sst s0  }
0x9: {  	[smem:$0x3FA9] =	sst s1  }
0xa: {  	[smem:$0x3FAA] =	sst s2  }
0xb: {  	[smem:$0x3FAB] =	sst s3  }
0xc: {  	[smem:$0x3FAC] =	sst s4  }
0xd: {  	[smem:$0x3FAD] =	sst s5  }
0xe: {  	[smem:$0x3FAE] =	sst s6  }
0xf: {  	[smem:$0x3FAF] =	sst s7  }
0x10: {  	[smem:$0x3FB0] =	sst s8  }
0x11: {  	[smem:$0x3FB1] =	sst s9;
	s0 =	simm.s32 @!p0 $0x0  }
0x12: {  	s1 =	sld [smem:$0x3F97];
	s0 =	simm.s32 @p0 $0x1  }
0x13: {  	[smem:$0x3FB2] =	sst s0;
	s0 =	simm.s32 @!p1 $0x0  }
0x14: {  	s2 =	sld [smem:$0x3F96];
	s0 =	simm.s32 @p1 $0x1  }
0x15: {  	[smem:$0x3FB3] =	sst s0;
	s0 =	simm.s32 @!p2 $0x0  }
0x16: {  	s3 =	sld [smem:$0x3FDB];
	s0 =	simm.s32 @p2 $0x1  }
0x17: {  	s4 =	simm.s32 $0x1BF5;
	[smem:$0x3FB5] =	sst s0  }
0x18: {  	s0 =	sld [smem:$0x3F98];
	_ =	swait.ge [sflag:s4], $0x0  }
0x19: {  	s7 =	sld [smem:$0x3F99]  }
0x1a: {  	s8 =	sadd.s32 $0xFFFFE003, lr  }
0x1b: {  	s9 =	sadd.s32 $0xFFFFFEF7, lr;
	s5 =	simm.s32 $0xFFFFFFFF;
	p2 =	slt.u32 s8, $0xFFFFF086  }
0x1c: {  	p1 =	slt.u32 s9, $0xF7A;
	s5 =	simm.s32 @!p2 $0x0  }
0x1d: {  	s5 =	simm.s32 @p1 $0x1;
	p0 =	seq.s32 s7, s2  }
0x1e: {  	s7 =	smul.u32 @!p0 $0xF7A, s2;
	p2 =	seq.s32 @!p0 s5, $0x0  }
0x1f: {  	s9 =	smul.u32 $0xF7A, s1;
	s8 =	simm.s32 @!p0 $0x1BF5;
	p2 =	por !p2, p0  }
0x20: {  	[sflag:s8] =	ssyncset.s32 @!p0 $0xFFFFF086;
	s6 =	sadd.s32 @!p0 s3, s7;
	s7 =	simm.s32 @!p0 $0x108  }
0x21: {  	s3 =	sadd.s32 s3, s9;
	s6 =	sadd.s32 @!p0 $0x88, s6;
	s7 =	simm.s32 @p2 $0x1082  }
0x22: {  	[simem:s7], [sflag:s8] =	dma.local @!p0 [hbm:s6], $0xF7A  }
0x23: {  	s9 =	sor.u32 $0xD0000000, s2;
	s6 =	simm.s32 $0x108;
	_ =	swait.ge @!p0 [sflag:s8], $0x0  }
0x24: {  	s3 =	sadd.s32 $0x88, s3;
	s6 =	simm.s32 @!p1 $0x1082;
	[sflag:s4] =	ssyncset.s32 $0xFFFFF086  }
0x25: {  	[simem:s6], [sflag:s4] =	dma.local [hbm:s3], $0xF7A  }
0x26: {  	[smem:$0x3F99] =	sst s1;
	(tag) =	ssettag s2;
	_ =	strace s9  }
0x27: {  	s1 =	sld [smem:$0x3FA9]  }
0x28: {  	s2 =	sld [smem:$0x3FAA]  }
0x29: {  	s4 =	sld [smem:$0x3FAC]  }
0x2a: {  	p0 =	seq.s32 s5, $0x0;
	s5 =	sld [smem:$0x3FAD]  }
0x2b: {  	s6 =	sld [smem:$0x3FAE]  }
0x2c: {  	s7 =	sld [smem:$0x3FAF]  }
0x2d: {  	s3 =	simm.s32 $0x108;
	s8 =	sld [smem:$0x3FB0]  }
0x2e: {  	s3 =	simm.s32 @!p0 $0x1082;
	s9 =	sld [smem:$0x3FB1]  }
0x2f: {  	lr =	sadd.s32 s0, s3;
	s0 =	sld [smem:$0x3FA8]  }
0x30: {  	s3 =	sld [smem:$0x3FAB]  }
0x31: {  	[smem:$0x3FB4] =	sst s10  }
0x32: {  	s10 =	sld [smem:$0x3FB2];
	_ =	sdelay $0x3  }
0x33: {  	p0 =	seq.s32 s10, $0x1;
	s10 =	sld [smem:$0x3FB4];
	_ =	sdelay $0x3  }
0x34: {  	[smem:$0x3FB4] =	sst s10  }
0x35: {  	s10 =	sld [smem:$0x3FB3];
	_ =	sdelay $0x3  }
0x36: {  	p1 =	seq.s32 s10, $0x1;
	s10 =	sld [smem:$0x3FB4];
	_ =	sdelay $0x3  }
0x37: {  	[smem:$0x3FB4] =	sst s10  }
0x38: {  	s10 =	sld [smem:$0x3FB5]  }
0x39: {  	_ = 	snop;
	(pc) =	sbr.ind lr, $3  }
0x3a: {  	_ = 	snop  }
0x3b: {  	_ = 	snop  }
0x3c: {  	p2 =	seq.s32 s10, $0x1;
	s10 =	sld [smem:$0x3FB4]  }
0x3d: {  	_ =	shalt  }
0x3e: {  	_ =	shalt  }
0x3f: {  	_ =	shalt  }
0x40: {  	_ =	shalt  }
0x41: {  	_ =	shalt  }
0x42: {  	_ =	shalt  }
0x43: {  	_ =	shalt  }
0x44: {  	_ =	shalt  }
0x45: {  	_ =	shalt  }
0x46: {  	_ =	shalt  }
0x47: {  	_ =	shalt  }
0x48: {  	_ =	shalt  }
0x49: {  	_ =	shalt  }
0x4a: {  	_ =	shalt  }
0x4b: {  	_ =	shalt  }
0x4c: {  	_ =	shalt  }
0x4d: {  	_ =	shalt  }
0x4e: {  	_ =	shalt  }
0x4f: {  	_ =	shalt  }
0x50: {  	_ =	shalt  }
0x51: {  	_ =	shalt  }
0x52: {  	_ =	shalt  }
0x53: {  	_ =	shalt  }
0x54: {  	_ =	shalt  }
0x55: {  	_ =	shalt  }
0x56: {  	_ =	shalt  }
0x57: {  	_ =	shalt  }
0x58: {  	_ =	shalt  }
0x59: {  	_ =	shalt  }
0x5a: {  	_ =	shalt  }
0x5b: {  	_ =	shalt  }
0x5c: {  	_ =	shalt  }
0x5d: {  	_ =	shalt  }
0x5e: {  	_ =	shalt  }
0x5f: {  	_ =	shalt  }
0x60: {  	_ =	shalt  }
0x61: {  	_ =	shalt  }
0x62: {  	_ =	shalt  }
0x63: {  	_ =	shalt  }
0x64: {  	_ =	shalt  }
0x65: {  	_ =	shalt  }
0x66: {  	_ =	shalt  }
0x67: {  	_ =	shalt  }
0x68: {  	_ =	shalt  }
0x69: {  	_ =	shalt  }
0x6a: {  	_ =	shalt  }
0x6b: {  	_ =	shalt  }
0x6c: {  	_ =	shalt  }
0x6d: {  	_ =	shalt  }
0x6e: {  	_ =	shalt  }
0x6f: {  	_ =	shalt  }
0x70: {  	_ =	shalt  }
0x71: {  	_ =	shalt  }
0x72: {  	_ =	shalt  }
0x73: {  	_ =	shalt  }
0x74: {  	_ =	shalt  }
0x75: {  	_ =	shalt  }
0x76: {  	_ =	shalt  }
0x77: {  	_ =	shalt  }
0x78: {  	_ =	shalt  }
0x79: {  	_ =	shalt  }
0x7a: {  	_ =	shalt  }
0x7b: {  	_ =	shalt  }
0x7c: {  	_ =	shalt  }
0x7d: {  	_ =	shalt  }
0x7e: {  	_ =	shalt  }
0x7f: {  	_ =	shalt  }
0x80: {  	_ =	shalt  }
0x81: {  	_ =	shalt  }
0x82: {  	_ =	shalt  }
0x83: {  	_ =	shalt  }
0x84: {  	_ =	shalt  }
0x85: {  	_ =	shalt  }
0x86: {  	_ =	shalt  }
0x87: {  	_ =	shalt  }
.Lfunc_end0:
.L_simem_size_0:
called_computation.1_lowered:
.L_overlay_start_0:
0x88: {  	s2 =	sld [smem:$0x3FD9]  }
0x89: {  	s3 =	sld [smem:$0x3FFE];
	_ =	sdelay $0x1  }
0x8a: {  	s1 =	srdreg.scid  }
0x8b: {  	s0 =	sand.u32 $0x1, s1  }
0x8c: {  	s17 =	sshll.u32 s0, $0xA;
	s2 =	sadd.s32 s3, s2  }
0x8d: {  	s2 =	sadd.s32 s2, s17  }
0x8e: {  	[smem:$0x3FC0] =	sst s2  }
0x8f: {  	_ = 	snop  }
0x90: {  	s2 =	sld [smem:$0x3FD0];
	(tm) =	ssettm $0x1  }
0x91: {  	s18 =	sld [smem:$0x3FFB];
	_ =	sdelay $0x3  }
0x92: {  	_ =	strace s18  }
0x93: {  	s3 =	sld [smem:$0x3FFC];
	_ =	sdelay $0x3  }
0x94: {  	_ =	strace s3  }
0x95: {  	s3 =	sld [smem:$0x3FFD];
	_ =	sdelay $0x3  }
0x96: {  	_ =	strace s3  }
0x97: {  	_ =	strace $0x8FFFFFFF  }
0x98: {  	s19 =	sld [smem:$0x3FDB];
	_ =	sdelay $0x1  }
0x99: {  	s4 =	simm.s32 $_scs_section_size  }
0x9a: {  	s5 =	simm.s32 $_size__tile_overlayer_lowered;
	s6 =	simm.s32 $_tile_overlayer_lowered  }
0x9b: {  	s22 =	simm.s32 $0x1BFF;
	s21 =	sshll.u32 s6, $0x1;
	s3 =	sadd.s32 s4, s19  }
0x9c: {  	s7 =	simm.s32 $0x0;
	s20 =	sshll.u32 s5, $0x1;
	s5 =	sadd.s32 s21, s3  }
0x9d: {  	[timem:s7], [sflag:s22] =	dma.local [hbm:s5], s20  }
0x9e: {  	_ =	swait.ge [sflag:s22], s20  }
0x9f: {  	s4 =	ssub.s32 $0x0, s20;
	[sflag:s22] =	ssyncset.done $0x0  }
0xa0: {  	[sflag:s22] =	ssyncadd.s32 s4;
	_ =	sdelay $0x1  }
0xa1: {  	s23 =	simm.s32 $0x1B8B  }
0xa2: {  	_ =	swait.ge [sflag:s23], $0x1  }
0xa3: {  	[sflag:s23] =	ssyncset.done $0x0  }
0xa4: {  	s25 =	simm.s32 $0x1B8E;
	s24 =	sld [smem:$0x3FFE];
	[sflag:s23] =	ssyncadd.s32 $0xFFFFFFFF  }
0xa5: {  	s26 =	simm.s32 $execute0_lowered;
	[smem:$0x3FD2] =	sst s25  }
0xa6: {  	s5 =	sshll.u32 s26, $0x1;
	_ =	strace $0x80000049;
	[dreg:$0x1] =	wrdreg $0xFFFFFFFF  }
0xa7: {  	s28 =	simm.s32 $_size_execute0_lowered;
	s3 =	sadd.s32 s3, s5;
	[dreg:$0x0] =	wrdreg $0x0  }
0xa8: {  	s5 =	sshll.u32 s28, $0x1;
	[dreg:$0x2] =	wrdreg s3  }
0xa9: {  	[dreg:$0x3] =	wrdreg s5  }
0xaa: {  	[dreg:$0x4] =	wrdreg $0xC0  }
0xab: {  	_ =	task [dreg:s7], $0x5FFFF  }
0xac: {  	[dreg:$0x1] =	wrdreg $0xFFFFFFFF  }
0xad: {  	[dreg:$0x0] =	wrdreg $0x60  }
0xae: {  	[dreg:$0x2] =	wrdreg s24  }
0xaf: {  	[dreg:$0x3] =	wrdreg s2  }
0xb0: {  	[dreg:$0x4] =	wrdreg $0x78000  }
0xb1: {  	[dreg:$0x5] =	wrdreg $0x9  }
0xb2: {  	_ =	task.clear_ibuf [dreg:s7], $0x6FFFF;
	_ =	strace $0x90000049  }
0xb3: {  	s29 =	simm.s32 $0x9;
	_ =	strace $0x8000004B  }
0xb4: {  	_ =	swait.ge [sflag:s29], $0x1  }
0xb5: {  	[sflag:s29] =	ssyncadd.s32 $0xFFFFFFFF  }
0xb6: {  	_ =	strace $0x9000004B  }
0xb7: {  	_ =	sfence  }
0xb8: {  	s30 =	sld [smem:$0x0];
	_ =	sdelay $0x2  }
0xb9: {  	s31 =	sshll.u32 s1, $0xD;
	s1 =	sshrl.u32 s1, $0x2  }
0xba: {  	s3 =	sand.u32 $0x4000, s31;
	s1 =	sadd.s32 s1, s30  }
0xbb: {  	s0 =	sor.u32 s3, s0;
	s1 =	sshll.u32 s1, $0x11  }
0xbc: {  	s0 =	sor.u32 s1, s0  }
0xbd: {  	s0 =	sadd.s32 $0x8F2B, s0  }
0xbe: {  	[sflag:s0] =	ssyncadd.remote.s32 $0x1  }
0xbf: {  	_ =	sfence.sel $0xFFFF  }
0xc0: {  	[dreg:$0x0] =	wrdreg $0xFFFFFFFF;
	(pc) =	sbr.abs _section_cstart, $3  }
0xc1: {  	[dreg:$0x1] =	wrdreg $0xFFFFFFFF  }
0xc2: {  	_ =	task.clear_ibuf [dreg:s7], $0x2FFFF;
	_ =	strace $0x9FFFFFFF  }
0xc3: {  	(tm) =	ssettm $0x7FFFFFFF  }
tec
execute0_lowered:
.L_overlay_start_1:
0x0: {  	(tag) =	ssettag $0x1  }
0x1: {  	s0 =	rddreg [dreg:$0x0]  }
0x2: {  	s2 =	rddreg [dreg:$0x1]  }
0x3: {  	s1 =	rddreg [dreg:$0x2];
	s3 =	srdreg.scid  }
0x4: {  	s4 =	simm.s32 $0x0;
	s10 =	stileid.u32;
	s12 =	simm.s32 $0x16  }
0x5: {  	s14 =	simm.s32 $0x1;
	s15 =	simm.s32 $0x80;
	s16 =	simm.s32 $0x5000  }
0x6: {  	s17 =	simm.s32 $0x5400;
	s19 =	simm.s32 $0x5800;
	s28 =	simm.s32 $0x6800  }
0x7: {  	s29 =	simm.s32 $0x4;
	s30 =	simm.s32 $0x6C00;
	s31 =	simm.s32 $0x5  }
0x8: {  	s11 =	simm.s32 $0x9;
	s18 =	simm.s32 $0xB;
	s3 =	sand.u32 $0x1, s3  }
0x9: {  	[smem:$0x7FF] =	sst s4;
	s6 =	smul.u32 $0x1400, s10;
	s4 =	sadd.s32 $0x3000, s0  }
0xa: {  	s24 =	sshll.u32 s10, $0x6;
	s21 =	sshll.u32 s3, $0x4;
	_ =	strace $0x8000004A  }
0xb: {  	s7 =	ssub.s32 $0x2, s3;
	s3 =	smul.u32 $0x14000, s3;
	s5 =	sor.u32 s10, s21  }
0xc: {  	s8 =	sshrl.u32 s6, $0x3;
	s9 =	sshrl.u32 s7, $0x1;
	s23 =	sadd.s32 s6, s1  }
0xd: {  	s21 =	simm.s32 $0x5C00;
	s5 =	smul.u32 $0x500, s5;
	s7 =	ssub.s32 s7, s9  }
0xe: {  	s3 =	sadd.s32 s6, s3;
	s10 =	sshrl.u32 s23, $0x3;
	s23 =	simm.s32 $0x6000  }
0xf: {  	s3 =	sshrl.u32 s3, $0x3;
	s26 =	smax.u32 s7, $0x1;
	s7 =	simm.s32 $0x10  }
0x10: {  	[dreg:$0xa] =	wrdreg s10;
	s5 =	sadd.s32 s5, s0;
	s0 =	sadd.s32 s8, s0  }
0x11: {  	s8 =	sor.u32 $0x1C16, s24;
	s25 =	sadd.s32 s2, s3;
	[dreg:$0x9] =	wrdreg s26  }
.Ltmp0:
0x12: {  	s24 =	simm.s32 $0x2;
	[dreg:$0x8] =	wrdreg s25;
	(pc) =	sbr.rel .LBB2_1-.Ltmp0, $4  }
0x13: {  	s26 =	simm.s32 $0x3;
	s22 =	sadd.s32 $0x16A00, s5;
	[dreg:$0x7] =	wrdreg s8  }
0x14: {  	s2 =	simm.s32 $0x7;
	s5 =	sadd.s32 $0x20A00, s5;
	[dreg:$0x4] =	wrdreg s22  }
0x15: {  	s0 =	sadd.s32 $0x5800, s0;
	s25 =	simm.s32 $0x6400;
	[dreg:$0x5] =	wrdreg s5  }
0x16: {  	[dreg:$0x6] =	wrdreg s0;
	s0 =	simm.s32 $0x7400;
	s5 =	simm.s32 $0x0  }
.LBB2_4:
0x17: {  	s3 =	simm.s32 $0xC  }
0x18: {  	_ =	swait.ge [sflag:s3], $0x400  }
0x19: {  	[sflag:s3] =	ssyncset.done $0x0  }
0x1a: {  	s20 =	simm.s32 $0xD;
	[sflag:s3] =	ssyncadd.s32 $0xFFFFFC00  }
0x1b: {  	_ =	swait.ge [sflag:s20], $0x400  }
0x1c: {  	[sflag:s20] =	ssyncset.done $0x0  }
0x1d: {  	s22 =	simm.s32 $0xE;
	[sflag:s20] =	ssyncadd.s32 $0xFFFFFC00  }
0x1e: {  	_ =	swait.ge [sflag:s22], $0x400  }
0x1f: {  	[sflag:s22] =	ssyncset.done $0x0  }
0x20: {  	s6 =	simm.s32 $0xF;
	[sflag:s22] =	ssyncadd.s32 $0xFFFFFC00  }
0x21: {  	_ =	swait.ge [sflag:s6], $0x400  }
0x22: {  	[sflag:s6] =	ssyncset.done $0x0  }
0x23: {  	[sflag:s6] =	ssyncadd.s32 $0xFFFFFC00  }
0x24: {  	_ =	swait.ge [sflag:s7], $0x400  }
0x25: {  	[sflag:s7] =	ssyncset.done $0x0  }
0x26: {  	s8 =	simm.s32 $0x11;
	[sflag:s7] =	ssyncadd.s32 $0xFFFFFC00  }
0x27: {  	_ =	swait.ge [sflag:s8], $0x400  }
0x28: {  	[sflag:s8] =	ssyncset.done $0x0  }
0x29: {  	s9 =	simm.s32 $0x12;
	[sflag:s8] =	ssyncadd.s32 $0xFFFFFC00  }
0x2a: {  	_ =	swait.ge [sflag:s9], $0x400  }
0x2b: {  	[sflag:s9] =	ssyncset.done $0x0  }
0x2c: {  	s10 =	simm.s32 $0x13;
	[sflag:s9] =	ssyncadd.s32 $0xFFFFFC00  }
0x2d: {  	_ =	swait.ge [sflag:s10], $0x400  }
0x2e: {  	[sflag:s10] =	ssyncset.done $0x0  }
0x2f: {  	s12 =	simm.s32 $0x14;
	[sflag:s10] =	ssyncadd.s32 $0xFFFFFC00  }
0x30: {  	_ =	swait.ge [sflag:s12], $0x400  }
0x31: {  	[sflag:s12] =	ssyncset.done $0x0  }
0x32: {  	s13 =	simm.s32 $0x15;
	[sflag:s12] =	ssyncadd.s32 $0xFFFFFC00  }
0x33: {  	_ =	swait.ge [sflag:s13], $0x400  }
0x34: {  	[sflag:s13] =	ssyncset.done $0x0  }
0x35: {  	[sflag:s13] =	ssyncadd.s32 $0xFFFFFC00  }
0x36: {  	[bflag:$0x0] =	sbarrier.arrive $0xFFFF  }
0x37: {  	s8 =	rddreg [dreg:$0x7]  }
0x38: {  	s20 =	rddreg [dreg:$0x8]  }
0x39: {  	s12 =	simm.s32 $0x16;
	s10 =	rddreg [dreg:$0xa]  }
0x3a: {  	[hbm:s20], [sflag:s8] =	dma.local [spmem:s10], $0x280  }
0x3b: {  	_ =	swait.ge [sflag:s12], $0x280  }
0x3c: {  	s5 =	sadd.s32 $0x1, s5;
	s22 =	rddreg [dreg:$0x9]  }
0x3d: {  	p0 =	sne.s32 s5, s22  }
.Ltmp1:
0x3e: {  	_ = 	snop;
	(pc) =	sbr.rel @!p0 .LBB2_5-.Ltmp1, $3  }
0x3f: {  	_ =	sdelay $0x1  }
0x40: {  	[sflag:s12] =	ssyncset.done $0x0  }
0x41: {  	[sflag:s12] =	ssyncadd.s32 $0xFFFFFD80  }
.LBB2_1:
0x42: {  	s3 =	simm.s32 $0x0;
	s6 =	rddreg [dreg:$0x4]  }
0x43: {  	[tilespmem:s3], [sflag:$0x1] =	stream.linear.gather [hbm4b:s6+s3], $0x2800, $0x38;
	[tilespmem:$0x8C00] =	vst v63  }
0x44: {  	s22 =	rddreg [dreg:$0x5];
	s9 =	simm.s32 $0x2800  }
0x45: {  	[tilespmem:s9], [sflag:$0x1] =	stream.linear.gather [hbm4b:s22+s3], $0x2800, $0x38;
	[tilespmem:$0x8C00] =	vst v63  }
0x46: {  	s9 =	rddreg [dreg:$0x6]  }
0x47: {  	[spmem:s10], [sflag:s8] =	dma.local [hbm:s9], $0x280  }
0x48: {  	_ =	swait.ge [sflag:s12], $0x280  }
0x49: {  	[sflag:s12] =	ssyncset.done $0x0  }
0x4a: {  	[sflag:s12] =	ssyncadd.s32 $0xFFFFFD80  }
0x4b: {  	_ =	swait.ge [sflag:s14], $0x2800  }
0x4c: {  	[sflag:s14] =	ssyncset.done $0x0  }
0x4d: {  	[sflag:s14] =	ssyncadd.s32 $0xFFFFD800  }
0x4e: {  	_ =	swait.ge [sflag:s14], $0x2800  }
0x4f: {  	[sflag:s14] =	ssyncset.done $0x0  }
0x50: {  	[sflag:s14] =	ssyncadd.s32 $0xFFFFD800  }
0x51: {  	[bflag:$0x0] =	sbarrier.arrive $0xFFFF  }
0x52: {  	[tilespmem:s16], [sflag:$0x2] =	stream.indirect.gather [hbm4b:s4+s15], $0x8, s3, s15, $0xb8;
	[tilespmem:$0x8C00] =	vst v63  }
0x53: {  	_ = 	snop  }
0x54: {  	[tilespmem:s17], [sflag:$0x3] =	stream.indirect.gather [hbm4b:s4+s15], $0x8, s15, s15, $0xb8;
	[tilespmem:$0x8C00] =	vst v63  }
0x55: {  	s13 =	simm.s32 $0x100  }
0x56: {  	[tilespmem:s19], [sflag:$0x4] =	stream.indirect.gather [hbm4b:s4+s15], $0x8, s13, s15, $0xb8;
	[tilespmem:$0x8C00] =	vst v63  }
0x57: {  	s20 =	simm.s32 $0x180  }
0x58: {  	[tilespmem:s21], [sflag:$0x5] =	stream.indirect.gather [hbm4b:s4+s15], $0x8, s20, s15, $0xb8;
	[tilespmem:$0x8C00] =	vst v63  }
0x59: {  	s6 =	simm.s32 $0xFFFFFFFA;
	s22 =	simm.s32 $0x200;
	s9 =	simm.s32 $0x0  }
0x5a: {  	[tilespmem:s23], [sflag:$0x6] =	stream.indirect.gather [hbm4b:s4+s15], $0x8, s22, s15, $0xb8;
	[tilespmem:$0x8C00] =	vst v63  }
.LBB2_2:
0x5b: {  	_ =	swait.ge [sflag:s24], $0x400  }
0x5c: {  	s10 =	sshra.s32 s9, $0x2;
	[sflag:s24] =	ssyncset.done $0x0  }
0x5d: {  	p0 =	sgt.u32 s6, $0x45;
	s3 =	sadd.s32 $0x2800, s10;
	[sflag:s24] =	ssyncadd.s32 $0xFFFFFC00  }
0x5e: {  	[spmem:s1] =	stream.indirect.scatter.add.f32 [tilespmem:s16], [sflag:$0xC], $0x8, s3, s15, $0xb8;
	[tilespmem:$0x8C00] =	vst v63  }
0x5f: {  	s3 =	simm.s32 @!p0 $0x11  }
0x60: {  	_ =	swait.ge @!p0 [sflag:s3], $0x400  }
0x61: {  	[sflag:s3] =	ssyncset.done @!p0 $0x0  }
0x62: {  	s22 =	sadd.s32 $0x280, s10;
	[sflag:s3] =	ssyncadd.s32 @!p0 $0xFFFFFC00  }
0x63: {  	[tilespmem:s25], [sflag:$0x7] =	stream.indirect.gather [hbm4b:s4+s15], $0x8, s22, s15, $0xb8;
	[tilespmem:$0x8C00] =	vst v63  }
0x64: {  	_ =	swait.ge [sflag:s26], $0x400  }
0x65: {  	p0 =	seq.s32 s9, $0x0;
	[sflag:s26] =	ssyncset.done $0x0  }
0x66: {  	s8 =	sadd.s32 $0x2880, s10;
	s3 =	simm.s32 @!p0 $0x12;
	[sflag:s26] =	ssyncadd.s32 $0xFFFFFC00  }
0x67: {  	[spmem:s1] =	stream.indirect.scatter.add.f32 [tilespmem:s17], [sflag:$0xD], $0x8, s8, s15, $0xb8;
	[tilespmem:$0x8C00] =	vst v63  }
0x68: {  	_ =	swait.ge @!p0 [sflag:s3], $0x400  }
0x69: {  	[sflag:s3] =	ssyncset.done @!p0 $0x0  }
0x6a: {  	s12 =	sadd.s32 $0x300, s10;
	[sflag:s3] =	ssyncadd.s32 @!p0 $0xFFFFFC00  }
0x6b: {  	[tilespmem:s28], [sflag:$0x8] =	stream.indirect.gather [hbm4b:s4+s15], $0x8, s12, s15, $0xb8;
	[tilespmem:$0x8C00] =	vst v63  }
0x6c: {  	s20 =	sadd.s32 $0x2, s6;
	_ =	swait.ge [sflag:s29], $0x400  }
0x6d: {  	p0 =	sgt.u32 s20, $0x45;
	[sflag:s29] =	ssyncset.done $0x0  }
0x6e: {  	s13 =	sadd.s32 $0x2900, s10;
	s3 =	simm.s32 @!p0 $0x13;
	[sflag:s29] =	ssyncadd.s32 $0xFFFFFC00  }
0x6f: {  	[spmem:s1] =	stream.indirect.scatter.add.f32 [tilespmem:s19], [sflag:$0xE], $0x8, s13, s15, $0xb8;
	[tilespmem:$0x8C00] =	vst v63  }
0x70: {  	_ =	swait.ge @!p0 [sflag:s3], $0x400  }
0x71: {  	[sflag:s3] =	ssyncset.done @!p0 $0x0  }
0x72: {  	s22 =	sadd.s32 $0x380, s10;
	[sflag:s3] =	ssyncadd.s32 @!p0 $0xFFFFFC00  }
0x73: {  	[tilespmem:s30], [sflag:$0x9] =	stream.indirect.gather [hbm4b:s4+s15], $0x8, s22, s15, $0xb8;
	[tilespmem:$0x8C00] =	vst v63  }
0x74: {  	s12 =	sadd.s32 $0x4, s6;
	_ =	swait.ge [sflag:s31], $0x400  }
0x75: {  	p0 =	sgt.u32 s12, $0x45;
	[sflag:s31] =	ssyncset.done $0x0  }
0x76: {  	s8 =	sadd.s32 $0x2980, s10;
	s3 =	sshra.s32 @p0 s9, $0x2;
	[sflag:s31] =	ssyncadd.s32 $0xFFFFFC00  }
0x77: {  	[spmem:s1] =	stream.indirect.scatter.add.f32 [tilespmem:s21], [sflag:$0xF], $0x8, s8, s15, $0xb8;
	[tilespmem:$0x8C00] =	vst v63  }
0x78: {  	s22 =	simm.s32 @p0 $0x80;
	s20 =	sadd.s32 @p0 $0x400, s3;
	s8 =	simm.s32 @p0 $0x7000  }
0x79: {  	[tilespmem:s8], [sflag:$0xA] =	stream.indirect.gather @p0 [hbm4b:s4+s22], $0x8, s20, s22, $0xb8;
	[tilespmem:$0x8C00] =	vst v63  }
0x7a: {  	s8 =	simm.s32 @p0 $0x6  }
0x7b: {  	_ =	swait.ge @p0 [sflag:s8], $0x400  }
0x7c: {  	[sflag:s8] =	ssyncset.done @p0 $0x0  }
0x7d: {  	s3 =	sadd.s32 @p0 $0x2A00, s3;
	[sflag:s8] =	ssyncadd.s32 @p0 $0xFFFFFC00;
	s8 =	simm.s32 @p0 $0x6000  }
0x7e: {  	[spmem:s1] =	stream.indirect.scatter.add.f32 @p0 [tilespmem:s8], [sflag:$0x10], $0x8, s3, s22, $0xb8;
	[tilespmem:$0x8C00] =	vst v63  }
0x7f: {  	s3 =	simm.s32 @!p0 $0x14  }
0x80: {  	_ =	swait.ge @!p0 [sflag:s3], $0x400  }
0x81: {  	[sflag:s3] =	ssyncset.done @!p0 $0x0  }
0x82: {  	[sflag:s3] =	ssyncadd.s32 @!p0 $0xFFFFFC00;
	s3 =	sshra.s32 @!p0 s9, $0x2  }
0x83: {  	s20 =	simm.s32 @!p0 $0x80;
	s22 =	simm.s32 @!p0 $0x7000;
	s8 =	sadd.s32 @!p0 $0x400, s3  }
0x84: {  	[tilespmem:s22], [sflag:$0xA] =	stream.indirect.gather @!p0 [hbm4b:s4+s20], $0x8, s8, s20, $0xb8;
	[tilespmem:$0x8C00] =	vst v63  }
0x85: {  	s8 =	simm.s32 @!p0 $0x6  }
0x86: {  	_ =	swait.ge @!p0 [sflag:s8], $0x400  }
0x87: {  	[sflag:s8] =	ssyncset.done @!p0 $0x0  }
0x88: {  	s3 =	sadd.s32 @!p0 $0x2A00, s3;
	[sflag:s8] =	ssyncadd.s32 @!p0 $0xFFFFFC00;
	s8 =	simm.s32 @!p0 $0x6000  }
0x89: {  	[spmem:s1] =	stream.indirect.scatter.add.f32 @!p0 [tilespmem:s8], [sflag:$0x10], $0x8, s3, s20, $0xb8;
	[tilespmem:$0x8C00] =	vst v63  }
0x8a: {  	s3 =	simm.s32 @!p0 $0x15  }
0x8b: {  	_ =	swait.ge @!p0 [sflag:s3], $0x400  }
0x8c: {  	[sflag:s3] =	ssyncset.done @!p0 $0x0  }
0x8d: {  	s13 =	sadd.s32 $0x480, s10;
	[sflag:s3] =	ssyncadd.s32 @!p0 $0xFFFFFC00  }
0x8e: {  	[tilespmem:s0], [sflag:$0xB] =	stream.indirect.gather [hbm4b:s4+s15], $0x8, s13, s15, $0xb8;
	[tilespmem:$0x8C00] =	vst v63  }
0x8f: {  	_ =	swait.ge [sflag:s2], $0x400  }
0x90: {  	p0 =	seq.s32 s9, $0x8C00;
	[sflag:s2] =	ssyncset.done $0x0  }
0x91: {  	s20 =	sadd.s32 $0x2A80, s10;
	s3 =	simm.s32 @p0 $0x8;
	[sflag:s2] =	ssyncadd.s32 $0xFFFFFC00  }
0x92: {  	[spmem:s1] =	stream.indirect.scatter.add.f32 [tilespmem:s25], [sflag:$0x11], $0x8, s20, s15, $0xb8;
	[tilespmem:$0x8C00] =	vst v63  }
0x93: {  	_ =	swait.ge @p0 [sflag:s3], $0x400  }
0x94: {  	[sflag:s3] =	ssyncset.done @p0 $0x0  }
0x95: {  	[sflag:s3] =	ssyncadd.s32 @p0 $0xFFFFFC00;
	s3 =	sshra.s32 @p0 s9, $0x2  }
0x96: {  	s22 =	simm.s32 @p0 $0x6800;
	s20 =	simm.s32 @p0 $0x80;
	s8 =	sadd.s32 @p0 $0x2B00, s3  }
0x97: {  	[spmem:s1] =	stream.indirect.scatter.add.f32 @p0 [tilespmem:s22], [sflag:$0x12], $0x8, s8, s20, $0xb8;
	[tilespmem:$0x8C00] =	vst v63  }
0x98: {  	s8 =	simm.s32 @!p0 $0xC  }
0x99: {  	_ =	swait.ge @!p0 [sflag:s8], $0x400  }
0x9a: {  	[sflag:s8] =	ssyncset.done @!p0 $0x0  }
0x9b: {  	[sflag:s8] =	ssyncadd.s32 @!p0 $0xFFFFFC00;
	s8 =	sshra.s32 @!p0 s9, $0x2  }
0x9c: {  	s12 =	simm.s32 @!p0 $0x80;
	s13 =	simm.s32 @!p0 $0x5000;
	s22 =	sadd.s32 @!p0 $0x500, s8  }
0x9d: {  	[tilespmem:s13], [sflag:$0x2] =	stream.indirect.gather @!p0 [hbm4b:s4+s12], $0x8, s22, s12, $0xb8;
	[tilespmem:$0x8C00] =	vst v63  }
0x9e: {  	s13 =	simm.s32 @!p0 $0x8  }
0x9f: {  	_ =	swait.ge @!p0 [sflag:s13], $0x400  }
0xa0: {  	[sflag:s13] =	ssyncset.done @!p0 $0x0  }
0xa1: {  	s22 =	simm.s32 @!p0 $0x6800;
	[sflag:s13] =	ssyncadd.s32 @!p0 $0xFFFFFC00;
	s13 =	sadd.s32 @!p0 $0x2B00, s8  }
0xa2: {  	[spmem:s1] =	stream.indirect.scatter.add.f32 @!p0 [tilespmem:s22], [sflag:$0x12], $0x8, s13, s12, $0xb8;
	[tilespmem:$0x8C00] =	vst v63  }
0xa3: {  	s13 =	simm.s32 @!p0 $0xD  }
0xa4: {  	_ =	swait.ge @!p0 [sflag:s13], $0x400  }
0xa5: {  	[sflag:s13] =	ssyncset.done @!p0 $0x0  }
0xa6: {  	s22 =	simm.s32 @!p0 $0x5400;
	[sflag:s13] =	ssyncadd.s32 @!p0 $0xFFFFFC00;
	s13 =	sadd.s32 @!p0 $0x580, s8  }
0xa7: {  	[tilespmem:s22], [sflag:$0x3] =	stream.indirect.gather @!p0 [hbm4b:s4+s12], $0x8, s13, s12, $0xb8;
	[tilespmem:$0x8C00] =	vst v63  }
0xa8: {  	_ =	swait.ge [sflag:s11], $0x400  }
0xa9: {  	[sflag:s11] =	ssyncset.done $0x0  }
0xaa: {  	s22 =	sadd.s32 $0x2B80, s10;
	s13 =	simm.s32 @p0 $0xA;
	[sflag:s11] =	ssyncadd.s32 $0xFFFFFC00  }
0xab: {  	[spmem:s1] =	stream.indirect.scatter.add.f32 [tilespmem:s30], [sflag:$0x13], $0x8, s22, s15, $0xb8;
	[tilespmem:$0x8C00] =	vst v63  }
0xac: {  	_ =	swait.ge @p0 [sflag:s13], $0x400  }
0xad: {  	[sflag:s13] =	ssyncset.done @p0 $0x0  }
0xae: {  	s3 =	sadd.s32 @p0 $0x2C00, s3;
	[sflag:s13] =	ssyncadd.s32 @p0 $0xFFFFFC00;
	s13 =	simm.s32 @p0 $0x7000  }
0xaf: {  	[spmem:s1] =	stream.indirect.scatter.add.f32 @p0 [tilespmem:s13], [sflag:$0x14], $0x8, s3, s20, $0xb8;
	[tilespmem:$0x8C00] =	vst v63  }
0xb0: {  	s3 =	simm.s32 @!p0 $0xE  }
0xb1: {  	_ =	swait.ge @!p0 [sflag:s3], $0x400  }
0xb2: {  	[sflag:s3] =	ssyncset.done @!p0 $0x0  }
0xb3: {  	s13 =	simm.s32 @!p0 $0x5800;
	[sflag:s3] =	ssyncadd.s32 @!p0 $0xFFFFFC00;
	s3 =	sadd.s32 @!p0 $0x600, s8  }
0xb4: {  	[tilespmem:s13], [sflag:$0x4] =	stream.indirect.gather @!p0 [hbm4b:s4+s12], $0x8, s3, s12, $0xb8;
	[tilespmem:$0x8C00] =	vst v63  }
0xb5: {  	s3 =	simm.s32 @!p0 $0xA  }
0xb6: {  	_ =	swait.ge @!p0 [sflag:s3], $0x400  }
0xb7: {  	[sflag:s3] =	ssyncset.done @!p0 $0x0  }
0xb8: {  	s13 =	simm.s32 @!p0 $0x7000;
	[sflag:s3] =	ssyncadd.s32 @!p0 $0xFFFFFC00;
	s3 =	sadd.s32 @!p0 $0x2C00, s8  }
0xb9: {  	[spmem:s1] =	stream.indirect.scatter.add.f32 @!p0 [tilespmem:s13], [sflag:$0x14], $0x8, s3, s12, $0xb8;
	[tilespmem:$0x8C00] =	vst v63  }
0xba: {  	s3 =	simm.s32 @!p0 $0xF  }
0xbb: {  	_ =	swait.ge @!p0 [sflag:s3], $0x400  }
0xbc: {  	[sflag:s3] =	ssyncset.done @!p0 $0x0  }
0xbd: {  	[sflag:s3] =	ssyncadd.s32 @!p0 $0xFFFFFC00;
	s3 =	sadd.s32 @!p0 $0x680, s8;
	s8 =	simm.s32 @!p0 $0x5C00  }
0xbe: {  	[tilespmem:s8], [sflag:$0x5] =	stream.indirect.gather @!p0 [hbm4b:s4+s12], $0x8, s3, s12, $0xb8;
	[tilespmem:$0x8C00] =	vst v63  }
.Ltmp2:
0xbf: {  	_ = 	snop;
	(pc) =	sbr.rel @p0 .LBB2_4-.Ltmp2, $4  }
0xc0: {  	_ =	swait.ge [sflag:s18], $0x400  }
0xc1: {  	[sflag:s18] =	ssyncset.done $0x0  }
0xc2: {  	s22 =	sadd.s32 $0x2C80, s10;
	[sflag:s18] =	ssyncadd.s32 $0xFFFFFC00  }
0xc3: {  	[spmem:s1] =	stream.indirect.scatter.add.f32 [tilespmem:s0], [sflag:$0x15], $0x8, s22, s15, $0xb8;
	[tilespmem:$0x8C00] =	vst v63  }
.Ltmp3:
0xc4: {  	(pc) =	sbr.rel .LBB2_2-.Ltmp3, $4  }
0xc5: {  	_ =	swait.ge [sflag:s7], $0x400  }
0xc6: {  	s3 =	sadd.s32 $0x700, s10;
	[sflag:s7] =	ssyncset.done $0x0  }
0xc7: {  	s9 =	sadd.s32 $0x1400, s9;
	s6 =	sadd.s32 $0xA, s6;
	[sflag:s7] =	ssyncadd.s32 $0xFFFFFC00  }
0xc8: {  	[tilespmem:s23], [sflag:$0x6] =	stream.indirect.gather [hbm4b:s4+s15], $0x8, s3, s15, $0xb8;
	[tilespmem:$0x8C00] =	vst v63  }
.LBB2_5:
0xc9: {  	_ =	sfence.sel $0x180000  }
0xca: {  	[bflag:$0x0] =	sbarrier.arrive $0xFFFF  }
0xcb: {  	_ =	strace $0x9000004A  }
0xcc: {  	s0 =	stileid.u32;
	[bflag:$0x2] =	sbarrier.arrive $0xFFFF  }
0xcd: {  	p0 =	sne.s32 s0, $0x0;
	s0 =	rddreg [dreg:$0x3]  }
0xce: {  	s0 =	sadd.s32 @!p0 $0x100000, s0  }
0xcf: {  	[sflag:s0] =	ssyncadd.tile.s32 @!p0 $0x1;
	_ =	shalt  }
.Lfunc_end2:
_tile_overlayer_lowered:
.L_overlay_start_2:
0xd0: {  	(tag) =	ssettag $0x2  }
0xd1: {  	s0 =	rddreg [dreg:$0x0];
	s2 =	stileid.u32  }
0xd2: {  	s1 =	rddreg [dreg:$0x1];
	p0 =	sne.s32 s2, $0x0  }
0xd3: {  	s3 =	rddreg [dreg:$0x2];
	[bflag:$0x3] =	sbarrier.arrive $0xFFFF;
	s2 =	simm.s32 @!p0 $0x1C16  }
0xd4: {  	[timem:s3], [sflag:s2] =	dma.local @!p0 [hbm:s0], s1  }
0xd5: {  	s0 =	simm.s32 @!p0 $0x16  }
0xd6: {  	_ =	swait.ge @!p0 [sflag:s0], s1  }
0xd7: {  	s1 =	ssub.s32 @!p0 $0x0, s1;
	[sflag:s0] =	ssyncset.done @!p0 $0x0  }
0xd8: {  	[sflag:s0] =	ssyncadd.s32 @!p0 s1  }
0xd9: {  	[bflag:$0x3] =	sbarrier.arrive $0xFFFF  }
0xda: {  	_ =	shalt  }

// kernel: kernel.15.cloned.1.call-start
scs
__scs_entry_jumppad:
0x0: {  	(pc) =	sbr.rel $0x88, $3  }
0x1: {  	(tag) =	ssettag $0x0;
	lr =	simm.s32 $0x1  }
0x2: {  	[smem:$0x3F99] =	sst lr;
	_ =	strace $0xD0000000  }
0x3: {  	_ = 	snop  }
0x4: {  	_ = 	snop  }
0x5: {  	_ = 	snop  }
0x6: {  	_ = 	snop  }
0x7: {  	_ = 	snop  }
__scs_overlays_trampoline_lowered:
0x8: {  	[smem:$0x3FA8] =	sst s0  }
0x9: {  	[smem:$0x3FA9] =	sst s1  }
0xa: {  	[smem:$0x3FAA] =	sst s2  }
0xb: {  	[smem:$0x3FAB] =	sst s3  }
0xc: {  	[smem:$0x3FAC] =	sst s4  }
0xd: {  	[smem:$0x3FAD] =	sst s5  }
0xe: {  	[smem:$0x3FAE] =	sst s6  }
0xf: {  	[smem:$0x3FAF] =	sst s7  }
0x10: {  	[smem:$0x3FB0] =	sst s8  }
0x11: {  	[smem:$0x3FB1] =	sst s9;
	s0 =	simm.s32 @!p0 $0x0  }
0x12: {  	s1 =	sld [smem:$0x3F97];
	s0 =	simm.s32 @p0 $0x1  }
0x13: {  	[smem:$0x3FB2] =	sst s0;
	s0 =	simm.s32 @!p1 $0x0  }
0x14: {  	s2 =	sld [smem:$0x3F96];
	s0 =	simm.s32 @p1 $0x1  }
0x15: {  	[smem:$0x3FB3] =	sst s0;
	s0 =	simm.s32 @!p2 $0x0  }
0x16: {  	s3 =	sld [smem:$0x3FDB];
	s0 =	simm.s32 @p2 $0x1  }
0x17: {  	s4 =	simm.s32 $0x1BF5;
	[smem:$0x3FB5] =	sst s0  }
0x18: {  	s0 =	sld [smem:$0x3F98];
	_ =	swait.ge [sflag:s4], $0x0  }
0x19: {  	s7 =	sld [smem:$0x3F99]  }
0x1a: {  	s8 =	sadd.s32 $0xFFFFE003, lr  }
0x1b: {  	s9 =	sadd.s32 $0xFFFFFEF7, lr;
	s5 =	simm.s32 $0xFFFFFFFF;
	p2 =	slt.u32 s8, $0xFFFFF086  }
0x1c: {  	p1 =	slt.u32 s9, $0xF7A;
	s5 =	simm.s32 @!p2 $0x0  }
0x1d: {  	s5 =	simm.s32 @p1 $0x1;
	p0 =	seq.s32 s7, s2  }
0x1e: {  	s7 =	smul.u32 @!p0 $0xF7A, s2;
	p2 =	seq.s32 @!p0 s5, $0x0  }
0x1f: {  	s9 =	smul.u32 $0xF7A, s1;
	s8 =	simm.s32 @!p0 $0x1BF5;
	p2 =	por !p2, p0  }
0x20: {  	[sflag:s8] =	ssyncset.s32 @!p0 $0xFFFFF086;
	s6 =	sadd.s32 @!p0 s3, s7;
	s7 =	simm.s32 @!p0 $0x108  }
0x21: {  	s3 =	sadd.s32 s3, s9;
	s6 =	sadd.s32 @!p0 $0x88, s6;
	s7 =	simm.s32 @p2 $0x1082  }
0x22: {  	[simem:s7], [sflag:s8] =	dma.local @!p0 [hbm:s6], $0xF7A  }
0x23: {  	s9 =	sor.u32 $0xD0000000, s2;
	s6 =	simm.s32 $0x108;
	_ =	swait.ge @!p0 [sflag:s8], $0x0  }
0x24: {  	s3 =	sadd.s32 $0x88, s3;
	s6 =	simm.s32 @!p1 $0x1082;
	[sflag:s4] =	ssyncset.s32 $0xFFFFF086  }
0x25: {  	[simem:s6], [sflag:s4] =	dma.local [hbm:s3], $0xF7A  }
0x26: {  	[smem:$0x3F99] =	sst s1;
	(tag) =	ssettag s2;
	_ =	strace s9  }
0x27: {  	s1 =	sld [smem:$0x3FA9]  }
0x28: {  	s2 =	sld [smem:$0x3FAA]  }
0x29: {  	s4 =	sld [smem:$0x3FAC]  }
0x2a: {  	p0 =	seq.s32 s5, $0x0;
	s5 =	sld [smem:$0x3FAD]  }
0x2b: {  	s6 =	sld [smem:$0x3FAE]  }
0x2c: {  	s7 =	sld [smem:$0x3FAF]  }
0x2d: {  	s3 =	simm.s32 $0x108;
	s8 =	sld [smem:$0x3FB0]  }
0x2e: {  	s3 =	simm.s32 @!p0 $0x1082;
	s9 =	sld [smem:$0x3FB1]  }
0x2f: {  	lr =	sadd.s32 s0, s3;
	s0 =	sld [smem:$0x3FA8]  }
0x30: {  	s3 =	sld [smem:$0x3FAB]  }
0x31: {  	[smem:$0x3FB4] =	sst s10  }
0x32: {  	s10 =	sld [smem:$0x3FB2];
	_ =	sdelay $0x3  }
0x33: {  	p0 =	seq.s32 s10, $0x1;
	s10 =	sld [smem:$0x3FB4];
	_ =	sdelay $0x3  }
0x34: {  	[smem:$0x3FB4] =	sst s10  }
0x35: {  	s10 =	sld [smem:$0x3FB3];
	_ =	sdelay $0x3  }
0x36: {  	p1 =	seq.s32 s10, $0x1;
	s10 =	sld [smem:$0x3FB4];
	_ =	sdelay $0x3  }
0x37: {  	[smem:$0x3FB4] =	sst s10  }
0x38: {  	s10 =	sld [smem:$0x3FB5]  }
0x39: {  	_ = 	snop;
	(pc) =	sbr.ind lr, $3  }
0x3a: {  	_ = 	snop  }
0x3b: {  	_ = 	snop  }
0x3c: {  	p2 =	seq.s32 s10, $0x1;
	s10 =	sld [smem:$0x3FB4]  }
0x3d: {  	_ =	shalt  }
0x3e: {  	_ =	shalt  }
0x3f: {  	_ =	shalt  }
0x40: {  	_ =	shalt  }
0x41: {  	_ =	shalt  }
0x42: {  	_ =	shalt  }
0x43: {  	_ =	shalt  }
0x44: {  	_ =	shalt  }
0x45: {  	_ =	shalt  }
0x46: {  	_ =	shalt  }
0x47: {  	_ =	shalt  }
0x48: {  	_ =	shalt  }
0x49: {  	_ =	shalt  }
0x4a: {  	_ =	shalt  }
0x4b: {  	_ =	shalt  }
0x4c: {  	_ =	shalt  }
0x4d: {  	_ =	shalt  }
0x4e: {  	_ =	shalt  }
0x4f: {  	_ =	shalt  }
0x50: {  	_ =	shalt  }
0x51: {  	_ =	shalt  }
0x52: {  	_ =	shalt  }
0x53: {  	_ =	shalt  }
0x54: {  	_ =	shalt  }
0x55: {  	_ =	shalt  }
0x56: {  	_ =	shalt  }
0x57: {  	_ =	shalt  }
0x58: {  	_ =	shalt  }
0x59: {  	_ =	shalt  }
0x5a: {  	_ =	shalt  }
0x5b: {  	_ =	shalt  }
0x5c: {  	_ =	shalt  }
0x5d: {  	_ =	shalt  }
0x5e: {  	_ =	shalt  }
0x5f: {  	_ =	shalt  }
0x60: {  	_ =	shalt  }
0x61: {  	_ =	shalt  }
0x62: {  	_ =	shalt  }
0x63: {  	_ =	shalt  }
0x64: {  	_ =	shalt  }
0x65: {  	_ =	shalt  }
0x66: {  	_ =	shalt  }
0x67: {  	_ =	shalt  }
0x68: {  	_ =	shalt  }
0x69: {  	_ =	shalt  }
0x6a: {  	_ =	shalt  }
0x6b: {  	_ =	shalt  }
0x6c: {  	_ =	shalt  }
0x6d: {  	_ =	shalt  }
0x6e: {  	_ =	shalt  }
0x6f: {  	_ =	shalt  }
0x70: {  	_ =	shalt  }
0x71: {  	_ =	shalt  }
0x72: {  	_ =	shalt  }
0x73: {  	_ =	shalt  }
0x74: {  	_ =	shalt  }
0x75: {  	_ =	shalt  }
0x76: {  	_ =	shalt  }
0x77: {  	_ =	shalt  }
0x78: {  	_ =	shalt  }
0x79: {  	_ =	shalt  }
0x7a: {  	_ =	shalt  }
0x7b: {  	_ =	shalt  }
0x7c: {  	_ =	shalt  }
0x7d: {  	_ =	shalt  }
0x7e: {  	_ =	shalt  }
0x7f: {  	_ =	shalt  }
0x80: {  	_ =	shalt  }
0x81: {  	_ =	shalt  }
0x82: {  	_ =	shalt  }
0x83: {  	_ =	shalt  }
0x84: {  	_ =	shalt  }
0x85: {  	_ =	shalt  }
0x86: {  	_ =	shalt  }
0x87: {  	_ =	shalt  }
.Lfunc_end0:
.L_simem_size_0:
called_computation.2_lowered:
.L_overlay_start_0:
0x88: {  	s2 =	sld [smem:$0x3FD9]  }
0x89: {  	s3 =	sld [smem:$0x3FFE];
	_ =	sdelay $0x1  }
0x8a: {  	s1 =	srdreg.scid  }
0x8b: {  	s0 =	sand.u32 $0x1, s1  }
0x8c: {  	s17 =	sshll.u32 s0, $0xA;
	s2 =	sadd.s32 s3, s2  }
0x8d: {  	s2 =	sadd.s32 s2, s17  }
0x8e: {  	[smem:$0x3FC0] =	sst s2  }
0x8f: {  	_ = 	snop  }
0x90: {  	s2 =	sld [smem:$0x3FD0];
	(tm) =	ssettm $0x1  }
0x91: {  	s18 =	sld [smem:$0x3FFB];
	_ =	sdelay $0x3  }
0x92: {  	_ =	strace s18  }
0x93: {  	s3 =	sld [smem:$0x3FFC];
	_ =	sdelay $0x3  }
0x94: {  	_ =	strace s3  }
0x95: {  	s3 =	sld [smem:$0x3FFD];
	_ =	sdelay $0x3  }
0x96: {  	_ =	strace s3  }
0x97: {  	_ =	strace $0x8FFFFFFF  }
0x98: {  	s19 =	sld [smem:$0x3FDB];
	_ =	sdelay $0x1  }
0x99: {  	s4 =	simm.s32 $_scs_section_size  }
0x9a: {  	s5 =	simm.s32 $_size__tile_overlayer_lowered;
	s6 =	simm.s32 $_tile_overlayer_lowered  }
0x9b: {  	s22 =	simm.s32 $0x1BFF;
	s21 =	sshll.u32 s6, $0x1;
	s3 =	sadd.s32 s4, s19  }
0x9c: {  	s7 =	simm.s32 $0x0;
	s20 =	sshll.u32 s5, $0x1;
	s5 =	sadd.s32 s21, s3  }
0x9d: {  	[timem:s7], [sflag:s22] =	dma.local [hbm:s5], s20  }
0x9e: {  	_ =	swait.ge [sflag:s22], s20  }
0x9f: {  	s4 =	ssub.s32 $0x0, s20;
	[sflag:s22] =	ssyncset.done $0x0  }
0xa0: {  	[sflag:s22] =	ssyncadd.s32 s4;
	_ =	sdelay $0x1  }
0xa1: {  	s23 =	simm.s32 $0x1B8B  }
0xa2: {  	_ =	swait.ge [sflag:s23], $0x1  }
0xa3: {  	[sflag:s23] =	ssyncset.done $0x0  }
0xa4: {  	s25 =	simm.s32 $0x1B8E;
	s24 =	sld [smem:$0x3FFE];
	[sflag:s23] =	ssyncadd.s32 $0xFFFFFFFF  }
0xa5: {  	s26 =	simm.s32 $execute0_lowered;
	[smem:$0x3FD2] =	sst s25  }
0xa6: {  	s5 =	sshll.u32 s26, $0x1;
	_ =	strace $0x8000004C;
	[dreg:$0x1] =	wrdreg $0xFFFFFFFF  }
0xa7: {  	s28 =	simm.s32 $_size_execute0_lowered;
	s3 =	sadd.s32 s3, s5;
	[dreg:$0x0] =	wrdreg $0x0  }
0xa8: {  	s5 =	sshll.u32 s28, $0x1;
	[dreg:$0x2] =	wrdreg s3  }
0xa9: {  	[dreg:$0x3] =	wrdreg s5  }
0xaa: {  	[dreg:$0x4] =	wrdreg $0xC0  }
0xab: {  	_ =	task [dreg:s7], $0x5FFFF  }
0xac: {  	[dreg:$0x1] =	wrdreg $0xFFFFFFFF  }
0xad: {  	[dreg:$0x0] =	wrdreg $0x60  }
0xae: {  	[dreg:$0x2] =	wrdreg s24  }
0xaf: {  	[dreg:$0x3] =	wrdreg s2  }
0xb0: {  	[dreg:$0x4] =	wrdreg $0x78000  }
0xb1: {  	[dreg:$0x5] =	wrdreg $0x9  }
0xb2: {  	_ =	task.clear_ibuf [dreg:s7], $0x6FFFF;
	_ =	strace $0x9000004C  }
0xb3: {  	s29 =	simm.s32 $0x9;
	_ =	strace $0x8000004E  }
0xb4: {  	_ =	swait.ge [sflag:s29], $0x1  }
0xb5: {  	[sflag:s29] =	ssyncadd.s32 $0xFFFFFFFF  }
0xb6: {  	_ =	strace $0x9000004E  }
0xb7: {  	_ =	sfence  }
0xb8: {  	s30 =	sld [smem:$0x0];
	_ =	sdelay $0x2  }
0xb9: {  	s31 =	sshll.u32 s1, $0xD;
	s1 =	sshrl.u32 s1, $0x2  }
0xba: {  	s3 =	sand.u32 $0x4000, s31;
	s1 =	sadd.s32 s1, s30  }
0xbb: {  	s0 =	sor.u32 s3, s0;
	s1 =	sshll.u32 s1, $0x11  }
0xbc: {  	s0 =	sor.u32 s1, s0  }
0xbd: {  	s0 =	sadd.s32 $0x8F2B, s0  }
0xbe: {  	[sflag:s0] =	ssyncadd.remote.s32 $0x1  }
0xbf: {  	_ =	sfence.sel $0xFFFF  }
0xc0: {  	[dreg:$0x0] =	wrdreg $0xFFFFFFFF;
	(pc) =	sbr.abs _section_cstart, $3  }
0xc1: {  	[dreg:$0x1] =	wrdreg $0xFFFFFFFF  }
0xc2: {  	_ =	task.clear_ibuf [dreg:s7], $0x2FFFF;
	_ =	strace $0x9FFFFFFF  }
0xc3: {  	(tm) =	ssettm $0x7FFFFFFF  }
tec
execute0_lowered:
.L_overlay_start_1:
0x0: {  	(tag) =	ssettag $0x1  }
0x1: {  	s0 =	rddreg [dreg:$0x0]  }
0x2: {  	s2 =	rddreg [dreg:$0x1]  }
0x3: {  	s1 =	rddreg [dreg:$0x2];
	s3 =	srdreg.scid  }
0x4: {  	s4 =	simm.s32 $0x0;
	s10 =	stileid.u32;
	s12 =	simm.s32 $0x16  }
0x5: {  	s14 =	simm.s32 $0x1;
	s15 =	simm.s32 $0x80;
	s16 =	simm.s32 $0x5000  }
0x6: {  	s17 =	simm.s32 $0x5400;
	s19 =	simm.s32 $0x5800;
	s28 =	simm.s32 $0x6800  }
0x7: {  	s29 =	simm.s32 $0x4;
	s30 =	simm.s32 $0x6C00;
	s31 =	simm.s32 $0x5  }
0x8: {  	s11 =	simm.s32 $0x9;
	s18 =	simm.s32 $0xB;
	s3 =	sand.u32 $0x1, s3  }
0x9: {  	[smem:$0x7FF] =	sst s4;
	s6 =	smul.u32 $0x1400, s10;
	s4 =	sadd.s32 $0x3000, s0  }
0xa: {  	s24 =	sshll.u32 s10, $0x6;
	s21 =	sshll.u32 s3, $0x4;
	_ =	strace $0x8000004D  }
0xb: {  	s7 =	ssub.s32 $0x2, s3;
	s3 =	smul.u32 $0x14000, s3;
	s5 =	sor.u32 s10, s21  }
0xc: {  	s8 =	sshrl.u32 s6, $0x3;
	s9 =	sshrl.u32 s7, $0x1;
	s23 =	sadd.s32 s6, s1  }
0xd: {  	s21 =	simm.s32 $0x5C00;
	s5 =	smul.u32 $0x500, s5;
	s7 =	ssub.s32 s7, s9  }
0xe: {  	s3 =	sadd.s32 s6, s3;
	s10 =	sshrl.u32 s23, $0x3;
	s23 =	simm.s32 $0x6000  }
0xf: {  	s3 =	sshrl.u32 s3, $0x3;
	s26 =	smax.u32 s7, $0x1;
	s7 =	simm.s32 $0x10  }
0x10: {  	[dreg:$0xa] =	wrdreg s10;
	s5 =	sadd.s32 s5, s0;
	s0 =	sadd.s32 s8, s0  }
0x11: {  	s8 =	sor.u32 $0x1C16, s24;
	s25 =	sadd.s32 s2, s3;
	[dreg:$0x9] =	wrdreg s26  }
.Ltmp0:
0x12: {  	s24 =	simm.s32 $0x2;
	[dreg:$0x8] =	wrdreg s25;
	(pc) =	sbr.rel .LBB2_1-.Ltmp0, $4  }
0x13: {  	s26 =	simm.s32 $0x3;
	s22 =	sadd.s32 $0x16A00, s5;
	[dreg:$0x7] =	wrdreg s8  }
0x14: {  	s2 =	simm.s32 $0x7;
	s5 =	sadd.s32 $0x20A00, s5;
	[dreg:$0x4] =	wrdreg s22  }
0x15: {  	s0 =	sadd.s32 $0x5800, s0;
	s25 =	simm.s32 $0x6400;
	[dreg:$0x5] =	wrdreg s5  }
0x16: {  	[dreg:$0x6] =	wrdreg s0;
	s0 =	simm.s32 $0x7400;
	s5 =	simm.s32 $0x0  }
.LBB2_4:
0x17: {  	s3 =	simm.s32 $0xC  }
0x18: {  	_ =	swait.ge [sflag:s3], $0x400  }
0x19: {  	[sflag:s3] =	ssyncset.done $0x0  }
0x1a: {  	s20 =	simm.s32 $0xD;
	[sflag:s3] =	ssyncadd.s32 $0xFFFFFC00  }
0x1b: {  	_ =	swait.ge [sflag:s20], $0x400  }
0x1c: {  	[sflag:s20] =	ssyncset.done $0x0  }
0x1d: {  	s22 =	simm.s32 $0xE;
	[sflag:s20] =	ssyncadd.s32 $0xFFFFFC00  }
0x1e: {  	_ =	swait.ge [sflag:s22], $0x400  }
0x1f: {  	[sflag:s22] =	ssyncset.done $0x0  }
0x20: {  	s6 =	simm.s32 $0xF;
	[sflag:s22] =	ssyncadd.s32 $0xFFFFFC00  }
0x21: {  	_ =	swait.ge [sflag:s6], $0x400  }
0x22: {  	[sflag:s6] =	ssyncset.done $0x0  }
0x23: {  	[sflag:s6] =	ssyncadd.s32 $0xFFFFFC00  }
0x24: {  	_ =	swait.ge [sflag:s7], $0x400  }
0x25: {  	[sflag:s7] =	ssyncset.done $0x0  }
0x26: {  	s8 =	simm.s32 $0x11;
	[sflag:s7] =	ssyncadd.s32 $0xFFFFFC00  }
0x27: {  	_ =	swait.ge [sflag:s8], $0x400  }
0x28: {  	[sflag:s8] =	ssyncset.done $0x0  }
0x29: {  	s9 =	simm.s32 $0x12;
	[sflag:s8] =	ssyncadd.s32 $0xFFFFFC00  }
0x2a: {  	_ =	swait.ge [sflag:s9], $0x400  }
0x2b: {  	[sflag:s9] =	ssyncset.done $0x0  }
0x2c: {  	s10 =	simm.s32 $0x13;
	[sflag:s9] =	ssyncadd.s32 $0xFFFFFC00  }
0x2d: {  	_ =	swait.ge [sflag:s10], $0x400  }
0x2e: {  	[sflag:s10] =	ssyncset.done $0x0  }
0x2f: {  	s12 =	simm.s32 $0x14;
	[sflag:s10] =	ssyncadd.s32 $0xFFFFFC00  }
0x30: {  	_ =	swait.ge [sflag:s12], $0x400  }
0x31: {  	[sflag:s12] =	ssyncset.done $0x0  }
0x32: {  	s13 =	simm.s32 $0x15;
	[sflag:s12] =	ssyncadd.s32 $0xFFFFFC00  }
0x33: {  	_ =	swait.ge [sflag:s13], $0x400  }
0x34: {  	[sflag:s13] =	ssyncset.done $0x0  }
0x35: {  	[sflag:s13] =	ssyncadd.s32 $0xFFFFFC00  }
0x36: {  	[bflag:$0x0] =	sbarrier.arrive $0xFFFF  }
0x37: {  	s8 =	rddreg [dreg:$0x7]  }
0x38: {  	s20 =	rddreg [dreg:$0x8]  }
0x39: {  	s12 =	simm.s32 $0x16;
	s10 =	rddreg [dreg:$0xa]  }
0x3a: {  	[hbm:s20], [sflag:s8] =	dma.local [spmem:s10], $0x280  }
0x3b: {  	_ =	swait.ge [sflag:s12], $0x280  }
0x3c: {  	s5 =	sadd.s32 $0x1, s5;
	s22 =	rddreg [dreg:$0x9]  }
0x3d: {  	p0 =	sne.s32 s5, s22  }
.Ltmp1:
0x3e: {  	_ = 	snop;
	(pc) =	sbr.rel @!p0 .LBB2_5-.Ltmp1, $3  }
0x3f: {  	_ =	sdelay $0x1  }
0x40: {  	[sflag:s12] =	ssyncset.done $0x0  }
0x41: {  	[sflag:s12] =	ssyncadd.s32 $0xFFFFFD80  }
.LBB2_1:
0x42: {  	s3 =	simm.s32 $0x0;
	s6 =	rddreg [dreg:$0x4]  }
0x43: {  	[tilespmem:s3], [sflag:$0x1] =	stream.linear.gather [hbm4b:s6+s3], $0x2800, $0x38;
	[tilespmem:$0x8C00] =	vst v63  }
0x44: {  	s22 =	rddreg [dreg:$0x5];
	s9 =	simm.s32 $0x2800  }
0x45: {  	[tilespmem:s9], [sflag:$0x1] =	stream.linear.gather [hbm4b:s22+s3], $0x2800, $0x38;
	[tilespmem:$0x8C00] =	vst v63  }
0x46: {  	s9 =	rddreg [dreg:$0x6]  }
0x47: {  	[spmem:s10], [sflag:s8] =	dma.local [hbm:s9], $0x280  }
0x48: {  	_ =	swait.ge [sflag:s12], $0x280  }
0x49: {  	[sflag:s12] =	ssyncset.done $0x0  }
0x4a: {  	[sflag:s12] =	ssyncadd.s32 $0xFFFFFD80  }
0x4b: {  	_ =	swait.ge [sflag:s14], $0x2800  }
0x4c: {  	[sflag:s14] =	ssyncset.done $0x0  }
0x4d: {  	[sflag:s14] =	ssyncadd.s32 $0xFFFFD800  }
0x4e: {  	_ =	swait.ge [sflag:s14], $0x2800  }
0x4f: {  	[sflag:s14] =	ssyncset.done $0x0  }
0x50: {  	[sflag:s14] =	ssyncadd.s32 $0xFFFFD800  }
0x51: {  	[bflag:$0x0] =	sbarrier.arrive $0xFFFF  }
0x52: {  	[tilespmem:s16], [sflag:$0x2] =	stream.indirect.gather [hbm4b:s4+s15], $0x8, s3, s15, $0xb8;
	[tilespmem:$0x8C00] =	vst v63  }
0x53: {  	_ = 	snop  }
0x54: {  	[tilespmem:s17], [sflag:$0x3] =	stream.indirect.gather [hbm4b:s4+s15], $0x8, s15, s15, $0xb8;
	[tilespmem:$0x8C00] =	vst v63  }
0x55: {  	s13 =	simm.s32 $0x100  }
0x56: {  	[tilespmem:s19], [sflag:$0x4] =	stream.indirect.gather [hbm4b:s4+s15], $0x8, s13, s15, $0xb8;
	[tilespmem:$0x8C00] =	vst v63  }
0x57: {  	s20 =	simm.s32 $0x180  }
0x58: {  	[tilespmem:s21], [sflag:$0x5] =	stream.indirect.gather [hbm4b:s4+s15], $0x8, s20, s15, $0xb8;
	[tilespmem:$0x8C00] =	vst v63  }
0x59: {  	s6 =	simm.s32 $0xFFFFFFFA;
	s22 =	simm.s32 $0x200;
	s9 =	simm.s32 $0x0  }
0x5a: {  	[tilespmem:s23], [sflag:$0x6] =	stream.indirect.gather [hbm4b:s4+s15], $0x8, s22, s15, $0xb8;
	[tilespmem:$0x8C00] =	vst v63  }
.LBB2_2:
0x5b: {  	_ =	swait.ge [sflag:s24], $0x400  }
0x5c: {  	s10 =	sshra.s32 s9, $0x2;
	[sflag:s24] =	ssyncset.done $0x0  }
0x5d: {  	p0 =	sgt.u32 s6, $0x45;
	s3 =	sadd.s32 $0x2800, s10;
	[sflag:s24] =	ssyncadd.s32 $0xFFFFFC00  }
0x5e: {  	[spmem:s1] =	stream.indirect.scatter.add.f32 [tilespmem:s16], [sflag:$0xC], $0x8, s3, s15, $0xb8;
	[tilespmem:$0x8C00] =	vst v63  }
0x5f: {  	s3 =	simm.s32 @!p0 $0x11  }
0x60: {  	_ =	swait.ge @!p0 [sflag:s3], $0x400  }
0x61: {  	[sflag:s3] =	ssyncset.done @!p0 $0x0  }
0x62: {  	s22 =	sadd.s32 $0x280, s10;
	[sflag:s3] =	ssyncadd.s32 @!p0 $0xFFFFFC00  }
0x63: {  	[tilespmem:s25], [sflag:$0x7] =	stream.indirect.gather [hbm4b:s4+s15], $0x8, s22, s15, $0xb8;
	[tilespmem:$0x8C00] =	vst v63  }
0x64: {  	_ =	swait.ge [sflag:s26], $0x400  }
0x65: {  	p0 =	seq.s32 s9, $0x0;
	[sflag:s26] =	ssyncset.done $0x0  }
0x66: {  	s8 =	sadd.s32 $0x2880, s10;
	s3 =	simm.s32 @!p0 $0x12;
	[sflag:s26] =	ssyncadd.s32 $0xFFFFFC00  }
0x67: {  	[spmem:s1] =	stream.indirect.scatter.add.f32 [tilespmem:s17], [sflag:$0xD], $0x8, s8, s15, $0xb8;
	[tilespmem:$0x8C00] =	vst v63  }
0x68: {  	_ =	swait.ge @!p0 [sflag:s3], $0x400  }
0x69: {  	[sflag:s3] =	ssyncset.done @!p0 $0x0  }
0x6a: {  	s12 =	sadd.s32 $0x300, s10;
	[sflag:s3] =	ssyncadd.s32 @!p0 $0xFFFFFC00  }
0x6b: {  	[tilespmem:s28], [sflag:$0x8] =	stream.indirect.gather [hbm4b:s4+s15], $0x8, s12, s15, $0xb8;
	[tilespmem:$0x8C00] =	vst v63  }
0x6c: {  	s20 =	sadd.s32 $0x2, s6;
	_ =	swait.ge [sflag:s29], $0x400  }
0x6d: {  	p0 =	sgt.u32 s20, $0x45;
	[sflag:s29] =	ssyncset.done $0x0  }
0x6e: {  	s13 =	sadd.s32 $0x2900, s10;
	s3 =	simm.s32 @!p0 $0x13;
	[sflag:s29] =	ssyncadd.s32 $0xFFFFFC00  }
0x6f: {  	[spmem:s1] =	stream.indirect.scatter.add.f32 [tilespmem:s19], [sflag:$0xE], $0x8, s13, s15, $0xb8;
	[tilespmem:$0x8C00] =	vst v63  }
0x70: {  	_ =	swait.ge @!p0 [sflag:s3], $0x400  }
0x71: {  	[sflag:s3] =	ssyncset.done @!p0 $0x0  }
0x72: {  	s22 =	sadd.s32 $0x380, s10;
	[sflag:s3] =	ssyncadd.s32 @!p0 $0xFFFFFC00  }
0x73: {  	[tilespmem:s30], [sflag:$0x9] =	stream.indirect.gather [hbm4b:s4+s15], $0x8, s22, s15, $0xb8;
	[tilespmem:$0x8C00] =	vst v63  }
0x74: {  	s12 =	sadd.s32 $0x4, s6;
	_ =	swait.ge [sflag:s31], $0x400  }
0x75: {  	p0 =	sgt.u32 s12, $0x45;
	[sflag:s31] =	ssyncset.done $0x0  }
0x76: {  	s8 =	sadd.s32 $0x2980, s10;
	s3 =	sshra.s32 @p0 s9, $0x2;
	[sflag:s31] =	ssyncadd.s32 $0xFFFFFC00  }
0x77: {  	[spmem:s1] =	stream.indirect.scatter.add.f32 [tilespmem:s21], [sflag:$0xF], $0x8, s8, s15, $0xb8;
	[tilespmem:$0x8C00] =	vst v63  }
0x78: {  	s22 =	simm.s32 @p0 $0x80;
	s20 =	sadd.s32 @p0 $0x400, s3;
	s8 =	simm.s32 @p0 $0x7000  }
0x79: {  	[tilespmem:s8], [sflag:$0xA] =	stream.indirect.gather @p0 [hbm4b:s4+s22], $0x8, s20, s22, $0xb8;
	[tilespmem:$0x8C00] =	vst v63  }
0x7a: {  	s8 =	simm.s32 @p0 $0x6  }
0x7b: {  	_ =	swait.ge @p0 [sflag:s8], $0x400  }
0x7c: {  	[sflag:s8] =	ssyncset.done @p0 $0x0  }
0x7d: {  	s3 =	sadd.s32 @p0 $0x2A00, s3;
	[sflag:s8] =	ssyncadd.s32 @p0 $0xFFFFFC00;
	s8 =	simm.s32 @p0 $0x6000  }
0x7e: {  	[spmem:s1] =	stream.indirect.scatter.add.f32 @p0 [tilespmem:s8], [sflag:$0x10], $0x8, s3, s22, $0xb8;
	[tilespmem:$0x8C00] =	vst v63  }
0x7f: {  	s3 =	simm.s32 @!p0 $0x14  }
0x80: {  	_ =	swait.ge @!p0 [sflag:s3], $0x400  }
0x81: {  	[sflag:s3] =	ssyncset.done @!p0 $0x0  }
0x82: {  	[sflag:s3] =	ssyncadd.s32 @!p0 $0xFFFFFC00;
	s3 =	sshra.s32 @!p0 s9, $0x2  }
0x83: {  	s20 =	simm.s32 @!p0 $0x80;
	s22 =	simm.s32 @!p0 $0x7000;
	s8 =	sadd.s32 @!p0 $0x400, s3  }
0x84: {  	[tilespmem:s22], [sflag:$0xA] =	stream.indirect.gather @!p0 [hbm4b:s4+s20], $0x8, s8, s20, $0xb8;
	[tilespmem:$0x8C00] =	vst v63  }
0x85: {  	s8 =	simm.s32 @!p0 $0x6  }
0x86: {  	_ =	swait.ge @!p0 [sflag:s8], $0x400  }
0x87: {  	[sflag:s8] =	ssyncset.done @!p0 $0x0  }
0x88: {  	s3 =	sadd.s32 @!p0 $0x2A00, s3;
	[sflag:s8] =	ssyncadd.s32 @!p0 $0xFFFFFC00;
	s8 =	simm.s32 @!p0 $0x6000  }
0x89: {  	[spmem:s1] =	stream.indirect.scatter.add.f32 @!p0 [tilespmem:s8], [sflag:$0x10], $0x8, s3, s20, $0xb8;
	[tilespmem:$0x8C00] =	vst v63  }
0x8a: {  	s3 =	simm.s32 @!p0 $0x15  }
0x8b: {  	_ =	swait.ge @!p0 [sflag:s3], $0x400  }
0x8c: {  	[sflag:s3] =	ssyncset.done @!p0 $0x0  }
0x8d: {  	s13 =	sadd.s32 $0x480, s10;
	[sflag:s3] =	ssyncadd.s32 @!p0 $0xFFFFFC00  }
0x8e: {  	[tilespmem:s0], [sflag:$0xB] =	stream.indirect.gather [hbm4b:s4+s15], $0x8, s13, s15, $0xb8;
	[tilespmem:$0x8C00] =	vst v63  }
0x8f: {  	_ =	swait.ge [sflag:s2], $0x400  }
0x90: {  	p0 =	seq.s32 s9, $0x8C00;
	[sflag:s2] =	ssyncset.done $0x0  }
0x91: {  	s20 =	sadd.s32 $0x2A80, s10;
	s3 =	simm.s32 @p0 $0x8;
	[sflag:s2] =	ssyncadd.s32 $0xFFFFFC00  }
0x92: {  	[spmem:s1] =	stream.indirect.scatter.add.f32 [tilespmem:s25], [sflag:$0x11], $0x8, s20, s15, $0xb8;
	[tilespmem:$0x8C00] =	vst v63  }
0x93: {  	_ =	swait.ge @p0 [sflag:s3], $0x400  }
0x94: {  	[sflag:s3] =	ssyncset.done @p0 $0x0  }
0x95: {  	[sflag:s3] =	ssyncadd.s32 @p0 $0xFFFFFC00;
	s3 =	sshra.s32 @p0 s9, $0x2  }
0x96: {  	s22 =	simm.s32 @p0 $0x6800;
	s20 =	simm.s32 @p0 $0x80;
	s8 =	sadd.s32 @p0 $0x2B00, s3  }
0x97: {  	[spmem:s1] =	stream.indirect.scatter.add.f32 @p0 [tilespmem:s22], [sflag:$0x12], $0x8, s8, s20, $0xb8;
	[tilespmem:$0x8C00] =	vst v63  }
0x98: {  	s8 =	simm.s32 @!p0 $0xC  }
0x99: {  	_ =	swait.ge @!p0 [sflag:s8], $0x400  }
0x9a: {  	[sflag:s8] =	ssyncset.done @!p0 $0x0  }
0x9b: {  	[sflag:s8] =	ssyncadd.s32 @!p0 $0xFFFFFC00;
	s8 =	sshra.s32 @!p0 s9, $0x2  }
0x9c: {  	s12 =	simm.s32 @!p0 $0x80;
	s13 =	simm.s32 @!p0 $0x5000;
	s22 =	sadd.s32 @!p0 $0x500, s8  }
0x9d: {  	[tilespmem:s13], [sflag:$0x2] =	stream.indirect.gather @!p0 [hbm4b:s4+s12], $0x8, s22, s12, $0xb8;
	[tilespmem:$0x8C00] =	vst v63  }
0x9e: {  	s13 =	simm.s32 @!p0 $0x8  }
0x9f: {  	_ =	swait.ge @!p0 [sflag:s13], $0x400  }
0xa0: {  	[sflag:s13] =	ssyncset.done @!p0 $0x0  }
0xa1: {  	s22 =	simm.s32 @!p0 $0x6800;
	[sflag:s13] =	ssyncadd.s32 @!p0 $0xFFFFFC00;
	s13 =	sadd.s32 @!p0 $0x2B00, s8  }
0xa2: {  	[spmem:s1] =	stream.indirect.scatter.add.f32 @!p0 [tilespmem:s22], [sflag:$0x12], $0x8, s13, s12, $0xb8;
	[tilespmem:$0x8C00] =	vst v63  }
0xa3: {  	s13 =	simm.s32 @!p0 $0xD  }
0xa4: {  	_ =	swait.ge @!p0 [sflag:s13], $0x400  }
0xa5: {  	[sflag:s13] =	ssyncset.done @!p0 $0x0  }
0xa6: {  	s22 =	simm.s32 @!p0 $0x5400;
	[sflag:s13] =	ssyncadd.s32 @!p0 $0xFFFFFC00;
	s13 =	sadd.s32 @!p0 $0x580, s8  }
0xa7: {  	[tilespmem:s22], [sflag:$0x3] =	stream.indirect.gather @!p0 [hbm4b:s4+s12], $0x8, s13, s12, $0xb8;
	[tilespmem:$0x8C00] =	vst v63  }
0xa8: {  	_ =	swait.ge [sflag:s11], $0x400  }
0xa9: {  	[sflag:s11] =	ssyncset.done $0x0  }
0xaa: {  	s22 =	sadd.s32 $0x2B80, s10;
	s13 =	simm.s32 @p0 $0xA;
	[sflag:s11] =	ssyncadd.s32 $0xFFFFFC00  }
0xab: {  	[spmem:s1] =	stream.indirect.scatter.add.f32 [tilespmem:s30], [sflag:$0x13], $0x8, s22, s15, $0xb8;
	[tilespmem:$0x8C00] =	vst v63  }
0xac: {  	_ =	swait.ge @p0 [sflag:s13], $0x400  }
0xad: {  	[sflag:s13] =	ssyncset.done @p0 $0x0  }
0xae: {  	s3 =	sadd.s32 @p0 $0x2C00, s3;
	[sflag:s13] =	ssyncadd.s32 @p0 $0xFFFFFC00;
	s13 =	simm.s32 @p0 $0x7000  }
0xaf: {  	[spmem:s1] =	stream.indirect.scatter.add.f32 @p0 [tilespmem:s13], [sflag:$0x14], $0x8, s3, s20, $0xb8;
	[tilespmem:$0x8C00] =	vst v63  }
0xb0: {  	s3 =	simm.s32 @!p0 $0xE  }
0xb1: {  	_ =	swait.ge @!p0 [sflag:s3], $0x400  }
0xb2: {  	[sflag:s3] =	ssyncset.done @!p0 $0x0  }
0xb3: {  	s13 =	simm.s32 @!p0 $0x5800;
	[sflag:s3] =	ssyncadd.s32 @!p0 $0xFFFFFC00;
	s3 =	sadd.s32 @!p0 $0x600, s8  }
0xb4: {  	[tilespmem:s13], [sflag:$0x4] =	stream.indirect.gather @!p0 [hbm4b:s4+s12], $0x8, s3, s12, $0xb8;
	[tilespmem:$0x8C00] =	vst v63  }
0xb5: {  	s3 =	simm.s32 @!p0 $0xA  }
0xb6: {  	_ =	swait.ge @!p0 [sflag:s3], $0x400  }
0xb7: {  	[sflag:s3] =	ssyncset.done @!p0 $0x0  }
0xb8: {  	s13 =	simm.s32 @!p0 $0x7000;
	[sflag:s3] =	ssyncadd.s32 @!p0 $0xFFFFFC00;
	s3 =	sadd.s32 @!p0 $0x2C00, s8  }
0xb9: {  	[spmem:s1] =	stream.indirect.scatter.add.f32 @!p0 [tilespmem:s13], [sflag:$0x14], $0x8, s3, s12, $0xb8;
	[tilespmem:$0x8C00] =	vst v63  }
0xba: {  	s3 =	simm.s32 @!p0 $0xF  }
0xbb: {  	_ =	swait.ge @!p0 [sflag:s3], $0x400  }
0xbc: {  	[sflag:s3] =	ssyncset.done @!p0 $0x0  }
0xbd: {  	[sflag:s3] =	ssyncadd.s32 @!p0 $0xFFFFFC00;
	s3 =	sadd.s32 @!p0 $0x680, s8;
	s8 =	simm.s32 @!p0 $0x5C00  }
0xbe: {  	[tilespmem:s8], [sflag:$0x5] =	stream.indirect.gather @!p0 [hbm4b:s4+s12], $0x8, s3, s12, $0xb8;
	[tilespmem:$0x8C00] =	vst v63  }
.Ltmp2:
0xbf: {  	_ = 	snop;
	(pc) =	sbr.rel @p0 .LBB2_4-.Ltmp2, $4  }
0xc0: {  	_ =	swait.ge [sflag:s18], $0x400  }
0xc1: {  	[sflag:s18] =	ssyncset.done $0x0  }
0xc2: {  	s22 =	sadd.s32 $0x2C80, s10;
	[sflag:s18] =	ssyncadd.s32 $0xFFFFFC00  }
0xc3: {  	[spmem:s1] =	stream.indirect.scatter.add.f32 [tilespmem:s0], [sflag:$0x15], $0x8, s22, s15, $0xb8;
	[tilespmem:$0x8C00] =	vst v63  }
.Ltmp3:
0xc4: {  	(pc) =	sbr.rel .LBB2_2-.Ltmp3, $4  }
0xc5: {  	_ =	swait.ge [sflag:s7], $0x400  }
0xc6: {  	s3 =	sadd.s32 $0x700, s10;
	[sflag:s7] =	ssyncset.done $0x0  }
0xc7: {  	s9 =	sadd.s32 $0x1400, s9;
	s6 =	sadd.s32 $0xA, s6;
	[sflag:s7] =	ssyncadd.s32 $0xFFFFFC00  }
0xc8: {  	[tilespmem:s23], [sflag:$0x6] =	stream.indirect.gather [hbm4b:s4+s15], $0x8, s3, s15, $0xb8;
	[tilespmem:$0x8C00] =	vst v63  }
.LBB2_5:
0xc9: {  	_ =	sfence.sel $0x180000  }
0xca: {  	[bflag:$0x0] =	sbarrier.arrive $0xFFFF  }
0xcb: {  	_ =	strace $0x9000004D  }
0xcc: {  	s0 =	stileid.u32;
	[bflag:$0x2] =	sbarrier.arrive $0xFFFF  }
0xcd: {  	p0 =	sne.s32 s0, $0x0;
	s0 =	rddreg [dreg:$0x3]  }
0xce: {  	s0 =	sadd.s32 @!p0 $0x100000, s0  }
0xcf: {  	[sflag:s0] =	ssyncadd.tile.s32 @!p0 $0x1;
	_ =	shalt  }
.Lfunc_end2:
_tile_overlayer_lowered:
.L_overlay_start_2:
0xd0: {  	(tag) =	ssettag $0x2  }
0xd1: {  	s0 =	rddreg [dreg:$0x0];
	s2 =	stileid.u32  }
0xd2: {  	s1 =	rddreg [dreg:$0x1];
	p0 =	sne.s32 s2, $0x0  }
0xd3: {  	s3 =	rddreg [dreg:$0x2];
	[bflag:$0x3] =	sbarrier.arrive $0xFFFF;
	s2 =	simm.s32 @!p0 $0x1C16  }
0xd4: {  	[timem:s3], [sflag:s2] =	dma.local @!p0 [hbm:s0], s1  }
0xd5: {  	s0 =	simm.s32 @!p0 $0x16  }
0xd6: {  	_ =	swait.ge @!p0 [sflag:s0], s1  }
0xd7: {  	s1 =	ssub.s32 @!p0 $0x0, s1;
	[sflag:s0] =	ssyncset.done @!p0 $0x0  }
0xd8: {  	[sflag:s0] =	ssyncadd.s32 @!p0 s1  }
0xd9: {  	[bflag:$0x3] =	sbarrier.arrive $0xFFFF  }
0xda: {  	_ =	shalt  }

// kernel: kernel.9.cloned.1.call-start
scs
__scs_entry_jumppad:
0x0: {  	(pc) =	sbr.rel $0x88, $3  }
0x1: {  	(tag) =	ssettag $0x0;
	lr =	simm.s32 $0x1  }
0x2: {  	[smem:$0x3F99] =	sst lr;
	_ =	strace $0xD0000000  }
0x3: {  	_ = 	snop  }
0x4: {  	_ = 	snop  }
0x5: {  	_ = 	snop  }
0x6: {  	_ = 	snop  }
0x7: {  	_ = 	snop  }
__scs_overlays_trampoline_lowered:
0x8: {  	[smem:$0x3FA8] =	sst s0  }
0x9: {  	[smem:$0x3FA9] =	sst s1  }
0xa: {  	[smem:$0x3FAA] =	sst s2  }
0xb: {  	[smem:$0x3FAB] =	sst s3  }
0xc: {  	[smem:$0x3FAC] =	sst s4  }
0xd: {  	[smem:$0x3FAD] =	sst s5  }
0xe: {  	[smem:$0x3FAE] =	sst s6  }
0xf: {  	[smem:$0x3FAF] =	sst s7  }
0x10: {  	[smem:$0x3FB0] =	sst s8  }
0x11: {  	[smem:$0x3FB1] =	sst s9;
	s0 =	simm.s32 @!p0 $0x0  }
0x12: {  	s1 =	sld [smem:$0x3F97];
	s0 =	simm.s32 @p0 $0x1  }
0x13: {  	[smem:$0x3FB2] =	sst s0;
	s0 =	simm.s32 @!p1 $0x0  }
0x14: {  	s2 =	sld [smem:$0x3F96];
	s0 =	simm.s32 @p1 $0x1  }
0x15: {  	[smem:$0x3FB3] =	sst s0;
	s0 =	simm.s32 @!p2 $0x0  }
0x16: {  	s3 =	sld [smem:$0x3FDB];
	s0 =	simm.s32 @p2 $0x1  }
0x17: {  	s4 =	simm.s32 $0x1BF5;
	[smem:$0x3FB5] =	sst s0  }
0x18: {  	s0 =	sld [smem:$0x3F98];
	_ =	swait.ge [sflag:s4], $0x0  }
0x19: {  	s7 =	sld [smem:$0x3F99]  }
0x1a: {  	s8 =	sadd.s32 $0xFFFFE003, lr  }
0x1b: {  	s9 =	sadd.s32 $0xFFFFFEF7, lr;
	s5 =	simm.s32 $0xFFFFFFFF;
	p2 =	slt.u32 s8, $0xFFFFF086  }
0x1c: {  	p1 =	slt.u32 s9, $0xF7A;
	s5 =	simm.s32 @!p2 $0x0  }
0x1d: {  	s5 =	simm.s32 @p1 $0x1;
	p0 =	seq.s32 s7, s2  }
0x1e: {  	s7 =	smul.u32 @!p0 $0xF7A, s2;
	p2 =	seq.s32 @!p0 s5, $0x0  }
0x1f: {  	s9 =	smul.u32 $0xF7A, s1;
	s8 =	simm.s32 @!p0 $0x1BF5;
	p2 =	por !p2, p0  }
0x20: {  	[sflag:s8] =	ssyncset.s32 @!p0 $0xFFFFF086;
	s6 =	sadd.s32 @!p0 s3, s7;
	s7 =	simm.s32 @!p0 $0x108  }
0x21: {  	s3 =	sadd.s32 s3, s9;
	s6 =	sadd.s32 @!p0 $0x88, s6;
	s7 =	simm.s32 @p2 $0x1082  }
0x22: {  	[simem:s7], [sflag:s8] =	dma.local @!p0 [hbm:s6], $0xF7A  }
0x23: {  	s9 =	sor.u32 $0xD0000000, s2;
	s6 =	simm.s32 $0x108;
	_ =	swait.ge @!p0 [sflag:s8], $0x0  }
0x24: {  	s3 =	sadd.s32 $0x88, s3;
	s6 =	simm.s32 @!p1 $0x1082;
	[sflag:s4] =	ssyncset.s32 $0xFFFFF086  }
0x25: {  	[simem:s6], [sflag:s4] =	dma.local [hbm:s3], $0xF7A  }
0x26: {  	[smem:$0x3F99] =	sst s1;
	(tag) =	ssettag s2;
	_ =	strace s9  }
0x27: {  	s1 =	sld [smem:$0x3FA9]  }
0x28: {  	s2 =	sld [smem:$0x3FAA]  }
0x29: {  	s4 =	sld [smem:$0x3FAC]  }
0x2a: {  	p0 =	seq.s32 s5, $0x0;
	s5 =	sld [smem:$0x3FAD]  }
0x2b: {  	s6 =	sld [smem:$0x3FAE]  }
0x2c: {  	s7 =	sld [smem:$0x3FAF]  }
0x2d: {  	s3 =	simm.s32 $0x108;
	s8 =	sld [smem:$0x3FB0]  }
0x2e: {  	s3 =	simm.s32 @!p0 $0x1082;
	s9 =	sld [smem:$0x3FB1]  }
0x2f: {  	lr =	sadd.s32 s0, s3;
	s0 =	sld [smem:$0x3FA8]  }
0x30: {  	s3 =	sld [smem:$0x3FAB]  }
0x31: {  	[smem:$0x3FB4] =	sst s10  }
0x32: {  	s10 =	sld [smem:$0x3FB2];
	_ =	sdelay $0x3  }
0x33: {  	p0 =	seq.s32 s10, $0x1;
	s10 =	sld [smem:$0x3FB4];
	_ =	sdelay $0x3  }
0x34: {  	[smem:$0x3FB4] =	sst s10  }
0x35: {  	s10 =	sld [smem:$0x3FB3];
	_ =	sdelay $0x3  }
0x36: {  	p1 =	seq.s32 s10, $0x1;
	s10 =	sld [smem:$0x3FB4];
	_ =	sdelay $0x3  }
0x37: {  	[smem:$0x3FB4] =	sst s10  }
0x38: {  	s10 =	sld [smem:$0x3FB5]  }
0x39: {  	_ = 	snop;
	(pc) =	sbr.ind lr, $3  }
0x3a: {  	_ = 	snop  }
0x3b: {  	_ = 	snop  }
0x3c: {  	p2 =	seq.s32 s10, $0x1;
	s10 =	sld [smem:$0x3FB4]  }
0x3d: {  	_ =	shalt  }
0x3e: {  	_ =	shalt  }
0x3f: {  	_ =	shalt  }
0x40: {  	_ =	shalt  }
0x41: {  	_ =	shalt  }
0x42: {  	_ =	shalt  }
0x43: {  	_ =	shalt  }
0x44: {  	_ =	shalt  }
0x45: {  	_ =	shalt  }
0x46: {  	_ =	shalt  }
0x47: {  	_ =	shalt  }
0x48: {  	_ =	shalt  }
0x49: {  	_ =	shalt  }
0x4a: {  	_ =	shalt  }
0x4b: {  	_ =	shalt  }
0x4c: {  	_ =	shalt  }
0x4d: {  	_ =	shalt  }
0x4e: {  	_ =	shalt  }
0x4f: {  	_ =	shalt  }
0x50: {  	_ =	shalt  }
0x51: {  	_ =	shalt  }
0x52: {  	_ =	shalt  }
0x53: {  	_ =	shalt  }
0x54: {  	_ =	shalt  }
0x55: {  	_ =	shalt  }
0x56: {  	_ =	shalt  }
0x57: {  	_ =	shalt  }
0x58: {  	_ =	shalt  }
0x59: {  	_ =	shalt  }
0x5a: {  	_ =	shalt  }
0x5b: {  	_ =	shalt  }
0x5c: {  	_ =	shalt  }
0x5d: {  	_ =	shalt  }
0x5e: {  	_ =	shalt  }
0x5f: {  	_ =	shalt  }
0x60: {  	_ =	shalt  }
0x61: {  	_ =	shalt  }
0x62: {  	_ =	shalt  }
0x63: {  	_ =	shalt  }
0x64: {  	_ =	shalt  }
0x65: {  	_ =	shalt  }
0x66: {  	_ =	shalt  }
0x67: {  	_ =	shalt  }
0x68: {  	_ =	shalt  }
0x69: {  	_ =	shalt  }
0x6a: {  	_ =	shalt  }
0x6b: {  	_ =	shalt  }
0x6c: {  	_ =	shalt  }
0x6d: {  	_ =	shalt  }
0x6e: {  	_ =	shalt  }
0x6f: {  	_ =	shalt  }
0x70: {  	_ =	shalt  }
0x71: {  	_ =	shalt  }
0x72: {  	_ =	shalt  }
0x73: {  	_ =	shalt  }
0x74: {  	_ =	shalt  }
0x75: {  	_ =	shalt  }
0x76: {  	_ =	shalt  }
0x77: {  	_ =	shalt  }
0x78: {  	_ =	shalt  }
0x79: {  	_ =	shalt  }
0x7a: {  	_ =	shalt  }
0x7b: {  	_ =	shalt  }
0x7c: {  	_ =	shalt  }
0x7d: {  	_ =	shalt  }
0x7e: {  	_ =	shalt  }
0x7f: {  	_ =	shalt  }
0x80: {  	_ =	shalt  }
0x81: {  	_ =	shalt  }
0x82: {  	_ =	shalt  }
0x83: {  	_ =	shalt  }
0x84: {  	_ =	shalt  }
0x85: {  	_ =	shalt  }
0x86: {  	_ =	shalt  }
0x87: {  	_ =	shalt  }
.Lfunc_end0:
.L_simem_size_0:
called_computation_lowered:
.L_overlay_start_0:
0x88: {  	s2 =	sld [smem:$0x3FD9]  }
0x89: {  	s3 =	sld [smem:$0x3FFE];
	_ =	sdelay $0x1  }
0x8a: {  	s1 =	srdreg.scid  }
0x8b: {  	s0 =	sand.u32 $0x1, s1  }
0x8c: {  	s17 =	sshll.u32 s0, $0xA;
	s2 =	sadd.s32 s3, s2  }
0x8d: {  	s2 =	sadd.s32 s2, s17  }
0x8e: {  	[smem:$0x3FC0] =	sst s2  }
0x8f: {  	_ = 	snop  }
0x90: {  	s2 =	sld [smem:$0x3FD0];
	(tm) =	ssettm $0x1  }
0x91: {  	s18 =	sld [smem:$0x3FFB];
	_ =	sdelay $0x3  }
0x92: {  	_ =	strace s18  }
0x93: {  	s3 =	sld [smem:$0x3FFC];
	_ =	sdelay $0x3  }
0x94: {  	_ =	strace s3  }
0x95: {  	s3 =	sld [smem:$0x3FFD];
	_ =	sdelay $0x3  }
0x96: {  	_ =	strace s3  }
0x97: {  	_ =	strace $0x8FFFFFFF  }
0x98: {  	s19 =	sld [smem:$0x3FDB];
	_ =	sdelay $0x1  }
0x99: {  	s4 =	simm.s32 $_scs_section_size  }
0x9a: {  	s5 =	simm.s32 $_size__tile_overlayer_lowered;
	s6 =	simm.s32 $_tile_overlayer_lowered  }
0x9b: {  	s22 =	simm.s32 $0x1BFF;
	s21 =	sshll.u32 s6, $0x1;
	s3 =	sadd.s32 s4, s19  }
0x9c: {  	s7 =	simm.s32 $0x0;
	s20 =	sshll.u32 s5, $0x1;
	s5 =	sadd.s32 s21, s3  }
0x9d: {  	[timem:s7], [sflag:s22] =	dma.local [hbm:s5], s20  }
0x9e: {  	_ =	swait.ge [sflag:s22], s20  }
0x9f: {  	s4 =	ssub.s32 $0x0, s20;
	[sflag:s22] =	ssyncset.done $0x0  }
0xa0: {  	[sflag:s22] =	ssyncadd.s32 s4;
	_ =	sdelay $0x1  }
0xa1: {  	s23 =	simm.s32 $0x1B8B  }
0xa2: {  	_ =	swait.ge [sflag:s23], $0x1  }
0xa3: {  	[sflag:s23] =	ssyncset.done $0x0  }
0xa4: {  	s25 =	simm.s32 $0x1B8E;
	s24 =	sld [smem:$0x3FFE];
	[sflag:s23] =	ssyncadd.s32 $0xFFFFFFFF  }
0xa5: {  	s26 =	simm.s32 $execute0_lowered;
	[smem:$0x3FD2] =	sst s25  }
0xa6: {  	s5 =	sshll.u32 s26, $0x1;
	_ =	strace $0x80000046;
	[dreg:$0x1] =	wrdreg $0xFFFFFFFF  }
0xa7: {  	s28 =	simm.s32 $_size_execute0_lowered;
	s3 =	sadd.s32 s3, s5;
	[dreg:$0x0] =	wrdreg $0x0  }
0xa8: {  	s5 =	sshll.u32 s28, $0x1;
	[dreg:$0x2] =	wrdreg s3  }
0xa9: {  	[dreg:$0x3] =	wrdreg s5  }
0xaa: {  	[dreg:$0x4] =	wrdreg $0xC0  }
0xab: {  	_ =	task [dreg:s7], $0x5FFFF  }
0xac: {  	[dreg:$0x1] =	wrdreg $0xFFFFFFFF  }
0xad: {  	[dreg:$0x0] =	wrdreg $0x60  }
0xae: {  	[dreg:$0x2] =	wrdreg s24  }
0xaf: {  	[dreg:$0x3] =	wrdreg s2  }
0xb0: {  	[dreg:$0x4] =	wrdreg $0xA0000  }
0xb1: {  	[dreg:$0x5] =	wrdreg $0x9  }
0xb2: {  	_ =	task.clear_ibuf [dreg:s7], $0x6FFFF;
	_ =	strace $0x90000046  }
0xb3: {  	s29 =	simm.s32 $0x9;
	_ =	strace $0x80000048  }
0xb4: {  	_ =	swait.ge [sflag:s29], $0x1  }
0xb5: {  	[sflag:s29] =	ssyncadd.s32 $0xFFFFFFFF  }
0xb6: {  	_ =	strace $0x90000048  }
0xb7: {  	_ =	sfence  }
0xb8: {  	s30 =	sld [smem:$0x0];
	_ =	sdelay $0x2  }
0xb9: {  	s31 =	sshll.u32 s1, $0xD;
	s1 =	sshrl.u32 s1, $0x2  }
0xba: {  	s3 =	sand.u32 $0x4000, s31;
	s1 =	sadd.s32 s1, s30  }
0xbb: {  	s0 =	sor.u32 s3, s0;
	s1 =	sshll.u32 s1, $0x11  }
0xbc: {  	s0 =	sor.u32 s1, s0  }
0xbd: {  	s0 =	sadd.s32 $0x8F2B, s0  }
0xbe: {  	[sflag:s0] =	ssyncadd.remote.s32 $0x1  }
0xbf: {  	_ =	sfence.sel $0xFFFF  }
0xc0: {  	[dreg:$0x0] =	wrdreg $0xFFFFFFFF;
	(pc) =	sbr.abs _section_cstart, $3  }
0xc1: {  	[dreg:$0x1] =	wrdreg $0xFFFFFFFF  }
0xc2: {  	_ =	task.clear_ibuf [dreg:s7], $0x2FFFF;
	_ =	strace $0x9FFFFFFF  }
0xc3: {  	(tm) =	ssettm $0x7FFFFFFF  }
tec
execute0_lowered:
.L_overlay_start_1:
0x0: {  	(tag) =	ssettag $0x1  }
0x1: {  	s0 =	srdreg.scid  }
0x2: {  	s0 =	sand.u32 $0x1, s0  }
0x3: {  	s10 =	stileid.u32;
	s2 =	sshll.u32 s0, $0x4  }
0x4: {  	s1 =	rddreg [dreg:$0x0];
	s8 =	smul.u32 $0x14000, s10;
	s5 =	sor.u32 s10, s2  }
0x5: {  	s3 =	rddreg [dreg:$0x1];
	s6 =	smul.u32 $0x2710, s5  }
0x6: {  	s4 =	rddreg [dreg:$0x2];
	s9 =	smul.u32 $0xA00, s10  }
0x7: {  	s7 =	ssub.s32 $0x2, s0;
	s2 =	simm.s32 $0x0;
	s6 =	sshrl.u32 s6, $0x3  }
0x8: {  	[smem:$0x7FF] =	sst s2;
	s5 =	smul.u32 $0x500, s5;
	s6 =	sadd.s32 s6, s1  }
0x9: {  	s24 =	sshrl.u32 s7, $0x1;
	_ =	strace $0x80000047;
	s25 =	sadd.s32 $0x3000, s6  }
0xa: {  	s1 =	sadd.s32 s5, s1;
	s6 =	sadd.s32 $0xCC40, s6;
	[dreg:$0x4] =	wrdreg s25  }
0xb: {  	s5 =	ssub.s32 s7, s24;
	s26 =	sadd.s32 $0x16A00, s1;
	[dreg:$0x5] =	wrdreg s6  }
0xc: {  	s7 =	sshrl.u32 s8, $0x2;
	s1 =	sadd.s32 $0x20A00, s1;
	[dreg:$0x6] =	wrdreg s26  }
0xd: {  	s8 =	sshrl.u32 s9, $0x2;
	s9 =	sadd.s32 s7, s4;
	[dreg:$0x7] =	wrdreg s1  }
0xe: {  	s8 =	sadd.s32 s8, s4;
	[dreg:$0x8] =	wrdreg s9;
	s1 =	sadd.s32 $0x2800, s9  }
0xf: {  	s11 =	sadd.s32 $0x2800, s8;
	[dreg:$0x9] =	wrdreg s1  }
0x10: {  	s12 =	sadd.s32 $0x5000, s8;
	[dreg:$0xa] =	wrdreg s11  }
0x11: {  	s17 =	smul.u32 $0x1400, s10;
	s13 =	sadd.s32 $0x7800, s8;
	[dreg:$0xb] =	wrdreg s12  }
0x12: {  	s0 =	smul.u32 $0x28000, s0;
	s14 =	sadd.s32 $0xA000, s8;
	[dreg:$0xc] =	wrdreg s13  }
0x13: {  	s15 =	sadd.s32 $0xC800, s8;
	[dreg:$0xd] =	wrdreg s14  }
0x14: {  	s0 =	sadd.s32 s17, s0;
	s16 =	sadd.s32 $0xF000, s8;
	[dreg:$0xe] =	wrdreg s15  }
0x15: {  	s17 =	simm.s32 $0x1;
	s4 =	sadd.s32 $0x11800, s8;
	[dreg:$0xf] =	wrdreg s16  }
0x16: {  	s0 =	sshrl.u32 s0, $0x3;
	s18 =	sadd.s32 $0x14000, s8;
	[dreg:$0x10] =	wrdreg s4  }
0x17: {  	v0 =	vlaneseq.u32;
	s7 =	simm.s32 $0x0;
	s19 =	sadd.s32 $0x16800, s8;
	[dreg:$0x11] =	wrdreg s18  }
0x18: {  	v1 =	vimm.f32 $0.0e+00;
	v32 =	vimm.f32 $1.000000000e+00;
	v2 =	vor.u32 $0x2710, v0;
	s20 =	sadd.s32 $0x19000, s8;
	s21 =	sadd.s32 $0x1B800, s8;
	[dreg:$0x12] =	wrdreg s19  }
0x19: {  	v3 =	vor.u32 $0x10, v0;
	v4 =	vor.u32 $0x2720, v0;
	v5 =	vor.u32 $0x20, v0;
	s22 =	sadd.s32 $0x1E000, s8;
	s23 =	sadd.s32 $0x20800, s8;
	[dreg:$0x13] =	wrdreg s20  }
0x1a: {  	v6 =	vor.u32 $0x2730, v0;
	v7 =	vor.u32 $0x30, v0;
	v8 =	vor.u32 $0x2740, v0;
	s24 =	sadd.s32 $0x23000, s8;
	s25 =	smax.u32 s5, $0x1;
	[dreg:$0x14] =	wrdreg s21  }
0x1b: {  	v9 =	vor.u32 $0x40, v0;
	v10 =	vor.u32 $0x2750, v0;
	v11 =	vor.u32 $0x50, v0;
	s26 =	sadd.s32 $0x25800, s8;
	s28 =	sadd.s32 $0x28000, s8;
	[dreg:$0x15] =	wrdreg s22  }
0x1c: {  	v12 =	vor.u32 $0x2760, v0;
	v13 =	vor.u32 $0x60, v0;
	v14 =	vor.u32 $0x2770, v0;
	s29 =	sadd.s32 $0x2A800, s8;
	s30 =	sadd.s32 $0x2D000, s8;
	[dreg:$0x16] =	wrdreg s23  }
0x1d: {  	v15 =	vor.u32 $0x70, v0;
	v16 =	vor.u32 $0x2780, v0;
	v17 =	vor.u32 $0x80, v0;
	s31 =	sadd.s32 $0x2F800, s8;
	s5 =	sadd.s32 $0x3C000, s8;
	[dreg:$0x17] =	wrdreg s24  }
0x1e: {  	v18 =	vor.u32 $0x2790, v0;
	v19 =	vor.u32 $0x90, v0;
	v20 =	vor.u32 $0x27A0, v0;
	s6 =	sadd.s32 $0x3E800, s8;
	s9 =	sadd.s32 $0x41000, s8;
	[dreg:$0x18] =	wrdreg s25  }
0x1f: {  	v21 =	vor.u32 $0xA0, v0;
	v22 =	vor.u32 $0x27B0, v0;
	v27 =	vmul.u32 $0x8, v0;
	s10 =	sadd.s32 $0x43800, s8;
	s23 =	sadd.s32 s3, s0;
	[dreg:$0x19] =	wrdreg s26  }
0x20: {  	v23 =	vor.u32 $0xB0, v0;
	v24 =	vor.u32 $0x27C0, v0;
	v25 =	vor.u32 $0xC0, v0;
	s1 =	sadd.s32 $0x32000, s8;
	s0 =	sadd.s32 $0x34800, s8;
	s3 =	sadd.s32 $0x37000, s8  }
0x21: {  	v26 =	vor.u32 $0x27D0, v0;
	v28 =	vor.u32 $0xD0, v0;
	v39 =	vor.u32 $0x7, v27;
	s4 =	sadd.s32 $0x39800, s8;
	s11 =	sadd.s32 $0x46000, s8;
	s12 =	sadd.s32 $0x48800, s8  }
0x22: {  	v29 =	vor.u32 $0x27E0, v0;
	v30 =	vor.u32 $0xE0, v0;
	v31 =	vor.u32 $0x27F0, v0;
	s13 =	sadd.s32 $0x4B000, s8;
	s14 =	sadd.s32 $0x4D800, s8;
	s16 =	simm.s32 $0x2800  }
0x23: {  	v33 =	vor.u32 $0x1, v27;
	v34 =	vor.u32 $0x2, v27;
	v35 =	vor.u32 $0x3, v27;
	s18 =	simm.s32 $0x5000;
	s19 =	simm.s32 $0x7800;
	s20 =	simm.s32 $0x3  }
0x24: {  	v36 =	vor.u32 $0x4, v27;
	v37 =	vor.u32 $0x5, v27;
	v38 =	vor.u32 $0x6, v27;
	s21 =	simm.s32 $0x14000;
	s22 =	simm.s32 $0x2;
	s15 =	sadd.s32 $0x2800, s23  }
.LBB2_1:
0x25: {  	s24 =	rddreg [dreg:$0x4]  }
0x26: {  	[tilespmem:s2], [sflag:$0x1] =	stream.linear.gather [hbm4b:s24+s2], $0x2710, $0x38;
	[tilespmem:$0x15400] =	vst v63  }
0x27: {  	s26 =	rddreg [dreg:$0x5];
	s25 =	simm.s32 $0x100;
	s24 =	simm.s32 $0x0  }
0x28: {  	[tilespmem:s16], [sflag:$0x1] =	stream.linear.gather [hbm4b:s26+s2], $0x2710, $0x38;
	[tilespmem:$0x15400] =	vst v63  }
.LBB2_2:
0x29: {  	p0 =	sne.s32 s25, $0x9F00;
	[tilespmem:s24+$0x7830] =	vst v1  }
0x2a: {  	[tilespmem:s24+$0x5000] =	vst v1  }
0x2b: {  	[tilespmem:s24+$0x7800] =	vst v1  }
.Ltmp0:
0x2c: {  	[tilespmem:s24+$0x5010] =	vst v1;
	(pc) =	sbr.rel @p0 .LBB2_2-.Ltmp0, $4  }
0x2d: {  	[tilespmem:s24+$0x7810] =	vst v1  }
0x2e: {  	[tilespmem:s24+$0x5020] =	vst v1  }
0x2f: {  	[tilespmem:s24+$0x7820] =	vst v1  }
0x30: {  	[tilespmem:s24+$0x5030] =	vst v1;
	s24 =	sshra.s32 s25, $0x2;
	s25 =	sadd.s32 $0x100, s25  }
0x31: {  	[tilespmem:s24+$0x7830] =	vst v1  }
0x32: {  	[tilespmem:s24+$0x5000] =	vst v1  }
0x33: {  	[tilespmem:s24+$0x7800] =	vst v1  }
0x34: {  	[tilespmem:s24+$0x5010] =	vst v1  }
0x35: {  	[tilespmem:s24+$0x7810] =	vst v1  }
0x36: {  	[tilespmem:s24+$0x5020] =	vst v1  }
0x37: {  	[tilespmem:s24+$0x7820] =	vst v1  }
0x38: {  	[tilespmem:s24+$0x5030] =	vst v1  }
0x39: {  	[tilespmem:$0x2710] =	vst v0  }
0x3a: {  	[tilespmem:$0x4F10] =	vst v2  }
0x3b: {  	[tilespmem:$0x2720] =	vst v3  }
0x3c: {  	[tilespmem:$0x4F20] =	vst v4  }
0x3d: {  	[tilespmem:$0x2730] =	vst v5  }
0x3e: {  	[tilespmem:$0x4F30] =	vst v6  }
0x3f: {  	[tilespmem:$0x2740] =	vst v7  }
0x40: {  	[tilespmem:$0x4F40] =	vst v8  }
0x41: {  	[tilespmem:$0x2750] =	vst v9  }
0x42: {  	[tilespmem:$0x4F50] =	vst v10  }
0x43: {  	[tilespmem:$0x2760] =	vst v11  }
0x44: {  	[tilespmem:$0x4F60] =	vst v12  }
0x45: {  	[tilespmem:$0x2770] =	vst v13  }
0x46: {  	[tilespmem:$0x4F70] =	vst v14  }
0x47: {  	[tilespmem:$0x2780] =	vst v15  }
0x48: {  	[tilespmem:$0x4F80] =	vst v16  }
0x49: {  	[tilespmem:$0x2790] =	vst v17  }
0x4a: {  	[tilespmem:$0x4F90] =	vst v18  }
0x4b: {  	[tilespmem:$0x27A0] =	vst v19  }
0x4c: {  	[tilespmem:$0x4FA0] =	vst v20  }
0x4d: {  	[tilespmem:$0x27B0] =	vst v21  }
0x4e: {  	[tilespmem:$0x4FB0] =	vst v22  }
0x4f: {  	[tilespmem:$0x27C0] =	vst v23  }
0x50: {  	[tilespmem:$0x4FC0] =	vst v24  }
0x51: {  	[tilespmem:$0x27D0] =	vst v25  }
0x52: {  	[tilespmem:$0x4FD0] =	vst v26  }
0x53: {  	[tilespmem:$0x27E0] =	vst v28  }
0x54: {  	[tilespmem:$0x4FE0] =	vst v29  }
0x55: {  	[tilespmem:$0x27F0] =	vst v30  }
0x56: {  	[tilespmem:$0x4FF0] =	vst v31  }
0x57: {  	_ =	swait.ge [sflag:s17], $0x2710  }
0x58: {  	[sflag:s17] =	ssyncset.done $0x0  }
0x59: {  	[sflag:s17] =	ssyncadd.s32 $0xFFFFD8F0  }
0x5a: {  	_ =	swait.ge [sflag:s17], $0x2710  }
0x5b: {  	[sflag:s17] =	ssyncset.done $0x0  }
0x5c: {  	s24 =	simm.s32 $0x0;
	s25 =	rddreg [dreg:$0x6];
	[sflag:s17] =	ssyncadd.s32 $0xFFFFD8F0  }
0x5d: {  	[hbm4b:s25+s24] =	stream.linear.scatter [tilespmem:s24], [sflag:$0x2], $0x2800, $0x38;
	[tilespmem:$0x15400] =	vst v63  }
0x5e: {  	s26 =	rddreg [dreg:$0x7]  }
0x5f: {  	[hbm4b:s26+s24] =	stream.linear.scatter [tilespmem:s16], [sflag:$0x2], $0x2800, $0x38;
	[tilespmem:$0x15400] =	vst v63  }
0x60: {  	s26 =	simm.s32 $0x0  }
0x61: {  	v40 =	vld [tilespmem:s26+$0x0]  }
0x62: {  	v41 =	vld [tilespmem:s26+$0x2800];
	_ =	sdelay $0x6  }
0x63: {  	[tilespmem:v40+s18+$0x0] =	vst.idx.add.f32.msk $0xffff, v32  }
0x64: {  	[tilespmem:v41+s19+$0x0] =	vst.idx.add.f32.msk $0xffff, v32  }
0x65: {  	v41 =	vld [tilespmem:s26+$0x10];
	_ =	sdelay $0x1  }
0x66: {  	v40 =	vld [tilespmem:s26+$0x2810];
	_ =	sdelay $0x5  }
0x67: {  	s25 =	simm.s32 $0x100;
	s24 =	simm.s32 $0x80;
	[tilespmem:v41+s18+$0x0] =	vst.idx.add.f32.msk $0xffff, v32  }
.LBB2_4:
0x68: {  	p0 =	sne.s32 s25, $0x9B80  }
0x69: {  	s26 =	sshra.s32 s24, $0x2;
	[tilespmem:v40+s19+$0x0] =	vst.idx.add.f32.msk $0xffff, v32;
	s24 =	smov.u32 s25;
	s25 =	sadd.s32 $0x80, s25  }
0x6a: {  	v40 =	vld [tilespmem:s26+$0x0]  }
0x6b: {  	v41 =	vld [tilespmem:s26+$0x2800];
	_ =	sdelay $0x6  }
0x6c: {  	[tilespmem:v40+s18+$0x0] =	vst.idx.add.f32.msk $0xffff, v32  }
0x6d: {  	[tilespmem:v41+s19+$0x0] =	vst.idx.add.f32.msk $0xffff, v32  }
0x6e: {  	v41 =	vld [tilespmem:s26+$0x10]  }
0x6f: {  	v40 =	vld [tilespmem:s26+$0x2810];
	_ =	sdelay $0x2  }
.Ltmp1:
0x70: {  	(pc) =	sbr.rel @p0 .LBB2_4-.Ltmp1, $2  }
0x71: {  	_ =	sdelay $0x2  }
0x72: {  	[tilespmem:v41+s18+$0x0] =	vst.idx.add.f32.msk $0xffff, v32  }
0x73: {  	_ =	sdelay $0x3  }
0x74: {  	s24 =	sshra.s32 s24, $0x2;
	[tilespmem:v40+s19+$0x0] =	vst.idx.add.f32.msk $0xffff, v32  }
0x75: {  	v40 =	vld [tilespmem:s24+$0x0]  }
0x76: {  	v41 =	vld [tilespmem:s24+$0x2800];
	_ =	sdelay $0x6  }
0x77: {  	[tilespmem:v40+s18+$0x0] =	vst.idx.add.f32.msk $0xffff, v32  }
0x78: {  	[tilespmem:v41+s19+$0x0] =	vst.idx.add.f32.msk $0xffff, v32  }
0x79: {  	v40 =	vld [tilespmem:s24+$0x10]  }
0x7a: {  	v41 =	vld [tilespmem:s24+$0x2810];
	_ =	sdelay $0x6  }
0x7b: {  	[tilespmem:v40+s18+$0x0] =	vst.idx.add.f32.msk $0xffff, v32  }
0x7c: {  	[tilespmem:v41+s19+$0x0] =	vst.idx.add.f32.msk $0xffff, v32  }
0x7d: {  	v40 =	vld [tilespmem:$0x2700];
	_ =	sdelay $0x7  }
0x7e: {  	[tilespmem:v40+s18+$0x0] =	vst.idx.add.f32.msk $0xffff, v32  }
0x7f: {  	v40 =	vld [tilespmem:$0x4F00];
	_ =	sdelay $0x7  }
0x80: {  	s26 =	rddreg [dreg:$0x8];
	[tilespmem:v40+s19+$0x0] =	vst.idx.add.f32.msk $0xffff, v32  }
0x81: {  	[spmem:s26] =	stream.linear.scatter [tilespmem:s18], [sflag:$0x3], $0x2800, $0x38;
	[tilespmem:$0x15400] =	vst v63  }
0x82: {  	_ =	swait.ge [sflag:s20], $0x2800  }
0x83: {  	[sflag:s20] =	ssyncset.done $0x0  }
0x84: {  	s25 =	rddreg [dreg:$0x9];
	[sflag:s20] =	ssyncadd.s32 $0xFFFFD800  }
0x85: {  	[spmem:s25] =	stream.linear.scatter [tilespmem:s19], [sflag:$0x3], $0x2800, $0x38;
	[tilespmem:$0x15400] =	vst v63  }
0x86: {  	_ =	swait.ge [sflag:s20], $0x2800  }
0x87: {  	[sflag:s20] =	ssyncset.done $0x0  }
0x88: {  	[sflag:s20] =	ssyncadd.s32 $0xFFFFD800  }
0x89: {  	s24 =	simm.s32 $0xF000;
	[bflag:$0x0] =	sbarrier.arrive $0xFFFF  }
0x8a: {  	[tilespmem:s24], [sflag:$0x1] =	stream.linear.gather [spmem:s8], $0x280, $0x38;
	[tilespmem:$0x15400] =	vst v63  }
0x8b: {  	s26 =	simm.s32 $0xF280;
	s25 =	rddreg [dreg:$0xa]  }
0x8c: {  	[tilespmem:s26], [sflag:$0x1] =	stream.linear.gather [spmem:s25], $0x280, $0x38;
	[tilespmem:$0x15400] =	vst v63  }
0x8d: {  	s25 =	rddreg [dreg:$0xb];
	s26 =	simm.s32 $0xF500  }
0x8e: {  	[tilespmem:s26], [sflag:$0x1] =	stream.linear.gather [spmem:s25], $0x280, $0x38;
	[tilespmem:$0x15400] =	vst v63  }
0x8f: {  	s25 =	rddreg [dreg:$0xc];
	s26 =	simm.s32 $0xF780  }
0x90: {  	[tilespmem:s26], [sflag:$0x1] =	stream.linear.gather [spmem:s25], $0x280, $0x38;
	[tilespmem:$0x15400] =	vst v63  }
0x91: {  	s25 =	rddreg [dreg:$0xd];
	s26 =	simm.s32 $0xFA00  }
0x92: {  	[tilespmem:s26], [sflag:$0x1] =	stream.linear.gather [spmem:s25], $0x280, $0x38;
	[tilespmem:$0x15400] =	vst v63  }
0x93: {  	s25 =	rddreg [dreg:$0xe];
	s26 =	simm.s32 $0xFC80  }
0x94: {  	[tilespmem:s26], [sflag:$0x1] =	stream.linear.gather [spmem:s25], $0x280, $0x38;
	[tilespmem:$0x15400] =	vst v63  }
0x95: {  	s25 =	rddreg [dreg:$0xf];
	s26 =	simm.s32 $0xFF00  }
0x96: {  	[tilespmem:s26], [sflag:$0x1] =	stream.linear.gather [spmem:s25], $0x280, $0x38;
	[tilespmem:$0x15400] =	vst v63  }
0x97: {  	s25 =	rddreg [dreg:$0x10];
	s26 =	simm.s32 $0x10180  }
0x98: {  	[tilespmem:s26], [sflag:$0x1] =	stream.linear.gather [spmem:s25], $0x280, $0x38;
	[tilespmem:$0x15400] =	vst v63  }
0x99: {  	s25 =	rddreg [dreg:$0x11];
	s26 =	simm.s32 $0x10400  }
0x9a: {  	[tilespmem:s26], [sflag:$0x1] =	stream.linear.gather [spmem:s25], $0x280, $0x38;
	[tilespmem:$0x15400] =	vst v63  }
0x9b: {  	s25 =	rddreg [dreg:$0x12];
	s26 =	simm.s32 $0x10680  }
0x9c: {  	[tilespmem:s26], [sflag:$0x1] =	stream.linear.gather [spmem:s25], $0x280, $0x38;
	[tilespmem:$0x15400] =	vst v63  }
0x9d: {  	s25 =	rddreg [dreg:$0x13];
	s26 =	simm.s32 $0x10900  }
0x9e: {  	[tilespmem:s26], [sflag:$0x1] =	stream.linear.gather [spmem:s25], $0x280, $0x38;
	[tilespmem:$0x15400] =	vst v63  }
0x9f: {  	s25 =	rddreg [dreg:$0x14];
	s26 =	simm.s32 $0x10B80  }
0xa0: {  	[tilespmem:s26], [sflag:$0x1] =	stream.linear.gather [spmem:s25], $0x280, $0x38;
	[tilespmem:$0x15400] =	vst v63  }
0xa1: {  	s25 =	rddreg [dreg:$0x15];
	s26 =	simm.s32 $0x10E00  }
0xa2: {  	[tilespmem:s26], [sflag:$0x1] =	stream.linear.gather [spmem:s25], $0x280, $0x38;
	[tilespmem:$0x15400] =	vst v63  }
0xa3: {  	s25 =	rddreg [dreg:$0x16];
	s26 =	simm.s32 $0x11080  }
0xa4: {  	[tilespmem:s26], [sflag:$0x1] =	stream.linear.gather [spmem:s25], $0x280, $0x38;
	[tilespmem:$0x15400] =	vst v63  }
0xa5: {  	s25 =	rddreg [dreg:$0x17];
	s26 =	simm.s32 $0x11300  }
0xa6: {  	[tilespmem:s26], [sflag:$0x1] =	stream.linear.gather [spmem:s25], $0x280, $0x38;
	[tilespmem:$0x15400] =	vst v63  }
0xa7: {  	s25 =	rddreg [dreg:$0x19];
	s26 =	simm.s32 $0x11580  }
0xa8: {  	[tilespmem:s26], [sflag:$0x1] =	stream.linear.gather [spmem:s25], $0x280, $0x38;
	[tilespmem:$0x15400] =	vst v63  }
0xa9: {  	s26 =	simm.s32 $0x11800  }
0xaa: {  	[tilespmem:s26], [sflag:$0x1] =	stream.linear.gather [spmem:s28], $0x280, $0x38;
	[tilespmem:$0x15400] =	vst v63  }
0xab: {  	s26 =	simm.s32 $0x11A80  }
0xac: {  	[tilespmem:s26], [sflag:$0x1] =	stream.linear.gather [spmem:s29], $0x280, $0x38;
	[tilespmem:$0x15400] =	vst v63  }
0xad: {  	s26 =	simm.s32 $0x11D00  }
0xae: {  	[tilespmem:s26], [sflag:$0x1] =	stream.linear.gather [spmem:s30], $0x280, $0x38;
	[tilespmem:$0x15400] =	vst v63  }
0xaf: {  	s26 =	simm.s32 $0x11F80  }
0xb0: {  	[tilespmem:s26], [sflag:$0x1] =	stream.linear.gather [spmem:s31], $0x280, $0x38;
	[tilespmem:$0x15400] =	vst v63  }
0xb1: {  	s26 =	simm.s32 $0x12200  }
0xb2: {  	[tilespmem:s26], [sflag:$0x1] =	stream.linear.gather [spmem:s1], $0x280, $0x38;
	[tilespmem:$0x15400] =	vst v63  }
0xb3: {  	s26 =	simm.s32 $0x12480  }
0xb4: {  	[tilespmem:s26], [sflag:$0x1] =	stream.linear.gather [spmem:s0], $0x280, $0x38;
	[tilespmem:$0x15400] =	vst v63  }
0xb5: {  	s26 =	simm.s32 $0x12700  }
0xb6: {  	[tilespmem:s26], [sflag:$0x1] =	stream.linear.gather [spmem:s3], $0x280, $0x38;
	[tilespmem:$0x15400] =	vst v63  }
0xb7: {  	s26 =	simm.s32 $0x12980  }
0xb8: {  	[tilespmem:s26], [sflag:$0x1] =	stream.linear.gather [spmem:s4], $0x280, $0x38;
	[tilespmem:$0x15400] =	vst v63  }
0xb9: {  	s26 =	simm.s32 $0x12C00  }
0xba: {  	[tilespmem:s26], [sflag:$0x1] =	stream.linear.gather [spmem:s5], $0x280, $0x38;
	[tilespmem:$0x15400] =	vst v63  }
0xbb: {  	s26 =	simm.s32 $0x12E80  }
0xbc: {  	[tilespmem:s26], [sflag:$0x1] =	stream.linear.gather [spmem:s6], $0x280, $0x38;
	[tilespmem:$0x15400] =	vst v63  }
0xbd: {  	s26 =	simm.s32 $0x13100  }
0xbe: {  	[tilespmem:s26], [sflag:$0x1] =	stream.linear.gather [spmem:s9], $0x280, $0x38;
	[tilespmem:$0x15400] =	vst v63  }
0xbf: {  	s26 =	simm.s32 $0x13380  }
0xc0: {  	[tilespmem:s26], [sflag:$0x1] =	stream.linear.gather [spmem:s10], $0x280, $0x38;
	[tilespmem:$0x15400] =	vst v63  }
0xc1: {  	s26 =	simm.s32 $0x13600  }
0xc2: {  	[tilespmem:s26], [sflag:$0x1] =	stream.linear.gather [spmem:s11], $0x280, $0x38;
	[tilespmem:$0x15400] =	vst v63  }
0xc3: {  	s26 =	simm.s32 $0x13880  }
0xc4: {  	[tilespmem:s26], [sflag:$0x1] =	stream.linear.gather [spmem:s12], $0x280, $0x38;
	[tilespmem:$0x15400] =	vst v63  }
0xc5: {  	s26 =	simm.s32 $0x13B00  }
0xc6: {  	[tilespmem:s26], [sflag:$0x1] =	stream.linear.gather [spmem:s13], $0x280, $0x38;
	[tilespmem:$0x15400] =	vst v63  }
0xc7: {  	s26 =	simm.s32 $0x13D80  }
0xc8: {  	[tilespmem:s26], [sflag:$0x1] =	stream.linear.gather [spmem:s14], $0x280, $0x38;
	[tilespmem:$0x15400] =	vst v63  }
0xc9: {  	_ =	swait.ge [sflag:s17], $0x280  }
0xca: {  	[sflag:s17] =	ssyncset.done $0x0  }
0xcb: {  	[sflag:s17] =	ssyncadd.s32 $0xFFFFFD80  }
0xcc: {  	_ =	swait.ge [sflag:s17], $0x280  }
0xcd: {  	[sflag:s17] =	ssyncset.done $0x0  }
0xce: {  	[sflag:s17] =	ssyncadd.s32 $0xFFFFFD80  }
0xcf: {  	_ =	swait.ge [sflag:s17], $0x280  }
0xd0: {  	[sflag:s17] =	ssyncset.done $0x0  }
0xd1: {  	[sflag:s17] =	ssyncadd.s32 $0xFFFFFD80  }
0xd2: {  	_ =	swait.ge [sflag:s17], $0x280  }
0xd3: {  	[sflag:s17] =	ssyncset.done $0x0  }
0xd4: {  	[sflag:s17] =	ssyncadd.s32 $0xFFFFFD80  }
0xd5: {  	_ =	swait.ge [sflag:s17], $0x280  }
0xd6: {  	[sflag:s17] =	ssyncset.done $0x0  }
0xd7: {  	[sflag:s17] =	ssyncadd.s32 $0xFFFFFD80  }
0xd8: {  	_ =	swait.ge [sflag:s17], $0x280  }
0xd9: {  	[sflag:s17] =	ssyncset.done $0x0  }
0xda: {  	[sflag:s17] =	ssyncadd.s32 $0xFFFFFD80  }
0xdb: {  	_ =	swait.ge [sflag:s17], $0x280  }
0xdc: {  	[sflag:s17] =	ssyncset.done $0x0  }
0xdd: {  	[sflag:s17] =	ssyncadd.s32 $0xFFFFFD80  }
0xde: {  	_ =	swait.ge [sflag:s17], $0x280  }
0xdf: {  	[sflag:s17] =	ssyncset.done $0x0  }
0xe0: {  	[sflag:s17] =	ssyncadd.s32 $0xFFFFFD80  }
0xe1: {  	_ =	swait.ge [sflag:s17], $0x280  }
0xe2: {  	[sflag:s17] =	ssyncset.done $0x0  }
0xe3: {  	[sflag:s17] =	ssyncadd.s32 $0xFFFFFD80  }
0xe4: {  	_ =	swait.ge [sflag:s17], $0x280  }
0xe5: {  	[sflag:s17] =	ssyncset.done $0x0  }
0xe6: {  	[sflag:s17] =	ssyncadd.s32 $0xFFFFFD80  }
0xe7: {  	_ =	swait.ge [sflag:s17], $0x280  }
0xe8: {  	[sflag:s17] =	ssyncset.done $0x0  }
0xe9: {  	[sflag:s17] =	ssyncadd.s32 $0xFFFFFD80  }
0xea: {  	_ =	swait.ge [sflag:s17], $0x280  }
0xeb: {  	[sflag:s17] =	ssyncset.done $0x0  }
0xec: {  	[sflag:s17] =	ssyncadd.s32 $0xFFFFFD80  }
0xed: {  	_ =	swait.ge [sflag:s17], $0x280  }
0xee: {  	[sflag:s17] =	ssyncset.done $0x0  }
0xef: {  	[sflag:s17] =	ssyncadd.s32 $0xFFFFFD80  }
0xf0: {  	_ =	swait.ge [sflag:s17], $0x280  }
0xf1: {  	[sflag:s17] =	ssyncset.done $0x0  }
0xf2: {  	[sflag:s17] =	ssyncadd.s32 $0xFFFFFD80  }
0xf3: {  	_ =	swait.ge [sflag:s17], $0x280  }
0xf4: {  	[sflag:s17] =	ssyncset.done $0x0  }
0xf5: {  	[sflag:s17] =	ssyncadd.s32 $0xFFFFFD80  }
0xf6: {  	_ =	swait.ge [sflag:s17], $0x280  }
0xf7: {  	[sflag:s17] =	ssyncset.done $0x0  }
0xf8: {  	[sflag:s17] =	ssyncadd.s32 $0xFFFFFD80  }
0xf9: {  	_ =	swait.ge [sflag:s17], $0x280  }
0xfa: {  	[sflag:s17] =	ssyncset.done $0x0  }
0xfb: {  	[sflag:s17] =	ssyncadd.s32 $0xFFFFFD80  }
0xfc: {  	_ =	swait.ge [sflag:s17], $0x280  }
0xfd: {  	[sflag:s17] =	ssyncset.done $0x0  }
0xfe: {  	[sflag:s17] =	ssyncadd.s32 $0xFFFFFD80  }
0xff: {  	_ =	swait.ge [sflag:s17], $0x280  }
0x100: {  	[sflag:s17] =	ssyncset.done $0x0  }
0x101: {  	[sflag:s17] =	ssyncadd.s32 $0xFFFFFD80  }
0x102: {  	_ =	swait.ge [sflag:s17], $0x280  }
0x103: {  	[sflag:s17] =	ssyncset.done $0x0  }
0x104: {  	[sflag:s17] =	ssyncadd.s32 $0xFFFFFD80  }
0x105: {  	_ =	swait.ge [sflag:s17], $0x280  }
0x106: {  	[sflag:s17] =	ssyncset.done $0x0  }
0x107: {  	[sflag:s17] =	ssyncadd.s32 $0xFFFFFD80  }
0x108: {  	_ =	swait.ge [sflag:s17], $0x280  }
0x109: {  	[sflag:s17] =	ssyncset.done $0x0  }
0x10a: {  	[sflag:s17] =	ssyncadd.s32 $0xFFFFFD80  }
0x10b: {  	_ =	swait.ge [sflag:s17], $0x280  }
0x10c: {  	[sflag:s17] =	ssyncset.done $0x0  }
0x10d: {  	[sflag:s17] =	ssyncadd.s32 $0xFFFFFD80  }
0x10e: {  	_ =	swait.ge [sflag:s17], $0x280  }
0x10f: {  	[sflag:s17] =	ssyncset.done $0x0  }
0x110: {  	[sflag:s17] =	ssyncadd.s32 $0xFFFFFD80  }
0x111: {  	_ =	swait.ge [sflag:s17], $0x280  }
0x112: {  	[sflag:s17] =	ssyncset.done $0x0  }
0x113: {  	[sflag:s17] =	ssyncadd.s32 $0xFFFFFD80  }
0x114: {  	_ =	swait.ge [sflag:s17], $0x280  }
0x115: {  	[sflag:s17] =	ssyncset.done $0x0  }
0x116: {  	[sflag:s17] =	ssyncadd.s32 $0xFFFFFD80  }
0x117: {  	_ =	swait.ge [sflag:s17], $0x280  }
0x118: {  	[sflag:s17] =	ssyncset.done $0x0  }
0x119: {  	[sflag:s17] =	ssyncadd.s32 $0xFFFFFD80  }
0x11a: {  	_ =	swait.ge [sflag:s17], $0x280  }
0x11b: {  	[sflag:s17] =	ssyncset.done $0x0  }
0x11c: {  	[sflag:s17] =	ssyncadd.s32 $0xFFFFFD80  }
0x11d: {  	_ =	swait.ge [sflag:s17], $0x280  }
0x11e: {  	[sflag:s17] =	ssyncset.done $0x0  }
0x11f: {  	[sflag:s17] =	ssyncadd.s32 $0xFFFFFD80  }
0x120: {  	_ =	swait.ge [sflag:s17], $0x280  }
0x121: {  	[sflag:s17] =	ssyncset.done $0x0  }
0x122: {  	[sflag:s17] =	ssyncadd.s32 $0xFFFFFD80  }
0x123: {  	_ =	swait.ge [sflag:s17], $0x280  }
0x124: {  	[sflag:s17] =	ssyncset.done $0x0  }
0x125: {  	[sflag:s17] =	ssyncadd.s32 $0xFFFFFD80  }
0x126: {  	_ =	swait.ge [sflag:s17], $0x280  }
0x127: {  	[sflag:s17] =	ssyncset.done $0x0  }
0x128: {  	[sflag:s17] =	ssyncadd.s32 $0xFFFFFD80  }
0x129: {  	v50 =	vld [tilespmem:s24+$0x0]  }
0x12a: {  	v51 =	vld [tilespmem:s24+$0x500];
	_ =	sdelay $0x1  }
0x12b: {  	v42 =	vld [tilespmem:s24+$0xA00];
	_ =	sdelay $0x1  }
0x12c: {  	v43 =	vld [tilespmem:s24+$0xF00]  }
0x12d: {  	v40 =	vadd.f32 v51, v50  }
0x12e: {  	v52 =	vld [tilespmem:s24+$0x1400]  }
0x12f: {  	v40 =	vadd.f32 v42, v40  }
0x130: {  	v53 =	vld [tilespmem:s24+$0x1900]  }
0x131: {  	v40 =	vadd.f32 v43, v40  }
0x132: {  	v54 =	vld [tilespmem:s24+$0x1E00]  }
0x133: {  	v40 =	vadd.f32 v52, v40  }
0x134: {  	v55 =	vld [tilespmem:s24+$0x2300]  }
0x135: {  	v40 =	vadd.f32 v53, v40  }
0x136: {  	v56 =	vld [tilespmem:s24+$0x2800]  }
0x137: {  	v40 =	vadd.f32 v54, v40  }
0x138: {  	v57 =	vld [tilespmem:s24+$0x2D00]  }
0x139: {  	v40 =	vadd.f32 v55, v40  }
0x13a: {  	v58 =	vld [tilespmem:s24+$0x3200]  }
0x13b: {  	v40 =	vadd.f32 v56, v40  }
0x13c: {  	v59 =	vld [tilespmem:s24+$0x3700]  }
0x13d: {  	v40 =	vadd.f32 v57, v40  }
0x13e: {  	v60 =	vld [tilespmem:s24+$0x3C00]  }
0x13f: {  	v40 =	vadd.f32 v58, v40  }
0x140: {  	v61 =	vld [tilespmem:s24+$0x4100]  }
0x141: {  	v40 =	vadd.f32 v59, v40  }
0x142: {  	v62 =	vld [tilespmem:s24+$0x4600]  }
0x143: {  	v40 =	vadd.f32 v60, v40  }
0x144: {  	v63 =	vld [tilespmem:s24+$0x4B00]  }
0x145: {  	v40 =	vadd.f32 v61, v40;
	_ =	sdelay $0x1  }
0x146: {  	v40 =	vadd.f32 v62, v40;
	_ =	sdelay $0x1  }
0x147: {  	v40 =	vadd.f32 v63, v40  }
0x148: {  	s26 =	simm.s32 $0x0  }
0x149: {  	[tilespmem:v27+s26+$0x14000] =	vst.idx.msk $0xffff, v40  }
0x14a: {  	[tilespmem:v33+s26+$0x14000] =	vst.idx.msk $0xffff, v40  }
0x14b: {  	[tilespmem:v34+s26+$0x14000] =	vst.idx.msk $0xffff, v40  }
0x14c: {  	[tilespmem:v35+s26+$0x14000] =	vst.idx.msk $0xffff, v40  }
0x14d: {  	[tilespmem:v36+s26+$0x14000] =	vst.idx.msk $0xffff, v40  }
0x14e: {  	[tilespmem:v37+s26+$0x14000] =	vst.idx.msk $0xffff, v40  }
0x14f: {  	s25 =	simm.s32 $0x200;
	[tilespmem:v38+s26+$0x14000] =	vst.idx.msk $0xffff, v40  }
.LBB2_6:
0x150: {  	p0 =	sne.s32 s25, $0x4E00  }
0x151: {  	[tilespmem:v39+s26+$0x14000] =	vst.idx.msk $0xffff, v40;
	s24 =	sadd.s32 $0x10, s24;
	s26 =	smov.u32 s25;
	s25 =	sadd.s32 $0x200, s25  }
0x152: {  	v40 =	vld [tilespmem:s24+$0x0]  }
0x153: {  	v41 =	vld [tilespmem:s24+$0x500];
	_ =	sdelay $0x1  }
0x154: {  	v42 =	vld [tilespmem:s24+$0xA00];
	_ =	sdelay $0x1  }
0x155: {  	v43 =	vld [tilespmem:s24+$0xF00]  }
0x156: {  	v40 =	vadd.f32 v41, v40  }
0x157: {  	v41 =	vld [tilespmem:s24+$0x1400]  }
0x158: {  	v40 =	vadd.f32 v42, v40  }
0x159: {  	v42 =	vld [tilespmem:s24+$0x1900]  }
0x15a: {  	v40 =	vadd.f32 v43, v40  }
0x15b: {  	v43 =	vld [tilespmem:s24+$0x1E00]  }
0x15c: {  	v40 =	vadd.f32 v41, v40  }
0x15d: {  	v41 =	vld [tilespmem:s24+$0x2300]  }
0x15e: {  	v40 =	vadd.f32 v42, v40  }
0x15f: {  	v42 =	vld [tilespmem:s24+$0x2800]  }
0x160: {  	v40 =	vadd.f32 v43, v40  }
0x161: {  	v43 =	vld [tilespmem:s24+$0x2D00]  }
0x162: {  	v40 =	vadd.f32 v41, v40  }
0x163: {  	v41 =	vld [tilespmem:s24+$0x3200]  }
0x164: {  	v40 =	vadd.f32 v42, v40  }
0x165: {  	v42 =	vld [tilespmem:s24+$0x3700]  }
0x166: {  	v40 =	vadd.f32 v43, v40  }
0x167: {  	v43 =	vld [tilespmem:s24+$0x3C00]  }
0x168: {  	v40 =	vadd.f32 v41, v40  }
0x169: {  	v41 =	vld [tilespmem:s24+$0x4100]  }
0x16a: {  	v40 =	vadd.f32 v42, v40  }
0x16b: {  	v42 =	vld [tilespmem:s24+$0x4600]  }
0x16c: {  	v40 =	vadd.f32 v43, v40  }
0x16d: {  	v43 =	vld [tilespmem:s24+$0x4B00]  }
0x16e: {  	v40 =	vadd.f32 v41, v40;
	_ =	sdelay $0x1  }
0x16f: {  	v40 =	vadd.f32 v42, v40;
	_ =	sdelay $0x1  }
0x170: {  	v40 =	vadd.f32 v43, v40  }
0x171: {  	s26 =	sshra.s32 s26, $0x2  }
0x172: {  	[tilespmem:v27+s26+$0x14000] =	vst.idx.msk $0xffff, v40  }
0x173: {  	[tilespmem:v33+s26+$0x14000] =	vst.idx.msk $0xffff, v40  }
.Ltmp2:
0x174: {  	[tilespmem:v34+s26+$0x14000] =	vst.idx.msk $0xffff, v40;
	(pc) =	sbr.rel @p0 .LBB2_6-.Ltmp2, $4  }
0x175: {  	[tilespmem:v35+s26+$0x14000] =	vst.idx.msk $0xffff, v40  }
0x176: {  	[tilespmem:v36+s26+$0x14000] =	vst.idx.msk $0xffff, v40  }
0x177: {  	[tilespmem:v37+s26+$0x14000] =	vst.idx.msk $0xffff, v40  }
0x178: {  	[tilespmem:v38+s26+$0x14000] =	vst.idx.msk $0xffff, v40  }
0x179: {  	_ =	sdelay $0x3  }
0x17a: {  	[tilespmem:v39+s26+$0x14000] =	vst.idx.msk $0xffff, v40;
	s24 =	simm.s32 $0x0  }
0x17b: {  	[hbm4b:s23+s24] =	stream.linear.scatter [tilespmem:s21], [sflag:$0x3], $0x1400, $0x38;
	[tilespmem:$0x15400] =	vst v63  }
0x17c: {  	_ =	swait.ge [sflag:s20], $0x1400  }
0x17d: {  	[sflag:s20] =	ssyncset.done $0x0  }
0x17e: {  	s24 =	simm.s32 $0xF000;
	[sflag:s20] =	ssyncadd.s32 $0xFFFFEC00  }
0x17f: {  	v51 =	vld [tilespmem:s24+$0x280]  }
0x180: {  	v41 =	vld [tilespmem:s24+$0x780];
	_ =	sdelay $0x1  }
0x181: {  	v42 =	vld [tilespmem:s24+$0xC80];
	_ =	sdelay $0x1  }
0x182: {  	v43 =	vld [tilespmem:s24+$0x1180]  }
0x183: {  	v40 =	vadd.f32 v41, v51  }
0x184: {  	v52 =	vld [tilespmem:s24+$0x1680]  }
0x185: {  	v40 =	vadd.f32 v42, v40  }
0x186: {  	v53 =	vld [tilespmem:s24+$0x1B80]  }
0x187: {  	v40 =	vadd.f32 v43, v40  }
0x188: {  	v54 =	vld [tilespmem:s24+$0x2080]  }
0x189: {  	v40 =	vadd.f32 v52, v40  }
0x18a: {  	v55 =	vld [tilespmem:s24+$0x2580]  }
0x18b: {  	v40 =	vadd.f32 v53, v40  }
0x18c: {  	v56 =	vld [tilespmem:s24+$0x2A80]  }
0x18d: {  	v40 =	vadd.f32 v54, v40  }
0x18e: {  	v57 =	vld [tilespmem:s24+$0x2F80]  }
0x18f: {  	v40 =	vadd.f32 v55, v40  }
0x190: {  	v58 =	vld [tilespmem:s24+$0x3480]  }
0x191: {  	v40 =	vadd.f32 v56, v40  }
0x192: {  	v59 =	vld [tilespmem:s24+$0x3980]  }
0x193: {  	v40 =	vadd.f32 v57, v40  }
0x194: {  	v60 =	vld [tilespmem:s24+$0x3E80]  }
0x195: {  	v40 =	vadd.f32 v58, v40  }
0x196: {  	v61 =	vld [tilespmem:s24+$0x4380]  }
0x197: {  	v40 =	vadd.f32 v59, v40  }
0x198: {  	v62 =	vld [tilespmem:s24+$0x4880]  }
0x199: {  	v40 =	vadd.f32 v60, v40  }
0x19a: {  	v63 =	vld [tilespmem:s24+$0x4D80]  }
0x19b: {  	v40 =	vadd.f32 v61, v40;
	_ =	sdelay $0x1  }
0x19c: {  	v40 =	vadd.f32 v62, v40;
	_ =	sdelay $0x1  }
0x19d: {  	v40 =	vadd.f32 v63, v40  }
0x19e: {  	s26 =	simm.s32 $0x0  }
0x19f: {  	[tilespmem:v27+s26+$0x14000] =	vst.idx.msk $0xffff, v40  }
0x1a0: {  	[tilespmem:v33+s26+$0x14000] =	vst.idx.msk $0xffff, v40  }
0x1a1: {  	[tilespmem:v34+s26+$0x14000] =	vst.idx.msk $0xffff, v40  }
0x1a2: {  	[tilespmem:v35+s26+$0x14000] =	vst.idx.msk $0xffff, v40  }
0x1a3: {  	[tilespmem:v36+s26+$0x14000] =	vst.idx.msk $0xffff, v40  }
0x1a4: {  	[tilespmem:v37+s26+$0x14000] =	vst.idx.msk $0xffff, v40  }
0x1a5: {  	s25 =	simm.s32 $0x200;
	[tilespmem:v38+s26+$0x14000] =	vst.idx.msk $0xffff, v40  }
.LBB2_8:
0x1a6: {  	p0 =	sne.s32 s25, $0x4E00  }
0x1a7: {  	[tilespmem:v39+s26+$0x14000] =	vst.idx.msk $0xffff, v40;
	s24 =	sadd.s32 $0x10, s24;
	s26 =	smov.u32 s25;
	s25 =	sadd.s32 $0x200, s25  }
0x1a8: {  	v40 =	vld [tilespmem:s24+$0x280]  }
0x1a9: {  	v41 =	vld [tilespmem:s24+$0x780];
	_ =	sdelay $0x1  }
0x1aa: {  	v42 =	vld [tilespmem:s24+$0xC80];
	_ =	sdelay $0x1  }
0x1ab: {  	v43 =	vld [tilespmem:s24+$0x1180]  }
0x1ac: {  	v40 =	vadd.f32 v41, v40  }
0x1ad: {  	v41 =	vld [tilespmem:s24+$0x1680]  }
0x1ae: {  	v40 =	vadd.f32 v42, v40  }
0x1af: {  	v42 =	vld [tilespmem:s24+$0x1B80]  }
0x1b0: {  	v40 =	vadd.f32 v43, v40  }
0x1b1: {  	v43 =	vld [tilespmem:s24+$0x2080]  }
0x1b2: {  	v40 =	vadd.f32 v41, v40  }
0x1b3: {  	v41 =	vld [tilespmem:s24+$0x2580]  }
0x1b4: {  	v40 =	vadd.f32 v42, v40  }
0x1b5: {  	v42 =	vld [tilespmem:s24+$0x2A80]  }
0x1b6: {  	v40 =	vadd.f32 v43, v40  }
0x1b7: {  	v43 =	vld [tilespmem:s24+$0x2F80]  }
0x1b8: {  	v40 =	vadd.f32 v41, v40  }
0x1b9: {  	v41 =	vld [tilespmem:s24+$0x3480]  }
0x1ba: {  	v40 =	vadd.f32 v42, v40  }
0x1bb: {  	v42 =	vld [tilespmem:s24+$0x3980]  }
0x1bc: {  	v40 =	vadd.f32 v43, v40  }
0x1bd: {  	v43 =	vld [tilespmem:s24+$0x3E80]  }
0x1be: {  	v40 =	vadd.f32 v41, v40  }
0x1bf: {  	v41 =	vld [tilespmem:s24+$0x4380]  }
0x1c0: {  	v40 =	vadd.f32 v42, v40  }
0x1c1: {  	v42 =	vld [tilespmem:s24+$0x4880]  }
0x1c2: {  	v40 =	vadd.f32 v43, v40  }
0x1c3: {  	v43 =	vld [tilespmem:s24+$0x4D80]  }
0x1c4: {  	v40 =	vadd.f32 v41, v40;
	_ =	sdelay $0x1  }
0x1c5: {  	v40 =	vadd.f32 v42, v40;
	_ =	sdelay $0x1  }
0x1c6: {  	v40 =	vadd.f32 v43, v40  }
0x1c7: {  	s26 =	sshra.s32 s26, $0x2  }
0x1c8: {  	[tilespmem:v27+s26+$0x14000] =	vst.idx.msk $0xffff, v40  }
0x1c9: {  	[tilespmem:v33+s26+$0x14000] =	vst.idx.msk $0xffff, v40  }
.Ltmp3:
0x1ca: {  	[tilespmem:v34+s26+$0x14000] =	vst.idx.msk $0xffff, v40;
	(pc) =	sbr.rel @p0 .LBB2_8-.Ltmp3, $4  }
0x1cb: {  	[tilespmem:v35+s26+$0x14000] =	vst.idx.msk $0xffff, v40  }
0x1cc: {  	[tilespmem:v36+s26+$0x14000] =	vst.idx.msk $0xffff, v40  }
0x1cd: {  	[tilespmem:v37+s26+$0x14000] =	vst.idx.msk $0xffff, v40  }
0x1ce: {  	[tilespmem:v38+s26+$0x14000] =	vst.idx.msk $0xffff, v40  }
0x1cf: {  	_ =	sdelay $0x3  }
0x1d0: {  	[tilespmem:v39+s26+$0x14000] =	vst.idx.msk $0xffff, v40  }
0x1d1: {  	[hbm4b:s15+s2] =	stream.linear.scatter [tilespmem:s21], [sflag:$0x3], $0x1400, $0x38;
	[tilespmem:$0x15400] =	vst v63  }
0x1d2: {  	_ =	swait.ge [sflag:s20], $0x1400  }
0x1d3: {  	[sflag:s20] =	ssyncset.done $0x0  }
0x1d4: {  	[sflag:s20] =	ssyncadd.s32 $0xFFFFEC00  }
0x1d5: {  	_ =	swait.ge [sflag:s22], $0x2800  }
0x1d6: {  	[sflag:s22] =	ssyncset.done $0x0  }
0x1d7: {  	[sflag:s22] =	ssyncadd.s32 $0xFFFFD800  }
0x1d8: {  	_ =	swait.ge [sflag:s22], $0x2800  }
0x1d9: {  	s7 =	sadd.s32 $0x1, s7;
	s24 =	rddreg [dreg:$0x18]  }
0x1da: {  	p0 =	sne.s32 s7, s24  }
.Ltmp4:
0x1db: {  	_ = 	snop;
	(pc) =	sbr.rel @p0 .LBB2_1-.Ltmp4, $3  }
0x1dc: {  	_ =	sdelay $0x1  }
0x1dd: {  	[sflag:s22] =	ssyncset.done $0x0  }
0x1de: {  	[sflag:s22] =	ssyncadd.s32 $0xFFFFD800  }
0x1df: {  	_ =	sfence.sel $0x180000  }
0x1e0: {  	[bflag:$0x0] =	sbarrier.arrive $0xFFFF  }
0x1e1: {  	_ =	strace $0x90000047  }
0x1e2: {  	s0 =	stileid.u32;
	[bflag:$0x2] =	sbarrier.arrive $0xFFFF  }
0x1e3: {  	p0 =	sne.s32 s0, $0x0;
	s0 =	rddreg [dreg:$0x3]  }
0x1e4: {  	s0 =	sadd.s32 @!p0 $0x100000, s0  }
0x1e5: {  	[sflag:s0] =	ssyncadd.tile.s32 @!p0 $0x1;
	_ =	shalt  }
.Lfunc_end2:
_tile_overlayer_lowered:
.L_overlay_start_2:
0x1e6: {  	(tag) =	ssettag $0x2  }
0x1e7: {  	s0 =	rddreg [dreg:$0x0];
	s2 =	stileid.u32  }
0x1e8: {  	s1 =	rddreg [dreg:$0x1];
	p0 =	sne.s32 s2, $0x0  }
0x1e9: {  	s3 =	rddreg [dreg:$0x2];
	[bflag:$0x3] =	sbarrier.arrive $0xFFFF;
	s2 =	simm.s32 @!p0 $0x1C03  }
0x1ea: {  	[timem:s3], [sflag:s2] =	dma.local @!p0 [hbm:s0], s1  }
0x1eb: {  	s0 =	simm.s32 @!p0 $0x3  }
0x1ec: {  	_ =	swait.ge @!p0 [sflag:s0], s1  }
0x1ed: {  	s1 =	ssub.s32 @!p0 $0x0, s1;
	[sflag:s0] =	ssyncset.done @!p0 $0x0  }
0x1ee: {  	[sflag:s0] =	ssyncadd.s32 @!p0 s1  }
0x1ef: {  	[bflag:$0x3] =	sbarrier.arrive $0xFFFF  }
0x1f0: {  	_ =	shalt  }

</sc_bundles>
